<compile_context>
chip_gen: v7x
topology: tpu7x:2x2x1
jax: 0.10.2.dev20260603
libtpu: 0.0.44.dev20260713+nightly
codegen_flags: <defaults>
</compile_context>

<pallas_src>
import functools

import jax
import jax.numpy as jnp
from jax import lax
from jax.experimental import pallas as pl
from jax.experimental.pallas import tpu as pltpu
from jax.experimental.pallas import tpu_sc as plsc

N_NODES = 10000
N_EDGES = 320000
FEATS = 128
NUM_GRAPHS = 64
NUM_CLASSES = 10

NC = 2
NS = 16

RCH = 624
TAIL0 = RCH * NS
TAIL = N_NODES - TAIL0
ZT = 156

W_EDGE = 40
KDEPTH = 5
KD_DEG = 25

TCB = 2000
TCG = N_NODES // TCB

_HIGH = jax.lax.Precision.HIGHEST


def _mesh():
    return plsc.VectorSubcoreMesh(core_axis_name="c", subcore_axis_name="s")


def _fill1d(buf, n, value):
    v16 = jnp.full((16,), value, jnp.float32)

    @pl.loop(0, n, step=16)
    def _(i):
        buf[pl.ds(i, 16)] = v16


def _fill(tile, rows, width, value):
    v16 = jnp.full((16,), value, jnp.float32)

    @pl.loop(0, rows)
    def _(i):
        @pl.loop(0, width, step=16)
        def _(j):
            tile[i, pl.ds(j, 16)] = v16


def _clear_and_readout(sid, acc_sp, ztile, out_ref, phase):
    r0 = sid * RCH
    if phase == 0:
        @pl.loop(0, RCH // ZT)
        def _(i):
            pltpu.sync_copy(ztile, acc_sp.at[pl.ds(r0 + i * ZT, ZT)])

        @pl.when(sid == 0)
        def _():
            pltpu.sync_copy(ztile.at[pl.ds(0, TAIL)], acc_sp.at[pl.ds(TAIL0, TAIL)])
    else:
        pltpu.sync_copy(acc_sp.at[pl.ds(r0, RCH)], out_ref.at[pl.ds(r0, RCH)])

        @pl.when(sid == 0)
        def _():
            pltpu.sync_copy(acc_sp.at[pl.ds(TAIL0, TAIL)],
                            out_ref.at[pl.ds(TAIL0, TAIL)])


def _deg_sc(dst):

    @functools.partial(
        pl.kernel,
        out_type=jax.ShapeDtypeStruct((NC, N_NODES), jnp.float32),
        mesh=_mesh(),
        scratch_types=(
            [pltpu.VMEM((W_EDGE,), jnp.int32)] * KD_DEG
            + [pltpu.VMEM((W_EDGE,), jnp.float32),
               pltpu.VMEM((N_NODES,), jnp.float32),
               pltpu.VMEM_SHARED((N_NODES,), jnp.float32),
               pltpu.SemaphoreType.DMA, pltpu.SemaphoreType.DMA]
        ),
    )
    def k(dst_hbm, out_hbm, *scr):
        didx = scr[:KD_DEG]
        ones_v, ztile, deg_sp, sem_i, sem_s = scr[KD_DEG:]
        cid = lax.axis_index("c")
        sid = lax.axis_index("s")
        _fill1d(ones_v, W_EDGE, 1.0)

        @pl.when(sid == 0)
        def _():
            _fill1d(ztile, N_NODES, 0.0)
            pltpu.sync_copy(ztile, deg_sp)

        plsc.subcore_barrier()

        e0 = (cid * NS + sid) * (N_EDGES // (NC * NS))

        @pl.loop(0, (N_EDGES // (NC * NS)) // (W_EDGE * KD_DEG))
        def _(g):
            base = e0 + g * (W_EDGE * KD_DEG)

            @pl.when(g > 0)
            def _():
                for j in range(KD_DEG):
                    pltpu.make_async_copy(ones_v, deg_sp.at[didx[j]],
                                          sem_s).wait()

            for j in range(KD_DEG):
                pltpu.async_copy(dst_hbm.at[pl.ds(base + j * W_EDGE, W_EDGE)],
                                 didx[j], sem_i)
            for j in range(KD_DEG):
                pltpu.make_async_copy(
                    dst_hbm.at[pl.ds(base + j * W_EDGE, W_EDGE)], didx[j],
                    sem_i).wait()
            for j in range(KD_DEG):
                pltpu.async_copy(ones_v, deg_sp.at[didx[j]], sem_s, add=True)

        for j in range(KD_DEG):
            pltpu.make_async_copy(ones_v, deg_sp.at[didx[j]], sem_s).wait()

        plsc.subcore_barrier()

        @pl.when(sid == 0)
        def _():
            pltpu.sync_copy(deg_sp, out_hbm.at[cid])

    return k(dst)


def _spmm_sc(y, src, dst):
    eps = N_EDGES // (NC * NS)

    gsz = W_EDGE * KDEPTH
    ngrp = eps // gsz

    @functools.partial(
        pl.kernel,
        out_type=jax.ShapeDtypeStruct((NC, N_NODES, FEATS), jnp.float32),
        mesh=_mesh(),
        scratch_types=(
            [pltpu.VMEM((W_EDGE,), jnp.int32)] * (4 * KDEPTH)
            + [pltpu.VMEM((W_EDGE, FEATS), jnp.float32)] * KDEPTH
            + [pltpu.VMEM((ZT, FEATS), jnp.float32),
               pltpu.VMEM_SHARED((N_NODES, FEATS), jnp.float32),
               pltpu.SemaphoreType.DMA, pltpu.SemaphoreType.DMA,
               pltpu.SemaphoreType.DMA]
        ),
    )
    def k(y_hbm, src_hbm, dst_hbm, out_hbm, *scr):
        sidx = (scr[:KDEPTH], scr[KDEPTH:2 * KDEPTH])
        didx = (scr[2 * KDEPTH:3 * KDEPTH], scr[3 * KDEPTH:4 * KDEPTH])
        rows = scr[4 * KDEPTH:5 * KDEPTH]
        ztile, z_sp, sem_i, sem_g, sem_s = scr[5 * KDEPTH:]
        cid = lax.axis_index("c")
        sid = lax.axis_index("s")

        _fill(ztile, ZT, FEATS, 0.0)
        _clear_and_readout(sid, z_sp, ztile, None, 0)
        plsc.subcore_barrier()

        e0 = (cid * NS + sid) * eps

        def fire_idx(g, s):
            base = e0 + g * gsz
            for j in range(KDEPTH):
                pltpu.async_copy(src_hbm.at[pl.ds(base + j * W_EDGE, W_EDGE)],
                                 sidx[s][j], sem_i)
                pltpu.async_copy(dst_hbm.at[pl.ds(base + j * W_EDGE, W_EDGE)],
                                 didx[s][j], sem_i)

        def drain_idx(g, s):
            base = e0 + g * gsz
            for j in range(KDEPTH):
                pltpu.make_async_copy(
                    src_hbm.at[pl.ds(base + j * W_EDGE, W_EDGE)], sidx[s][j],
                    sem_i).wait()
                pltpu.make_async_copy(
                    dst_hbm.at[pl.ds(base + j * W_EDGE, W_EDGE)], didx[s][j],
                    sem_i).wait()

        def drain_scatters(s):
            for j in range(KDEPTH):
                pltpu.make_async_copy(rows[j], z_sp.at[didx[s][j]],
                                      sem_s).wait()

        fire_idx(0, 0)

        @pl.loop(0, ngrp // 2)
        def _(gg):
            for sub in range(2):
                g = gg * 2 + sub
                s = sub

                @pl.when(g > 0)
                def _():
                    drain_scatters(1 - s)

                drain_idx(g, s)
                for j in range(KDEPTH):
                    pltpu.async_copy(y_hbm.at[sidx[s][j]], rows[j], sem_g)

                @pl.when(g + 1 < ngrp)
                def _():
                    fire_idx(g + 1, 1 - s)

                for j in range(KDEPTH):
                    pltpu.make_async_copy(y_hbm.at[sidx[s][j]], rows[j],
                                          sem_g).wait()
                    pltpu.async_copy(rows[j], z_sp.at[didx[s][j]], sem_s,
                                     add=True)

        drain_scatters(1)

        plsc.subcore_barrier()
        _clear_and_readout(sid, z_sp, ztile, out_hbm.at[cid], 1)

    return k(y, src, dst)


def _tc_mm(x, W1):
    def body(x_ref, w_ref, o_ref):
        o_ref[...] = lax.dot_general(x_ref[...], w_ref[...],
                                     (((1,), (0,)), ((), ())), precision=_HIGH)

    return pl.pallas_call(
        body,
        grid=(TCG,),
        in_specs=[_rows_spec(), _full((FEATS, FEATS))],
        out_specs=_rows_spec(),
        out_shape=jax.ShapeDtypeStruct((N_NODES, FEATS), jnp.float32),
    )(x, W1)


def _tc_scale(xw, deg2d):
    def body(xw_ref, deg_ref, y_ref, dinv_ref):
        d = deg_ref[...]
        deg = (d[0, 0] + d[0, 1]).reshape(TCB, 1) + 1.0
        dinv = 1.0 / jnp.sqrt(deg)
        y_ref[...] = xw_ref[...] * dinv
        dinv_ref[...] = jnp.broadcast_to(dinv, (TCB, 8))

    return pl.pallas_call(
        body,
        grid=(TCG,),
        in_specs=[_rows_spec(),
                  pl.BlockSpec((1, NC, TCB), lambda i: (i, 0, 0))],
        out_specs=[_rows_spec(), _rows_spec(8)],
        out_shape=[jax.ShapeDtypeStruct((N_NODES, FEATS), jnp.float32),
                   jax.ShapeDtypeStruct((N_NODES, 8), jnp.float32)],
    )(xw, deg2d)


def _dinv_block(dinv_ref):
    return dinv_ref[...][:, 0:1]


def _rows_spec(width=FEATS):
    return pl.BlockSpec((TCB, width), lambda i: (i, 0))


def _zrows_spec(width=FEATS):
    return pl.BlockSpec((NC, TCB, width), lambda i: (0, i, 0))


def _full(shape):
    n = len(shape)
    return pl.BlockSpec(shape, lambda i, _n=n: (0,) * _n)


def _tc_mid(z1, y1, dinv8, b1, W2):
    def body(z_ref, y_ref, dinv_ref, b_ref, w_ref, o_ref):
        dinv = _dinv_block(dinv_ref)
        z = z_ref[0] + z_ref[1] + y_ref[...]
        h = jnp.maximum(z * dinv + b_ref[...], 0.0)
        o_ref[...] = lax.dot_general(h, w_ref[...], (((1,), (0,)), ((), ())),
                                     precision=_HIGH) * dinv

    return pl.pallas_call(
        body,
        grid=(TCG,),
        in_specs=[_zrows_spec(), _rows_spec(), _rows_spec(8),
                  _full((1, FEATS)), _full((FEATS, FEATS))],
        out_specs=_rows_spec(),
        out_shape=jax.ShapeDtypeStruct((N_NODES, FEATS), jnp.float32),
    )(z1, y1, dinv8, b1, W2)


def _tc_post(z2, y2, dinv8, b2, batchc, Wl, bl):
    def body(z_ref, y_ref, dinv_ref, b_ref, batch_ref, wl_ref, bl_ref, o_ref,
             sum_s, cnt_s):
        i = pl.program_id(0)

        @pl.when(i == 0)
        def _():
            sum_s[...] = jnp.zeros((NUM_GRAPHS, FEATS), jnp.float32)
            cnt_s[...] = jnp.zeros((NUM_GRAPHS, FEATS), jnp.float32)

        dinv = _dinv_block(dinv_ref)
        z = z_ref[0] + z_ref[1] + y_ref[...]
        h = jnp.maximum(z * dinv + b_ref[...], 0.0)
        gids = lax.broadcasted_iota(jnp.int32, (NUM_GRAPHS, TCB), 0)
        onehot = (gids == batch_ref[...].reshape(1, TCB)).astype(jnp.float32)
        sum_s[...] += lax.dot_general(onehot, h, (((1,), (0,)), ((), ())),
                                      precision=_HIGH)
        cnt_s[...] += jnp.broadcast_to(
            jnp.sum(onehot, axis=1, keepdims=True), (NUM_GRAPHS, FEATS))

        @pl.when(i == TCG - 1)
        def _():
            pooled = sum_s[...] / jnp.maximum(cnt_s[...], 1.0)
            o_ref[...] = lax.dot_general(
                pooled, wl_ref[...], (((1,), (0,)), ((), ())),
                precision=_HIGH) + bl_ref[...]

    return pl.pallas_call(
        body,
        grid=(TCG,),
        in_specs=[_zrows_spec(), _rows_spec(), _rows_spec(8),
                  _full((1, FEATS)),
                  pl.BlockSpec((1, 1, TCB), lambda i: (i, 0, 0)),
                  _full((FEATS, NUM_CLASSES)), _full((1, NUM_CLASSES))],
        out_specs=pl.BlockSpec((NUM_GRAPHS, NUM_CLASSES), lambda i: (0, 0)),
        out_shape=jax.ShapeDtypeStruct((NUM_GRAPHS, NUM_CLASSES), jnp.float32),
        scratch_shapes=[pltpu.VMEM((NUM_GRAPHS, FEATS), jnp.float32),
                        pltpu.VMEM((NUM_GRAPHS, FEATS), jnp.float32)],
    )(z2, y2, dinv8, b2, batchc, Wl, bl)


def kernel(x, edge_index, batch, W1, b1, W2, b2, Wl, bl):
    src = edge_index[0].astype(jnp.int32)
    dst = edge_index[1].astype(jnp.int32)
    batchc = batch.astype(jnp.int32).reshape(TCG, 1, TCB)

    deg2d = jnp.transpose(_deg_sc(dst).reshape(NC, TCG, TCB), (1, 0, 2))
    xw = _tc_mm(x, W1)
    y1, dinv8 = _tc_scale(xw, deg2d)
    z1 = _spmm_sc(y1, src, dst)
    y2 = _tc_mid(z1, y1, dinv8, b1.reshape(1, FEATS), W2)
    z2 = _spmm_sc(y2, src, dst)
    return _tc_post(z2, y2, dinv8, b2.reshape(1, FEATS), batchc,
                    Wl, bl.reshape(1, NUM_CLASSES))

# --- scband reference (transcript-rebuilt; emitter-appended) ---
"""Pipeline reference for scband-gnnglobal-807453851808 (READ-ONLY COPY).

The authoritative reference and input builder live on the scoring server;
editing this copy changes nothing except your own understanding.
"""

import jax, jax.numpy as jnp
import numpy as np

N_NODES = 10000
N_EDGES = 320000
IN_FEATS = 128
HIDDEN = 128
NUM_CLASSES = 10
NUM_GRAPHS = 64


def setup_inputs(seed: int = 0) -> dict:
    key = jax.random.key(seed)
    ks = jax.random.split(key, 10)
    x = jax.random.normal(ks[0], (N_NODES, IN_FEATS), dtype=jnp.float32)
    edge_index = jax.random.randint(ks[1], (2, N_EDGES), 0, N_NODES, dtype=jnp.int64)
    batch = jnp.sort(jax.random.randint(ks[2], (N_NODES,), 0, NUM_GRAPHS, dtype=jnp.int64))
    # GCNConv uses Glorot init for weight, zeros for bias
    s1 = jnp.sqrt(6.0 / (IN_FEATS + HIDDEN))
    W1 = jax.random.uniform(ks[3], (IN_FEATS, HIDDEN), minval=-s1, maxval=s1, dtype=jnp.float32)
    b1 = jnp.zeros((HIDDEN,), dtype=jnp.float32)
    s2 = jnp.sqrt(6.0 / (HIDDEN + HIDDEN))
    W2 = jax.random.uniform(ks[4], (HIDDEN, HIDDEN), minval=-s2, maxval=s2, dtype=jnp.float32)
    b2 = jnp.zeros((HIDDEN,), dtype=jnp.float32)
    sl = 1.0 / jnp.sqrt(HIDDEN)
    Wl = jax.random.uniform(ks[5], (HIDDEN, NUM_CLASSES), minval=-sl, maxval=sl, dtype=jnp.float32)
    bl = jax.random.uniform(ks[6], (NUM_CLASSES,), minval=-sl, maxval=sl, dtype=jnp.float32)
    return {"x": x, "edge_index": edge_index, "batch": batch,
            "W1": W1, "b1": b1, "W2": W2, "b2": b2, "Wl": Wl, "bl": bl}


def _gcn_conv(x, src, dst, W, b, num_nodes):
    # add self loops
    loop = jnp.arange(num_nodes, dtype=src.dtype)
    src_f = jnp.concatenate([src, loop])
    dst_f = jnp.concatenate([dst, loop])
    # symmetric normalization D^{-1/2} (A+I) D^{-1/2}
    deg = jax.ops.segment_sum(jnp.ones_like(src_f, dtype=x.dtype), dst_f, num_segments=num_nodes)
    dinv = jnp.where(deg > 0, 1.0 / jnp.sqrt(deg), 0.0)
    norm = dinv[src_f] * dinv[dst_f]
    xw = x @ W
    msg = xw[src_f] * norm[:, None]
    out = jax.ops.segment_sum(msg, dst_f, num_segments=num_nodes)
    return out + b


def reference(x, edge_index, batch, W1, b1, W2, b2, Wl, bl):
    src, dst = edge_index[0], edge_index[1]
    h = jax.nn.relu(_gcn_conv(x, src, dst, W1, b1, N_NODES))
    h = jax.nn.relu(_gcn_conv(h, src, dst, W2, b2, N_NODES))
    # global mean pool over graph assignment
    sums = jax.ops.segment_sum(h, batch, num_segments=NUM_GRAPHS)
    cnts = jax.ops.segment_sum(jnp.ones((h.shape[0],), dtype=h.dtype), batch, num_segments=NUM_GRAPHS)
    pooled = sums / jnp.maximum(cnts, 1.0)[:, None]
    return pooled @ Wl + bl

if __name__ == "__main__":
    import jax
    _d = setup_inputs()
    print(jax.jit(kernel)(*tuple(_d.values())))

</pallas_src>

<mosaic_0001>
#map = affine_map<(d0, d1) -> (0, 0)>
#map1 = affine_map<(d0, d1) -> (0)>
#map2 = affine_map<(d0, d1) -> (0, 0, 0)>
module attributes {stable_mosaic.version = 14 : i64} {
  func.func @k(%arg0: i32, %arg1: i32, %arg2: memref<10000x128xf32, #tpu.memory_space<hbm>>, %arg3: memref<320000xi32, #tpu.memory_space<hbm>>, %arg4: memref<320000xi32, #tpu.memory_space<hbm>>, %arg5: memref<2x10000x128xf32, #tpu.memory_space<hbm>>, %arg6: memref<40xi32, #tpu.memory_space<vmem>>, %arg7: memref<40xi32, #tpu.memory_space<vmem>>, %arg8: memref<40xi32, #tpu.memory_space<vmem>>, %arg9: memref<40xi32, #tpu.memory_space<vmem>>, %arg10: memref<40xi32, #tpu.memory_space<vmem>>, %arg11: memref<40xi32, #tpu.memory_space<vmem>>, %arg12: memref<40xi32, #tpu.memory_space<vmem>>, %arg13: memref<40xi32, #tpu.memory_space<vmem>>, %arg14: memref<40xi32, #tpu.memory_space<vmem>>, %arg15: memref<40xi32, #tpu.memory_space<vmem>>, %arg16: memref<40xi32, #tpu.memory_space<vmem>>, %arg17: memref<40xi32, #tpu.memory_space<vmem>>, %arg18: memref<40xi32, #tpu.memory_space<vmem>>, %arg19: memref<40xi32, #tpu.memory_space<vmem>>, %arg20: memref<40xi32, #tpu.memory_space<vmem>>, %arg21: memref<40xi32, #tpu.memory_space<vmem>>, %arg22: memref<40xi32, #tpu.memory_space<vmem>>, %arg23: memref<40xi32, #tpu.memory_space<vmem>>, %arg24: memref<40xi32, #tpu.memory_space<vmem>>, %arg25: memref<40xi32, #tpu.memory_space<vmem>>, %arg26: memref<40x128xf32, #tpu.memory_space<vmem>>, %arg27: memref<40x128xf32, #tpu.memory_space<vmem>>, %arg28: memref<40x128xf32, #tpu.memory_space<vmem>>, %arg29: memref<40x128xf32, #tpu.memory_space<vmem>>, %arg30: memref<40x128xf32, #tpu.memory_space<vmem>>, %arg31: memref<156x128xf32, #tpu.memory_space<vmem>>, %arg32: memref<10000x128xf32, #tpu.memory_space<vmem_shared>>, %arg33: memref<!tpu.dma_semaphore, #tpu.memory_space<semaphore_mem>>, %arg34: memref<!tpu.dma_semaphore, #tpu.memory_space<semaphore_mem>>, %arg35: memref<!tpu.dma_semaphore, #tpu.memory_space<semaphore_mem>>) attributes {dimension_semantics = [#tpu.dimension_semantics<core_parallel>, #tpu.dimension_semantics<subcore_parallel>], iteration_bounds = array<i64: 2, 16>, scalar_prefetch = 0 : i64, scratch_operands = 30 : i64, tpu.core_type = #tpu.core_type<sc_vector_subcore>, window_params = [{transform_indices = #map}, {transform_indices = #map1}, {transform_indices = #map1}, {transform_indices = #map2}]} {
    %broadcast_in_dim3A = arith.constant 0.000000e+00 : f32
    %broadcast_in_dim3A_0 = vector.broadcast %broadcast_in_dim3A : f32 to vector<16xf32>
    %scan3A = arith.constant 0 : i32
    %scan3A_1 = arith.constant 156 : i32
    %scan3A_2 = arith.addi %scan3A, %scan3A_1 : i32
    %scan3A_3 = arith.constant 1 : i32
    scf.for %scan3A_85 = %scan3A to %scan3A_2 step %scan3A_3  : i32 {
      %mul3A_86 = arith.constant 1 : i32
      %mul3A_87 = arith.muli %scan3A_85, %mul3A_86 : i32
      %add3A_88 = arith.constant 0 : i32
      %add3A_89 = arith.addi %add3A_88, %mul3A_87 : i32
      %scan3A_90 = arith.constant 0 : i32
      %scan3A_91 = arith.constant 8 : i32
      %scan3A_92 = arith.addi %scan3A_90, %scan3A_91 : i32
      %scan3A_93 = arith.constant 1 : i32
      scf.for %scan3A_95 = %scan3A_90 to %scan3A_92 step %scan3A_93  : i32 {
        %mul3A_96 = arith.constant 16 : i32
        %mul3A_97 = arith.muli %scan3A_95, %mul3A_96 : i32
        %add3A_98 = arith.constant 0 : i32
        %add3A_99 = arith.addi %add3A_98, %mul3A_97 : i32
        %swap3A = arith.index_cast %add3A_89 : i32 to index
        %swap3A_100 = arith.index_cast %add3A_99 : i32 to index
        %swap3A_101 = tpu.vector_load %arg31[%swap3A, %swap3A_100] {strides = array<i32>} : memref<156x128xf32, #tpu.memory_space<vmem>>, vector<1x16xf32>,
        %swap3A_102 = vector.shape_cast %swap3A_101 : vector<1x16xf32> to vector<16xf32>
        %swap3A_103 = vector.shape_cast %broadcast_in_dim3A_0 : vector<16xf32> to vector<1x16xf32>
        tpu.vector_store %arg31[%swap3A, %swap3A_100], %swap3A_103 {strides = array<i32>} : memref<156x128xf32, #tpu.memory_space<vmem>>, vector<1x16xf32>,
      }
      %scan3A_94 = arith.constant 8 : i32
    }
    %scan3A_4 = arith.constant 156 : i32
    %mul3A = arith.constant 624 : i32
    %mul3A_5 = arith.muli %arg1, %mul3A : i32
    %scan3A_6 = arith.constant 0 : i32
    %scan3A_7 = arith.constant 4 : i32
    %scan3A_8 = arith.addi %scan3A_6, %scan3A_7 : i32
    %scan3A_9 = arith.constant 1 : i32
    scf.for %scan3A_85 = %scan3A_6 to %scan3A_8 step %scan3A_9  : i32 {
      %mul3A_86 = arith.constant 1 : i32
      %mul3A_87 = arith.muli %scan3A_85, %mul3A_86 : i32
      %add3A_88 = arith.constant 0 : i32
      %add3A_89 = arith.addi %add3A_88, %mul3A_87 : i32
      %mul3A_90 = arith.constant 156 : i32
      %mul3A_91 = arith.muli %add3A_89, %mul3A_90 : i32
      %add3A_92 = arith.addi %mul3A_5, %mul3A_91 : i32
      "tpu.region"() ({
        %run_scoped3A = tpu.sem_alloc : memref<!tpu.dma_semaphore, #tpu.memory_space<semaphore_mem>>
        %dma_start3A_93 = arith.constant 0 : i32
        %dma_start3A_94 = tpu.memref_slice %arg32[%add3A_92, %dma_start3A_93] : memref<10000x128xf32, #tpu.memory_space<vmem_shared>> -> memref<156x128xf32, #tpu.memory_space<vmem_shared>>
        %dma_start3A_95 = arith.constant 0 : i32
        %dma_start3A_96 = tpu.memref_slice %arg32[%add3A_92, %dma_start3A_95] : memref<10000x128xf32, #tpu.memory_space<vmem_shared>> -> memref<156x128xf32, #tpu.memory_space<vmem_shared>>
        tpu.enqueue_dma source(%arg31 : memref<156x128xf32, #tpu.memory_space<vmem>>) target(%dma_start3A_96 : memref<156x128xf32, #tpu.memory_space<vmem_shared>>) target_semaphore(%run_scoped3A : memref<!tpu.dma_semaphore, #tpu.memory_space<semaphore_mem>>)
        %dma_wait3A_97 = arith.constant 0 : i32
        %dma_wait3A_98 = tpu.memref_slice %arg32[%add3A_92, %dma_wait3A_97] : memref<10000x128xf32, #tpu.memory_space<vmem_shared>> -> memref<156x128xf32, #tpu.memory_space<vmem_shared>>
        %dma_wait3A_99 = arith.constant 0 : i32
        %dma_wait3A_100 = tpu.memref_slice %arg32[%add3A_92, %dma_wait3A_99] : memref<10000x128xf32, #tpu.memory_space<vmem_shared>> -> memref<156x128xf32, #tpu.memory_space<vmem_shared>>
        tpu.wait_dma2 semaphore(%run_scoped3A : memref<!tpu.dma_semaphore, #tpu.memory_space<semaphore_mem>>) src(%arg31 : memref<156x128xf32, #tpu.memory_space<vmem>>) dst(%dma_wait3A_100 : memref<156x128xf32, #tpu.memory_space<vmem_shared>>)
        tpu.yield
      }) : () -> ()
    }
    %scan3A_10 = arith.constant 4 : i32
    %eq3A = arith.constant 0 : i32
    %eq3A_11 = arith.cmpi eq, %arg1, %eq3A : i32
    %convert_element_type3A = arith.extui %eq3A_11 : i1 to i32
    %cond3A = arith.constant 0 : i32
    %cond3A_12 = arith.cmpi ne, %convert_element_type3A, %cond3A : i32
    scf.if %cond3A_12 {
      "tpu.region"() ({
        %run_scoped3A = tpu.sem_alloc : memref<!tpu.dma_semaphore, #tpu.memory_space<semaphore_mem>>
        %dma_start3A_85 = arith.constant 0 : i32
        %dma_start3A_86 = arith.constant 0 : i32
        %dma_start3A_87 = tpu.memref_slice %arg31[%dma_start3A_85, %dma_start3A_86] : memref<156x128xf32, #tpu.memory_space<vmem>> -> memref<16x128xf32, #tpu.memory_space<vmem>>
        %dma_start3A_88 = arith.constant 9984 : i32
        %dma_start3A_89 = arith.constant 0 : i32
        %dma_start3A_90 = tpu.memref_slice %arg32[%dma_start3A_88, %dma_start3A_89] : memref<10000x128xf32, #tpu.memory_space<vmem_shared>> -> memref<16x128xf32, #tpu.memory_space<vmem_shared>>
        %dma_start3A_91 = arith.constant 9984 : i32
        %dma_start3A_92 = arith.constant 0 : i32
        %dma_start3A_93 = tpu.memref_slice %arg32[%dma_start3A_91, %dma_start3A_92] : memref<10000x128xf32, #tpu.memory_space<vmem_shared>> -> memref<16x128xf32, #tpu.memory_space<vmem_shared>>
        %dma_start3A_94 = arith.constant 0 : i32
        %dma_start3A_95 = arith.constant 0 : i32
        %dma_start3A_96 = tpu.memref_slice %arg31[%dma_start3A_94, %dma_start3A_95] : memref<156x128xf32, #tpu.memory_space<vmem>> -> memref<16x128xf32, #tpu.memory_space<vmem>>
        tpu.enqueue_dma source(%dma_start3A_96 : memref<16x128xf32, #tpu.memory_space<vmem>>) target(%dma_start3A_93 : memref<16x128xf32, #tpu.memory_space<vmem_shared>>) target_semaphore(%run_scoped3A : memref<!tpu.dma_semaphore, #tpu.memory_space<semaphore_mem>>)
        %dma_wait3A_97 = arith.constant 0 : i32
        %dma_wait3A_98 = arith.constant 0 : i32
        %dma_wait3A_99 = tpu.memref_slice %arg31[%dma_wait3A_97, %dma_wait3A_98] : memref<156x128xf32, #tpu.memory_space<vmem>> -> memref<16x128xf32, #tpu.memory_space<vmem>>
        %dma_wait3A_100 = arith.constant 9984 : i32
        %dma_wait3A_101 = arith.constant 0 : i32
        %dma_wait3A_102 = tpu.memref_slice %arg32[%dma_wait3A_100, %dma_wait3A_101] : memref<10000x128xf32, #tpu.memory_space<vmem_shared>> -> memref<16x128xf32, #tpu.memory_space<vmem_shared>>
        %dma_wait3A_103 = arith.constant 9984 : i32
        %dma_wait3A_104 = arith.constant 0 : i32
        %dma_wait3A_105 = tpu.memref_slice %arg32[%dma_wait3A_103, %dma_wait3A_104] : memref<10000x128xf32, #tpu.memory_space<vmem_shared>> -> memref<16x128xf32, #tpu.memory_space<vmem_shared>>
        %dma_wait3A_106 = arith.constant 0 : i32
        %dma_wait3A_107 = arith.constant 0 : i32
        %dma_wait3A_108 = tpu.memref_slice %arg31[%dma_wait3A_106, %dma_wait3A_107] : memref<156x128xf32, #tpu.memory_space<vmem>> -> memref<16x128xf32, #tpu.memory_space<vmem>>
        tpu.wait_dma2 semaphore(%run_scoped3A : memref<!tpu.dma_semaphore, #tpu.memory_space<semaphore_mem>>) src(%dma_wait3A_108 : memref<16x128xf32, #tpu.memory_space<vmem>>) dst(%dma_wait3A_105 : memref<16x128xf32, #tpu.memory_space<vmem_shared>>)
        tpu.yield
      }) : () -> ()
    } else {
    }
    %barrier3A = arith.constant 0 : index
    tpu.barrier barrier_id(%barrier3A)
    %mul3A_13 = arith.constant 16 : i32
    %mul3A_14 = arith.muli %arg0, %mul3A_13 : i32
    %add3A = arith.addi %mul3A_14, %arg1 : i32
    %mul3A_15 = arith.constant 10000 : i32
    %mul3A_16 = arith.muli %add3A, %mul3A_15 : i32
    %add3A_17 = arith.constant 0 : i32
    %add3A_18 = arith.addi %mul3A_16, %add3A_17 : i32
    %add3A_19 = arith.constant 0 : i32
    %add3A_20 = arith.addi %add3A_18, %add3A_19 : i32
    %dma_start3A = tpu.memref_slice %arg3[%add3A_20] : memref<320000xi32, #tpu.memory_space<hbm>> -> memref<40xi32, #tpu.memory_space<hbm>>
    %dma_start3A_21 = tpu.memref_slice %arg3[%add3A_20] : memref<320000xi32, #tpu.memory_space<hbm>> -> memref<40xi32, #tpu.memory_space<hbm>>
    tpu.enqueue_dma source(%dma_start3A_21 : memref<40xi32, #tpu.memory_space<hbm>>) target(%arg6 : memref<40xi32, #tpu.memory_space<vmem>>) target_semaphore(%arg33 : memref<!tpu.dma_semaphore, #tpu.memory_space<semaphore_mem>>)
    %add3A_22 = arith.constant 0 : i32
    %add3A_23 = arith.addi %add3A_18, %add3A_22 : i32
    %dma_start3A_24 = tpu.memref_slice %arg4[%add3A_23] : memref<320000xi32, #tpu.memory_space<hbm>> -> memref<40xi32, #tpu.memory_space<hbm>>
    %dma_start3A_25 = tpu.memref_slice %arg4[%add3A_23] : memref<320000xi32, #tpu.memory_space<hbm>> -> memref<40xi32, #tpu.memory_space<hbm>>
    tpu.enqueue_dma source(%dma_start3A_25 : memref<40xi32, #tpu.memory_space<hbm>>) target(%arg16 : memref<40xi32, #tpu.memory_space<vmem>>) target_semaphore(%arg33 : memref<!tpu.dma_semaphore, #tpu.memory_space<semaphore_mem>>)
    %add3A_26 = arith.constant 40 : i32
    %add3A_27 = arith.addi %add3A_18, %add3A_26 : i32
    %dma_start3A_28 = tpu.memref_slice %arg3[%add3A_27] : memref<320000xi32, #tpu.memory_space<hbm>> -> memref<40xi32, #tpu.memory_space<hbm>>
    %dma_start3A_29 = tpu.memref_slice %arg3[%add3A_27] : memref<320000xi32, #tpu.memory_space<hbm>> -> memref<40xi32, #tpu.memory_space<hbm>>
    tpu.enqueue_dma source(%dma_start3A_29 : memref<40xi32, #tpu.memory_space<hbm>>) target(%arg7 : memref<40xi32, #tpu.memory_space<vmem>>) target_semaphore(%arg33 : memref<!tpu.dma_semaphore, #tpu.memory_space<semaphore_mem>>)
    %add3A_30 = arith.constant 40 : i32
    %add3A_31 = arith.addi %add3A_18, %add3A_30 : i32
    %dma_start3A_32 = tpu.memref_slice %arg4[%add3A_31] : memref<320000xi32, #tpu.memory_space<hbm>> -> memref<40xi32, #tpu.memory_space<hbm>>
    %dma_start3A_33 = tpu.memref_slice %arg4[%add3A_31] : memref<320000xi32, #tpu.memory_space<hbm>> -> memref<40xi32, #tpu.memory_space<hbm>>
    tpu.enqueue_dma source(%dma_start3A_33 : memref<40xi32, #tpu.memory_space<hbm>>) target(%arg17 : memref<40xi32, #tpu.memory_space<vmem>>) target_semaphore(%arg33 : memref<!tpu.dma_semaphore, #tpu.memory_space<semaphore_mem>>)
    %add3A_34 = arith.constant 80 : i32
    %add3A_35 = arith.addi %add3A_18, %add3A_34 : i32
    %dma_start3A_36 = tpu.memref_slice %arg3[%add3A_35] : memref<320000xi32, #tpu.memory_space<hbm>> -> memref<40xi32, #tpu.memory_space<hbm>>
    %dma_start3A_37 = tpu.memref_slice %arg3[%add3A_35] : memref<320000xi32, #tpu.memory_space<hbm>> -> memref<40xi32, #tpu.memory_space<hbm>>
    tpu.enqueue_dma source(%dma_start3A_37 : memref<40xi32, #tpu.memory_space<hbm>>) target(%arg8 : memref<40xi32, #tpu.memory_space<vmem>>) target_semaphore(%arg33 : memref<!tpu.dma_semaphore, #tpu.memory_space<semaphore_mem>>)
    %add3A_38 = arith.constant 80 : i32
    %add3A_39 = arith.addi %add3A_18, %add3A_38 : i32
    %dma_start3A_40 = tpu.memref_slice %arg4[%add3A_39] : memref<320000xi32, #tpu.memory_space<hbm>> -> memref<40xi32, #tpu.memory_space<hbm>>
    %dma_start3A_41 = tpu.memref_slice %arg4[%add3A_39] : memref<320000xi32, #tpu.memory_space<hbm>> -> memref<40xi32, #tpu.memory_space<hbm>>
    tpu.enqueue_dma source(%dma_start3A_41 : memref<40xi32, #tpu.memory_space<hbm>>) target(%arg18 : memref<40xi32, #tpu.memory_space<vmem>>) target_semaphore(%arg33 : memref<!tpu.dma_semaphore, #tpu.memory_space<semaphore_mem>>)
    %add3A_42 = arith.constant 120 : i32
    %add3A_43 = arith.addi %add3A_18, %add3A_42 : i32
    %dma_start3A_44 = tpu.memref_slice %arg3[%add3A_43] : memref<320000xi32, #tpu.memory_space<hbm>> -> memref<40xi32, #tpu.memory_space<hbm>>
    %dma_start3A_45 = tpu.memref_slice %arg3[%add3A_43] : memref<320000xi32, #tpu.memory_space<hbm>> -> memref<40xi32, #tpu.memory_space<hbm>>
    tpu.enqueue_dma source(%dma_start3A_45 : memref<40xi32, #tpu.memory_space<hbm>>) target(%arg9 : memref<40xi32, #tpu.memory_space<vmem>>) target_semaphore(%arg33 : memref<!tpu.dma_semaphore, #tpu.memory_space<semaphore_mem>>)
    %add3A_46 = arith.constant 120 : i32
    %add3A_47 = arith.addi %add3A_18, %add3A_46 : i32
    %dma_start3A_48 = tpu.memref_slice %arg4[%add3A_47] : memref<320000xi32, #tpu.memory_space<hbm>> -> memref<40xi32, #tpu.memory_space<hbm>>
    %dma_start3A_49 = tpu.memref_slice %arg4[%add3A_47] : memref<320000xi32, #tpu.memory_space<hbm>> -> memref<40xi32, #tpu.memory_space<hbm>>
    tpu.enqueue_dma source(%dma_start3A_49 : memref<40xi32, #tpu.memory_space<hbm>>) target(%arg19 : memref<40xi32, #tpu.memory_space<vmem>>) target_semaphore(%arg33 : memref<!tpu.dma_semaphore, #tpu.memory_space<semaphore_mem>>)
    %add3A_50 = arith.constant 160 : i32
    %add3A_51 = arith.addi %add3A_18, %add3A_50 : i32
    %dma_start3A_52 = tpu.memref_slice %arg3[%add3A_51] : memref<320000xi32, #tpu.memory_space<hbm>> -> memref<40xi32, #tpu.memory_space<hbm>>
    %dma_start3A_53 = tpu.memref_slice %arg3[%add3A_51] : memref<320000xi32, #tpu.memory_space<hbm>> -> memref<40xi32, #tpu.memory_space<hbm>>
    tpu.enqueue_dma source(%dma_start3A_53 : memref<40xi32, #tpu.memory_space<hbm>>) target(%arg10 : memref<40xi32, #tpu.memory_space<vmem>>) target_semaphore(%arg33 : memref<!tpu.dma_semaphore, #tpu.memory_space<semaphore_mem>>)
    %add3A_54 = arith.constant 160 : i32
    %add3A_55 = arith.addi %add3A_18, %add3A_54 : i32
    %dma_start3A_56 = tpu.memref_slice %arg4[%add3A_55] : memref<320000xi32, #tpu.memory_space<hbm>> -> memref<40xi32, #tpu.memory_space<hbm>>
    %dma_start3A_57 = tpu.memref_slice %arg4[%add3A_55] : memref<320000xi32, #tpu.memory_space<hbm>> -> memref<40xi32, #tpu.memory_space<hbm>>
    tpu.enqueue_dma source(%dma_start3A_57 : memref<40xi32, #tpu.memory_space<hbm>>) target(%arg20 : memref<40xi32, #tpu.memory_space<vmem>>) target_semaphore(%arg33 : memref<!tpu.dma_semaphore, #tpu.memory_space<semaphore_mem>>)
    %scan3A_58 = arith.constant 0 : i32
    %scan3A_59 = arith.constant 25 : i32
    %scan3A_60 = arith.addi %scan3A_58, %scan3A_59 : i32
    %scan3A_61 = arith.constant 1 : i32
    scf.for %scan3A_85 = %scan3A_58 to %scan3A_60 step %scan3A_61  : i32 {
      %mul3A_86 = arith.constant 1 : i32
      %mul3A_87 = arith.muli %scan3A_85, %mul3A_86 : i32
      %add3A_88 = arith.constant 0 : i32
      %add3A_89 = arith.addi %add3A_88, %mul3A_87 : i32
      %mul3A_90 = arith.constant 2 : i32
      %mul3A_91 = arith.muli %add3A_89, %mul3A_90 : i32
      %add3A_92 = arith.constant 0 : i32
      %add3A_93 = arith.addi %mul3A_91, %add3A_92 : i32
      %gt3A = arith.constant 0 : i32
      %gt3A_94 = arith.cmpi sgt, %add3A_93, %gt3A : i32
      %convert_element_type3A_95 = arith.extui %gt3A_94 : i1 to i32
      %cond3A_96 = arith.constant 0 : i32
      %cond3A_97 = arith.cmpi ne, %convert_element_type3A_95, %cond3A_96 : i32
      scf.if %cond3A_97 {
        %dma_wait3A_296 = arith.constant 0 : i32
        %dma_wait3A_297 = arith.constant 0 : i32
        %dma_wait3A_298 = tpu.memref_slice %arg32[%dma_wait3A_296, %dma_wait3A_297] : memref<10000x128xf32, #tpu.memory_space<vmem_shared>> -> memref<10000x128xf32, #tpu.memory_space<vmem_shared>>
        tpu.wait_indirect_dma semaphore(%arg35 : memref<!tpu.dma_semaphore, #tpu.memory_space<semaphore_mem>>) src(%arg26 : memref<40x128xf32, #tpu.memory_space<vmem>>) dst(%dma_wait3A_298 : memref<10000x128xf32, #tpu.memory_space<vmem_shared>>)
        %dma_wait3A_299 = arith.constant 0 : i32
        %dma_wait3A_300 = arith.constant 0 : i32
        %dma_wait3A_301 = tpu.memref_slice %arg32[%dma_wait3A_299, %dma_wait3A_300] : memref<10000x128xf32, #tpu.memory_space<vmem_shared>> -> memref<10000x128xf32, #tpu.memory_space<vmem_shared>>
        tpu.wait_indirect_dma semaphore(%arg35 : memref<!tpu.dma_semaphore, #tpu.memory_space<semaphore_mem>>) src(%arg27 : memref<40x128xf32, #tpu.memory_space<vmem>>) dst(%dma_wait3A_301 : memref<10000x128xf32, #tpu.memory_space<vmem_shared>>)
        %dma_wait3A_302 = arith.constant 0 : i32
        %dma_wait3A_303 = arith.constant 0 : i32
        %dma_wait3A_304 = tpu.memref_slice %arg32[%dma_wait3A_302, %dma_wait3A_303] : memref<10000x128xf32, #tpu.memory_space<vmem_shared>> -> memref<10000x128xf32, #tpu.memory_space<vmem_shared>>
        tpu.wait_indirect_dma semaphore(%arg35 : memref<!tpu.dma_semaphore, #tpu.memory_space<semaphore_mem>>) src(%arg28 : memref<40x128xf32, #tpu.memory_space<vmem>>) dst(%dma_wait3A_304 : memref<10000x128xf32, #tpu.memory_space<vmem_shared>>)
        %dma_wait3A_305 = arith.constant 0 : i32
        %dma_wait3A_306 = arith.constant 0 : i32
        %dma_wait3A_307 = tpu.memref_slice %arg32[%dma_wait3A_305, %dma_wait3A_306] : memref<10000x128xf32, #tpu.memory_space<vmem_shared>> -> memref<10000x128xf32, #tpu.memory_space<vmem_shared>>
        tpu.wait_indirect_dma semaphore(%arg35 : memref<!tpu.dma_semaphore, #tpu.memory_space<semaphore_mem>>) src(%arg29 : memref<40x128xf32, #tpu.memory_space<vmem>>) dst(%dma_wait3A_307 : memref<10000x128xf32, #tpu.memory_space<vmem_shared>>)
        %dma_wait3A_308 = arith.constant 0 : i32
        %dma_wait3A_309 = arith.constant 0 : i32
        %dma_wait3A_310 = tpu.memref_slice %arg32[%dma_wait3A_308, %dma_wait3A_309] : memref<10000x128xf32, #tpu.memory_space<vmem_shared>> -> memref<10000x128xf32, #tpu.memory_space<vmem_shared>>
        tpu.wait_indirect_dma semaphore(%arg35 : memref<!tpu.dma_semaphore, #tpu.memory_space<semaphore_mem>>) src(%arg30 : memref<40x128xf32, #tpu.memory_space<vmem>>) dst(%dma_wait3A_310 : memref<10000x128xf32, #tpu.memory_space<vmem_shared>>)
      } else {
      }
      %mul3A_98 = arith.constant 200 : i32
      %mul3A_99 = arith.muli %add3A_93, %mul3A_98 : i32
      %add3A_100 = arith.addi %mul3A_16, %mul3A_99 : i32
      %add3A_101 = arith.constant 0 : i32
      %add3A_102 = arith.addi %add3A_100, %add3A_101 : i32
      %dma_wait3A_103 = tpu.memref_slice %arg3[%add3A_102] : memref<320000xi32, #tpu.memory_space<hbm>> -> memref<40xi32, #tpu.memory_space<hbm>>
      %dma_wait3A_104 = tpu.memref_slice %arg3[%add3A_102] : memref<320000xi32, #tpu.memory_space<hbm>> -> memref<40xi32, #tpu.memory_space<hbm>>
      tpu.wait_dma2 semaphore(%arg33 : memref<!tpu.dma_semaphore, #tpu.memory_space<semaphore_mem>>) src(%dma_wait3A_104 : memref<40xi32, #tpu.memory_space<hbm>>) dst(%arg6 : memref<40xi32, #tpu.memory_space<vmem>>)
      %add3A_105 = arith.constant 0 : i32
      %add3A_106 = arith.addi %add3A_100, %add3A_105 : i32
      %dma_wait3A_107 = tpu.memref_slice %arg4[%add3A_106] : memref<320000xi32, #tpu.memory_space<hbm>> -> memref<40xi32, #tpu.memory_space<hbm>>
      %dma_wait3A_108 = tpu.memref_slice %arg4[%add3A_106] : memref<320000xi32, #tpu.memory_space<hbm>> -> memref<40xi32, #tpu.memory_space<hbm>>
      tpu.wait_dma2 semaphore(%arg33 : memref<!tpu.dma_semaphore, #tpu.memory_space<semaphore_mem>>) src(%dma_wait3A_108 : memref<40xi32, #tpu.memory_space<hbm>>) dst(%arg16 : memref<40xi32, #tpu.memory_space<vmem>>)
      %add3A_109 = arith.constant 40 : i32
      %add3A_110 = arith.addi %add3A_100, %add3A_109 : i32
      %dma_wait3A_111 = tpu.memref_slice %arg3[%add3A_110] : memref<320000xi32, #tpu.memory_space<hbm>> -> memref<40xi32, #tpu.memory_space<hbm>>
      %dma_wait3A_112 = tpu.memref_slice %arg3[%add3A_110] : memref<320000xi32, #tpu.memory_space<hbm>> -> memref<40xi32, #tpu.memory_space<hbm>>
      tpu.wait_dma2 semaphore(%arg33 : memref<!tpu.dma_semaphore, #tpu.memory_space<semaphore_mem>>) src(%dma_wait3A_112 : memref<40xi32, #tpu.memory_space<hbm>>) dst(%arg7 : memref<40xi32, #tpu.memory_space<vmem>>)
      %add3A_113 = arith.constant 40 : i32
      %add3A_114 = arith.addi %add3A_100, %add3A_113 : i32
      %dma_wait3A_115 = tpu.memref_slice %arg4[%add3A_114] : memref<320000xi32, #tpu.memory_space<hbm>> -> memref<40xi32, #tpu.memory_space<hbm>>
      %dma_wait3A_116 = tpu.memref_slice %arg4[%add3A_114] : memref<320000xi32, #tpu.memory_space<hbm>> -> memref<40xi32, #tpu.memory_space<hbm>>
      tpu.wait_dma2 semaphore(%arg33 : memref<!tpu.dma_semaphore, #tpu.memory_space<semaphore_mem>>) src(%dma_wait3A_116 : memref<40xi32, #tpu.memory_space<hbm>>) dst(%arg17 : memref<40xi32, #tpu.memory_space<vmem>>)
      %add3A_117 = arith.constant 80 : i32
      %add3A_118 = arith.addi %add3A_100, %add3A_117 : i32
      %dma_wait3A_119 = tpu.memref_slice %arg3[%add3A_118] : memref<320000xi32, #tpu.memory_space<hbm>> -> memref<40xi32, #tpu.memory_space<hbm>>
      %dma_wait3A_120 = tpu.memref_slice %arg3[%add3A_118] : memref<320000xi32, #tpu.memory_space<hbm>> -> memref<40xi32, #tpu.memory_space<hbm>>
      tpu.wait_dma2 semaphore(%arg33 : memref<!tpu.dma_semaphore, #tpu.memory_space<semaphore_mem>>) src(%dma_wait3A_120 : memref<40xi32, #tpu.memory_space<hbm>>) dst(%arg8 : memref<40xi32, #tpu.memory_space<vmem>>)
      %add3A_121 = arith.constant 80 : i32
      %add3A_122 = arith.addi %add3A_100, %add3A_121 : i32
      %dma_wait3A_123 = tpu.memref_slice %arg4[%add3A_122] : memref<320000xi32, #tpu.memory_space<hbm>> -> memref<40xi32, #tpu.memory_space<hbm>>
      %dma_wait3A_124 = tpu.memref_slice %arg4[%add3A_122] : memref<320000xi32, #tpu.memory_space<hbm>> -> memref<40xi32, #tpu.memory_space<hbm>>
      tpu.wait_dma2 semaphore(%arg33 : memref<!tpu.dma_semaphore, #tpu.memory_space<semaphore_mem>>) src(%dma_wait3A_124 : memref<40xi32, #tpu.memory_space<hbm>>) dst(%arg18 : memref<40xi32, #tpu.memory_space<vmem>>)
      %add3A_125 = arith.constant 120 : i32
      %add3A_126 = arith.addi %add3A_100, %add3A_125 : i32
      %dma_wait3A_127 = tpu.memref_slice %arg3[%add3A_126] : memref<320000xi32, #tpu.memory_space<hbm>> -> memref<40xi32, #tpu.memory_space<hbm>>
      %dma_wait3A_128 = tpu.memref_slice %arg3[%add3A_126] : memref<320000xi32, #tpu.memory_space<hbm>> -> memref<40xi32, #tpu.memory_space<hbm>>
      tpu.wait_dma2 semaphore(%arg33 : memref<!tpu.dma_semaphore, #tpu.memory_space<semaphore_mem>>) src(%dma_wait3A_128 : memref<40xi32, #tpu.memory_space<hbm>>) dst(%arg9 : memref<40xi32, #tpu.memory_space<vmem>>)
      %add3A_129 = arith.constant 120 : i32
      %add3A_130 = arith.addi %add3A_100, %add3A_129 : i32
      %dma_wait3A_131 = tpu.memref_slice %arg4[%add3A_130] : memref<320000xi32, #tpu.memory_space<hbm>> -> memref<40xi32, #tpu.memory_space<hbm>>
      %dma_wait3A_132 = tpu.memref_slice %arg4[%add3A_130] : memref<320000xi32, #tpu.memory_space<hbm>> -> memref<40xi32, #tpu.memory_space<hbm>>
      tpu.wait_dma2 semaphore(%arg33 : memref<!tpu.dma_semaphore, #tpu.memory_space<semaphore_mem>>) src(%dma_wait3A_132 : memref<40xi32, #tpu.memory_space<hbm>>) dst(%arg19 : memref<40xi32, #tpu.memory_space<vmem>>)
      %add3A_133 = arith.constant 160 : i32
      %add3A_134 = arith.addi %add3A_100, %add3A_133 : i32
      %dma_wait3A_135 = tpu.memref_slice %arg3[%add3A_134] : memref<320000xi32, #tpu.memory_space<hbm>> -> memref<40xi32, #tpu.memory_space<hbm>>
      %dma_wait3A_136 = tpu.memref_slice %arg3[%add3A_134] : memref<320000xi32, #tpu.memory_space<hbm>> -> memref<40xi32, #tpu.memory_space<hbm>>
      tpu.wait_dma2 semaphore(%arg33 : memref<!tpu.dma_semaphore, #tpu.memory_space<semaphore_mem>>) src(%dma_wait3A_136 : memref<40xi32, #tpu.memory_space<hbm>>) dst(%arg10 : memref<40xi32, #tpu.memory_space<vmem>>)
      %add3A_137 = arith.constant 160 : i32
      %add3A_138 = arith.addi %add3A_100, %add3A_137 : i32
      %dma_wait3A_139 = tpu.memref_slice %arg4[%add3A_138] : memref<320000xi32, #tpu.memory_space<hbm>> -> memref<40xi32, #tpu.memory_space<hbm>>
      %dma_wait3A_140 = tpu.memref_slice %arg4[%add3A_138] : memref<320000xi32, #tpu.memory_space<hbm>> -> memref<40xi32, #tpu.memory_space<hbm>>
      tpu.wait_dma2 semaphore(%arg33 : memref<!tpu.dma_semaphore, #tpu.memory_space<semaphore_mem>>) src(%dma_wait3A_140 : memref<40xi32, #tpu.memory_space<hbm>>) dst(%arg20 : memref<40xi32, #tpu.memory_space<vmem>>)
      %dma_start3A_141 = arith.constant 0 : i32
      %dma_start3A_142 = arith.constant 0 : i32
      %dma_start3A_143 = tpu.memref_slice %arg2[%dma_start3A_141, %dma_start3A_142] : memref<10000x128xf32, #tpu.memory_space<hbm>> -> memref<10000x128xf32, #tpu.memory_space<hbm>>
      tpu.enqueue_indirect_dma source(%dma_start3A_143 : memref<10000x128xf32, #tpu.memory_space<hbm>>) target(%arg26 : memref<40x128xf32, #tpu.memory_space<vmem>>) offsets(%arg6 : memref<40xi32, #tpu.memory_space<vmem>>) semaphore(%arg34 : memref<!tpu.dma_semaphore, #tpu.memory_space<semaphore_mem>>)
      %dma_start3A_144 = arith.constant 0 : i32
      %dma_start3A_145 = arith.constant 0 : i32
      %dma_start3A_146 = tpu.memref_slice %arg2[%dma_start3A_144, %dma_start3A_145] : memref<10000x128xf32, #tpu.memory_space<hbm>> -> memref<10000x128xf32, #tpu.memory_space<hbm>>
      tpu.enqueue_indirect_dma source(%dma_start3A_146 : memref<10000x128xf32, #tpu.memory_space<hbm>>) target(%arg27 : memref<40x128xf32, #tpu.memory_space<vmem>>) offsets(%arg7 : memref<40xi32, #tpu.memory_space<vmem>>) semaphore(%arg34 : memref<!tpu.dma_semaphore, #tpu.memory_space<semaphore_mem>>)
      %dma_start3A_147 = arith.constant 0 : i32
      %dma_start3A_148 = arith.constant 0 : i32
      %dma_start3A_149 = tpu.memref_slice %arg2[%dma_start3A_147, %dma_start3A_148] : memref<10000x128xf32, #tpu.memory_space<hbm>> -> memref<10000x128xf32, #tpu.memory_space<hbm>>
      tpu.enqueue_indirect_dma source(%dma_start3A_149 : memref<10000x128xf32, #tpu.memory_space<hbm>>) target(%arg28 : memref<40x128xf32, #tpu.memory_space<vmem>>) offsets(%arg8 : memref<40xi32, #tpu.memory_space<vmem>>) semaphore(%arg34 : memref<!tpu.dma_semaphore, #tpu.memory_space<semaphore_mem>>)
      %dma_start3A_150 = arith.constant 0 : i32
      %dma_start3A_151 = arith.constant 0 : i32
      %dma_start3A_152 = tpu.memref_slice %arg2[%dma_start3A_150, %dma_start3A_151] : memref<10000x128xf32, #tpu.memory_space<hbm>> -> memref<10000x128xf32, #tpu.memory_space<hbm>>
      tpu.enqueue_indirect_dma source(%dma_start3A_152 : memref<10000x128xf32, #tpu.memory_space<hbm>>) target(%arg29 : memref<40x128xf32, #tpu.memory_space<vmem>>) offsets(%arg9 : memref<40xi32, #tpu.memory_space<vmem>>) semaphore(%arg34 : memref<!tpu.dma_semaphore, #tpu.memory_space<semaphore_mem>>)
      %dma_start3A_153 = arith.constant 0 : i32
      %dma_start3A_154 = arith.constant 0 : i32
      %dma_start3A_155 = tpu.memref_slice %arg2[%dma_start3A_153, %dma_start3A_154] : memref<10000x128xf32, #tpu.memory_space<hbm>> -> memref<10000x128xf32, #tpu.memory_space<hbm>>
      tpu.enqueue_indirect_dma source(%dma_start3A_155 : memref<10000x128xf32, #tpu.memory_space<hbm>>) target(%arg30 : memref<40x128xf32, #tpu.memory_space<vmem>>) offsets(%arg10 : memref<40xi32, #tpu.memory_space<vmem>>) semaphore(%arg34 : memref<!tpu.dma_semaphore, #tpu.memory_space<semaphore_mem>>)
      %add3A_156 = arith.constant 1 : i32
      %add3A_157 = arith.addi %add3A_93, %add3A_156 : i32
      %lt3A = arith.constant 50 : i32
      %lt3A_158 = arith.cmpi slt, %add3A_157, %lt3A : i32
      %convert_element_type3A_159 = arith.extui %lt3A_158 : i1 to i32
      %cond3A_160 = arith.constant 0 : i32
      %cond3A_161 = arith.cmpi ne, %convert_element_type3A_159, %cond3A_160 : i32
      scf.if %cond3A_161 {
        %add3A_296 = arith.constant 1 : i32
        %add3A_297 = arith.addi %add3A_93, %add3A_296 : i32
        %mul3A_298 = arith.constant 200 : i32
        %mul3A_299 = arith.muli %add3A_297, %mul3A_298 : i32
        %add3A_300 = arith.addi %mul3A_16, %mul3A_299 : i32
        %add3A_301 = arith.constant 0 : i32
        %add3A_302 = arith.addi %add3A_300, %add3A_301 : i32
        %dma_start3A_303 = tpu.memref_slice %arg3[%add3A_302] : memref<320000xi32, #tpu.memory_space<hbm>> -> memref<40xi32, #tpu.memory_space<hbm>>
        %dma_start3A_304 = tpu.memref_slice %arg3[%add3A_302] : memref<320000xi32, #tpu.memory_space<hbm>> -> memref<40xi32, #tpu.memory_space<hbm>>
        tpu.enqueue_dma source(%dma_start3A_304 : memref<40xi32, #tpu.memory_space<hbm>>) target(%arg11 : memref<40xi32, #tpu.memory_space<vmem>>) target_semaphore(%arg33 : memref<!tpu.dma_semaphore, #tpu.memory_space<semaphore_mem>>)
        %add3A_305 = arith.constant 0 : i32
        %add3A_306 = arith.addi %add3A_300, %add3A_305 : i32
        %dma_start3A_307 = tpu.memref_slice %arg4[%add3A_306] : memref<320000xi32, #tpu.memory_space<hbm>> -> memref<40xi32, #tpu.memory_space<hbm>>
        %dma_start3A_308 = tpu.memref_slice %arg4[%add3A_306] : memref<320000xi32, #tpu.memory_space<hbm>> -> memref<40xi32, #tpu.memory_space<hbm>>
        tpu.enqueue_dma source(%dma_start3A_308 : memref<40xi32, #tpu.memory_space<hbm>>) target(%arg21 : memref<40xi32, #tpu.memory_space<vmem>>) target_semaphore(%arg33 : memref<!tpu.dma_semaphore, #tpu.memory_space<semaphore_mem>>)
        %add3A_309 = arith.constant 40 : i32
        %add3A_310 = arith.addi %add3A_300, %add3A_309 : i32
        %dma_start3A_311 = tpu.memref_slice %arg3[%add3A_310] : memref<320000xi32, #tpu.memory_space<hbm>> -> memref<40xi32, #tpu.memory_space<hbm>>
        %dma_start3A_312 = tpu.memref_slice %arg3[%add3A_310] : memref<320000xi32, #tpu.memory_space<hbm>> -> memref<40xi32, #tpu.memory_space<hbm>>
        tpu.enqueue_dma source(%dma_start3A_312 : memref<40xi32, #tpu.memory_space<hbm>>) target(%arg12 : memref<40xi32, #tpu.memory_space<vmem>>) target_semaphore(%arg33 : memref<!tpu.dma_semaphore, #tpu.memory_space<semaphore_mem>>)
        %add3A_313 = arith.constant 40 : i32
        %add3A_314 = arith.addi %add3A_300, %add3A_313 : i32
        %dma_start3A_315 = tpu.memref_slice %arg4[%add3A_314] : memref<320000xi32, #tpu.memory_space<hbm>> -> memref<40xi32, #tpu.memory_space<hbm>>
        %dma_start3A_316 = tpu.memref_slice %arg4[%add3A_314] : memref<320000xi32, #tpu.memory_space<hbm>> -> memref<40xi32, #tpu.memory_space<hbm>>
        tpu.enqueue_dma source(%dma_start3A_316 : memref<40xi32, #tpu.memory_space<hbm>>) target(%arg22 : memref<40xi32, #tpu.memory_space<vmem>>) target_semaphore(%arg33 : memref<!tpu.dma_semaphore, #tpu.memory_space<semaphore_mem>>)
        %add3A_317 = arith.constant 80 : i32
        %add3A_318 = arith.addi %add3A_300, %add3A_317 : i32
        %dma_start3A_319 = tpu.memref_slice %arg3[%add3A_318] : memref<320000xi32, #tpu.memory_space<hbm>> -> memref<40xi32, #tpu.memory_space<hbm>>
        %dma_start3A_320 = tpu.memref_slice %arg3[%add3A_318] : memref<320000xi32, #tpu.memory_space<hbm>> -> memref<40xi32, #tpu.memory_space<hbm>>
        tpu.enqueue_dma source(%dma_start3A_320 : memref<40xi32, #tpu.memory_space<hbm>>) target(%arg13 : memref<40xi32, #tpu.memory_space<vmem>>) target_semaphore(%arg33 : memref<!tpu.dma_semaphore, #tpu.memory_space<semaphore_mem>>)
        %add3A_321 = arith.constant 80 : i32
        %add3A_322 = arith.addi %add3A_300, %add3A_321 : i32
        %dma_start3A_323 = tpu.memref_slice %arg4[%add3A_322] : memref<320000xi32, #tpu.memory_space<hbm>> -> memref<40xi32, #tpu.memory_space<hbm>>
        %dma_start3A_324 = tpu.memref_slice %arg4[%add3A_322] : memref<320000xi32, #tpu.memory_space<hbm>> -> memref<40xi32, #tpu.memory_space<hbm>>
        tpu.enqueue_dma source(%dma_start3A_324 : memref<40xi32, #tpu.memory_space<hbm>>) target(%arg23 : memref<40xi32, #tpu.memory_space<vmem>>) target_semaphore(%arg33 : memref<!tpu.dma_semaphore, #tpu.memory_space<semaphore_mem>>)
        %add3A_325 = arith.constant 120 : i32
        %add3A_326 = arith.addi %add3A_300, %add3A_325 : i32
        %dma_start3A_327 = tpu.memref_slice %arg3[%add3A_326] : memref<320000xi32, #tpu.memory_space<hbm>> -> memref<40xi32, #tpu.memory_space<hbm>>
        %dma_start3A_328 = tpu.memref_slice %arg3[%add3A_326] : memref<320000xi32, #tpu.memory_space<hbm>> -> memref<40xi32, #tpu.memory_space<hbm>>
        tpu.enqueue_dma source(%dma_start3A_328 : memref<40xi32, #tpu.memory_space<hbm>>) target(%arg14 : memref<40xi32, #tpu.memory_space<vmem>>) target_semaphore(%arg33 : memref<!tpu.dma_semaphore, #tpu.memory_space<semaphore_mem>>)
        %add3A_329 = arith.constant 120 : i32
        %add3A_330 = arith.addi %add3A_300, %add3A_329 : i32
        %dma_start3A_331 = tpu.memref_slice %arg4[%add3A_330] : memref<320000xi32, #tpu.memory_space<hbm>> -> memref<40xi32, #tpu.memory_space<hbm>>
        %dma_start3A_332 = tpu.memref_slice %arg4[%add3A_330] : memref<320000xi32, #tpu.memory_space<hbm>> -> memref<40xi32, #tpu.memory_space<hbm>>
        tpu.enqueue_dma source(%dma_start3A_332 : memref<40xi32, #tpu.memory_space<hbm>>) target(%arg24 : memref<40xi32, #tpu.memory_space<vmem>>) target_semaphore(%arg33 : memref<!tpu.dma_semaphore, #tpu.memory_space<semaphore_mem>>)
        %add3A_333 = arith.constant 160 : i32
        %add3A_334 = arith.addi %add3A_300, %add3A_333 : i32
        %dma_start3A_335 = tpu.memref_slice %arg3[%add3A_334] : memref<320000xi32, #tpu.memory_space<hbm>> -> memref<40xi32, #tpu.memory_space<hbm>>
        %dma_start3A_336 = tpu.memref_slice %arg3[%add3A_334] : memref<320000xi32, #tpu.memory_space<hbm>> -> memref<40xi32, #tpu.memory_space<hbm>>
        tpu.enqueue_dma source(%dma_start3A_336 : memref<40xi32, #tpu.memory_space<hbm>>) target(%arg15 : memref<40xi32, #tpu.memory_space<vmem>>) target_semaphore(%arg33 : memref<!tpu.dma_semaphore, #tpu.memory_space<semaphore_mem>>)
        %add3A_337 = arith.constant 160 : i32
        %add3A_338 = arith.addi %add3A_300, %add3A_337 : i32
        %dma_start3A_339 = tpu.memref_slice %arg4[%add3A_338] : memref<320000xi32, #tpu.memory_space<hbm>> -> memref<40xi32, #tpu.memory_space<hbm>>
        %dma_start3A_340 = tpu.memref_slice %arg4[%add3A_338] : memref<320000xi32, #tpu.memory_space<hbm>> -> memref<40xi32, #tpu.memory_space<hbm>>
        tpu.enqueue_dma source(%dma_start3A_340 : memref<40xi32, #tpu.memory_space<hbm>>) target(%arg25 : memref<40xi32, #tpu.memory_space<vmem>>) target_semaphore(%arg33 : memref<!tpu.dma_semaphore, #tpu.memory_space<semaphore_mem>>)
      } else {
      }
      %dma_wait3A_162 = arith.constant 0 : i32
      %dma_wait3A_163 = arith.constant 0 : i32
      %dma_wait3A_164 = tpu.memref_slice %arg2[%dma_wait3A_162, %dma_wait3A_163] : memref<10000x128xf32, #tpu.memory_space<hbm>> -> memref<10000x128xf32, #tpu.memory_space<hbm>>
      tpu.wait_indirect_dma semaphore(%arg34 : memref<!tpu.dma_semaphore, #tpu.memory_space<semaphore_mem>>) src(%dma_wait3A_164 : memref<10000x128xf32, #tpu.memory_space<hbm>>) dst(%arg26 : memref<40x128xf32, #tpu.memory_space<vmem>>)
      %dma_start3A_165 = arith.constant 0 : i32
      %dma_start3A_166 = arith.constant 0 : i32
      %dma_start3A_167 = tpu.memref_slice %arg32[%dma_start3A_165, %dma_start3A_166] : memref<10000x128xf32, #tpu.memory_space<vmem_shared>> -> memref<10000x128xf32, #tpu.memory_space<vmem_shared>>
      tpu.enqueue_indirect_dma source(%arg26 : memref<40x128xf32, #tpu.memory_space<vmem>>) target(%dma_start3A_167 : memref<10000x128xf32, #tpu.memory_space<vmem_shared>>) offsets(%arg16 : memref<40xi32, #tpu.memory_space<vmem>>) semaphore(%arg35 : memref<!tpu.dma_semaphore, #tpu.memory_space<semaphore_mem>>) {add = true}
      %dma_wait3A_168 = arith.constant 0 : i32
      %dma_wait3A_169 = arith.constant 0 : i32
      %dma_wait3A_170 = tpu.memref_slice %arg2[%dma_wait3A_168, %dma_wait3A_169] : memref<10000x128xf32, #tpu.memory_space<hbm>> -> memref<10000x128xf32, #tpu.memory_space<hbm>>
      tpu.wait_indirect_dma semaphore(%arg34 : memref<!tpu.dma_semaphore, #tpu.memory_space<semaphore_mem>>) src(%dma_wait3A_170 : memref<10000x128xf32, #tpu.memory_space<hbm>>) dst(%arg27 : memref<40x128xf32, #tpu.memory_space<vmem>>)
      %dma_start3A_171 = arith.constant 0 : i32
      %dma_start3A_172 = arith.constant 0 : i32
      %dma_start3A_173 = tpu.memref_slice %arg32[%dma_start3A_171, %dma_start3A_172] : memref<10000x128xf32, #tpu.memory_space<vmem_shared>> -> memref<10000x128xf32, #tpu.memory_space<vmem_shared>>
      tpu.enqueue_indirect_dma source(%arg27 : memref<40x128xf32, #tpu.memory_space<vmem>>) target(%dma_start3A_173 : memref<10000x128xf32, #tpu.memory_space<vmem_shared>>) offsets(%arg17 : memref<40xi32, #tpu.memory_space<vmem>>) semaphore(%arg35 : memref<!tpu.dma_semaphore, #tpu.memory_space<semaphore_mem>>) {add = true}
      %dma_wait3A_174 = arith.constant 0 : i32
      %dma_wait3A_175 = arith.constant 0 : i32
      %dma_wait3A_176 = tpu.memref_slice %arg2[%dma_wait3A_174, %dma_wait3A_175] : memref<10000x128xf32, #tpu.memory_space<hbm>> -> memref<10000x128xf32, #tpu.memory_space<hbm>>
      tpu.wait_indirect_dma semaphore(%arg34 : memref<!tpu.dma_semaphore, #tpu.memory_space<semaphore_mem>>) src(%dma_wait3A_176 : memref<10000x128xf32, #tpu.memory_space<hbm>>) dst(%arg28 : memref<40x128xf32, #tpu.memory_space<vmem>>)
      %dma_start3A_177 = arith.constant 0 : i32
      %dma_start3A_178 = arith.constant 0 : i32
      %dma_start3A_179 = tpu.memref_slice %arg32[%dma_start3A_177, %dma_start3A_178] : memref<10000x128xf32, #tpu.memory_space<vmem_shared>> -> memref<10000x128xf32, #tpu.memory_space<vmem_shared>>
      tpu.enqueue_indirect_dma source(%arg28 : memref<40x128xf32, #tpu.memory_space<vmem>>) target(%dma_start3A_179 : memref<10000x128xf32, #tpu.memory_space<vmem_shared>>) offsets(%arg18 : memref<40xi32, #tpu.memory_space<vmem>>) semaphore(%arg35 : memref<!tpu.dma_semaphore, #tpu.memory_space<semaphore_mem>>) {add = true}
      %dma_wait3A_180 = arith.constant 0 : i32
      %dma_wait3A_181 = arith.constant 0 : i32
      %dma_wait3A_182 = tpu.memref_slice %arg2[%dma_wait3A_180, %dma_wait3A_181] : memref<10000x128xf32, #tpu.memory_space<hbm>> -> memref<10000x128xf32, #tpu.memory_space<hbm>>
      tpu.wait_indirect_dma semaphore(%arg34 : memref<!tpu.dma_semaphore, #tpu.memory_space<semaphore_mem>>) src(%dma_wait3A_182 : memref<10000x128xf32, #tpu.memory_space<hbm>>) dst(%arg29 : memref<40x128xf32, #tpu.memory_space<vmem>>)
      %dma_start3A_183 = arith.constant 0 : i32
      %dma_start3A_184 = arith.constant 0 : i32
      %dma_start3A_185 = tpu.memref_slice %arg32[%dma_start3A_183, %dma_start3A_184] : memref<10000x128xf32, #tpu.memory_space<vmem_shared>> -> memref<10000x128xf32, #tpu.memory_space<vmem_shared>>
      tpu.enqueue_indirect_dma source(%arg29 : memref<40x128xf32, #tpu.memory_space<vmem>>) target(%dma_start3A_185 : memref<10000x128xf32, #tpu.memory_space<vmem_shared>>) offsets(%arg19 : memref<40xi32, #tpu.memory_space<vmem>>) semaphore(%arg35 : memref<!tpu.dma_semaphore, #tpu.memory_space<semaphore_mem>>) {add = true}
      %dma_wait3A_186 = arith.constant 0 : i32
      %dma_wait3A_187 = arith.constant 0 : i32
      %dma_wait3A_188 = tpu.memref_slice %arg2[%dma_wait3A_186, %dma_wait3A_187] : memref<10000x128xf32, #tpu.memory_space<hbm>> -> memref<10000x128xf32, #tpu.memory_space<hbm>>
      tpu.wait_indirect_dma semaphore(%arg34 : memref<!tpu.dma_semaphore, #tpu.memory_space<semaphore_mem>>) src(%dma_wait3A_188 : memref<10000x128xf32, #tpu.memory_space<hbm>>) dst(%arg30 : memref<40x128xf32, #tpu.memory_space<vmem>>)
      %dma_start3A_189 = arith.constant 0 : i32
      %dma_start3A_190 = arith.constant 0 : i32
      %dma_start3A_191 = tpu.memref_slice %arg32[%dma_start3A_189, %dma_start3A_190] : memref<10000x128xf32, #tpu.memory_space<vmem_shared>> -> memref<10000x128xf32, #tpu.memory_space<vmem_shared>>
      tpu.enqueue_indirect_dma source(%arg30 : memref<40x128xf32, #tpu.memory_space<vmem>>) target(%dma_start3A_191 : memref<10000x128xf32, #tpu.memory_space<vmem_shared>>) offsets(%arg20 : memref<40xi32, #tpu.memory_space<vmem>>) semaphore(%arg35 : memref<!tpu.dma_semaphore, #tpu.memory_space<semaphore_mem>>) {add = true}
      %mul3A_192 = arith.constant 2 : i32
      %mul3A_193 = arith.muli %add3A_89, %mul3A_192 : i32
      %add3A_194 = arith.constant 1 : i32
      %add3A_195 = arith.addi %mul3A_193, %add3A_194 : i32
      %gt3A_196 = arith.constant 0 : i32
      %gt3A_197 = arith.cmpi sgt, %add3A_195, %gt3A_196 : i32
      %convert_element_type3A_198 = arith.extui %gt3A_197 : i1 to i32
      %cond3A_199 = arith.constant 0 : i32
      %cond3A_200 = arith.cmpi ne, %convert_element_type3A_198, %cond3A_199 : i32
      scf.if %cond3A_200 {
        %dma_wait3A_296 = arith.constant 0 : i32
        %dma_wait3A_297 = arith.constant 0 : i32
        %dma_wait3A_298 = tpu.memref_slice %arg32[%dma_wait3A_296, %dma_wait3A_297] : memref<10000x128xf32, #tpu.memory_space<vmem_shared>> -> memref<10000x128xf32, #tpu.memory_space<vmem_shared>>
        tpu.wait_indirect_dma semaphore(%arg35 : memref<!tpu.dma_semaphore, #tpu.memory_space<semaphore_mem>>) src(%arg26 : memref<40x128xf32, #tpu.memory_space<vmem>>) dst(%dma_wait3A_298 : memref<10000x128xf32, #tpu.memory_space<vmem_shared>>)
        %dma_wait3A_299 = arith.constant 0 : i32
        %dma_wait3A_300 = arith.constant 0 : i32
        %dma_wait3A_301 = tpu.memref_slice %arg32[%dma_wait3A_299, %dma_wait3A_300] : memref<10000x128xf32, #tpu.memory_space<vmem_shared>> -> memref<10000x128xf32, #tpu.memory_space<vmem_shared>>
        tpu.wait_indirect_dma semaphore(%arg35 : memref<!tpu.dma_semaphore, #tpu.memory_space<semaphore_mem>>) src(%arg27 : memref<40x128xf32, #tpu.memory_space<vmem>>) dst(%dma_wait3A_301 : memref<10000x128xf32, #tpu.memory_space<vmem_shared>>)
        %dma_wait3A_302 = arith.constant 0 : i32
        %dma_wait3A_303 = arith.constant 0 : i32
        %dma_wait3A_304 = tpu.memref_slice %arg32[%dma_wait3A_302, %dma_wait3A_303] : memref<10000x128xf32, #tpu.memory_space<vmem_shared>> -> memref<10000x128xf32, #tpu.memory_space<vmem_shared>>
        tpu.wait_indirect_dma semaphore(%arg35 : memref<!tpu.dma_semaphore, #tpu.memory_space<semaphore_mem>>) src(%arg28 : memref<40x128xf32, #tpu.memory_space<vmem>>) dst(%dma_wait3A_304 : memref<10000x128xf32, #tpu.memory_space<vmem_shared>>)
        %dma_wait3A_305 = arith.constant 0 : i32
        %dma_wait3A_306 = arith.constant 0 : i32
        %dma_wait3A_307 = tpu.memref_slice %arg32[%dma_wait3A_305, %dma_wait3A_306] : memref<10000x128xf32, #tpu.memory_space<vmem_shared>> -> memref<10000x128xf32, #tpu.memory_space<vmem_shared>>
        tpu.wait_indirect_dma semaphore(%arg35 : memref<!tpu.dma_semaphore, #tpu.memory_space<semaphore_mem>>) src(%arg29 : memref<40x128xf32, #tpu.memory_space<vmem>>) dst(%dma_wait3A_307 : memref<10000x128xf32, #tpu.memory_space<vmem_shared>>)
        %dma_wait3A_308 = arith.constant 0 : i32
        %dma_wait3A_309 = arith.constant 0 : i32
        %dma_wait3A_310 = tpu.memref_slice %arg32[%dma_wait3A_308, %dma_wait3A_309] : memref<10000x128xf32, #tpu.memory_space<vmem_shared>> -> memref<10000x128xf32, #tpu.memory_space<vmem_shared>>
        tpu.wait_indirect_dma semaphore(%arg35 : memref<!tpu.dma_semaphore, #tpu.memory_space<semaphore_mem>>) src(%arg30 : memref<40x128xf32, #tpu.memory_space<vmem>>) dst(%dma_wait3A_310 : memref<10000x128xf32, #tpu.memory_space<vmem_shared>>)
      } else {
      }
      %mul3A_201 = arith.constant 200 : i32
      %mul3A_202 = arith.muli %add3A_195, %mul3A_201 : i32
      %add3A_203 = arith.addi %mul3A_16, %mul3A_202 : i32
      %add3A_204 = arith.constant 0 : i32
      %add3A_205 = arith.addi %add3A_203, %add3A_204 : i32
      %dma_wait3A_206 = tpu.memref_slice %arg3[%add3A_205] : memref<320000xi32, #tpu.memory_space<hbm>> -> memref<40xi32, #tpu.memory_space<hbm>>
      %dma_wait3A_207 = tpu.memref_slice %arg3[%add3A_205] : memref<320000xi32, #tpu.memory_space<hbm>> -> memref<40xi32, #tpu.memory_space<hbm>>
      tpu.wait_dma2 semaphore(%arg33 : memref<!tpu.dma_semaphore, #tpu.memory_space<semaphore_mem>>) src(%dma_wait3A_207 : memref<40xi32, #tpu.memory_space<hbm>>) dst(%arg11 : memref<40xi32, #tpu.memory_space<vmem>>)
      %add3A_208 = arith.constant 0 : i32
      %add3A_209 = arith.addi %add3A_203, %add3A_208 : i32
      %dma_wait3A_210 = tpu.memref_slice %arg4[%add3A_209] : memref<320000xi32, #tpu.memory_space<hbm>> -> memref<40xi32, #tpu.memory_space<hbm>>
      %dma_wait3A_211 = tpu.memref_slice %arg4[%add3A_209] : memref<320000xi32, #tpu.memory_space<hbm>> -> memref<40xi32, #tpu.memory_space<hbm>>
      tpu.wait_dma2 semaphore(%arg33 : memref<!tpu.dma_semaphore, #tpu.memory_space<semaphore_mem>>) src(%dma_wait3A_211 : memref<40xi32, #tpu.memory_space<hbm>>) dst(%arg21 : memref<40xi32, #tpu.memory_space<vmem>>)
      %add3A_212 = arith.constant 40 : i32
      %add3A_213 = arith.addi %add3A_203, %add3A_212 : i32
      %dma_wait3A_214 = tpu.memref_slice %arg3[%add3A_213] : memref<320000xi32, #tpu.memory_space<hbm>> -> memref<40xi32, #tpu.memory_space<hbm>>
      %dma_wait3A_215 = tpu.memref_slice %arg3[%add3A_213] : memref<320000xi32, #tpu.memory_space<hbm>> -> memref<40xi32, #tpu.memory_space<hbm>>
      tpu.wait_dma2 semaphore(%arg33 : memref<!tpu.dma_semaphore, #tpu.memory_space<semaphore_mem>>) src(%dma_wait3A_215 : memref<40xi32, #tpu.memory_space<hbm>>) dst(%arg12 : memref<40xi32, #tpu.memory_space<vmem>>)
      %add3A_216 = arith.constant 40 : i32
      %add3A_217 = arith.addi %add3A_203, %add3A_216 : i32
      %dma_wait3A_218 = tpu.memref_slice %arg4[%add3A_217] : memref<320000xi32, #tpu.memory_space<hbm>> -> memref<40xi32, #tpu.memory_space<hbm>>
      %dma_wait3A_219 = tpu.memref_slice %arg4[%add3A_217] : memref<320000xi32, #tpu.memory_space<hbm>> -> memref<40xi32, #tpu.memory_space<hbm>>
      tpu.wait_dma2 semaphore(%arg33 : memref<!tpu.dma_semaphore, #tpu.memory_space<semaphore_mem>>) src(%dma_wait3A_219 : memref<40xi32, #tpu.memory_space<hbm>>) dst(%arg22 : memref<40xi32, #tpu.memory_space<vmem>>)
      %add3A_220 = arith.constant 80 : i32
      %add3A_221 = arith.addi %add3A_203, %add3A_220 : i32
      %dma_wait3A_222 = tpu.memref_slice %arg3[%add3A_221] : memref<320000xi32, #tpu.memory_space<hbm>> -> memref<40xi32, #tpu.memory_space<hbm>>
      %dma_wait3A_223 = tpu.memref_slice %arg3[%add3A_221] : memref<320000xi32, #tpu.memory_space<hbm>> -> memref<40xi32, #tpu.memory_space<hbm>>
      tpu.wait_dma2 semaphore(%arg33 : memref<!tpu.dma_semaphore, #tpu.memory_space<semaphore_mem>>) src(%dma_wait3A_223 : memref<40xi32, #tpu.memory_space<hbm>>) dst(%arg13 : memref<40xi32, #tpu.memory_space<vmem>>)
      %add3A_224 = arith.constant 80 : i32
      %add3A_225 = arith.addi %add3A_203, %add3A_224 : i32
      %dma_wait3A_226 = tpu.memref_slice %arg4[%add3A_225] : memref<320000xi32, #tpu.memory_space<hbm>> -> memref<40xi32, #tpu.memory_space<hbm>>
      %dma_wait3A_227 = tpu.memref_slice %arg4[%add3A_225] : memref<320000xi32, #tpu.memory_space<hbm>> -> memref<40xi32, #tpu.memory_space<hbm>>
      tpu.wait_dma2 semaphore(%arg33 : memref<!tpu.dma_semaphore, #tpu.memory_space<semaphore_mem>>) src(%dma_wait3A_227 : memref<40xi32, #tpu.memory_space<hbm>>) dst(%arg23 : memref<40xi32, #tpu.memory_space<vmem>>)
      %add3A_228 = arith.constant 120 : i32
      %add3A_229 = arith.addi %add3A_203, %add3A_228 : i32
      %dma_wait3A_230 = tpu.memref_slice %arg3[%add3A_229] : memref<320000xi32, #tpu.memory_space<hbm>> -> memref<40xi32, #tpu.memory_space<hbm>>
      %dma_wait3A_231 = tpu.memref_slice %arg3[%add3A_229] : memref<320000xi32, #tpu.memory_space<hbm>> -> memref<40xi32, #tpu.memory_space<hbm>>
      tpu.wait_dma2 semaphore(%arg33 : memref<!tpu.dma_semaphore, #tpu.memory_space<semaphore_mem>>) src(%dma_wait3A_231 : memref<40xi32, #tpu.memory_space<hbm>>) dst(%arg14 : memref<40xi32, #tpu.memory_space<vmem>>)
      %add3A_232 = arith.constant 120 : i32
      %add3A_233 = arith.addi %add3A_203, %add3A_232 : i32
      %dma_wait3A_234 = tpu.memref_slice %arg4[%add3A_233] : memref<320000xi32, #tpu.memory_space<hbm>> -> memref<40xi32, #tpu.memory_space<hbm>>
      %dma_wait3A_235 = tpu.memref_slice %arg4[%add3A_233] : memref<320000xi32, #tpu.memory_space<hbm>> -> memref<40xi32, #tpu.memory_space<hbm>>
      tpu.wait_dma2 semaphore(%arg33 : memref<!tpu.dma_semaphore, #tpu.memory_space<semaphore_mem>>) src(%dma_wait3A_235 : memref<40xi32, #tpu.memory_space<hbm>>) dst(%arg24 : memref<40xi32, #tpu.memory_space<vmem>>)
      %add3A_236 = arith.constant 160 : i32
      %add3A_237 = arith.addi %add3A_203, %add3A_236 : i32
      %dma_wait3A_238 = tpu.memref_slice %arg3[%add3A_237] : memref<320000xi32, #tpu.memory_space<hbm>> -> memref<40xi32, #tpu.memory_space<hbm>>
      %dma_wait3A_239 = tpu.memref_slice %arg3[%add3A_237] : memref<320000xi32, #tpu.memory_space<hbm>> -> memref<40xi32, #tpu.memory_space<hbm>>
      tpu.wait_dma2 semaphore(%arg33 : memref<!tpu.dma_semaphore, #tpu.memory_space<semaphore_mem>>) src(%dma_wait3A_239 : memref<40xi32, #tpu.memory_space<hbm>>) dst(%arg15 : memref<40xi32, #tpu.memory_space<vmem>>)
      %add3A_240 = arith.constant 160 : i32
      %add3A_241 = arith.addi %add3A_203, %add3A_240 : i32
      %dma_wait3A_242 = tpu.memref_slice %arg4[%add3A_241] : memref<320000xi32, #tpu.memory_space<hbm>> -> memref<40xi32, #tpu.memory_space<hbm>>
      %dma_wait3A_243 = tpu.memref_slice %arg4[%add3A_241] : memref<320000xi32, #tpu.memory_space<hbm>> -> memref<40xi32, #tpu.memory_space<hbm>>
      tpu.wait_dma2 semaphore(%arg33 : memref<!tpu.dma_semaphore, #tpu.memory_space<semaphore_mem>>) src(%dma_wait3A_243 : memref<40xi32, #tpu.memory_space<hbm>>) dst(%arg25 : memref<40xi32, #tpu.memory_space<vmem>>)
      %dma_start3A_244 = arith.constant 0 : i32
      %dma_start3A_245 = arith.constant 0 : i32
      %dma_start3A_246 = tpu.memref_slice %arg2[%dma_start3A_244, %dma_start3A_245] : memref<10000x128xf32, #tpu.memory_space<hbm>> -> memref<10000x128xf32, #tpu.memory_space<hbm>>
      tpu.enqueue_indirect_dma source(%dma_start3A_246 : memref<10000x128xf32, #tpu.memory_space<hbm>>) target(%arg26 : memref<40x128xf32, #tpu.memory_space<vmem>>) offsets(%arg11 : memref<40xi32, #tpu.memory_space<vmem>>) semaphore(%arg34 : memref<!tpu.dma_semaphore, #tpu.memory_space<semaphore_mem>>)
      %dma_start3A_247 = arith.constant 0 : i32
      %dma_start3A_248 = arith.constant 0 : i32
      %dma_start3A_249 = tpu.memref_slice %arg2[%dma_start3A_247, %dma_start3A_248] : memref<10000x128xf32, #tpu.memory_space<hbm>> -> memref<10000x128xf32, #tpu.memory_space<hbm>>
      tpu.enqueue_indirect_dma source(%dma_start3A_249 : memref<10000x128xf32, #tpu.memory_space<hbm>>) target(%arg27 : memref<40x128xf32, #tpu.memory_space<vmem>>) offsets(%arg12 : memref<40xi32, #tpu.memory_space<vmem>>) semaphore(%arg34 : memref<!tpu.dma_semaphore, #tpu.memory_space<semaphore_mem>>)
      %dma_start3A_250 = arith.constant 0 : i32
      %dma_start3A_251 = arith.constant 0 : i32
      %dma_start3A_252 = tpu.memref_slice %arg2[%dma_start3A_250, %dma_start3A_251] : memref<10000x128xf32, #tpu.memory_space<hbm>> -> memref<10000x128xf32, #tpu.memory_space<hbm>>
      tpu.enqueue_indirect_dma source(%dma_start3A_252 : memref<10000x128xf32, #tpu.memory_space<hbm>>) target(%arg28 : memref<40x128xf32, #tpu.memory_space<vmem>>) offsets(%arg13 : memref<40xi32, #tpu.memory_space<vmem>>) semaphore(%arg34 : memref<!tpu.dma_semaphore, #tpu.memory_space<semaphore_mem>>)
      %dma_start3A_253 = arith.constant 0 : i32
      %dma_start3A_254 = arith.constant 0 : i32
      %dma_start3A_255 = tpu.memref_slice %arg2[%dma_start3A_253, %dma_start3A_254] : memref<10000x128xf32, #tpu.memory_space<hbm>> -> memref<10000x128xf32, #tpu.memory_space<hbm>>
      tpu.enqueue_indirect_dma source(%dma_start3A_255 : memref<10000x128xf32, #tpu.memory_space<hbm>>) target(%arg29 : memref<40x128xf32, #tpu.memory_space<vmem>>) offsets(%arg14 : memref<40xi32, #tpu.memory_space<vmem>>) semaphore(%arg34 : memref<!tpu.dma_semaphore, #tpu.memory_space<semaphore_mem>>)
      %dma_start3A_256 = arith.constant 0 : i32
      %dma_start3A_257 = arith.constant 0 : i32
      %dma_start3A_258 = tpu.memref_slice %arg2[%dma_start3A_256, %dma_start3A_257] : memref<10000x128xf32, #tpu.memory_space<hbm>> -> memref<10000x128xf32, #tpu.memory_space<hbm>>
      tpu.enqueue_indirect_dma source(%dma_start3A_258 : memref<10000x128xf32, #tpu.memory_space<hbm>>) target(%arg30 : memref<40x128xf32, #tpu.memory_space<vmem>>) offsets(%arg15 : memref<40xi32, #tpu.memory_space<vmem>>) semaphore(%arg34 : memref<!tpu.dma_semaphore, #tpu.memory_space<semaphore_mem>>)
      %add3A_259 = arith.constant 1 : i32
      %add3A_260 = arith.addi %add3A_195, %add3A_259 : i32
      %lt3A_261 = arith.constant 50 : i32
      %lt3A_262 = arith.cmpi slt, %add3A_260, %lt3A_261 : i32
      %convert_element_type3A_263 = arith.extui %lt3A_262 : i1 to i32
      %cond3A_264 = arith.constant 0 : i32
      %cond3A_265 = arith.cmpi ne, %convert_element_type3A_263, %cond3A_264 : i32
      scf.if %cond3A_265 {
        %add3A_296 = arith.constant 1 : i32
        %add3A_297 = arith.addi %add3A_195, %add3A_296 : i32
        %mul3A_298 = arith.constant 200 : i32
        %mul3A_299 = arith.muli %add3A_297, %mul3A_298 : i32
        %add3A_300 = arith.addi %mul3A_16, %mul3A_299 : i32
        %add3A_301 = arith.constant 0 : i32
        %add3A_302 = arith.addi %add3A_300, %add3A_301 : i32
        %dma_start3A_303 = tpu.memref_slice %arg3[%add3A_302] : memref<320000xi32, #tpu.memory_space<hbm>> -> memref<40xi32, #tpu.memory_space<hbm>>
        %dma_start3A_304 = tpu.memref_slice %arg3[%add3A_302] : memref<320000xi32, #tpu.memory_space<hbm>> -> memref<40xi32, #tpu.memory_space<hbm>>
        tpu.enqueue_dma source(%dma_start3A_304 : memref<40xi32, #tpu.memory_space<hbm>>) target(%arg6 : memref<40xi32, #tpu.memory_space<vmem>>) target_semaphore(%arg33 : memref<!tpu.dma_semaphore, #tpu.memory_space<semaphore_mem>>)
        %add3A_305 = arith.constant 0 : i32
        %add3A_306 = arith.addi %add3A_300, %add3A_305 : i32
        %dma_start3A_307 = tpu.memref_slice %arg4[%add3A_306] : memref<320000xi32, #tpu.memory_space<hbm>> -> memref<40xi32, #tpu.memory_space<hbm>>
        %dma_start3A_308 = tpu.memref_slice %arg4[%add3A_306] : memref<320000xi32, #tpu.memory_space<hbm>> -> memref<40xi32, #tpu.memory_space<hbm>>
        tpu.enqueue_dma source(%dma_start3A_308 : memref<40xi32, #tpu.memory_space<hbm>>) target(%arg16 : memref<40xi32, #tpu.memory_space<vmem>>) target_semaphore(%arg33 : memref<!tpu.dma_semaphore, #tpu.memory_space<semaphore_mem>>)
        %add3A_309 = arith.constant 40 : i32
        %add3A_310 = arith.addi %add3A_300, %add3A_309 : i32
        %dma_start3A_311 = tpu.memref_slice %arg3[%add3A_310] : memref<320000xi32, #tpu.memory_space<hbm>> -> memref<40xi32, #tpu.memory_space<hbm>>
        %dma_start3A_312 = tpu.memref_slice %arg3[%add3A_310] : memref<320000xi32, #tpu.memory_space<hbm>> -> memref<40xi32, #tpu.memory_space<hbm>>
        tpu.enqueue_dma source(%dma_start3A_312 : memref<40xi32, #tpu.memory_space<hbm>>) target(%arg7 : memref<40xi32, #tpu.memory_space<vmem>>) target_semaphore(%arg33 : memref<!tpu.dma_semaphore, #tpu.memory_space<semaphore_mem>>)
        %add3A_313 = arith.constant 40 : i32
        %add3A_314 = arith.addi %add3A_300, %add3A_313 : i32
        %dma_start3A_315 = tpu.memref_slice %arg4[%add3A_314] : memref<320000xi32, #tpu.memory_space<hbm>> -> memref<40xi32, #tpu.memory_space<hbm>>
        %dma_start3A_316 = tpu.memref_slice %arg4[%add3A_314] : memref<320000xi32, #tpu.memory_space<hbm>> -> memref<40xi32, #tpu.memory_space<hbm>>
        tpu.enqueue_dma source(%dma_start3A_316 : memref<40xi32, #tpu.memory_space<hbm>>) target(%arg17 : memref<40xi32, #tpu.memory_space<vmem>>) target_semaphore(%arg33 : memref<!tpu.dma_semaphore, #tpu.memory_space<semaphore_mem>>)
        %add3A_317 = arith.constant 80 : i32
        %add3A_318 = arith.addi %add3A_300, %add3A_317 : i32
        %dma_start3A_319 = tpu.memref_slice %arg3[%add3A_318] : memref<320000xi32, #tpu.memory_space<hbm>> -> memref<40xi32, #tpu.memory_space<hbm>>
        %dma_start3A_320 = tpu.memref_slice %arg3[%add3A_318] : memref<320000xi32, #tpu.memory_space<hbm>> -> memref<40xi32, #tpu.memory_space<hbm>>
        tpu.enqueue_dma source(%dma_start3A_320 : memref<40xi32, #tpu.memory_space<hbm>>) target(%arg8 : memref<40xi32, #tpu.memory_space<vmem>>) target_semaphore(%arg33 : memref<!tpu.dma_semaphore, #tpu.memory_space<semaphore_mem>>)
        %add3A_321 = arith.constant 80 : i32
        %add3A_322 = arith.addi %add3A_300, %add3A_321 : i32
        %dma_start3A_323 = tpu.memref_slice %arg4[%add3A_322] : memref<320000xi32, #tpu.memory_space<hbm>> -> memref<40xi32, #tpu.memory_space<hbm>>
        %dma_start3A_324 = tpu.memref_slice %arg4[%add3A_322] : memref<320000xi32, #tpu.memory_space<hbm>> -> memref<40xi32, #tpu.memory_space<hbm>>
        tpu.enqueue_dma source(%dma_start3A_324 : memref<40xi32, #tpu.memory_space<hbm>>) target(%arg18 : memref<40xi32, #tpu.memory_space<vmem>>) target_semaphore(%arg33 : memref<!tpu.dma_semaphore, #tpu.memory_space<semaphore_mem>>)
        %add3A_325 = arith.constant 120 : i32
        %add3A_326 = arith.addi %add3A_300, %add3A_325 : i32
        %dma_start3A_327 = tpu.memref_slice %arg3[%add3A_326] : memref<320000xi32, #tpu.memory_space<hbm>> -> memref<40xi32, #tpu.memory_space<hbm>>
        %dma_start3A_328 = tpu.memref_slice %arg3[%add3A_326] : memref<320000xi32, #tpu.memory_space<hbm>> -> memref<40xi32, #tpu.memory_space<hbm>>
        tpu.enqueue_dma source(%dma_start3A_328 : memref<40xi32, #tpu.memory_space<hbm>>) target(%arg9 : memref<40xi32, #tpu.memory_space<vmem>>) target_semaphore(%arg33 : memref<!tpu.dma_semaphore, #tpu.memory_space<semaphore_mem>>)
        %add3A_329 = arith.constant 120 : i32
        %add3A_330 = arith.addi %add3A_300, %add3A_329 : i32
        %dma_start3A_331 = tpu.memref_slice %arg4[%add3A_330] : memref<320000xi32, #tpu.memory_space<hbm>> -> memref<40xi32, #tpu.memory_space<hbm>>
        %dma_start3A_332 = tpu.memref_slice %arg4[%add3A_330] : memref<320000xi32, #tpu.memory_space<hbm>> -> memref<40xi32, #tpu.memory_space<hbm>>
        tpu.enqueue_dma source(%dma_start3A_332 : memref<40xi32, #tpu.memory_space<hbm>>) target(%arg19 : memref<40xi32, #tpu.memory_space<vmem>>) target_semaphore(%arg33 : memref<!tpu.dma_semaphore, #tpu.memory_space<semaphore_mem>>)
        %add3A_333 = arith.constant 160 : i32
        %add3A_334 = arith.addi %add3A_300, %add3A_333 : i32
        %dma_start3A_335 = tpu.memref_slice %arg3[%add3A_334] : memref<320000xi32, #tpu.memory_space<hbm>> -> memref<40xi32, #tpu.memory_space<hbm>>
        %dma_start3A_336 = tpu.memref_slice %arg3[%add3A_334] : memref<320000xi32, #tpu.memory_space<hbm>> -> memref<40xi32, #tpu.memory_space<hbm>>
        tpu.enqueue_dma source(%dma_start3A_336 : memref<40xi32, #tpu.memory_space<hbm>>) target(%arg10 : memref<40xi32, #tpu.memory_space<vmem>>) target_semaphore(%arg33 : memref<!tpu.dma_semaphore, #tpu.memory_space<semaphore_mem>>)
        %add3A_337 = arith.constant 160 : i32
        %add3A_338 = arith.addi %add3A_300, %add3A_337 : i32
        %dma_start3A_339 = tpu.memref_slice %arg4[%add3A_338] : memref<320000xi32, #tpu.memory_space<hbm>> -> memref<40xi32, #tpu.memory_space<hbm>>
        %dma_start3A_340 = tpu.memref_slice %arg4[%add3A_338] : memref<320000xi32, #tpu.memory_space<hbm>> -> memref<40xi32, #tpu.memory_space<hbm>>
        tpu.enqueue_dma source(%dma_start3A_340 : memref<40xi32, #tpu.memory_space<hbm>>) target(%arg20 : memref<40xi32, #tpu.memory_space<vmem>>) target_semaphore(%arg33 : memref<!tpu.dma_semaphore, #tpu.memory_space<semaphore_mem>>)
      } else {
      }
      %dma_wait3A_266 = arith.constant 0 : i32
      %dma_wait3A_267 = arith.constant 0 : i32
      %dma_wait3A_268 = tpu.memref_slice %arg2[%dma_wait3A_266, %dma_wait3A_267] : memref<10000x128xf32, #tpu.memory_space<hbm>> -> memref<10000x128xf32, #tpu.memory_space<hbm>>
      tpu.wait_indirect_dma semaphore(%arg34 : memref<!tpu.dma_semaphore, #tpu.memory_space<semaphore_mem>>) src(%dma_wait3A_268 : memref<10000x128xf32, #tpu.memory_space<hbm>>) dst(%arg26 : memref<40x128xf32, #tpu.memory_space<vmem>>)
      %dma_start3A_269 = arith.constant 0 : i32
      %dma_start3A_270 = arith.constant 0 : i32
      %dma_start3A_271 = tpu.memref_slice %arg32[%dma_start3A_269, %dma_start3A_270] : memref<10000x128xf32, #tpu.memory_space<vmem_shared>> -> memref<10000x128xf32, #tpu.memory_space<vmem_shared>>
      tpu.enqueue_indirect_dma source(%arg26 : memref<40x128xf32, #tpu.memory_space<vmem>>) target(%dma_start3A_271 : memref<10000x128xf32, #tpu.memory_space<vmem_shared>>) offsets(%arg21 : memref<40xi32, #tpu.memory_space<vmem>>) semaphore(%arg35 : memref<!tpu.dma_semaphore, #tpu.memory_space<semaphore_mem>>) {add = true}
      %dma_wait3A_272 = arith.constant 0 : i32
      %dma_wait3A_273 = arith.constant 0 : i32
      %dma_wait3A_274 = tpu.memref_slice %arg2[%dma_wait3A_272, %dma_wait3A_273] : memref<10000x128xf32, #tpu.memory_space<hbm>> -> memref<10000x128xf32, #tpu.memory_space<hbm>>
      tpu.wait_indirect_dma semaphore(%arg34 : memref<!tpu.dma_semaphore, #tpu.memory_space<semaphore_mem>>) src(%dma_wait3A_274 : memref<10000x128xf32, #tpu.memory_space<hbm>>) dst(%arg27 : memref<40x128xf32, #tpu.memory_space<vmem>>)
      %dma_start3A_275 = arith.constant 0 : i32
      %dma_start3A_276 = arith.constant 0 : i32
      %dma_start3A_277 = tpu.memref_slice %arg32[%dma_start3A_275, %dma_start3A_276] : memref<10000x128xf32, #tpu.memory_space<vmem_shared>> -> memref<10000x128xf32, #tpu.memory_space<vmem_shared>>
      tpu.enqueue_indirect_dma source(%arg27 : memref<40x128xf32, #tpu.memory_space<vmem>>) target(%dma_start3A_277 : memref<10000x128xf32, #tpu.memory_space<vmem_shared>>) offsets(%arg22 : memref<40xi32, #tpu.memory_space<vmem>>) semaphore(%arg35 : memref<!tpu.dma_semaphore, #tpu.memory_space<semaphore_mem>>) {add = true}
      %dma_wait3A_278 = arith.constant 0 : i32
      %dma_wait3A_279 = arith.constant 0 : i32
      %dma_wait3A_280 = tpu.memref_slice %arg2[%dma_wait3A_278, %dma_wait3A_279] : memref<10000x128xf32, #tpu.memory_space<hbm>> -> memref<10000x128xf32, #tpu.memory_space<hbm>>
      tpu.wait_indirect_dma semaphore(%arg34 : memref<!tpu.dma_semaphore, #tpu.memory_space<semaphore_mem>>) src(%dma_wait3A_280 : memref<10000x128xf32, #tpu.memory_space<hbm>>) dst(%arg28 : memref<40x128xf32, #tpu.memory_space<vmem>>)
      %dma_start3A_281 = arith.constant 0 : i32
      %dma_start3A_282 = arith.constant 0 : i32
      %dma_start3A_283 = tpu.memref_slice %arg32[%dma_start3A_281, %dma_start3A_282] : memref<10000x128xf32, #tpu.memory_space<vmem_shared>> -> memref<10000x128xf32, #tpu.memory_space<vmem_shared>>
      tpu.enqueue_indirect_dma source(%arg28 : memref<40x128xf32, #tpu.memory_space<vmem>>) target(%dma_start3A_283 : memref<10000x128xf32, #tpu.memory_space<vmem_shared>>) offsets(%arg23 : memref<40xi32, #tpu.memory_space<vmem>>) semaphore(%arg35 : memref<!tpu.dma_semaphore, #tpu.memory_space<semaphore_mem>>) {add = true}
      %dma_wait3A_284 = arith.constant 0 : i32
      %dma_wait3A_285 = arith.constant 0 : i32
      %dma_wait3A_286 = tpu.memref_slice %arg2[%dma_wait3A_284, %dma_wait3A_285] : memref<10000x128xf32, #tpu.memory_space<hbm>> -> memref<10000x128xf32, #tpu.memory_space<hbm>>
      tpu.wait_indirect_dma semaphore(%arg34 : memref<!tpu.dma_semaphore, #tpu.memory_space<semaphore_mem>>) src(%dma_wait3A_286 : memref<10000x128xf32, #tpu.memory_space<hbm>>) dst(%arg29 : memref<40x128xf32, #tpu.memory_space<vmem>>)
      %dma_start3A_287 = arith.constant 0 : i32
      %dma_start3A_288 = arith.constant 0 : i32
      %dma_start3A_289 = tpu.memref_slice %arg32[%dma_start3A_287, %dma_start3A_288] : memref<10000x128xf32, #tpu.memory_space<vmem_shared>> -> memref<10000x128xf32, #tpu.memory_space<vmem_shared>>
      tpu.enqueue_indirect_dma source(%arg29 : memref<40x128xf32, #tpu.memory_space<vmem>>) target(%dma_start3A_289 : memref<10000x128xf32, #tpu.memory_space<vmem_shared>>) offsets(%arg24 : memref<40xi32, #tpu.memory_space<vmem>>) semaphore(%arg35 : memref<!tpu.dma_semaphore, #tpu.memory_space<semaphore_mem>>) {add = true}
      %dma_wait3A_290 = arith.constant 0 : i32
      %dma_wait3A_291 = arith.constant 0 : i32
      %dma_wait3A_292 = tpu.memref_slice %arg2[%dma_wait3A_290, %dma_wait3A_291] : memref<10000x128xf32, #tpu.memory_space<hbm>> -> memref<10000x128xf32, #tpu.memory_space<hbm>>
      tpu.wait_indirect_dma semaphore(%arg34 : memref<!tpu.dma_semaphore, #tpu.memory_space<semaphore_mem>>) src(%dma_wait3A_292 : memref<10000x128xf32, #tpu.memory_space<hbm>>) dst(%arg30 : memref<40x128xf32, #tpu.memory_space<vmem>>)
      %dma_start3A_293 = arith.constant 0 : i32
      %dma_start3A_294 = arith.constant 0 : i32
      %dma_start3A_295 = tpu.memref_slice %arg32[%dma_start3A_293, %dma_start3A_294] : memref<10000x128xf32, #tpu.memory_space<vmem_shared>> -> memref<10000x128xf32, #tpu.memory_space<vmem_shared>>
      tpu.enqueue_indirect_dma source(%arg30 : memref<40x128xf32, #tpu.memory_space<vmem>>) target(%dma_start3A_295 : memref<10000x128xf32, #tpu.memory_space<vmem_shared>>) offsets(%arg25 : memref<40xi32, #tpu.memory_space<vmem>>) semaphore(%arg35 : memref<!tpu.dma_semaphore, #tpu.memory_space<semaphore_mem>>) {add = true}
    }
    %scan3A_62 = arith.constant 25 : i32
    %dma_wait3A = arith.constant 0 : i32
    %dma_wait3A_63 = arith.constant 0 : i32
    %dma_wait3A_64 = tpu.memref_slice %arg32[%dma_wait3A, %dma_wait3A_63] : memref<10000x128xf32, #tpu.memory_space<vmem_shared>> -> memref<10000x128xf32, #tpu.memory_space<vmem_shared>>
    tpu.wait_indirect_dma semaphore(%arg35 : memref<!tpu.dma_semaphore, #tpu.memory_space<semaphore_mem>>) src(%arg26 : memref<40x128xf32, #tpu.memory_space<vmem>>) dst(%dma_wait3A_64 : memref<10000x128xf32, #tpu.memory_space<vmem_shared>>)
    %dma_wait3A_65 = arith.constant 0 : i32
    %dma_wait3A_66 = arith.constant 0 : i32
    %dma_wait3A_67 = tpu.memref_slice %arg32[%dma_wait3A_65, %dma_wait3A_66] : memref<10000x128xf32, #tpu.memory_space<vmem_shared>> -> memref<10000x128xf32, #tpu.memory_space<vmem_shared>>
    tpu.wait_indirect_dma semaphore(%arg35 : memref<!tpu.dma_semaphore, #tpu.memory_space<semaphore_mem>>) src(%arg27 : memref<40x128xf32, #tpu.memory_space<vmem>>) dst(%dma_wait3A_67 : memref<10000x128xf32, #tpu.memory_space<vmem_shared>>)
    %dma_wait3A_68 = arith.constant 0 : i32
    %dma_wait3A_69 = arith.constant 0 : i32
    %dma_wait3A_70 = tpu.memref_slice %arg32[%dma_wait3A_68, %dma_wait3A_69] : memref<10000x128xf32, #tpu.memory_space<vmem_shared>> -> memref<10000x128xf32, #tpu.memory_space<vmem_shared>>
    tpu.wait_indirect_dma semaphore(%arg35 : memref<!tpu.dma_semaphore, #tpu.memory_space<semaphore_mem>>) src(%arg28 : memref<40x128xf32, #tpu.memory_space<vmem>>) dst(%dma_wait3A_70 : memref<10000x128xf32, #tpu.memory_space<vmem_shared>>)
    %dma_wait3A_71 = arith.constant 0 : i32
    %dma_wait3A_72 = arith.constant 0 : i32
    %dma_wait3A_73 = tpu.memref_slice %arg32[%dma_wait3A_71, %dma_wait3A_72] : memref<10000x128xf32, #tpu.memory_space<vmem_shared>> -> memref<10000x128xf32, #tpu.memory_space<vmem_shared>>
    tpu.wait_indirect_dma semaphore(%arg35 : memref<!tpu.dma_semaphore, #tpu.memory_space<semaphore_mem>>) src(%arg29 : memref<40x128xf32, #tpu.memory_space<vmem>>) dst(%dma_wait3A_73 : memref<10000x128xf32, #tpu.memory_space<vmem_shared>>)
    %dma_wait3A_74 = arith.constant 0 : i32
    %dma_wait3A_75 = arith.constant 0 : i32
    %dma_wait3A_76 = tpu.memref_slice %arg32[%dma_wait3A_74, %dma_wait3A_75] : memref<10000x128xf32, #tpu.memory_space<vmem_shared>> -> memref<10000x128xf32, #tpu.memory_space<vmem_shared>>
    tpu.wait_indirect_dma semaphore(%arg35 : memref<!tpu.dma_semaphore, #tpu.memory_space<semaphore_mem>>) src(%arg30 : memref<40x128xf32, #tpu.memory_space<vmem>>) dst(%dma_wait3A_76 : memref<10000x128xf32, #tpu.memory_space<vmem_shared>>)
    %barrier3A_77 = arith.constant 0 : index
    tpu.barrier barrier_id(%barrier3A_77)
    %mul3A_78 = arith.constant 624 : i32
    %mul3A_79 = arith.muli %arg1, %mul3A_78 : i32
    "tpu.region"() ({
      %run_scoped3A = tpu.sem_alloc : memref<!tpu.dma_semaphore, #tpu.memory_space<semaphore_mem>>
      %dma_start3A_85 = arith.constant 0 : i32
      %dma_start3A_86 = arith.constant 0 : i32
      %dma_start3A_87 = tpu.memref_slice %arg5[%arg0, %dma_start3A_85, %dma_start3A_86] : memref<2x10000x128xf32, #tpu.memory_space<hbm>> -> memref<1x10000x128xf32, #tpu.memory_space<hbm>>
      %dma_start3A_88 = tpu.memref_squeeze %dma_start3A_87 : memref<1x10000x128xf32, #tpu.memory_space<hbm>> -> memref<10000x128xf32, #tpu.memory_space<hbm>>
      %dma_start3A_89 = arith.constant 0 : i32
      %dma_start3A_90 = tpu.memref_slice %dma_start3A_88[%mul3A_79, %dma_start3A_89] : memref<10000x128xf32, #tpu.memory_space<hbm>> -> memref<624x128xf32, #tpu.memory_space<hbm>>
      %dma_start3A_91 = arith.constant 0 : i32
      %dma_start3A_92 = tpu.memref_slice %arg32[%mul3A_79, %dma_start3A_91] : memref<10000x128xf32, #tpu.memory_space<vmem_shared>> -> memref<624x128xf32, #tpu.memory_space<vmem_shared>>
      tpu.enqueue_dma source(%dma_start3A_92 : memref<624x128xf32, #tpu.memory_space<vmem_shared>>) target(%dma_start3A_90 : memref<624x128xf32, #tpu.memory_space<hbm>>) target_semaphore(%run_scoped3A : memref<!tpu.dma_semaphore, #tpu.memory_space<semaphore_mem>>)
      %dma_wait3A_93 = arith.constant 0 : i32
      %dma_wait3A_94 = arith.constant 0 : i32
      %dma_wait3A_95 = tpu.memref_slice %arg5[%arg0, %dma_wait3A_93, %dma_wait3A_94] : memref<2x10000x128xf32, #tpu.memory_space<hbm>> -> memref<1x10000x128xf32, #tpu.memory_space<hbm>>
      %dma_wait3A_96 = tpu.memref_squeeze %dma_wait3A_95 : memref<1x10000x128xf32, #tpu.memory_space<hbm>> -> memref<10000x128xf32, #tpu.memory_space<hbm>>
      %dma_wait3A_97 = arith.constant 0 : i32
      %dma_wait3A_98 = tpu.memref_slice %dma_wait3A_96[%mul3A_79, %dma_wait3A_97] : memref<10000x128xf32, #tpu.memory_space<hbm>> -> memref<624x128xf32, #tpu.memory_space<hbm>>
      %dma_wait3A_99 = arith.constant 0 : i32
      %dma_wait3A_100 = tpu.memref_slice %arg32[%mul3A_79, %dma_wait3A_99] : memref<10000x128xf32, #tpu.memory_space<vmem_shared>> -> memref<624x128xf32, #tpu.memory_space<vmem_shared>>
      tpu.wait_dma2 semaphore(%run_scoped3A : memref<!tpu.dma_semaphore, #tpu.memory_space<semaphore_mem>>) src(%dma_wait3A_100 : memref<624x128xf32, #tpu.memory_space<vmem_shared>>) dst(%dma_wait3A_98 : memref<624x128xf32, #tpu.memory_space<hbm>>)
      tpu.yield
    }) : () -> ()
    %eq3A_80 = arith.constant 0 : i32
    %eq3A_81 = arith.cmpi eq, %arg1, %eq3A_80 : i32
    %convert_element_type3A_82 = arith.extui %eq3A_81 : i1 to i32
    %cond3A_83 = arith.constant 0 : i32
    %cond3A_84 = arith.cmpi ne, %convert_element_type3A_82, %cond3A_83 : i32
    scf.if %cond3A_84 {
      "tpu.region"() ({
        %run_scoped3A = tpu.sem_alloc : memref<!tpu.dma_semaphore, #tpu.memory_space<semaphore_mem>>
        %dma_start3A_85 = arith.constant 0 : i32
        %dma_start3A_86 = arith.constant 0 : i32
        %dma_start3A_87 = tpu.memref_slice %arg5[%arg0, %dma_start3A_85, %dma_start3A_86] : memref<2x10000x128xf32, #tpu.memory_space<hbm>> -> memref<1x10000x128xf32, #tpu.memory_space<hbm>>
        %dma_start3A_88 = tpu.memref_squeeze %dma_start3A_87 : memref<1x10000x128xf32, #tpu.memory_space<hbm>> -> memref<10000x128xf32, #tpu.memory_space<hbm>>
        %dma_start3A_89 = arith.constant 9984 : i32
        %dma_start3A_90 = arith.constant 0 : i32
        %dma_start3A_91 = tpu.memref_slice %dma_start3A_88[%dma_start3A_89, %dma_start3A_90] : memref<10000x128xf32, #tpu.memory_space<hbm>> -> memref<16x128xf32, #tpu.memory_space<hbm>>
        %dma_start3A_92 = arith.constant 9984 : i32
        %dma_start3A_93 = arith.constant 0 : i32
        %dma_start3A_94 = tpu.memref_slice %arg32[%dma_start3A_92, %dma_start3A_93] : memref<10000x128xf32, #tpu.memory_space<vmem_shared>> -> memref<16x128xf32, #tpu.memory_space<vmem_shared>>
        tpu.enqueue_dma source(%dma_start3A_94 : memref<16x128xf32, #tpu.memory_space<vmem_shared>>) target(%dma_start3A_91 : memref<16x128xf32, #tpu.memory_space<hbm>>) target_semaphore(%run_scoped3A : memref<!tpu.dma_semaphore, #tpu.memory_space<semaphore_mem>>)
        %dma_wait3A_95 = arith.constant 0 : i32
        %dma_wait3A_96 = arith.constant 0 : i32
        %dma_wait3A_97 = tpu.memref_slice %arg5[%arg0, %dma_wait3A_95, %dma_wait3A_96] : memref<2x10000x128xf32, #tpu.memory_space<hbm>> -> memref<1x10000x128xf32, #tpu.memory_space<hbm>>
        %dma_wait3A_98 = tpu.memref_squeeze %dma_wait3A_97 : memref<1x10000x128xf32, #tpu.memory_space<hbm>> -> memref<10000x128xf32, #tpu.memory_space<hbm>>
        %dma_wait3A_99 = arith.constant 9984 : i32
        %dma_wait3A_100 = arith.constant 0 : i32
        %dma_wait3A_101 = tpu.memref_slice %dma_wait3A_98[%dma_wait3A_99, %dma_wait3A_100] : memref<10000x128xf32, #tpu.memory_space<hbm>> -> memref<16x128xf32, #tpu.memory_space<hbm>>
        %dma_wait3A_102 = arith.constant 9984 : i32
        %dma_wait3A_103 = arith.constant 0 : i32
        %dma_wait3A_104 = tpu.memref_slice %arg32[%dma_wait3A_102, %dma_wait3A_103] : memref<10000x128xf32, #tpu.memory_space<vmem_shared>> -> memref<16x128xf32, #tpu.memory_space<vmem_shared>>
        tpu.wait_dma2 semaphore(%run_scoped3A : memref<!tpu.dma_semaphore, #tpu.memory_space<semaphore_mem>>) src(%dma_wait3A_104 : memref<16x128xf32, #tpu.memory_space<vmem_shared>>) dst(%dma_wait3A_101 : memref<16x128xf32, #tpu.memory_space<hbm>>)
        tpu.yield
      }) : () -> ()
    } else {
    }
    return
  }
}

#map = affine_map<(d0, d1) -> (0)>
#map1 = affine_map<(d0, d1) -> (0, 0)>
module attributes {stable_mosaic.version = 14 : i64} {
  func.func @k(%arg0: i32, %arg1: i32, %arg2: memref<320000xi32, #tpu.memory_space<hbm>>, %arg3: memref<2x10000xf32, #tpu.memory_space<hbm>>, %arg4: memref<40xi32, #tpu.memory_space<vmem>>, %arg5: memref<40xi32, #tpu.memory_space<vmem>>, %arg6: memref<40xi32, #tpu.memory_space<vmem>>, %arg7: memref<40xi32, #tpu.memory_space<vmem>>, %arg8: memref<40xi32, #tpu.memory_space<vmem>>, %arg9: memref<40xi32, #tpu.memory_space<vmem>>, %arg10: memref<40xi32, #tpu.memory_space<vmem>>, %arg11: memref<40xi32, #tpu.memory_space<vmem>>, %arg12: memref<40xi32, #tpu.memory_space<vmem>>, %arg13: memref<40xi32, #tpu.memory_space<vmem>>, %arg14: memref<40xi32, #tpu.memory_space<vmem>>, %arg15: memref<40xi32, #tpu.memory_space<vmem>>, %arg16: memref<40xi32, #tpu.memory_space<vmem>>, %arg17: memref<40xi32, #tpu.memory_space<vmem>>, %arg18: memref<40xi32, #tpu.memory_space<vmem>>, %arg19: memref<40xi32, #tpu.memory_space<vmem>>, %arg20: memref<40xi32, #tpu.memory_space<vmem>>, %arg21: memref<40xi32, #tpu.memory_space<vmem>>, %arg22: memref<40xi32, #tpu.memory_space<vmem>>, %arg23: memref<40xi32, #tpu.memory_space<vmem>>, %arg24: memref<40xi32, #tpu.memory_space<vmem>>, %arg25: memref<40xi32, #tpu.memory_space<vmem>>, %arg26: memref<40xi32, #tpu.memory_space<vmem>>, %arg27: memref<40xi32, #tpu.memory_space<vmem>>, %arg28: memref<40xi32, #tpu.memory_space<vmem>>, %arg29: memref<40xf32, #tpu.memory_space<vmem>>, %arg30: memref<10000xf32, #tpu.memory_space<vmem>>, %arg31: memref<10000xf32, #tpu.memory_space<vmem_shared>>, %arg32: memref<!tpu.dma_semaphore, #tpu.memory_space<semaphore_mem>>, %arg33: memref<!tpu.dma_semaphore, #tpu.memory_space<semaphore_mem>>) attributes {dimension_semantics = [#tpu.dimension_semantics<core_parallel>, #tpu.dimension_semantics<subcore_parallel>], iteration_bounds = array<i64: 2, 16>, scalar_prefetch = 0 : i64, scratch_operands = 30 : i64, tpu.core_type = #tpu.core_type<sc_vector_subcore>, window_params = [{transform_indices = #map}, {transform_indices = #map1}]} {
    %broadcast_in_dim3A = arith.constant 1.000000e+00 : f32
    %broadcast_in_dim3A_0 = vector.broadcast %broadcast_in_dim3A : f32 to vector<16xf32>
    %scan3A = arith.constant 0 : i32
    %scan3A_1 = arith.constant 3 : i32
    %scan3A_2 = arith.addi %scan3A, %scan3A_1 : i32
    %scan3A_3 = arith.constant 1 : i32
    scf.for %scan3A_70 = %scan3A to %scan3A_2 step %scan3A_3  : i32 {
      %mul3A_71 = arith.constant 16 : i32
      %mul3A_72 = arith.muli %scan3A_70, %mul3A_71 : i32
      %add3A_73 = arith.constant 0 : i32
      %add3A_74 = arith.addi %add3A_73, %mul3A_72 : i32
      %swap3A = arith.index_cast %add3A_74 : i32 to index
      %swap3A_75 = tpu.vector_load %arg29[%swap3A] {strides = array<i32>} : memref<40xf32, #tpu.memory_space<vmem>>, vector<16xf32>,
      %swap3A_76 = vector.shape_cast %swap3A_75 : vector<16xf32> to vector<16xf32>
      %swap3A_77 = vector.shape_cast %broadcast_in_dim3A_0 : vector<16xf32> to vector<16xf32>
      tpu.vector_store %arg29[%swap3A], %swap3A_77 {strides = array<i32>} : memref<40xf32, #tpu.memory_space<vmem>>, vector<16xf32>,
    }
    %scan3A_4 = arith.constant 3 : i32
    %eq3A = arith.constant 0 : i32
    %eq3A_5 = arith.cmpi eq, %arg1, %eq3A : i32
    %convert_element_type3A = arith.extui %eq3A_5 : i1 to i32
    %cond3A = arith.constant 0 : i32
    %cond3A_6 = arith.cmpi ne, %convert_element_type3A, %cond3A : i32
    scf.if %cond3A_6 {
      %broadcast_in_dim3A_70 = arith.constant 0.000000e+00 : f32
      %broadcast_in_dim3A_71 = vector.broadcast %broadcast_in_dim3A_70 : f32 to vector<16xf32>
      %scan3A_72 = arith.constant 0 : i32
      %scan3A_73 = arith.constant 625 : i32
      %scan3A_74 = arith.addi %scan3A_72, %scan3A_73 : i32
      %scan3A_75 = arith.constant 1 : i32
      scf.for %scan3A_77 = %scan3A_72 to %scan3A_74 step %scan3A_75  : i32 {
        %mul3A_78 = arith.constant 16 : i32
        %mul3A_79 = arith.muli %scan3A_77, %mul3A_78 : i32
        %add3A_80 = arith.constant 0 : i32
        %add3A_81 = arith.addi %add3A_80, %mul3A_79 : i32
        %swap3A = arith.index_cast %add3A_81 : i32 to index
        %swap3A_82 = tpu.vector_load %arg30[%swap3A] {strides = array<i32>} : memref<10000xf32, #tpu.memory_space<vmem>>, vector<16xf32>,
        %swap3A_83 = vector.shape_cast %swap3A_82 : vector<16xf32> to vector<16xf32>
        %swap3A_84 = vector.shape_cast %broadcast_in_dim3A_71 : vector<16xf32> to vector<16xf32>
        tpu.vector_store %arg30[%swap3A], %swap3A_84 {strides = array<i32>} : memref<10000xf32, #tpu.memory_space<vmem>>, vector<16xf32>,
      }
      %scan3A_76 = arith.constant 625 : i32
      "tpu.region"() ({
        %run_scoped3A = tpu.sem_alloc : memref<!tpu.dma_semaphore, #tpu.memory_space<semaphore_mem>>
        tpu.enqueue_dma source(%arg30 : memref<10000xf32, #tpu.memory_space<vmem>>) target(%arg31 : memref<10000xf32, #tpu.memory_space<vmem_shared>>) target_semaphore(%run_scoped3A : memref<!tpu.dma_semaphore, #tpu.memory_space<semaphore_mem>>)
        tpu.wait_dma2 semaphore(%run_scoped3A : memref<!tpu.dma_semaphore, #tpu.memory_space<semaphore_mem>>) src(%arg30 : memref<10000xf32, #tpu.memory_space<vmem>>) dst(%arg31 : memref<10000xf32, #tpu.memory_space<vmem_shared>>)
        tpu.yield
      }) : () -> ()
    } else {
    }
    %barrier3A = arith.constant 0 : index
    tpu.barrier barrier_id(%barrier3A)
    %mul3A = arith.constant 16 : i32
    %mul3A_7 = arith.muli %arg0, %mul3A : i32
    %add3A = arith.addi %mul3A_7, %arg1 : i32
    %mul3A_8 = arith.constant 10000 : i32
    %mul3A_9 = arith.muli %add3A, %mul3A_8 : i32
    %scan3A_10 = arith.constant 0 : i32
    %scan3A_11 = arith.constant 10 : i32
    %scan3A_12 = arith.addi %scan3A_10, %scan3A_11 : i32
    %scan3A_13 = arith.constant 1 : i32
    scf.for %scan3A_70 = %scan3A_10 to %scan3A_12 step %scan3A_13  : i32 {
      %mul3A_71 = arith.constant 1 : i32
      %mul3A_72 = arith.muli %scan3A_70, %mul3A_71 : i32
      %add3A_73 = arith.constant 0 : i32
      %add3A_74 = arith.addi %add3A_73, %mul3A_72 : i32
      %mul3A_75 = arith.constant 1000 : i32
      %mul3A_76 = arith.muli %add3A_74, %mul3A_75 : i32
      %add3A_77 = arith.addi %mul3A_9, %mul3A_76 : i32
      %gt3A = arith.constant 0 : i32
      %gt3A_78 = arith.cmpi sgt, %add3A_74, %gt3A : i32
      %convert_element_type3A_79 = arith.extui %gt3A_78 : i1 to i32
      %cond3A_80 = arith.constant 0 : i32
      %cond3A_81 = arith.cmpi ne, %convert_element_type3A_79, %cond3A_80 : i32
      scf.if %cond3A_81 {
        %dma_wait3A_331 = arith.constant 0 : i32
        %dma_wait3A_332 = tpu.memref_slice %arg31[%dma_wait3A_331] : memref<10000xf32, #tpu.memory_space<vmem_shared>> -> memref<10000xf32, #tpu.memory_space<vmem_shared>>
        tpu.wait_indirect_dma semaphore(%arg33 : memref<!tpu.dma_semaphore, #tpu.memory_space<semaphore_mem>>) src(%arg29 : memref<40xf32, #tpu.memory_space<vmem>>) dst(%dma_wait3A_332 : memref<10000xf32, #tpu.memory_space<vmem_shared>>)
        %dma_wait3A_333 = arith.constant 0 : i32
        %dma_wait3A_334 = tpu.memref_slice %arg31[%dma_wait3A_333] : memref<10000xf32, #tpu.memory_space<vmem_shared>> -> memref<10000xf32, #tpu.memory_space<vmem_shared>>
        tpu.wait_indirect_dma semaphore(%arg33 : memref<!tpu.dma_semaphore, #tpu.memory_space<semaphore_mem>>) src(%arg29 : memref<40xf32, #tpu.memory_space<vmem>>) dst(%dma_wait3A_334 : memref<10000xf32, #tpu.memory_space<vmem_shared>>)
        %dma_wait3A_335 = arith.constant 0 : i32
        %dma_wait3A_336 = tpu.memref_slice %arg31[%dma_wait3A_335] : memref<10000xf32, #tpu.memory_space<vmem_shared>> -> memref<10000xf32, #tpu.memory_space<vmem_shared>>
        tpu.wait_indirect_dma semaphore(%arg33 : memref<!tpu.dma_semaphore, #tpu.memory_space<semaphore_mem>>) src(%arg29 : memref<40xf32, #tpu.memory_space<vmem>>) dst(%dma_wait3A_336 : memref<10000xf32, #tpu.memory_space<vmem_shared>>)
        %dma_wait3A_337 = arith.constant 0 : i32
        %dma_wait3A_338 = tpu.memref_slice %arg31[%dma_wait3A_337] : memref<10000xf32, #tpu.memory_space<vmem_shared>> -> memref<10000xf32, #tpu.memory_space<vmem_shared>>
        tpu.wait_indirect_dma semaphore(%arg33 : memref<!tpu.dma_semaphore, #tpu.memory_space<semaphore_mem>>) src(%arg29 : memref<40xf32, #tpu.memory_space<vmem>>) dst(%dma_wait3A_338 : memref<10000xf32, #tpu.memory_space<vmem_shared>>)
        %dma_wait3A_339 = arith.constant 0 : i32
        %dma_wait3A_340 = tpu.memref_slice %arg31[%dma_wait3A_339] : memref<10000xf32, #tpu.memory_space<vmem_shared>> -> memref<10000xf32, #tpu.memory_space<vmem_shared>>
        tpu.wait_indirect_dma semaphore(%arg33 : memref<!tpu.dma_semaphore, #tpu.memory_space<semaphore_mem>>) src(%arg29 : memref<40xf32, #tpu.memory_space<vmem>>) dst(%dma_wait3A_340 : memref<10000xf32, #tpu.memory_space<vmem_shared>>)
        %dma_wait3A_341 = arith.constant 0 : i32
        %dma_wait3A_342 = tpu.memref_slice %arg31[%dma_wait3A_341] : memref<10000xf32, #tpu.memory_space<vmem_shared>> -> memref<10000xf32, #tpu.memory_space<vmem_shared>>
        tpu.wait_indirect_dma semaphore(%arg33 : memref<!tpu.dma_semaphore, #tpu.memory_space<semaphore_mem>>) src(%arg29 : memref<40xf32, #tpu.memory_space<vmem>>) dst(%dma_wait3A_342 : memref<10000xf32, #tpu.memory_space<vmem_shared>>)
        %dma_wait3A_343 = arith.constant 0 : i32
        %dma_wait3A_344 = tpu.memref_slice %arg31[%dma_wait3A_343] : memref<10000xf32, #tpu.memory_space<vmem_shared>> -> memref<10000xf32, #tpu.memory_space<vmem_shared>>
        tpu.wait_indirect_dma semaphore(%arg33 : memref<!tpu.dma_semaphore, #tpu.memory_space<semaphore_mem>>) src(%arg29 : memref<40xf32, #tpu.memory_space<vmem>>) dst(%dma_wait3A_344 : memref<10000xf32, #tpu.memory_space<vmem_shared>>)
        %dma_wait3A_345 = arith.constant 0 : i32
        %dma_wait3A_346 = tpu.memref_slice %arg31[%dma_wait3A_345] : memref<10000xf32, #tpu.memory_space<vmem_shared>> -> memref<10000xf32, #tpu.memory_space<vmem_shared>>
        tpu.wait_indirect_dma semaphore(%arg33 : memref<!tpu.dma_semaphore, #tpu.memory_space<semaphore_mem>>) src(%arg29 : memref<40xf32, #tpu.memory_space<vmem>>) dst(%dma_wait3A_346 : memref<10000xf32, #tpu.memory_space<vmem_shared>>)
        %dma_wait3A_347 = arith.constant 0 : i32
        %dma_wait3A_348 = tpu.memref_slice %arg31[%dma_wait3A_347] : memref<10000xf32, #tpu.memory_space<vmem_shared>> -> memref<10000xf32, #tpu.memory_space<vmem_shared>>
        tpu.wait_indirect_dma semaphore(%arg33 : memref<!tpu.dma_semaphore, #tpu.memory_space<semaphore_mem>>) src(%arg29 : memref<40xf32, #tpu.memory_space<vmem>>) dst(%dma_wait3A_348 : memref<10000xf32, #tpu.memory_space<vmem_shared>>)
        %dma_wait3A_349 = arith.constant 0 : i32
        %dma_wait3A_350 = tpu.memref_slice %arg31[%dma_wait3A_349] : memref<10000xf32, #tpu.memory_space<vmem_shared>> -> memref<10000xf32, #tpu.memory_space<vmem_shared>>
        tpu.wait_indirect_dma semaphore(%arg33 : memref<!tpu.dma_semaphore, #tpu.memory_space<semaphore_mem>>) src(%arg29 : memref<40xf32, #tpu.memory_space<vmem>>) dst(%dma_wait3A_350 : memref<10000xf32, #tpu.memory_space<vmem_shared>>)
        %dma_wait3A_351 = arith.constant 0 : i32
        %dma_wait3A_352 = tpu.memref_slice %arg31[%dma_wait3A_351] : memref<10000xf32, #tpu.memory_space<vmem_shared>> -> memref<10000xf32, #tpu.memory_space<vmem_shared>>
        tpu.wait_indirect_dma semaphore(%arg33 : memref<!tpu.dma_semaphore, #tpu.memory_space<semaphore_mem>>) src(%arg29 : memref<40xf32, #tpu.memory_space<vmem>>) dst(%dma_wait3A_352 : memref<10000xf32, #tpu.memory_space<vmem_shared>>)
        %dma_wait3A_353 = arith.constant 0 : i32
        %dma_wait3A_354 = tpu.memref_slice %arg31[%dma_wait3A_353] : memref<10000xf32, #tpu.memory_space<vmem_shared>> -> memref<10000xf32, #tpu.memory_space<vmem_shared>>
        tpu.wait_indirect_dma semaphore(%arg33 : memref<!tpu.dma_semaphore, #tpu.memory_space<semaphore_mem>>) src(%arg29 : memref<40xf32, #tpu.memory_space<vmem>>) dst(%dma_wait3A_354 : memref<10000xf32, #tpu.memory_space<vmem_shared>>)
        %dma_wait3A_355 = arith.constant 0 : i32
        %dma_wait3A_356 = tpu.memref_slice %arg31[%dma_wait3A_355] : memref<10000xf32, #tpu.memory_space<vmem_shared>> -> memref<10000xf32, #tpu.memory_space<vmem_shared>>
        tpu.wait_indirect_dma semaphore(%arg33 : memref<!tpu.dma_semaphore, #tpu.memory_space<semaphore_mem>>) src(%arg29 : memref<40xf32, #tpu.memory_space<vmem>>) dst(%dma_wait3A_356 : memref<10000xf32, #tpu.memory_space<vmem_shared>>)
        %dma_wait3A_357 = arith.constant 0 : i32
        %dma_wait3A_358 = tpu.memref_slice %arg31[%dma_wait3A_357] : memref<10000xf32, #tpu.memory_space<vmem_shared>> -> memref<10000xf32, #tpu.memory_space<vmem_shared>>
        tpu.wait_indirect_dma semaphore(%arg33 : memref<!tpu.dma_semaphore, #tpu.memory_space<semaphore_mem>>) src(%arg29 : memref<40xf32, #tpu.memory_space<vmem>>) dst(%dma_wait3A_358 : memref<10000xf32, #tpu.memory_space<vmem_shared>>)
        %dma_wait3A_359 = arith.constant 0 : i32
        %dma_wait3A_360 = tpu.memref_slice %arg31[%dma_wait3A_359] : memref<10000xf32, #tpu.memory_space<vmem_shared>> -> memref<10000xf32, #tpu.memory_space<vmem_shared>>
        tpu.wait_indirect_dma semaphore(%arg33 : memref<!tpu.dma_semaphore, #tpu.memory_space<semaphore_mem>>) src(%arg29 : memref<40xf32, #tpu.memory_space<vmem>>) dst(%dma_wait3A_360 : memref<10000xf32, #tpu.memory_space<vmem_shared>>)
        %dma_wait3A_361 = arith.constant 0 : i32
        %dma_wait3A_362 = tpu.memref_slice %arg31[%dma_wait3A_361] : memref<10000xf32, #tpu.memory_space<vmem_shared>> -> memref<10000xf32, #tpu.memory_space<vmem_shared>>
        tpu.wait_indirect_dma semaphore(%arg33 : memref<!tpu.dma_semaphore, #tpu.memory_space<semaphore_mem>>) src(%arg29 : memref<40xf32, #tpu.memory_space<vmem>>) dst(%dma_wait3A_362 : memref<10000xf32, #tpu.memory_space<vmem_shared>>)
        %dma_wait3A_363 = arith.constant 0 : i32
        %dma_wait3A_364 = tpu.memref_slice %arg31[%dma_wait3A_363] : memref<10000xf32, #tpu.memory_space<vmem_shared>> -> memref<10000xf32, #tpu.memory_space<vmem_shared>>
        tpu.wait_indirect_dma semaphore(%arg33 : memref<!tpu.dma_semaphore, #tpu.memory_space<semaphore_mem>>) src(%arg29 : memref<40xf32, #tpu.memory_space<vmem>>) dst(%dma_wait3A_364 : memref<10000xf32, #tpu.memory_space<vmem_shared>>)
        %dma_wait3A_365 = arith.constant 0 : i32
        %dma_wait3A_366 = tpu.memref_slice %arg31[%dma_wait3A_365] : memref<10000xf32, #tpu.memory_space<vmem_shared>> -> memref<10000xf32, #tpu.memory_space<vmem_shared>>
        tpu.wait_indirect_dma semaphore(%arg33 : memref<!tpu.dma_semaphore, #tpu.memory_space<semaphore_mem>>) src(%arg29 : memref<40xf32, #tpu.memory_space<vmem>>) dst(%dma_wait3A_366 : memref<10000xf32, #tpu.memory_space<vmem_shared>>)
        %dma_wait3A_367 = arith.constant 0 : i32
        %dma_wait3A_368 = tpu.memref_slice %arg31[%dma_wait3A_367] : memref<10000xf32, #tpu.memory_space<vmem_shared>> -> memref<10000xf32, #tpu.memory_space<vmem_shared>>
        tpu.wait_indirect_dma semaphore(%arg33 : memref<!tpu.dma_semaphore, #tpu.memory_space<semaphore_mem>>) src(%arg29 : memref<40xf32, #tpu.memory_space<vmem>>) dst(%dma_wait3A_368 : memref<10000xf32, #tpu.memory_space<vmem_shared>>)
        %dma_wait3A_369 = arith.constant 0 : i32
        %dma_wait3A_370 = tpu.memref_slice %arg31[%dma_wait3A_369] : memref<10000xf32, #tpu.memory_space<vmem_shared>> -> memref<10000xf32, #tpu.memory_space<vmem_shared>>
        tpu.wait_indirect_dma semaphore(%arg33 : memref<!tpu.dma_semaphore, #tpu.memory_space<semaphore_mem>>) src(%arg29 : memref<40xf32, #tpu.memory_space<vmem>>) dst(%dma_wait3A_370 : memref<10000xf32, #tpu.memory_space<vmem_shared>>)
        %dma_wait3A_371 = arith.constant 0 : i32
        %dma_wait3A_372 = tpu.memref_slice %arg31[%dma_wait3A_371] : memref<10000xf32, #tpu.memory_space<vmem_shared>> -> memref<10000xf32, #tpu.memory_space<vmem_shared>>
        tpu.wait_indirect_dma semaphore(%arg33 : memref<!tpu.dma_semaphore, #tpu.memory_space<semaphore_mem>>) src(%arg29 : memref<40xf32, #tpu.memory_space<vmem>>) dst(%dma_wait3A_372 : memref<10000xf32, #tpu.memory_space<vmem_shared>>)
        %dma_wait3A_373 = arith.constant 0 : i32
        %dma_wait3A_374 = tpu.memref_slice %arg31[%dma_wait3A_373] : memref<10000xf32, #tpu.memory_space<vmem_shared>> -> memref<10000xf32, #tpu.memory_space<vmem_shared>>
        tpu.wait_indirect_dma semaphore(%arg33 : memref<!tpu.dma_semaphore, #tpu.memory_space<semaphore_mem>>) src(%arg29 : memref<40xf32, #tpu.memory_space<vmem>>) dst(%dma_wait3A_374 : memref<10000xf32, #tpu.memory_space<vmem_shared>>)
        %dma_wait3A_375 = arith.constant 0 : i32
        %dma_wait3A_376 = tpu.memref_slice %arg31[%dma_wait3A_375] : memref<10000xf32, #tpu.memory_space<vmem_shared>> -> memref<10000xf32, #tpu.memory_space<vmem_shared>>
        tpu.wait_indirect_dma semaphore(%arg33 : memref<!tpu.dma_semaphore, #tpu.memory_space<semaphore_mem>>) src(%arg29 : memref<40xf32, #tpu.memory_space<vmem>>) dst(%dma_wait3A_376 : memref<10000xf32, #tpu.memory_space<vmem_shared>>)
        %dma_wait3A_377 = arith.constant 0 : i32
        %dma_wait3A_378 = tpu.memref_slice %arg31[%dma_wait3A_377] : memref<10000xf32, #tpu.memory_space<vmem_shared>> -> memref<10000xf32, #tpu.memory_space<vmem_shared>>
        tpu.wait_indirect_dma semaphore(%arg33 : memref<!tpu.dma_semaphore, #tpu.memory_space<semaphore_mem>>) src(%arg29 : memref<40xf32, #tpu.memory_space<vmem>>) dst(%dma_wait3A_378 : memref<10000xf32, #tpu.memory_space<vmem_shared>>)
        %dma_wait3A_379 = arith.constant 0 : i32
        %dma_wait3A_380 = tpu.memref_slice %arg31[%dma_wait3A_379] : memref<10000xf32, #tpu.memory_space<vmem_shared>> -> memref<10000xf32, #tpu.memory_space<vmem_shared>>
        tpu.wait_indirect_dma semaphore(%arg33 : memref<!tpu.dma_semaphore, #tpu.memory_space<semaphore_mem>>) src(%arg29 : memref<40xf32, #tpu.memory_space<vmem>>) dst(%dma_wait3A_380 : memref<10000xf32, #tpu.memory_space<vmem_shared>>)
      } else {
      }
      %add3A_82 = arith.constant 0 : i32
      %add3A_83 = arith.addi %add3A_77, %add3A_82 : i32
      %dma_start3A = tpu.memref_slice %arg2[%add3A_83] : memref<320000xi32, #tpu.memory_space<hbm>> -> memref<40xi32, #tpu.memory_space<hbm>>
      %dma_start3A_84 = tpu.memref_slice %arg2[%add3A_83] : memref<320000xi32, #tpu.memory_space<hbm>> -> memref<40xi32, #tpu.memory_space<hbm>>
      tpu.enqueue_dma source(%dma_start3A_84 : memref<40xi32, #tpu.memory_space<hbm>>) target(%arg4 : memref<40xi32, #tpu.memory_space<vmem>>) target_semaphore(%arg32 : memref<!tpu.dma_semaphore, #tpu.memory_space<semaphore_mem>>)
      %add3A_85 = arith.constant 40 : i32
      %add3A_86 = arith.addi %add3A_77, %add3A_85 : i32
      %dma_start3A_87 = tpu.memref_slice %arg2[%add3A_86] : memref<320000xi32, #tpu.memory_space<hbm>> -> memref<40xi32, #tpu.memory_space<hbm>>
      %dma_start3A_88 = tpu.memref_slice %arg2[%add3A_86] : memref<320000xi32, #tpu.memory_space<hbm>> -> memref<40xi32, #tpu.memory_space<hbm>>
      tpu.enqueue_dma source(%dma_start3A_88 : memref<40xi32, #tpu.memory_space<hbm>>) target(%arg5 : memref<40xi32, #tpu.memory_space<vmem>>) target_semaphore(%arg32 : memref<!tpu.dma_semaphore, #tpu.memory_space<semaphore_mem>>)
      %add3A_89 = arith.constant 80 : i32
      %add3A_90 = arith.addi %add3A_77, %add3A_89 : i32
      %dma_start3A_91 = tpu.memref_slice %arg2[%add3A_90] : memref<320000xi32, #tpu.memory_space<hbm>> -> memref<40xi32, #tpu.memory_space<hbm>>
      %dma_start3A_92 = tpu.memref_slice %arg2[%add3A_90] : memref<320000xi32, #tpu.memory_space<hbm>> -> memref<40xi32, #tpu.memory_space<hbm>>
      tpu.enqueue_dma source(%dma_start3A_92 : memref<40xi32, #tpu.memory_space<hbm>>) target(%arg6 : memref<40xi32, #tpu.memory_space<vmem>>) target_semaphore(%arg32 : memref<!tpu.dma_semaphore, #tpu.memory_space<semaphore_mem>>)
      %add3A_93 = arith.constant 120 : i32
      %add3A_94 = arith.addi %add3A_77, %add3A_93 : i32
      %dma_start3A_95 = tpu.memref_slice %arg2[%add3A_94] : memref<320000xi32, #tpu.memory_space<hbm>> -> memref<40xi32, #tpu.memory_space<hbm>>
      %dma_start3A_96 = tpu.memref_slice %arg2[%add3A_94] : memref<320000xi32, #tpu.memory_space<hbm>> -> memref<40xi32, #tpu.memory_space<hbm>>
      tpu.enqueue_dma source(%dma_start3A_96 : memref<40xi32, #tpu.memory_space<hbm>>) target(%arg7 : memref<40xi32, #tpu.memory_space<vmem>>) target_semaphore(%arg32 : memref<!tpu.dma_semaphore, #tpu.memory_space<semaphore_mem>>)
      %add3A_97 = arith.constant 160 : i32
      %add3A_98 = arith.addi %add3A_77, %add3A_97 : i32
      %dma_start3A_99 = tpu.memref_slice %arg2[%add3A_98] : memref<320000xi32, #tpu.memory_space<hbm>> -> memref<40xi32, #tpu.memory_space<hbm>>
      %dma_start3A_100 = tpu.memref_slice %arg2[%add3A_98] : memref<320000xi32, #tpu.memory_space<hbm>> -> memref<40xi32, #tpu.memory_space<hbm>>
      tpu.enqueue_dma source(%dma_start3A_100 : memref<40xi32, #tpu.memory_space<hbm>>) target(%arg8 : memref<40xi32, #tpu.memory_space<vmem>>) target_semaphore(%arg32 : memref<!tpu.dma_semaphore, #tpu.memory_space<semaphore_mem>>)
      %add3A_101 = arith.constant 200 : i32
      %add3A_102 = arith.addi %add3A_77, %add3A_101 : i32
      %dma_start3A_103 = tpu.memref_slice %arg2[%add3A_102] : memref<320000xi32, #tpu.memory_space<hbm>> -> memref<40xi32, #tpu.memory_space<hbm>>
      %dma_start3A_104 = tpu.memref_slice %arg2[%add3A_102] : memref<320000xi32, #tpu.memory_space<hbm>> -> memref<40xi32, #tpu.memory_space<hbm>>
      tpu.enqueue_dma source(%dma_start3A_104 : memref<40xi32, #tpu.memory_space<hbm>>) target(%arg9 : memref<40xi32, #tpu.memory_space<vmem>>) target_semaphore(%arg32 : memref<!tpu.dma_semaphore, #tpu.memory_space<semaphore_mem>>)
      %add3A_105 = arith.constant 240 : i32
      %add3A_106 = arith.addi %add3A_77, %add3A_105 : i32
      %dma_start3A_107 = tpu.memref_slice %arg2[%add3A_106] : memref<320000xi32, #tpu.memory_space<hbm>> -> memref<40xi32, #tpu.memory_space<hbm>>
      %dma_start3A_108 = tpu.memref_slice %arg2[%add3A_106] : memref<320000xi32, #tpu.memory_space<hbm>> -> memref<40xi32, #tpu.memory_space<hbm>>
      tpu.enqueue_dma source(%dma_start3A_108 : memref<40xi32, #tpu.memory_space<hbm>>) target(%arg10 : memref<40xi32, #tpu.memory_space<vmem>>) target_semaphore(%arg32 : memref<!tpu.dma_semaphore, #tpu.memory_space<semaphore_mem>>)
      %add3A_109 = arith.constant 280 : i32
      %add3A_110 = arith.addi %add3A_77, %add3A_109 : i32
      %dma_start3A_111 = tpu.memref_slice %arg2[%add3A_110] : memref<320000xi32, #tpu.memory_space<hbm>> -> memref<40xi32, #tpu.memory_space<hbm>>
      %dma_start3A_112 = tpu.memref_slice %arg2[%add3A_110] : memref<320000xi32, #tpu.memory_space<hbm>> -> memref<40xi32, #tpu.memory_space<hbm>>
      tpu.enqueue_dma source(%dma_start3A_112 : memref<40xi32, #tpu.memory_space<hbm>>) target(%arg11 : memref<40xi32, #tpu.memory_space<vmem>>) target_semaphore(%arg32 : memref<!tpu.dma_semaphore, #tpu.memory_space<semaphore_mem>>)
      %add3A_113 = arith.constant 320 : i32
      %add3A_114 = arith.addi %add3A_77, %add3A_113 : i32
      %dma_start3A_115 = tpu.memref_slice %arg2[%add3A_114] : memref<320000xi32, #tpu.memory_space<hbm>> -> memref<40xi32, #tpu.memory_space<hbm>>
      %dma_start3A_116 = tpu.memref_slice %arg2[%add3A_114] : memref<320000xi32, #tpu.memory_space<hbm>> -> memref<40xi32, #tpu.memory_space<hbm>>
      tpu.enqueue_dma source(%dma_start3A_116 : memref<40xi32, #tpu.memory_space<hbm>>) target(%arg12 : memref<40xi32, #tpu.memory_space<vmem>>) target_semaphore(%arg32 : memref<!tpu.dma_semaphore, #tpu.memory_space<semaphore_mem>>)
      %add3A_117 = arith.constant 360 : i32
      %add3A_118 = arith.addi %add3A_77, %add3A_117 : i32
      %dma_start3A_119 = tpu.memref_slice %arg2[%add3A_118] : memref<320000xi32, #tpu.memory_space<hbm>> -> memref<40xi32, #tpu.memory_space<hbm>>
      %dma_start3A_120 = tpu.memref_slice %arg2[%add3A_118] : memref<320000xi32, #tpu.memory_space<hbm>> -> memref<40xi32, #tpu.memory_space<hbm>>
      tpu.enqueue_dma source(%dma_start3A_120 : memref<40xi32, #tpu.memory_space<hbm>>) target(%arg13 : memref<40xi32, #tpu.memory_space<vmem>>) target_semaphore(%arg32 : memref<!tpu.dma_semaphore, #tpu.memory_space<semaphore_mem>>)
      %add3A_121 = arith.constant 400 : i32
      %add3A_122 = arith.addi %add3A_77, %add3A_121 : i32
      %dma_start3A_123 = tpu.memref_slice %arg2[%add3A_122] : memref<320000xi32, #tpu.memory_space<hbm>> -> memref<40xi32, #tpu.memory_space<hbm>>
      %dma_start3A_124 = tpu.memref_slice %arg2[%add3A_122] : memref<320000xi32, #tpu.memory_space<hbm>> -> memref<40xi32, #tpu.memory_space<hbm>>
      tpu.enqueue_dma source(%dma_start3A_124 : memref<40xi32, #tpu.memory_space<hbm>>) target(%arg14 : memref<40xi32, #tpu.memory_space<vmem>>) target_semaphore(%arg32 : memref<!tpu.dma_semaphore, #tpu.memory_space<semaphore_mem>>)
      %add3A_125 = arith.constant 440 : i32
      %add3A_126 = arith.addi %add3A_77, %add3A_125 : i32
      %dma_start3A_127 = tpu.memref_slice %arg2[%add3A_126] : memref<320000xi32, #tpu.memory_space<hbm>> -> memref<40xi32, #tpu.memory_space<hbm>>
      %dma_start3A_128 = tpu.memref_slice %arg2[%add3A_126] : memref<320000xi32, #tpu.memory_space<hbm>> -> memref<40xi32, #tpu.memory_space<hbm>>
      tpu.enqueue_dma source(%dma_start3A_128 : memref<40xi32, #tpu.memory_space<hbm>>) target(%arg15 : memref<40xi32, #tpu.memory_space<vmem>>) target_semaphore(%arg32 : memref<!tpu.dma_semaphore, #tpu.memory_space<semaphore_mem>>)
      %add3A_129 = arith.constant 480 : i32
      %add3A_130 = arith.addi %add3A_77, %add3A_129 : i32
      %dma_start3A_131 = tpu.memref_slice %arg2[%add3A_130] : memref<320000xi32, #tpu.memory_space<hbm>> -> memref<40xi32, #tpu.memory_space<hbm>>
      %dma_start3A_132 = tpu.memref_slice %arg2[%add3A_130] : memref<320000xi32, #tpu.memory_space<hbm>> -> memref<40xi32, #tpu.memory_space<hbm>>
      tpu.enqueue_dma source(%dma_start3A_132 : memref<40xi32, #tpu.memory_space<hbm>>) target(%arg16 : memref<40xi32, #tpu.memory_space<vmem>>) target_semaphore(%arg32 : memref<!tpu.dma_semaphore, #tpu.memory_space<semaphore_mem>>)
      %add3A_133 = arith.constant 520 : i32
      %add3A_134 = arith.addi %add3A_77, %add3A_133 : i32
      %dma_start3A_135 = tpu.memref_slice %arg2[%add3A_134] : memref<320000xi32, #tpu.memory_space<hbm>> -> memref<40xi32, #tpu.memory_space<hbm>>
      %dma_start3A_136 = tpu.memref_slice %arg2[%add3A_134] : memref<320000xi32, #tpu.memory_space<hbm>> -> memref<40xi32, #tpu.memory_space<hbm>>
      tpu.enqueue_dma source(%dma_start3A_136 : memref<40xi32, #tpu.memory_space<hbm>>) target(%arg17 : memref<40xi32, #tpu.memory_space<vmem>>) target_semaphore(%arg32 : memref<!tpu.dma_semaphore, #tpu.memory_space<semaphore_mem>>)
      %add3A_137 = arith.constant 560 : i32
      %add3A_138 = arith.addi %add3A_77, %add3A_137 : i32
      %dma_start3A_139 = tpu.memref_slice %arg2[%add3A_138] : memref<320000xi32, #tpu.memory_space<hbm>> -> memref<40xi32, #tpu.memory_space<hbm>>
      %dma_start3A_140 = tpu.memref_slice %arg2[%add3A_138] : memref<320000xi32, #tpu.memory_space<hbm>> -> memref<40xi32, #tpu.memory_space<hbm>>
      tpu.enqueue_dma source(%dma_start3A_140 : memref<40xi32, #tpu.memory_space<hbm>>) target(%arg18 : memref<40xi32, #tpu.memory_space<vmem>>) target_semaphore(%arg32 : memref<!tpu.dma_semaphore, #tpu.memory_space<semaphore_mem>>)
      %add3A_141 = arith.constant 600 : i32
      %add3A_142 = arith.addi %add3A_77, %add3A_141 : i32
      %dma_start3A_143 = tpu.memref_slice %arg2[%add3A_142] : memref<320000xi32, #tpu.memory_space<hbm>> -> memref<40xi32, #tpu.memory_space<hbm>>
      %dma_start3A_144 = tpu.memref_slice %arg2[%add3A_142] : memref<320000xi32, #tpu.memory_space<hbm>> -> memref<40xi32, #tpu.memory_space<hbm>>
      tpu.enqueue_dma source(%dma_start3A_144 : memref<40xi32, #tpu.memory_space<hbm>>) target(%arg19 : memref<40xi32, #tpu.memory_space<vmem>>) target_semaphore(%arg32 : memref<!tpu.dma_semaphore, #tpu.memory_space<semaphore_mem>>)
      %add3A_145 = arith.constant 640 : i32
      %add3A_146 = arith.addi %add3A_77, %add3A_145 : i32
      %dma_start3A_147 = tpu.memref_slice %arg2[%add3A_146] : memref<320000xi32, #tpu.memory_space<hbm>> -> memref<40xi32, #tpu.memory_space<hbm>>
      %dma_start3A_148 = tpu.memref_slice %arg2[%add3A_146] : memref<320000xi32, #tpu.memory_space<hbm>> -> memref<40xi32, #tpu.memory_space<hbm>>
      tpu.enqueue_dma source(%dma_start3A_148 : memref<40xi32, #tpu.memory_space<hbm>>) target(%arg20 : memref<40xi32, #tpu.memory_space<vmem>>) target_semaphore(%arg32 : memref<!tpu.dma_semaphore, #tpu.memory_space<semaphore_mem>>)
      %add3A_149 = arith.constant 680 : i32
      %add3A_150 = arith.addi %add3A_77, %add3A_149 : i32
      %dma_start3A_151 = tpu.memref_slice %arg2[%add3A_150] : memref<320000xi32, #tpu.memory_space<hbm>> -> memref<40xi32, #tpu.memory_space<hbm>>
      %dma_start3A_152 = tpu.memref_slice %arg2[%add3A_150] : memref<320000xi32, #tpu.memory_space<hbm>> -> memref<40xi32, #tpu.memory_space<hbm>>
      tpu.enqueue_dma source(%dma_start3A_152 : memref<40xi32, #tpu.memory_space<hbm>>) target(%arg21 : memref<40xi32, #tpu.memory_space<vmem>>) target_semaphore(%arg32 : memref<!tpu.dma_semaphore, #tpu.memory_space<semaphore_mem>>)
      %add3A_153 = arith.constant 720 : i32
      %add3A_154 = arith.addi %add3A_77, %add3A_153 : i32
      %dma_start3A_155 = tpu.memref_slice %arg2[%add3A_154] : memref<320000xi32, #tpu.memory_space<hbm>> -> memref<40xi32, #tpu.memory_space<hbm>>
      %dma_start3A_156 = tpu.memref_slice %arg2[%add3A_154] : memref<320000xi32, #tpu.memory_space<hbm>> -> memref<40xi32, #tpu.memory_space<hbm>>
      tpu.enqueue_dma source(%dma_start3A_156 : memref<40xi32, #tpu.memory_space<hbm>>) target(%arg22 : memref<40xi32, #tpu.memory_space<vmem>>) target_semaphore(%arg32 : memref<!tpu.dma_semaphore, #tpu.memory_space<semaphore_mem>>)
      %add3A_157 = arith.constant 760 : i32
      %add3A_158 = arith.addi %add3A_77, %add3A_157 : i32
      %dma_start3A_159 = tpu.memref_slice %arg2[%add3A_158] : memref<320000xi32, #tpu.memory_space<hbm>> -> memref<40xi32, #tpu.memory_space<hbm>>
      %dma_start3A_160 = tpu.memref_slice %arg2[%add3A_158] : memref<320000xi32, #tpu.memory_space<hbm>> -> memref<40xi32, #tpu.memory_space<hbm>>
      tpu.enqueue_dma source(%dma_start3A_160 : memref<40xi32, #tpu.memory_space<hbm>>) target(%arg23 : memref<40xi32, #tpu.memory_space<vmem>>) target_semaphore(%arg32 : memref<!tpu.dma_semaphore, #tpu.memory_space<semaphore_mem>>)
      %add3A_161 = arith.constant 800 : i32
      %add3A_162 = arith.addi %add3A_77, %add3A_161 : i32
      %dma_start3A_163 = tpu.memref_slice %arg2[%add3A_162] : memref<320000xi32, #tpu.memory_space<hbm>> -> memref<40xi32, #tpu.memory_space<hbm>>
      %dma_start3A_164 = tpu.memref_slice %arg2[%add3A_162] : memref<320000xi32, #tpu.memory_space<hbm>> -> memref<40xi32, #tpu.memory_space<hbm>>
      tpu.enqueue_dma source(%dma_start3A_164 : memref<40xi32, #tpu.memory_space<hbm>>) target(%arg24 : memref<40xi32, #tpu.memory_space<vmem>>) target_semaphore(%arg32 : memref<!tpu.dma_semaphore, #tpu.memory_space<semaphore_mem>>)
      %add3A_165 = arith.constant 840 : i32
      %add3A_166 = arith.addi %add3A_77, %add3A_165 : i32
      %dma_start3A_167 = tpu.memref_slice %arg2[%add3A_166] : memref<320000xi32, #tpu.memory_space<hbm>> -> memref<40xi32, #tpu.memory_space<hbm>>
      %dma_start3A_168 = tpu.memref_slice %arg2[%add3A_166] : memref<320000xi32, #tpu.memory_space<hbm>> -> memref<40xi32, #tpu.memory_space<hbm>>
      tpu.enqueue_dma source(%dma_start3A_168 : memref<40xi32, #tpu.memory_space<hbm>>) target(%arg25 : memref<40xi32, #tpu.memory_space<vmem>>) target_semaphore(%arg32 : memref<!tpu.dma_semaphore, #tpu.memory_space<semaphore_mem>>)
      %add3A_169 = arith.constant 880 : i32
      %add3A_170 = arith.addi %add3A_77, %add3A_169 : i32
      %dma_start3A_171 = tpu.memref_slice %arg2[%add3A_170] : memref<320000xi32, #tpu.memory_space<hbm>> -> memref<40xi32, #tpu.memory_space<hbm>>
      %dma_start3A_172 = tpu.memref_slice %arg2[%add3A_170] : memref<320000xi32, #tpu.memory_space<hbm>> -> memref<40xi32, #tpu.memory_space<hbm>>
      tpu.enqueue_dma source(%dma_start3A_172 : memref<40xi32, #tpu.memory_space<hbm>>) target(%arg26 : memref<40xi32, #tpu.memory_space<vmem>>) target_semaphore(%arg32 : memref<!tpu.dma_semaphore, #tpu.memory_space<semaphore_mem>>)
      %add3A_173 = arith.constant 920 : i32
      %add3A_174 = arith.addi %add3A_77, %add3A_173 : i32
      %dma_start3A_175 = tpu.memref_slice %arg2[%add3A_174] : memref<320000xi32, #tpu.memory_space<hbm>> -> memref<40xi32, #tpu.memory_space<hbm>>
      %dma_start3A_176 = tpu.memref_slice %arg2[%add3A_174] : memref<320000xi32, #tpu.memory_space<hbm>> -> memref<40xi32, #tpu.memory_space<hbm>>
      tpu.enqueue_dma source(%dma_start3A_176 : memref<40xi32, #tpu.memory_space<hbm>>) target(%arg27 : memref<40xi32, #tpu.memory_space<vmem>>) target_semaphore(%arg32 : memref<!tpu.dma_semaphore, #tpu.memory_space<semaphore_mem>>)
      %add3A_177 = arith.constant 960 : i32
      %add3A_178 = arith.addi %add3A_77, %add3A_177 : i32
      %dma_start3A_179 = tpu.memref_slice %arg2[%add3A_178] : memref<320000xi32, #tpu.memory_space<hbm>> -> memref<40xi32, #tpu.memory_space<hbm>>
      %dma_start3A_180 = tpu.memref_slice %arg2[%add3A_178] : memref<320000xi32, #tpu.memory_space<hbm>> -> memref<40xi32, #tpu.memory_space<hbm>>
      tpu.enqueue_dma source(%dma_start3A_180 : memref<40xi32, #tpu.memory_space<hbm>>) target(%arg28 : memref<40xi32, #tpu.memory_space<vmem>>) target_semaphore(%arg32 : memref<!tpu.dma_semaphore, #tpu.memory_space<semaphore_mem>>)
      %add3A_181 = arith.constant 0 : i32
      %add3A_182 = arith.addi %add3A_77, %add3A_181 : i32
      %dma_wait3A_183 = tpu.memref_slice %arg2[%add3A_182] : memref<320000xi32, #tpu.memory_space<hbm>> -> memref<40xi32, #tpu.memory_space<hbm>>
      %dma_wait3A_184 = tpu.memref_slice %arg2[%add3A_182] : memref<320000xi32, #tpu.memory_space<hbm>> -> memref<40xi32, #tpu.memory_space<hbm>>
      tpu.wait_dma2 semaphore(%arg32 : memref<!tpu.dma_semaphore, #tpu.memory_space<semaphore_mem>>) src(%dma_wait3A_184 : memref<40xi32, #tpu.memory_space<hbm>>) dst(%arg4 : memref<40xi32, #tpu.memory_space<vmem>>)
      %add3A_185 = arith.constant 40 : i32
      %add3A_186 = arith.addi %add3A_77, %add3A_185 : i32
      %dma_wait3A_187 = tpu.memref_slice %arg2[%add3A_186] : memref<320000xi32, #tpu.memory_space<hbm>> -> memref<40xi32, #tpu.memory_space<hbm>>
      %dma_wait3A_188 = tpu.memref_slice %arg2[%add3A_186] : memref<320000xi32, #tpu.memory_space<hbm>> -> memref<40xi32, #tpu.memory_space<hbm>>
      tpu.wait_dma2 semaphore(%arg32 : memref<!tpu.dma_semaphore, #tpu.memory_space<semaphore_mem>>) src(%dma_wait3A_188 : memref<40xi32, #tpu.memory_space<hbm>>) dst(%arg5 : memref<40xi32, #tpu.memory_space<vmem>>)
      %add3A_189 = arith.constant 80 : i32
      %add3A_190 = arith.addi %add3A_77, %add3A_189 : i32
      %dma_wait3A_191 = tpu.memref_slice %arg2[%add3A_190] : memref<320000xi32, #tpu.memory_space<hbm>> -> memref<40xi32, #tpu.memory_space<hbm>>
      %dma_wait3A_192 = tpu.memref_slice %arg2[%add3A_190] : memref<320000xi32, #tpu.memory_space<hbm>> -> memref<40xi32, #tpu.memory_space<hbm>>
      tpu.wait_dma2 semaphore(%arg32 : memref<!tpu.dma_semaphore, #tpu.memory_space<semaphore_mem>>) src(%dma_wait3A_192 : memref<40xi32, #tpu.memory_space<hbm>>) dst(%arg6 : memref<40xi32, #tpu.memory_space<vmem>>)
      %add3A_193 = arith.constant 120 : i32
      %add3A_194 = arith.addi %add3A_77, %add3A_193 : i32
      %dma_wait3A_195 = tpu.memref_slice %arg2[%add3A_194] : memref<320000xi32, #tpu.memory_space<hbm>> -> memref<40xi32, #tpu.memory_space<hbm>>
      %dma_wait3A_196 = tpu.memref_slice %arg2[%add3A_194] : memref<320000xi32, #tpu.memory_space<hbm>> -> memref<40xi32, #tpu.memory_space<hbm>>
      tpu.wait_dma2 semaphore(%arg32 : memref<!tpu.dma_semaphore, #tpu.memory_space<semaphore_mem>>) src(%dma_wait3A_196 : memref<40xi32, #tpu.memory_space<hbm>>) dst(%arg7 : memref<40xi32, #tpu.memory_space<vmem>>)
      %add3A_197 = arith.constant 160 : i32
      %add3A_198 = arith.addi %add3A_77, %add3A_197 : i32
      %dma_wait3A_199 = tpu.memref_slice %arg2[%add3A_198] : memref<320000xi32, #tpu.memory_space<hbm>> -> memref<40xi32, #tpu.memory_space<hbm>>
      %dma_wait3A_200 = tpu.memref_slice %arg2[%add3A_198] : memref<320000xi32, #tpu.memory_space<hbm>> -> memref<40xi32, #tpu.memory_space<hbm>>
      tpu.wait_dma2 semaphore(%arg32 : memref<!tpu.dma_semaphore, #tpu.memory_space<semaphore_mem>>) src(%dma_wait3A_200 : memref<40xi32, #tpu.memory_space<hbm>>) dst(%arg8 : memref<40xi32, #tpu.memory_space<vmem>>)
      %add3A_201 = arith.constant 200 : i32
      %add3A_202 = arith.addi %add3A_77, %add3A_201 : i32
      %dma_wait3A_203 = tpu.memref_slice %arg2[%add3A_202] : memref<320000xi32, #tpu.memory_space<hbm>> -> memref<40xi32, #tpu.memory_space<hbm>>
      %dma_wait3A_204 = tpu.memref_slice %arg2[%add3A_202] : memref<320000xi32, #tpu.memory_space<hbm>> -> memref<40xi32, #tpu.memory_space<hbm>>
      tpu.wait_dma2 semaphore(%arg32 : memref<!tpu.dma_semaphore, #tpu.memory_space<semaphore_mem>>) src(%dma_wait3A_204 : memref<40xi32, #tpu.memory_space<hbm>>) dst(%arg9 : memref<40xi32, #tpu.memory_space<vmem>>)
      %add3A_205 = arith.constant 240 : i32
      %add3A_206 = arith.addi %add3A_77, %add3A_205 : i32
      %dma_wait3A_207 = tpu.memref_slice %arg2[%add3A_206] : memref<320000xi32, #tpu.memory_space<hbm>> -> memref<40xi32, #tpu.memory_space<hbm>>
      %dma_wait3A_208 = tpu.memref_slice %arg2[%add3A_206] : memref<320000xi32, #tpu.memory_space<hbm>> -> memref<40xi32, #tpu.memory_space<hbm>>
      tpu.wait_dma2 semaphore(%arg32 : memref<!tpu.dma_semaphore, #tpu.memory_space<semaphore_mem>>) src(%dma_wait3A_208 : memref<40xi32, #tpu.memory_space<hbm>>) dst(%arg10 : memref<40xi32, #tpu.memory_space<vmem>>)
      %add3A_209 = arith.constant 280 : i32
      %add3A_210 = arith.addi %add3A_77, %add3A_209 : i32
      %dma_wait3A_211 = tpu.memref_slice %arg2[%add3A_210] : memref<320000xi32, #tpu.memory_space<hbm>> -> memref<40xi32, #tpu.memory_space<hbm>>
      %dma_wait3A_212 = tpu.memref_slice %arg2[%add3A_210] : memref<320000xi32, #tpu.memory_space<hbm>> -> memref<40xi32, #tpu.memory_space<hbm>>
      tpu.wait_dma2 semaphore(%arg32 : memref<!tpu.dma_semaphore, #tpu.memory_space<semaphore_mem>>) src(%dma_wait3A_212 : memref<40xi32, #tpu.memory_space<hbm>>) dst(%arg11 : memref<40xi32, #tpu.memory_space<vmem>>)
      %add3A_213 = arith.constant 320 : i32
      %add3A_214 = arith.addi %add3A_77, %add3A_213 : i32
      %dma_wait3A_215 = tpu.memref_slice %arg2[%add3A_214] : memref<320000xi32, #tpu.memory_space<hbm>> -> memref<40xi32, #tpu.memory_space<hbm>>
      %dma_wait3A_216 = tpu.memref_slice %arg2[%add3A_214] : memref<320000xi32, #tpu.memory_space<hbm>> -> memref<40xi32, #tpu.memory_space<hbm>>
      tpu.wait_dma2 semaphore(%arg32 : memref<!tpu.dma_semaphore, #tpu.memory_space<semaphore_mem>>) src(%dma_wait3A_216 : memref<40xi32, #tpu.memory_space<hbm>>) dst(%arg12 : memref<40xi32, #tpu.memory_space<vmem>>)
      %add3A_217 = arith.constant 360 : i32
      %add3A_218 = arith.addi %add3A_77, %add3A_217 : i32
      %dma_wait3A_219 = tpu.memref_slice %arg2[%add3A_218] : memref<320000xi32, #tpu.memory_space<hbm>> -> memref<40xi32, #tpu.memory_space<hbm>>
      %dma_wait3A_220 = tpu.memref_slice %arg2[%add3A_218] : memref<320000xi32, #tpu.memory_space<hbm>> -> memref<40xi32, #tpu.memory_space<hbm>>
      tpu.wait_dma2 semaphore(%arg32 : memref<!tpu.dma_semaphore, #tpu.memory_space<semaphore_mem>>) src(%dma_wait3A_220 : memref<40xi32, #tpu.memory_space<hbm>>) dst(%arg13 : memref<40xi32, #tpu.memory_space<vmem>>)
      %add3A_221 = arith.constant 400 : i32
      %add3A_222 = arith.addi %add3A_77, %add3A_221 : i32
      %dma_wait3A_223 = tpu.memref_slice %arg2[%add3A_222] : memref<320000xi32, #tpu.memory_space<hbm>> -> memref<40xi32, #tpu.memory_space<hbm>>
      %dma_wait3A_224 = tpu.memref_slice %arg2[%add3A_222] : memref<320000xi32, #tpu.memory_space<hbm>> -> memref<40xi32, #tpu.memory_space<hbm>>
      tpu.wait_dma2 semaphore(%arg32 : memref<!tpu.dma_semaphore, #tpu.memory_space<semaphore_mem>>) src(%dma_wait3A_224 : memref<40xi32, #tpu.memory_space<hbm>>) dst(%arg14 : memref<40xi32, #tpu.memory_space<vmem>>)
      %add3A_225 = arith.constant 440 : i32
      %add3A_226 = arith.addi %add3A_77, %add3A_225 : i32
      %dma_wait3A_227 = tpu.memref_slice %arg2[%add3A_226] : memref<320000xi32, #tpu.memory_space<hbm>> -> memref<40xi32, #tpu.memory_space<hbm>>
      %dma_wait3A_228 = tpu.memref_slice %arg2[%add3A_226] : memref<320000xi32, #tpu.memory_space<hbm>> -> memref<40xi32, #tpu.memory_space<hbm>>
      tpu.wait_dma2 semaphore(%arg32 : memref<!tpu.dma_semaphore, #tpu.memory_space<semaphore_mem>>) src(%dma_wait3A_228 : memref<40xi32, #tpu.memory_space<hbm>>) dst(%arg15 : memref<40xi32, #tpu.memory_space<vmem>>)
      %add3A_229 = arith.constant 480 : i32
      %add3A_230 = arith.addi %add3A_77, %add3A_229 : i32
      %dma_wait3A_231 = tpu.memref_slice %arg2[%add3A_230] : memref<320000xi32, #tpu.memory_space<hbm>> -> memref<40xi32, #tpu.memory_space<hbm>>
      %dma_wait3A_232 = tpu.memref_slice %arg2[%add3A_230] : memref<320000xi32, #tpu.memory_space<hbm>> -> memref<40xi32, #tpu.memory_space<hbm>>
      tpu.wait_dma2 semaphore(%arg32 : memref<!tpu.dma_semaphore, #tpu.memory_space<semaphore_mem>>) src(%dma_wait3A_232 : memref<40xi32, #tpu.memory_space<hbm>>) dst(%arg16 : memref<40xi32, #tpu.memory_space<vmem>>)
      %add3A_233 = arith.constant 520 : i32
      %add3A_234 = arith.addi %add3A_77, %add3A_233 : i32
      %dma_wait3A_235 = tpu.memref_slice %arg2[%add3A_234] : memref<320000xi32, #tpu.memory_space<hbm>> -> memref<40xi32, #tpu.memory_space<hbm>>
      %dma_wait3A_236 = tpu.memref_slice %arg2[%add3A_234] : memref<320000xi32, #tpu.memory_space<hbm>> -> memref<40xi32, #tpu.memory_space<hbm>>
      tpu.wait_dma2 semaphore(%arg32 : memref<!tpu.dma_semaphore, #tpu.memory_space<semaphore_mem>>) src(%dma_wait3A_236 : memref<40xi32, #tpu.memory_space<hbm>>) dst(%arg17 : memref<40xi32, #tpu.memory_space<vmem>>)
      %add3A_237 = arith.constant 560 : i32
      %add3A_238 = arith.addi %add3A_77, %add3A_237 : i32
      %dma_wait3A_239 = tpu.memref_slice %arg2[%add3A_238] : memref<320000xi32, #tpu.memory_space<hbm>> -> memref<40xi32, #tpu.memory_space<hbm>>
      %dma_wait3A_240 = tpu.memref_slice %arg2[%add3A_238] : memref<320000xi32, #tpu.memory_space<hbm>> -> memref<40xi32, #tpu.memory_space<hbm>>
      tpu.wait_dma2 semaphore(%arg32 : memref<!tpu.dma_semaphore, #tpu.memory_space<semaphore_mem>>) src(%dma_wait3A_240 : memref<40xi32, #tpu.memory_space<hbm>>) dst(%arg18 : memref<40xi32, #tpu.memory_space<vmem>>)
      %add3A_241 = arith.constant 600 : i32
      %add3A_242 = arith.addi %add3A_77, %add3A_241 : i32
      %dma_wait3A_243 = tpu.memref_slice %arg2[%add3A_242] : memref<320000xi32, #tpu.memory_space<hbm>> -> memref<40xi32, #tpu.memory_space<hbm>>
      %dma_wait3A_244 = tpu.memref_slice %arg2[%add3A_242] : memref<320000xi32, #tpu.memory_space<hbm>> -> memref<40xi32, #tpu.memory_space<hbm>>
      tpu.wait_dma2 semaphore(%arg32 : memref<!tpu.dma_semaphore, #tpu.memory_space<semaphore_mem>>) src(%dma_wait3A_244 : memref<40xi32, #tpu.memory_space<hbm>>) dst(%arg19 : memref<40xi32, #tpu.memory_space<vmem>>)
      %add3A_245 = arith.constant 640 : i32
      %add3A_246 = arith.addi %add3A_77, %add3A_245 : i32
      %dma_wait3A_247 = tpu.memref_slice %arg2[%add3A_246] : memref<320000xi32, #tpu.memory_space<hbm>> -> memref<40xi32, #tpu.memory_space<hbm>>
      %dma_wait3A_248 = tpu.memref_slice %arg2[%add3A_246] : memref<320000xi32, #tpu.memory_space<hbm>> -> memref<40xi32, #tpu.memory_space<hbm>>
      tpu.wait_dma2 semaphore(%arg32 : memref<!tpu.dma_semaphore, #tpu.memory_space<semaphore_mem>>) src(%dma_wait3A_248 : memref<40xi32, #tpu.memory_space<hbm>>) dst(%arg20 : memref<40xi32, #tpu.memory_space<vmem>>)
      %add3A_249 = arith.constant 680 : i32
      %add3A_250 = arith.addi %add3A_77, %add3A_249 : i32
      %dma_wait3A_251 = tpu.memref_slice %arg2[%add3A_250] : memref<320000xi32, #tpu.memory_space<hbm>> -> memref<40xi32, #tpu.memory_space<hbm>>
      %dma_wait3A_252 = tpu.memref_slice %arg2[%add3A_250] : memref<320000xi32, #tpu.memory_space<hbm>> -> memref<40xi32, #tpu.memory_space<hbm>>
      tpu.wait_dma2 semaphore(%arg32 : memref<!tpu.dma_semaphore, #tpu.memory_space<semaphore_mem>>) src(%dma_wait3A_252 : memref<40xi32, #tpu.memory_space<hbm>>) dst(%arg21 : memref<40xi32, #tpu.memory_space<vmem>>)
      %add3A_253 = arith.constant 720 : i32
      %add3A_254 = arith.addi %add3A_77, %add3A_253 : i32
      %dma_wait3A_255 = tpu.memref_slice %arg2[%add3A_254] : memref<320000xi32, #tpu.memory_space<hbm>> -> memref<40xi32, #tpu.memory_space<hbm>>
      %dma_wait3A_256 = tpu.memref_slice %arg2[%add3A_254] : memref<320000xi32, #tpu.memory_space<hbm>> -> memref<40xi32, #tpu.memory_space<hbm>>
      tpu.wait_dma2 semaphore(%arg32 : memref<!tpu.dma_semaphore, #tpu.memory_space<semaphore_mem>>) src(%dma_wait3A_256 : memref<40xi32, #tpu.memory_space<hbm>>) dst(%arg22 : memref<40xi32, #tpu.memory_space<vmem>>)
      %add3A_257 = arith.constant 760 : i32
      %add3A_258 = arith.addi %add3A_77, %add3A_257 : i32
      %dma_wait3A_259 = tpu.memref_slice %arg2[%add3A_258] : memref<320000xi32, #tpu.memory_space<hbm>> -> memref<40xi32, #tpu.memory_space<hbm>>
      %dma_wait3A_260 = tpu.memref_slice %arg2[%add3A_258] : memref<320000xi32, #tpu.memory_space<hbm>> -> memref<40xi32, #tpu.memory_space<hbm>>
      tpu.wait_dma2 semaphore(%arg32 : memref<!tpu.dma_semaphore, #tpu.memory_space<semaphore_mem>>) src(%dma_wait3A_260 : memref<40xi32, #tpu.memory_space<hbm>>) dst(%arg23 : memref<40xi32, #tpu.memory_space<vmem>>)
      %add3A_261 = arith.constant 800 : i32
      %add3A_262 = arith.addi %add3A_77, %add3A_261 : i32
      %dma_wait3A_263 = tpu.memref_slice %arg2[%add3A_262] : memref<320000xi32, #tpu.memory_space<hbm>> -> memref<40xi32, #tpu.memory_space<hbm>>
      %dma_wait3A_264 = tpu.memref_slice %arg2[%add3A_262] : memref<320000xi32, #tpu.memory_space<hbm>> -> memref<40xi32, #tpu.memory_space<hbm>>
      tpu.wait_dma2 semaphore(%arg32 : memref<!tpu.dma_semaphore, #tpu.memory_space<semaphore_mem>>) src(%dma_wait3A_264 : memref<40xi32, #tpu.memory_space<hbm>>) dst(%arg24 : memref<40xi32, #tpu.memory_space<vmem>>)
      %add3A_265 = arith.constant 840 : i32
      %add3A_266 = arith.addi %add3A_77, %add3A_265 : i32
      %dma_wait3A_267 = tpu.memref_slice %arg2[%add3A_266] : memref<320000xi32, #tpu.memory_space<hbm>> -> memref<40xi32, #tpu.memory_space<hbm>>
      %dma_wait3A_268 = tpu.memref_slice %arg2[%add3A_266] : memref<320000xi32, #tpu.memory_space<hbm>> -> memref<40xi32, #tpu.memory_space<hbm>>
      tpu.wait_dma2 semaphore(%arg32 : memref<!tpu.dma_semaphore, #tpu.memory_space<semaphore_mem>>) src(%dma_wait3A_268 : memref<40xi32, #tpu.memory_space<hbm>>) dst(%arg25 : memref<40xi32, #tpu.memory_space<vmem>>)
      %add3A_269 = arith.constant 880 : i32
      %add3A_270 = arith.addi %add3A_77, %add3A_269 : i32
      %dma_wait3A_271 = tpu.memref_slice %arg2[%add3A_270] : memref<320000xi32, #tpu.memory_space<hbm>> -> memref<40xi32, #tpu.memory_space<hbm>>
      %dma_wait3A_272 = tpu.memref_slice %arg2[%add3A_270] : memref<320000xi32, #tpu.memory_space<hbm>> -> memref<40xi32, #tpu.memory_space<hbm>>
      tpu.wait_dma2 semaphore(%arg32 : memref<!tpu.dma_semaphore, #tpu.memory_space<semaphore_mem>>) src(%dma_wait3A_272 : memref<40xi32, #tpu.memory_space<hbm>>) dst(%arg26 : memref<40xi32, #tpu.memory_space<vmem>>)
      %add3A_273 = arith.constant 920 : i32
      %add3A_274 = arith.addi %add3A_77, %add3A_273 : i32
      %dma_wait3A_275 = tpu.memref_slice %arg2[%add3A_274] : memref<320000xi32, #tpu.memory_space<hbm>> -> memref<40xi32, #tpu.memory_space<hbm>>
      %dma_wait3A_276 = tpu.memref_slice %arg2[%add3A_274] : memref<320000xi32, #tpu.memory_space<hbm>> -> memref<40xi32, #tpu.memory_space<hbm>>
      tpu.wait_dma2 semaphore(%arg32 : memref<!tpu.dma_semaphore, #tpu.memory_space<semaphore_mem>>) src(%dma_wait3A_276 : memref<40xi32, #tpu.memory_space<hbm>>) dst(%arg27 : memref<40xi32, #tpu.memory_space<vmem>>)
      %add3A_277 = arith.constant 960 : i32
      %add3A_278 = arith.addi %add3A_77, %add3A_277 : i32
      %dma_wait3A_279 = tpu.memref_slice %arg2[%add3A_278] : memref<320000xi32, #tpu.memory_space<hbm>> -> memref<40xi32, #tpu.memory_space<hbm>>
      %dma_wait3A_280 = tpu.memref_slice %arg2[%add3A_278] : memref<320000xi32, #tpu.memory_space<hbm>> -> memref<40xi32, #tpu.memory_space<hbm>>
      tpu.wait_dma2 semaphore(%arg32 : memref<!tpu.dma_semaphore, #tpu.memory_space<semaphore_mem>>) src(%dma_wait3A_280 : memref<40xi32, #tpu.memory_space<hbm>>) dst(%arg28 : memref<40xi32, #tpu.memory_space<vmem>>)
      %dma_start3A_281 = arith.constant 0 : i32
      %dma_start3A_282 = tpu.memref_slice %arg31[%dma_start3A_281] : memref<10000xf32, #tpu.memory_space<vmem_shared>> -> memref<10000xf32, #tpu.memory_space<vmem_shared>>
      tpu.enqueue_indirect_dma source(%arg29 : memref<40xf32, #tpu.memory_space<vmem>>) target(%dma_start3A_282 : memref<10000xf32, #tpu.memory_space<vmem_shared>>) offsets(%arg4 : memref<40xi32, #tpu.memory_space<vmem>>) semaphore(%arg33 : memref<!tpu.dma_semaphore, #tpu.memory_space<semaphore_mem>>) {add = true}
      %dma_start3A_283 = arith.constant 0 : i32
      %dma_start3A_284 = tpu.memref_slice %arg31[%dma_start3A_283] : memref<10000xf32, #tpu.memory_space<vmem_shared>> -> memref<10000xf32, #tpu.memory_space<vmem_shared>>
      tpu.enqueue_indirect_dma source(%arg29 : memref<40xf32, #tpu.memory_space<vmem>>) target(%dma_start3A_284 : memref<10000xf32, #tpu.memory_space<vmem_shared>>) offsets(%arg5 : memref<40xi32, #tpu.memory_space<vmem>>) semaphore(%arg33 : memref<!tpu.dma_semaphore, #tpu.memory_space<semaphore_mem>>) {add = true}
      %dma_start3A_285 = arith.constant 0 : i32
      %dma_start3A_286 = tpu.memref_slice %arg31[%dma_start3A_285] : memref<10000xf32, #tpu.memory_space<vmem_shared>> -> memref<10000xf32, #tpu.memory_space<vmem_shared>>
      tpu.enqueue_indirect_dma source(%arg29 : memref<40xf32, #tpu.memory_space<vmem>>) target(%dma_start3A_286 : memref<10000xf32, #tpu.memory_space<vmem_shared>>) offsets(%arg6 : memref<40xi32, #tpu.memory_space<vmem>>) semaphore(%arg33 : memref<!tpu.dma_semaphore, #tpu.memory_space<semaphore_mem>>) {add = true}
      %dma_start3A_287 = arith.constant 0 : i32
      %dma_start3A_288 = tpu.memref_slice %arg31[%dma_start3A_287] : memref<10000xf32, #tpu.memory_space<vmem_shared>> -> memref<10000xf32, #tpu.memory_space<vmem_shared>>
      tpu.enqueue_indirect_dma source(%arg29 : memref<40xf32, #tpu.memory_space<vmem>>) target(%dma_start3A_288 : memref<10000xf32, #tpu.memory_space<vmem_shared>>) offsets(%arg7 : memref<40xi32, #tpu.memory_space<vmem>>) semaphore(%arg33 : memref<!tpu.dma_semaphore, #tpu.memory_space<semaphore_mem>>) {add = true}
      %dma_start3A_289 = arith.constant 0 : i32
      %dma_start3A_290 = tpu.memref_slice %arg31[%dma_start3A_289] : memref<10000xf32, #tpu.memory_space<vmem_shared>> -> memref<10000xf32, #tpu.memory_space<vmem_shared>>
      tpu.enqueue_indirect_dma source(%arg29 : memref<40xf32, #tpu.memory_space<vmem>>) target(%dma_start3A_290 : memref<10000xf32, #tpu.memory_space<vmem_shared>>) offsets(%arg8 : memref<40xi32, #tpu.memory_space<vmem>>) semaphore(%arg33 : memref<!tpu.dma_semaphore, #tpu.memory_space<semaphore_mem>>) {add = true}
      %dma_start3A_291 = arith.constant 0 : i32
      %dma_start3A_292 = tpu.memref_slice %arg31[%dma_start3A_291] : memref<10000xf32, #tpu.memory_space<vmem_shared>> -> memref<10000xf32, #tpu.memory_space<vmem_shared>>
      tpu.enqueue_indirect_dma source(%arg29 : memref<40xf32, #tpu.memory_space<vmem>>) target(%dma_start3A_292 : memref<10000xf32, #tpu.memory_space<vmem_shared>>) offsets(%arg9 : memref<40xi32, #tpu.memory_space<vmem>>) semaphore(%arg33 : memref<!tpu.dma_semaphore, #tpu.memory_space<semaphore_mem>>) {add = true}
      %dma_start3A_293 = arith.constant 0 : i32
      %dma_start3A_294 = tpu.memref_slice %arg31[%dma_start3A_293] : memref<10000xf32, #tpu.memory_space<vmem_shared>> -> memref<10000xf32, #tpu.memory_space<vmem_shared>>
      tpu.enqueue_indirect_dma source(%arg29 : memref<40xf32, #tpu.memory_space<vmem>>) target(%dma_start3A_294 : memref<10000xf32, #tpu.memory_space<vmem_shared>>) offsets(%arg10 : memref<40xi32, #tpu.memory_space<vmem>>) semaphore(%arg33 : memref<!tpu.dma_semaphore, #tpu.memory_space<semaphore_mem>>) {add = true}
      %dma_start3A_295 = arith.constant 0 : i32
      %dma_start3A_296 = tpu.memref_slice %arg31[%dma_start3A_295] : memref<10000xf32, #tpu.memory_space<vmem_shared>> -> memref<10000xf32, #tpu.memory_space<vmem_shared>>
      tpu.enqueue_indirect_dma source(%arg29 : memref<40xf32, #tpu.memory_space<vmem>>) target(%dma_start3A_296 : memref<10000xf32, #tpu.memory_space<vmem_shared>>) offsets(%arg11 : memref<40xi32, #tpu.memory_space<vmem>>) semaphore(%arg33 : memref<!tpu.dma_semaphore, #tpu.memory_space<semaphore_mem>>) {add = true}
      %dma_start3A_297 = arith.constant 0 : i32
      %dma_start3A_298 = tpu.memref_slice %arg31[%dma_start3A_297] : memref<10000xf32, #tpu.memory_space<vmem_shared>> -> memref<10000xf32, #tpu.memory_space<vmem_shared>>
      tpu.enqueue_indirect_dma source(%arg29 : memref<40xf32, #tpu.memory_space<vmem>>) target(%dma_start3A_298 : memref<10000xf32, #tpu.memory_space<vmem_shared>>) offsets(%arg12 : memref<40xi32, #tpu.memory_space<vmem>>) semaphore(%arg33 : memref<!tpu.dma_semaphore, #tpu.memory_space<semaphore_mem>>) {add = true}
      %dma_start3A_299 = arith.constant 0 : i32
      %dma_start3A_300 = tpu.memref_slice %arg31[%dma_start3A_299] : memref<10000xf32, #tpu.memory_space<vmem_shared>> -> memref<10000xf32, #tpu.memory_space<vmem_shared>>
      tpu.enqueue_indirect_dma source(%arg29 : memref<40xf32, #tpu.memory_space<vmem>>) target(%dma_start3A_300 : memref<10000xf32, #tpu.memory_space<vmem_shared>>) offsets(%arg13 : memref<40xi32, #tpu.memory_space<vmem>>) semaphore(%arg33 : memref<!tpu.dma_semaphore, #tpu.memory_space<semaphore_mem>>) {add = true}
      %dma_start3A_301 = arith.constant 0 : i32
      %dma_start3A_302 = tpu.memref_slice %arg31[%dma_start3A_301] : memref<10000xf32, #tpu.memory_space<vmem_shared>> -> memref<10000xf32, #tpu.memory_space<vmem_shared>>
      tpu.enqueue_indirect_dma source(%arg29 : memref<40xf32, #tpu.memory_space<vmem>>) target(%dma_start3A_302 : memref<10000xf32, #tpu.memory_space<vmem_shared>>) offsets(%arg14 : memref<40xi32, #tpu.memory_space<vmem>>) semaphore(%arg33 : memref<!tpu.dma_semaphore, #tpu.memory_space<semaphore_mem>>) {add = true}
      %dma_start3A_303 = arith.constant 0 : i32
      %dma_start3A_304 = tpu.memref_slice %arg31[%dma_start3A_303] : memref<10000xf32, #tpu.memory_space<vmem_shared>> -> memref<10000xf32, #tpu.memory_space<vmem_shared>>
      tpu.enqueue_indirect_dma source(%arg29 : memref<40xf32, #tpu.memory_space<vmem>>) target(%dma_start3A_304 : memref<10000xf32, #tpu.memory_space<vmem_shared>>) offsets(%arg15 : memref<40xi32, #tpu.memory_space<vmem>>) semaphore(%arg33 : memref<!tpu.dma_semaphore, #tpu.memory_space<semaphore_mem>>) {add = true}
      %dma_start3A_305 = arith.constant 0 : i32
      %dma_start3A_306 = tpu.memref_slice %arg31[%dma_start3A_305] : memref<10000xf32, #tpu.memory_space<vmem_shared>> -> memref<10000xf32, #tpu.memory_space<vmem_shared>>
      tpu.enqueue_indirect_dma source(%arg29 : memref<40xf32, #tpu.memory_space<vmem>>) target(%dma_start3A_306 : memref<10000xf32, #tpu.memory_space<vmem_shared>>) offsets(%arg16 : memref<40xi32, #tpu.memory_space<vmem>>) semaphore(%arg33 : memref<!tpu.dma_semaphore, #tpu.memory_space<semaphore_mem>>) {add = true}
      %dma_start3A_307 = arith.constant 0 : i32
      %dma_start3A_308 = tpu.memref_slice %arg31[%dma_start3A_307] : memref<10000xf32, #tpu.memory_space<vmem_shared>> -> memref<10000xf32, #tpu.memory_space<vmem_shared>>
      tpu.enqueue_indirect_dma source(%arg29 : memref<40xf32, #tpu.memory_space<vmem>>) target(%dma_start3A_308 : memref<10000xf32, #tpu.memory_space<vmem_shared>>) offsets(%arg17 : memref<40xi32, #tpu.memory_space<vmem>>) semaphore(%arg33 : memref<!tpu.dma_semaphore, #tpu.memory_space<semaphore_mem>>) {add = true}
      %dma_start3A_309 = arith.constant 0 : i32
      %dma_start3A_310 = tpu.memref_slice %arg31[%dma_start3A_309] : memref<10000xf32, #tpu.memory_space<vmem_shared>> -> memref<10000xf32, #tpu.memory_space<vmem_shared>>
      tpu.enqueue_indirect_dma source(%arg29 : memref<40xf32, #tpu.memory_space<vmem>>) target(%dma_start3A_310 : memref<10000xf32, #tpu.memory_space<vmem_shared>>) offsets(%arg18 : memref<40xi32, #tpu.memory_space<vmem>>) semaphore(%arg33 : memref<!tpu.dma_semaphore, #tpu.memory_space<semaphore_mem>>) {add = true}
      %dma_start3A_311 = arith.constant 0 : i32
      %dma_start3A_312 = tpu.memref_slice %arg31[%dma_start3A_311] : memref<10000xf32, #tpu.memory_space<vmem_shared>> -> memref<10000xf32, #tpu.memory_space<vmem_shared>>
      tpu.enqueue_indirect_dma source(%arg29 : memref<40xf32, #tpu.memory_space<vmem>>) target(%dma_start3A_312 : memref<10000xf32, #tpu.memory_space<vmem_shared>>) offsets(%arg19 : memref<40xi32, #tpu.memory_space<vmem>>) semaphore(%arg33 : memref<!tpu.dma_semaphore, #tpu.memory_space<semaphore_mem>>) {add = true}
      %dma_start3A_313 = arith.constant 0 : i32
      %dma_start3A_314 = tpu.memref_slice %arg31[%dma_start3A_313] : memref<10000xf32, #tpu.memory_space<vmem_shared>> -> memref<10000xf32, #tpu.memory_space<vmem_shared>>
      tpu.enqueue_indirect_dma source(%arg29 : memref<40xf32, #tpu.memory_space<vmem>>) target(%dma_start3A_314 : memref<10000xf32, #tpu.memory_space<vmem_shared>>) offsets(%arg20 : memref<40xi32, #tpu.memory_space<vmem>>) semaphore(%arg33 : memref<!tpu.dma_semaphore, #tpu.memory_space<semaphore_mem>>) {add = true}
      %dma_start3A_315 = arith.constant 0 : i32
      %dma_start3A_316 = tpu.memref_slice %arg31[%dma_start3A_315] : memref<10000xf32, #tpu.memory_space<vmem_shared>> -> memref<10000xf32, #tpu.memory_space<vmem_shared>>
      tpu.enqueue_indirect_dma source(%arg29 : memref<40xf32, #tpu.memory_space<vmem>>) target(%dma_start3A_316 : memref<10000xf32, #tpu.memory_space<vmem_shared>>) offsets(%arg21 : memref<40xi32, #tpu.memory_space<vmem>>) semaphore(%arg33 : memref<!tpu.dma_semaphore, #tpu.memory_space<semaphore_mem>>) {add = true}
      %dma_start3A_317 = arith.constant 0 : i32
      %dma_start3A_318 = tpu.memref_slice %arg31[%dma_start3A_317] : memref<10000xf32, #tpu.memory_space<vmem_shared>> -> memref<10000xf32, #tpu.memory_space<vmem_shared>>
      tpu.enqueue_indirect_dma source(%arg29 : memref<40xf32, #tpu.memory_space<vmem>>) target(%dma_start3A_318 : memref<10000xf32, #tpu.memory_space<vmem_shared>>) offsets(%arg22 : memref<40xi32, #tpu.memory_space<vmem>>) semaphore(%arg33 : memref<!tpu.dma_semaphore, #tpu.memory_space<semaphore_mem>>) {add = true}
      %dma_start3A_319 = arith.constant 0 : i32
      %dma_start3A_320 = tpu.memref_slice %arg31[%dma_start3A_319] : memref<10000xf32, #tpu.memory_space<vmem_shared>> -> memref<10000xf32, #tpu.memory_space<vmem_shared>>
      tpu.enqueue_indirect_dma source(%arg29 : memref<40xf32, #tpu.memory_space<vmem>>) target(%dma_start3A_320 : memref<10000xf32, #tpu.memory_space<vmem_shared>>) offsets(%arg23 : memref<40xi32, #tpu.memory_space<vmem>>) semaphore(%arg33 : memref<!tpu.dma_semaphore, #tpu.memory_space<semaphore_mem>>) {add = true}
      %dma_start3A_321 = arith.constant 0 : i32
      %dma_start3A_322 = tpu.memref_slice %arg31[%dma_start3A_321] : memref<10000xf32, #tpu.memory_space<vmem_shared>> -> memref<10000xf32, #tpu.memory_space<vmem_shared>>
      tpu.enqueue_indirect_dma source(%arg29 : memref<40xf32, #tpu.memory_space<vmem>>) target(%dma_start3A_322 : memref<10000xf32, #tpu.memory_space<vmem_shared>>) offsets(%arg24 : memref<40xi32, #tpu.memory_space<vmem>>) semaphore(%arg33 : memref<!tpu.dma_semaphore, #tpu.memory_space<semaphore_mem>>) {add = true}
      %dma_start3A_323 = arith.constant 0 : i32
      %dma_start3A_324 = tpu.memref_slice %arg31[%dma_start3A_323] : memref<10000xf32, #tpu.memory_space<vmem_shared>> -> memref<10000xf32, #tpu.memory_space<vmem_shared>>
      tpu.enqueue_indirect_dma source(%arg29 : memref<40xf32, #tpu.memory_space<vmem>>) target(%dma_start3A_324 : memref<10000xf32, #tpu.memory_space<vmem_shared>>) offsets(%arg25 : memref<40xi32, #tpu.memory_space<vmem>>) semaphore(%arg33 : memref<!tpu.dma_semaphore, #tpu.memory_space<semaphore_mem>>) {add = true}
      %dma_start3A_325 = arith.constant 0 : i32
      %dma_start3A_326 = tpu.memref_slice %arg31[%dma_start3A_325] : memref<10000xf32, #tpu.memory_space<vmem_shared>> -> memref<10000xf32, #tpu.memory_space<vmem_shared>>
      tpu.enqueue_indirect_dma source(%arg29 : memref<40xf32, #tpu.memory_space<vmem>>) target(%dma_start3A_326 : memref<10000xf32, #tpu.memory_space<vmem_shared>>) offsets(%arg26 : memref<40xi32, #tpu.memory_space<vmem>>) semaphore(%arg33 : memref<!tpu.dma_semaphore, #tpu.memory_space<semaphore_mem>>) {add = true}
      %dma_start3A_327 = arith.constant 0 : i32
      %dma_start3A_328 = tpu.memref_slice %arg31[%dma_start3A_327] : memref<10000xf32, #tpu.memory_space<vmem_shared>> -> memref<10000xf32, #tpu.memory_space<vmem_shared>>
      tpu.enqueue_indirect_dma source(%arg29 : memref<40xf32, #tpu.memory_space<vmem>>) target(%dma_start3A_328 : memref<10000xf32, #tpu.memory_space<vmem_shared>>) offsets(%arg27 : memref<40xi32, #tpu.memory_space<vmem>>) semaphore(%arg33 : memref<!tpu.dma_semaphore, #tpu.memory_space<semaphore_mem>>) {add = true}
      %dma_start3A_329 = arith.constant 0 : i32
      %dma_start3A_330 = tpu.memref_slice %arg31[%dma_start3A_329] : memref<10000xf32, #tpu.memory_space<vmem_shared>> -> memref<10000xf32, #tpu.memory_space<vmem_shared>>
      tpu.enqueue_indirect_dma source(%arg29 : memref<40xf32, #tpu.memory_space<vmem>>) target(%dma_start3A_330 : memref<10000xf32, #tpu.memory_space<vmem_shared>>) offsets(%arg28 : memref<40xi32, #tpu.memory_space<vmem>>) semaphore(%arg33 : memref<!tpu.dma_semaphore, #tpu.memory_space<semaphore_mem>>) {add = true}
    }
    %scan3A_14 = arith.constant 10 : i32
    %dma_wait3A = arith.constant 0 : i32
    %dma_wait3A_15 = tpu.memref_slice %arg31[%dma_wait3A] : memref<10000xf32, #tpu.memory_space<vmem_shared>> -> memref<10000xf32, #tpu.memory_space<vmem_shared>>
    tpu.wait_indirect_dma semaphore(%arg33 : memref<!tpu.dma_semaphore, #tpu.memory_space<semaphore_mem>>) src(%arg29 : memref<40xf32, #tpu.memory_space<vmem>>) dst(%dma_wait3A_15 : memref<10000xf32, #tpu.memory_space<vmem_shared>>)
    %dma_wait3A_16 = arith.constant 0 : i32
    %dma_wait3A_17 = tpu.memref_slice %arg31[%dma_wait3A_16] : memref<10000xf32, #tpu.memory_space<vmem_shared>> -> memref<10000xf32, #tpu.memory_space<vmem_shared>>
    tpu.wait_indirect_dma semaphore(%arg33 : memref<!tpu.dma_semaphore, #tpu.memory_space<semaphore_mem>>) src(%arg29 : memref<40xf32, #tpu.memory_space<vmem>>) dst(%dma_wait3A_17 : memref<10000xf32, #tpu.memory_space<vmem_shared>>)
    %dma_wait3A_18 = arith.constant 0 : i32
    %dma_wait3A_19 = tpu.memref_slice %arg31[%dma_wait3A_18] : memref<10000xf32, #tpu.memory_space<vmem_shared>> -> memref<10000xf32, #tpu.memory_space<vmem_shared>>
    tpu.wait_indirect_dma semaphore(%arg33 : memref<!tpu.dma_semaphore, #tpu.memory_space<semaphore_mem>>) src(%arg29 : memref<40xf32, #tpu.memory_space<vmem>>) dst(%dma_wait3A_19 : memref<10000xf32, #tpu.memory_space<vmem_shared>>)
    %dma_wait3A_20 = arith.constant 0 : i32
    %dma_wait3A_21 = tpu.memref_slice %arg31[%dma_wait3A_20] : memref<10000xf32, #tpu.memory_space<vmem_shared>> -> memref<10000xf32, #tpu.memory_space<vmem_shared>>
    tpu.wait_indirect_dma semaphore(%arg33 : memref<!tpu.dma_semaphore, #tpu.memory_space<semaphore_mem>>) src(%arg29 : memref<40xf32, #tpu.memory_space<vmem>>) dst(%dma_wait3A_21 : memref<10000xf32, #tpu.memory_space<vmem_shared>>)
    %dma_wait3A_22 = arith.constant 0 : i32
    %dma_wait3A_23 = tpu.memref_slice %arg31[%dma_wait3A_22] : memref<10000xf32, #tpu.memory_space<vmem_shared>> -> memref<10000xf32, #tpu.memory_space<vmem_shared>>
    tpu.wait_indirect_dma semaphore(%arg33 : memref<!tpu.dma_semaphore, #tpu.memory_space<semaphore_mem>>) src(%arg29 : memref<40xf32, #tpu.memory_space<vmem>>) dst(%dma_wait3A_23 : memref<10000xf32, #tpu.memory_space<vmem_shared>>)
    %dma_wait3A_24 = arith.constant 0 : i32
    %dma_wait3A_25 = tpu.memref_slice %arg31[%dma_wait3A_24] : memref<10000xf32, #tpu.memory_space<vmem_shared>> -> memref<10000xf32, #tpu.memory_space<vmem_shared>>
    tpu.wait_indirect_dma semaphore(%arg33 : memref<!tpu.dma_semaphore, #tpu.memory_space<semaphore_mem>>) src(%arg29 : memref<40xf32, #tpu.memory_space<vmem>>) dst(%dma_wait3A_25 : memref<10000xf32, #tpu.memory_space<vmem_shared>>)
    %dma_wait3A_26 = arith.constant 0 : i32
    %dma_wait3A_27 = tpu.memref_slice %arg31[%dma_wait3A_26] : memref<10000xf32, #tpu.memory_space<vmem_shared>> -> memref<10000xf32, #tpu.memory_space<vmem_shared>>
    tpu.wait_indirect_dma semaphore(%arg33 : memref<!tpu.dma_semaphore, #tpu.memory_space<semaphore_mem>>) src(%arg29 : memref<40xf32, #tpu.memory_space<vmem>>) dst(%dma_wait3A_27 : memref<10000xf32, #tpu.memory_space<vmem_shared>>)
    %dma_wait3A_28 = arith.constant 0 : i32
    %dma_wait3A_29 = tpu.memref_slice %arg31[%dma_wait3A_28] : memref<10000xf32, #tpu.memory_space<vmem_shared>> -> memref<10000xf32, #tpu.memory_space<vmem_shared>>
    tpu.wait_indirect_dma semaphore(%arg33 : memref<!tpu.dma_semaphore, #tpu.memory_space<semaphore_mem>>) src(%arg29 : memref<40xf32, #tpu.memory_space<vmem>>) dst(%dma_wait3A_29 : memref<10000xf32, #tpu.memory_space<vmem_shared>>)
    %dma_wait3A_30 = arith.constant 0 : i32
    %dma_wait3A_31 = tpu.memref_slice %arg31[%dma_wait3A_30] : memref<10000xf32, #tpu.memory_space<vmem_shared>> -> memref<10000xf32, #tpu.memory_space<vmem_shared>>
    tpu.wait_indirect_dma semaphore(%arg33 : memref<!tpu.dma_semaphore, #tpu.memory_space<semaphore_mem>>) src(%arg29 : memref<40xf32, #tpu.memory_space<vmem>>) dst(%dma_wait3A_31 : memref<10000xf32, #tpu.memory_space<vmem_shared>>)
    %dma_wait3A_32 = arith.constant 0 : i32
    %dma_wait3A_33 = tpu.memref_slice %arg31[%dma_wait3A_32] : memref<10000xf32, #tpu.memory_space<vmem_shared>> -> memref<10000xf32, #tpu.memory_space<vmem_shared>>
    tpu.wait_indirect_dma semaphore(%arg33 : memref<!tpu.dma_semaphore, #tpu.memory_space<semaphore_mem>>) src(%arg29 : memref<40xf32, #tpu.memory_space<vmem>>) dst(%dma_wait3A_33 : memref<10000xf32, #tpu.memory_space<vmem_shared>>)
    %dma_wait3A_34 = arith.constant 0 : i32
    %dma_wait3A_35 = tpu.memref_slice %arg31[%dma_wait3A_34] : memref<10000xf32, #tpu.memory_space<vmem_shared>> -> memref<10000xf32, #tpu.memory_space<vmem_shared>>
    tpu.wait_indirect_dma semaphore(%arg33 : memref<!tpu.dma_semaphore, #tpu.memory_space<semaphore_mem>>) src(%arg29 : memref<40xf32, #tpu.memory_space<vmem>>) dst(%dma_wait3A_35 : memref<10000xf32, #tpu.memory_space<vmem_shared>>)
    %dma_wait3A_36 = arith.constant 0 : i32
    %dma_wait3A_37 = tpu.memref_slice %arg31[%dma_wait3A_36] : memref<10000xf32, #tpu.memory_space<vmem_shared>> -> memref<10000xf32, #tpu.memory_space<vmem_shared>>
    tpu.wait_indirect_dma semaphore(%arg33 : memref<!tpu.dma_semaphore, #tpu.memory_space<semaphore_mem>>) src(%arg29 : memref<40xf32, #tpu.memory_space<vmem>>) dst(%dma_wait3A_37 : memref<10000xf32, #tpu.memory_space<vmem_shared>>)
    %dma_wait3A_38 = arith.constant 0 : i32
    %dma_wait3A_39 = tpu.memref_slice %arg31[%dma_wait3A_38] : memref<10000xf32, #tpu.memory_space<vmem_shared>> -> memref<10000xf32, #tpu.memory_space<vmem_shared>>
    tpu.wait_indirect_dma semaphore(%arg33 : memref<!tpu.dma_semaphore, #tpu.memory_space<semaphore_mem>>) src(%arg29 : memref<40xf32, #tpu.memory_space<vmem>>) dst(%dma_wait3A_39 : memref<10000xf32, #tpu.memory_space<vmem_shared>>)
    %dma_wait3A_40 = arith.constant 0 : i32
    %dma_wait3A_41 = tpu.memref_slice %arg31[%dma_wait3A_40] : memref<10000xf32, #tpu.memory_space<vmem_shared>> -> memref<10000xf32, #tpu.memory_space<vmem_shared>>
    tpu.wait_indirect_dma semaphore(%arg33 : memref<!tpu.dma_semaphore, #tpu.memory_space<semaphore_mem>>) src(%arg29 : memref<40xf32, #tpu.memory_space<vmem>>) dst(%dma_wait3A_41 : memref<10000xf32, #tpu.memory_space<vmem_shared>>)
    %dma_wait3A_42 = arith.constant 0 : i32
    %dma_wait3A_43 = tpu.memref_slice %arg31[%dma_wait3A_42] : memref<10000xf32, #tpu.memory_space<vmem_shared>> -> memref<10000xf32, #tpu.memory_space<vmem_shared>>
    tpu.wait_indirect_dma semaphore(%arg33 : memref<!tpu.dma_semaphore, #tpu.memory_space<semaphore_mem>>) src(%arg29 : memref<40xf32, #tpu.memory_space<vmem>>) dst(%dma_wait3A_43 : memref<10000xf32, #tpu.memory_space<vmem_shared>>)
    %dma_wait3A_44 = arith.constant 0 : i32
    %dma_wait3A_45 = tpu.memref_slice %arg31[%dma_wait3A_44] : memref<10000xf32, #tpu.memory_space<vmem_shared>> -> memref<10000xf32, #tpu.memory_space<vmem_shared>>
    tpu.wait_indirect_dma semaphore(%arg33 : memref<!tpu.dma_semaphore, #tpu.memory_space<semaphore_mem>>) src(%arg29 : memref<40xf32, #tpu.memory_space<vmem>>) dst(%dma_wait3A_45 : memref<10000xf32, #tpu.memory_space<vmem_shared>>)
    %dma_wait3A_46 = arith.constant 0 : i32
    %dma_wait3A_47 = tpu.memref_slice %arg31[%dma_wait3A_46] : memref<10000xf32, #tpu.memory_space<vmem_shared>> -> memref<10000xf32, #tpu.memory_space<vmem_shared>>
    tpu.wait_indirect_dma semaphore(%arg33 : memref<!tpu.dma_semaphore, #tpu.memory_space<semaphore_mem>>) src(%arg29 : memref<40xf32, #tpu.memory_space<vmem>>) dst(%dma_wait3A_47 : memref<10000xf32, #tpu.memory_space<vmem_shared>>)
    %dma_wait3A_48 = arith.constant 0 : i32
    %dma_wait3A_49 = tpu.memref_slice %arg31[%dma_wait3A_48] : memref<10000xf32, #tpu.memory_space<vmem_shared>> -> memref<10000xf32, #tpu.memory_space<vmem_shared>>
    tpu.wait_indirect_dma semaphore(%arg33 : memref<!tpu.dma_semaphore, #tpu.memory_space<semaphore_mem>>) src(%arg29 : memref<40xf32, #tpu.memory_space<vmem>>) dst(%dma_wait3A_49 : memref<10000xf32, #tpu.memory_space<vmem_shared>>)
    %dma_wait3A_50 = arith.constant 0 : i32
    %dma_wait3A_51 = tpu.memref_slice %arg31[%dma_wait3A_50] : memref<10000xf32, #tpu.memory_space<vmem_shared>> -> memref<10000xf32, #tpu.memory_space<vmem_shared>>
    tpu.wait_indirect_dma semaphore(%arg33 : memref<!tpu.dma_semaphore, #tpu.memory_space<semaphore_mem>>) src(%arg29 : memref<40xf32, #tpu.memory_space<vmem>>) dst(%dma_wait3A_51 : memref<10000xf32, #tpu.memory_space<vmem_shared>>)
    %dma_wait3A_52 = arith.constant 0 : i32
    %dma_wait3A_53 = tpu.memref_slice %arg31[%dma_wait3A_52] : memref<10000xf32, #tpu.memory_space<vmem_shared>> -> memref<10000xf32, #tpu.memory_space<vmem_shared>>
    tpu.wait_indirect_dma semaphore(%arg33 : memref<!tpu.dma_semaphore, #tpu.memory_space<semaphore_mem>>) src(%arg29 : memref<40xf32, #tpu.memory_space<vmem>>) dst(%dma_wait3A_53 : memref<10000xf32, #tpu.memory_space<vmem_shared>>)
    %dma_wait3A_54 = arith.constant 0 : i32
    %dma_wait3A_55 = tpu.memref_slice %arg31[%dma_wait3A_54] : memref<10000xf32, #tpu.memory_space<vmem_shared>> -> memref<10000xf32, #tpu.memory_space<vmem_shared>>
    tpu.wait_indirect_dma semaphore(%arg33 : memref<!tpu.dma_semaphore, #tpu.memory_space<semaphore_mem>>) src(%arg29 : memref<40xf32, #tpu.memory_space<vmem>>) dst(%dma_wait3A_55 : memref<10000xf32, #tpu.memory_space<vmem_shared>>)
    %dma_wait3A_56 = arith.constant 0 : i32
    %dma_wait3A_57 = tpu.memref_slice %arg31[%dma_wait3A_56] : memref<10000xf32, #tpu.memory_space<vmem_shared>> -> memref<10000xf32, #tpu.memory_space<vmem_shared>>
    tpu.wait_indirect_dma semaphore(%arg33 : memref<!tpu.dma_semaphore, #tpu.memory_space<semaphore_mem>>) src(%arg29 : memref<40xf32, #tpu.memory_space<vmem>>) dst(%dma_wait3A_57 : memref<10000xf32, #tpu.memory_space<vmem_shared>>)
    %dma_wait3A_58 = arith.constant 0 : i32
    %dma_wait3A_59 = tpu.memref_slice %arg31[%dma_wait3A_58] : memref<10000xf32, #tpu.memory_space<vmem_shared>> -> memref<10000xf32, #tpu.memory_space<vmem_shared>>
    tpu.wait_indirect_dma semaphore(%arg33 : memref<!tpu.dma_semaphore, #tpu.memory_space<semaphore_mem>>) src(%arg29 : memref<40xf32, #tpu.memory_space<vmem>>) dst(%dma_wait3A_59 : memref<10000xf32, #tpu.memory_space<vmem_shared>>)
    %dma_wait3A_60 = arith.constant 0 : i32
    %dma_wait3A_61 = tpu.memref_slice %arg31[%dma_wait3A_60] : memref<10000xf32, #tpu.memory_space<vmem_shared>> -> memref<10000xf32, #tpu.memory_space<vmem_shared>>
    tpu.wait_indirect_dma semaphore(%arg33 : memref<!tpu.dma_semaphore, #tpu.memory_space<semaphore_mem>>) src(%arg29 : memref<40xf32, #tpu.memory_space<vmem>>) dst(%dma_wait3A_61 : memref<10000xf32, #tpu.memory_space<vmem_shared>>)
    %dma_wait3A_62 = arith.constant 0 : i32
    %dma_wait3A_63 = tpu.memref_slice %arg31[%dma_wait3A_62] : memref<10000xf32, #tpu.memory_space<vmem_shared>> -> memref<10000xf32, #tpu.memory_space<vmem_shared>>
    tpu.wait_indirect_dma semaphore(%arg33 : memref<!tpu.dma_semaphore, #tpu.memory_space<semaphore_mem>>) src(%arg29 : memref<40xf32, #tpu.memory_space<vmem>>) dst(%dma_wait3A_63 : memref<10000xf32, #tpu.memory_space<vmem_shared>>)
    %barrier3A_64 = arith.constant 0 : index
    tpu.barrier barrier_id(%barrier3A_64)
    %eq3A_65 = arith.constant 0 : i32
    %eq3A_66 = arith.cmpi eq, %arg1, %eq3A_65 : i32
    %convert_element_type3A_67 = arith.extui %eq3A_66 : i1 to i32
    %cond3A_68 = arith.constant 0 : i32
    %cond3A_69 = arith.cmpi ne, %convert_element_type3A_67, %cond3A_68 : i32
    scf.if %cond3A_69 {
      "tpu.region"() ({
        %run_scoped3A = tpu.sem_alloc : memref<!tpu.dma_semaphore, #tpu.memory_space<semaphore_mem>>
        %dma_start3A = arith.constant 0 : i32
        %dma_start3A_70 = tpu.memref_slice %arg3[%arg0, %dma_start3A] : memref<2x10000xf32, #tpu.memory_space<hbm>> -> memref<1x10000xf32, #tpu.memory_space<hbm>>
        %dma_start3A_71 = tpu.memref_squeeze %dma_start3A_70 : memref<1x10000xf32, #tpu.memory_space<hbm>> -> memref<10000xf32, #tpu.memory_space<hbm>>
        tpu.enqueue_dma source(%arg31 : memref<10000xf32, #tpu.memory_space<vmem_shared>>) target(%dma_start3A_71 : memref<10000xf32, #tpu.memory_space<hbm>>) target_semaphore(%run_scoped3A : memref<!tpu.dma_semaphore, #tpu.memory_space<semaphore_mem>>)
        %dma_wait3A_72 = arith.constant 0 : i32
        %dma_wait3A_73 = tpu.memref_slice %arg3[%arg0, %dma_wait3A_72] : memref<2x10000xf32, #tpu.memory_space<hbm>> -> memref<1x10000xf32, #tpu.memory_space<hbm>>
        %dma_wait3A_74 = tpu.memref_squeeze %dma_wait3A_73 : memref<1x10000xf32, #tpu.memory_space<hbm>> -> memref<10000xf32, #tpu.memory_space<hbm>>
        tpu.wait_dma2 semaphore(%run_scoped3A : memref<!tpu.dma_semaphore, #tpu.memory_space<semaphore_mem>>) src(%arg31 : memref<10000xf32, #tpu.memory_space<vmem_shared>>) dst(%dma_wait3A_74 : memref<10000xf32, #tpu.memory_space<hbm>>)
        tpu.yield
      }) : () -> ()
    } else {
    }
    return
  }
}

#map = affine_map<(d0, d1) -> (0, 0)>
#map1 = affine_map<(d0, d1) -> (0)>
#map2 = affine_map<(d0, d1) -> (0, 0, 0)>
module attributes {stable_mosaic.version = 14 : i64} {
  func.func @k(%arg0: i32, %arg1: i32, %arg2: memref<10000x128xf32, #tpu.memory_space<hbm>>, %arg3: memref<320000xi32, #tpu.memory_space<hbm>>, %arg4: memref<320000xi32, #tpu.memory_space<hbm>>, %arg5: memref<2x10000x128xf32, #tpu.memory_space<hbm>>, %arg6: memref<40xi32, #tpu.memory_space<vmem>>, %arg7: memref<40xi32, #tpu.memory_space<vmem>>, %arg8: memref<40xi32, #tpu.memory_space<vmem>>, %arg9: memref<40xi32, #tpu.memory_space<vmem>>, %arg10: memref<40xi32, #tpu.memory_space<vmem>>, %arg11: memref<40xi32, #tpu.memory_space<vmem>>, %arg12: memref<40xi32, #tpu.memory_space<vmem>>, %arg13: memref<40xi32, #tpu.memory_space<vmem>>, %arg14: memref<40xi32, #tpu.memory_space<vmem>>, %arg15: memref<40xi32, #tpu.memory_space<vmem>>, %arg16: memref<40xi32, #tpu.memory_space<vmem>>, %arg17: memref<40xi32, #tpu.memory_space<vmem>>, %arg18: memref<40xi32, #tpu.memory_space<vmem>>, %arg19: memref<40xi32, #tpu.memory_space<vmem>>, %arg20: memref<40xi32, #tpu.memory_space<vmem>>, %arg21: memref<40xi32, #tpu.memory_space<vmem>>, %arg22: memref<40xi32, #tpu.memory_space<vmem>>, %arg23: memref<40xi32, #tpu.memory_space<vmem>>, %arg24: memref<40xi32, #tpu.memory_space<vmem>>, %arg25: memref<40xi32, #tpu.memory_space<vmem>>, %arg26: memref<40x128xf32, #tpu.memory_space<vmem>>, %arg27: memref<40x128xf32, #tpu.memory_space<vmem>>, %arg28: memref<40x128xf32, #tpu.memory_space<vmem>>, %arg29: memref<40x128xf32, #tpu.memory_space<vmem>>, %arg30: memref<40x128xf32, #tpu.memory_space<vmem>>, %arg31: memref<156x128xf32, #tpu.memory_space<vmem>>, %arg32: memref<10000x128xf32, #tpu.memory_space<vmem_shared>>, %arg33: memref<!tpu.dma_semaphore, #tpu.memory_space<semaphore_mem>>, %arg34: memref<!tpu.dma_semaphore, #tpu.memory_space<semaphore_mem>>, %arg35: memref<!tpu.dma_semaphore, #tpu.memory_space<semaphore_mem>>) attributes {dimension_semantics = [#tpu.dimension_semantics<core_parallel>, #tpu.dimension_semantics<subcore_parallel>], iteration_bounds = array<i64: 2, 16>, scalar_prefetch = 0 : i64, scratch_operands = 30 : i64, tpu.core_type = #tpu.core_type<sc_vector_subcore>, window_params = [{transform_indices = #map}, {transform_indices = #map1}, {transform_indices = #map1}, {transform_indices = #map2}]} {
    %broadcast_in_dim3A = arith.constant 0.000000e+00 : f32
    %broadcast_in_dim3A_0 = vector.broadcast %broadcast_in_dim3A : f32 to vector<16xf32>
    %scan3A = arith.constant 0 : i32
    %scan3A_1 = arith.constant 156 : i32
    %scan3A_2 = arith.addi %scan3A, %scan3A_1 : i32
    %scan3A_3 = arith.constant 1 : i32
    scf.for %scan3A_85 = %scan3A to %scan3A_2 step %scan3A_3  : i32 {
      %mul3A_86 = arith.constant 1 : i32
      %mul3A_87 = arith.muli %scan3A_85, %mul3A_86 : i32
      %add3A_88 = arith.constant 0 : i32
      %add3A_89 = arith.addi %add3A_88, %mul3A_87 : i32
      %scan3A_90 = arith.constant 0 : i32
      %scan3A_91 = arith.constant 8 : i32
      %scan3A_92 = arith.addi %scan3A_90, %scan3A_91 : i32
      %scan3A_93 = arith.constant 1 : i32
      scf.for %scan3A_95 = %scan3A_90 to %scan3A_92 step %scan3A_93  : i32 {
        %mul3A_96 = arith.constant 16 : i32
        %mul3A_97 = arith.muli %scan3A_95, %mul3A_96 : i32
        %add3A_98 = arith.constant 0 : i32
        %add3A_99 = arith.addi %add3A_98, %mul3A_97 : i32
        %swap3A = arith.index_cast %add3A_89 : i32 to index
        %swap3A_100 = arith.index_cast %add3A_99 : i32 to index
        %swap3A_101 = tpu.vector_load %arg31[%swap3A, %swap3A_100] {strides = array<i32>} : memref<156x128xf32, #tpu.memory_space<vmem>>, vector<1x16xf32>,
        %swap3A_102 = vector.shape_cast %swap3A_101 : vector<1x16xf32> to vector<16xf32>
        %swap3A_103 = vector.shape_cast %broadcast_in_dim3A_0 : vector<16xf32> to vector<1x16xf32>
        tpu.vector_store %arg31[%swap3A, %swap3A_100], %swap3A_103 {strides = array<i32>} : memref<156x128xf32, #tpu.memory_space<vmem>>, vector<1x16xf32>,
      }
      %scan3A_94 = arith.constant 8 : i32
    }
    %scan3A_4 = arith.constant 156 : i32
    %mul3A = arith.constant 624 : i32
    %mul3A_5 = arith.muli %arg1, %mul3A : i32
    %scan3A_6 = arith.constant 0 : i32
    %scan3A_7 = arith.constant 4 : i32
    %scan3A_8 = arith.addi %scan3A_6, %scan3A_7 : i32
    %scan3A_9 = arith.constant 1 : i32
    scf.for %scan3A_85 = %scan3A_6 to %scan3A_8 step %scan3A_9  : i32 {
      %mul3A_86 = arith.constant 1 : i32
      %mul3A_87 = arith.muli %scan3A_85, %mul3A_86 : i32
      %add3A_88 = arith.constant 0 : i32
      %add3A_89 = arith.addi %add3A_88, %mul3A_87 : i32
      %mul3A_90 = arith.constant 156 : i32
      %mul3A_91 = arith.muli %add3A_89, %mul3A_90 : i32
      %add3A_92 = arith.addi %mul3A_5, %mul3A_91 : i32
      "tpu.region"() ({
        %run_scoped3A = tpu.sem_alloc : memref<!tpu.dma_semaphore, #tpu.memory_space<semaphore_mem>>
        %dma_start3A_93 = arith.constant 0 : i32
        %dma_start3A_94 = tpu.memref_slice %arg32[%add3A_92, %dma_start3A_93] : memref<10000x128xf32, #tpu.memory_space<vmem_shared>> -> memref<156x128xf32, #tpu.memory_space<vmem_shared>>
        %dma_start3A_95 = arith.constant 0 : i32
        %dma_start3A_96 = tpu.memref_slice %arg32[%add3A_92, %dma_start3A_95] : memref<10000x128xf32, #tpu.memory_space<vmem_shared>> -> memref<156x128xf32, #tpu.memory_space<vmem_shared>>
        tpu.enqueue_dma source(%arg31 : memref<156x128xf32, #tpu.memory_space<vmem>>) target(%dma_start3A_96 : memref<156x128xf32, #tpu.memory_space<vmem_shared>>) target_semaphore(%run_scoped3A : memref<!tpu.dma_semaphore, #tpu.memory_space<semaphore_mem>>)
        %dma_wait3A_97 = arith.constant 0 : i32
        %dma_wait3A_98 = tpu.memref_slice %arg32[%add3A_92, %dma_wait3A_97] : memref<10000x128xf32, #tpu.memory_space<vmem_shared>> -> memref<156x128xf32, #tpu.memory_space<vmem_shared>>
        %dma_wait3A_99 = arith.constant 0 : i32
        %dma_wait3A_100 = tpu.memref_slice %arg32[%add3A_92, %dma_wait3A_99] : memref<10000x128xf32, #tpu.memory_space<vmem_shared>> -> memref<156x128xf32, #tpu.memory_space<vmem_shared>>
        tpu.wait_dma2 semaphore(%run_scoped3A : memref<!tpu.dma_semaphore, #tpu.memory_space<semaphore_mem>>) src(%arg31 : memref<156x128xf32, #tpu.memory_space<vmem>>) dst(%dma_wait3A_100 : memref<156x128xf32, #tpu.memory_space<vmem_shared>>)
        tpu.yield
      }) : () -> ()
    }
    %scan3A_10 = arith.constant 4 : i32
    %eq3A = arith.constant 0 : i32
    %eq3A_11 = arith.cmpi eq, %arg1, %eq3A : i32
    %convert_element_type3A = arith.extui %eq3A_11 : i1 to i32
    %cond3A = arith.constant 0 : i32
    %cond3A_12 = arith.cmpi ne, %convert_element_type3A, %cond3A : i32
    scf.if %cond3A_12 {
      "tpu.region"() ({
        %run_scoped3A = tpu.sem_alloc : memref<!tpu.dma_semaphore, #tpu.memory_space<semaphore_mem>>
        %dma_start3A_85 = arith.constant 0 : i32
        %dma_start3A_86 = arith.constant 0 : i32
        %dma_start3A_87 = tpu.memref_slice %arg31[%dma_start3A_85, %dma_start3A_86] : memref<156x128xf32, #tpu.memory_space<vmem>> -> memref<16x128xf32, #tpu.memory_space<vmem>>
        %dma_start3A_88 = arith.constant 9984 : i32
        %dma_start3A_89 = arith.constant 0 : i32
        %dma_start3A_90 = tpu.memref_slice %arg32[%dma_start3A_88, %dma_start3A_89] : memref<10000x128xf32, #tpu.memory_space<vmem_shared>> -> memref<16x128xf32, #tpu.memory_space<vmem_shared>>
        %dma_start3A_91 = arith.constant 9984 : i32
        %dma_start3A_92 = arith.constant 0 : i32
        %dma_start3A_93 = tpu.memref_slice %arg32[%dma_start3A_91, %dma_start3A_92] : memref<10000x128xf32, #tpu.memory_space<vmem_shared>> -> memref<16x128xf32, #tpu.memory_space<vmem_shared>>
        %dma_start3A_94 = arith.constant 0 : i32
        %dma_start3A_95 = arith.constant 0 : i32
        %dma_start3A_96 = tpu.memref_slice %arg31[%dma_start3A_94, %dma_start3A_95] : memref<156x128xf32, #tpu.memory_space<vmem>> -> memref<16x128xf32, #tpu.memory_space<vmem>>
        tpu.enqueue_dma source(%dma_start3A_96 : memref<16x128xf32, #tpu.memory_space<vmem>>) target(%dma_start3A_93 : memref<16x128xf32, #tpu.memory_space<vmem_shared>>) target_semaphore(%run_scoped3A : memref<!tpu.dma_semaphore, #tpu.memory_space<semaphore_mem>>)
        %dma_wait3A_97 = arith.constant 0 : i32
        %dma_wait3A_98 = arith.constant 0 : i32
        %dma_wait3A_99 = tpu.memref_slice %arg31[%dma_wait3A_97, %dma_wait3A_98] : memref<156x128xf32, #tpu.memory_space<vmem>> -> memref<16x128xf32, #tpu.memory_space<vmem>>
        %dma_wait3A_100 = arith.constant 9984 : i32
        %dma_wait3A_101 = arith.constant 0 : i32
        %dma_wait3A_102 = tpu.memref_slice %arg32[%dma_wait3A_100, %dma_wait3A_101] : memref<10000x128xf32, #tpu.memory_space<vmem_shared>> -> memref<16x128xf32, #tpu.memory_space<vmem_shared>>
        %dma_wait3A_103 = arith.constant 9984 : i32
        %dma_wait3A_104 = arith.constant 0 : i32
        %dma_wait3A_105 = tpu.memref_slice %arg32[%dma_wait3A_103, %dma_wait3A_104] : memref<10000x128xf32, #tpu.memory_space<vmem_shared>> -> memref<16x128xf32, #tpu.memory_space<vmem_shared>>
        %dma_wait3A_106 = arith.constant 0 : i32
        %dma_wait3A_107 = arith.constant 0 : i32
        %dma_wait3A_108 = tpu.memref_slice %arg31[%dma_wait3A_106, %dma_wait3A_107] : memref<156x128xf32, #tpu.memory_space<vmem>> -> memref<16x128xf32, #tpu.memory_space<vmem>>
        tpu.wait_dma2 semaphore(%run_scoped3A : memref<!tpu.dma_semaphore, #tpu.memory_space<semaphore_mem>>) src(%dma_wait3A_108 : memref<16x128xf32, #tpu.memory_space<vmem>>) dst(%dma_wait3A_105 : memref<16x128xf32, #tpu.memory_space<vmem_shared>>)
        tpu.yield
      }) : () -> ()
    } else {
    }
    %barrier3A = arith.constant 0 : index
    tpu.barrier barrier_id(%barrier3A)
    %mul3A_13 = arith.constant 16 : i32
    %mul3A_14 = arith.muli %arg0, %mul3A_13 : i32
    %add3A = arith.addi %mul3A_14, %arg1 : i32
    %mul3A_15 = arith.constant 10000 : i32
    %mul3A_16 = arith.muli %add3A, %mul3A_15 : i32
    %add3A_17 = arith.constant 0 : i32
    %add3A_18 = arith.addi %mul3A_16, %add3A_17 : i32
    %add3A_19 = arith.constant 0 : i32
    %add3A_20 = arith.addi %add3A_18, %add3A_19 : i32
    %dma_start3A = tpu.memref_slice %arg3[%add3A_20] : memref<320000xi32, #tpu.memory_space<hbm>> -> memref<40xi32, #tpu.memory_space<hbm>>
    %dma_start3A_21 = tpu.memref_slice %arg3[%add3A_20] : memref<320000xi32, #tpu.memory_space<hbm>> -> memref<40xi32, #tpu.memory_space<hbm>>
    tpu.enqueue_dma source(%dma_start3A_21 : memref<40xi32, #tpu.memory_space<hbm>>) target(%arg6 : memref<40xi32, #tpu.memory_space<vmem>>) target_semaphore(%arg33 : memref<!tpu.dma_semaphore, #tpu.memory_space<semaphore_mem>>)
    %add3A_22 = arith.constant 0 : i32
    %add3A_23 = arith.addi %add3A_18, %add3A_22 : i32
    %dma_start3A_24 = tpu.memref_slice %arg4[%add3A_23] : memref<320000xi32, #tpu.memory_space<hbm>> -> memref<40xi32, #tpu.memory_space<hbm>>
    %dma_start3A_25 = tpu.memref_slice %arg4[%add3A_23] : memref<320000xi32, #tpu.memory_space<hbm>> -> memref<40xi32, #tpu.memory_space<hbm>>
    tpu.enqueue_dma source(%dma_start3A_25 : memref<40xi32, #tpu.memory_space<hbm>>) target(%arg16 : memref<40xi32, #tpu.memory_space<vmem>>) target_semaphore(%arg33 : memref<!tpu.dma_semaphore, #tpu.memory_space<semaphore_mem>>)
    %add3A_26 = arith.constant 40 : i32
    %add3A_27 = arith.addi %add3A_18, %add3A_26 : i32
    %dma_start3A_28 = tpu.memref_slice %arg3[%add3A_27] : memref<320000xi32, #tpu.memory_space<hbm>> -> memref<40xi32, #tpu.memory_space<hbm>>
    %dma_start3A_29 = tpu.memref_slice %arg3[%add3A_27] : memref<320000xi32, #tpu.memory_space<hbm>> -> memref<40xi32, #tpu.memory_space<hbm>>
    tpu.enqueue_dma source(%dma_start3A_29 : memref<40xi32, #tpu.memory_space<hbm>>) target(%arg7 : memref<40xi32, #tpu.memory_space<vmem>>) target_semaphore(%arg33 : memref<!tpu.dma_semaphore, #tpu.memory_space<semaphore_mem>>)
    %add3A_30 = arith.constant 40 : i32
    %add3A_31 = arith.addi %add3A_18, %add3A_30 : i32
    %dma_start3A_32 = tpu.memref_slice %arg4[%add3A_31] : memref<320000xi32, #tpu.memory_space<hbm>> -> memref<40xi32, #tpu.memory_space<hbm>>
    %dma_start3A_33 = tpu.memref_slice %arg4[%add3A_31] : memref<320000xi32, #tpu.memory_space<hbm>> -> memref<40xi32, #tpu.memory_space<hbm>>
    tpu.enqueue_dma source(%dma_start3A_33 : memref<40xi32, #tpu.memory_space<hbm>>) target(%arg17 : memref<40xi32, #tpu.memory_space<vmem>>) target_semaphore(%arg33 : memref<!tpu.dma_semaphore, #tpu.memory_space<semaphore_mem>>)
    %add3A_34 = arith.constant 80 : i32
    %add3A_35 = arith.addi %add3A_18, %add3A_34 : i32
    %dma_start3A_36 = tpu.memref_slice %arg3[%add3A_35] : memref<320000xi32, #tpu.memory_space<hbm>> -> memref<40xi32, #tpu.memory_space<hbm>>
    %dma_start3A_37 = tpu.memref_slice %arg3[%add3A_35] : memref<320000xi32, #tpu.memory_space<hbm>> -> memref<40xi32, #tpu.memory_space<hbm>>
    tpu.enqueue_dma source(%dma_start3A_37 : memref<40xi32, #tpu.memory_space<hbm>>) target(%arg8 : memref<40xi32, #tpu.memory_space<vmem>>) target_semaphore(%arg33 : memref<!tpu.dma_semaphore, #tpu.memory_space<semaphore_mem>>)
    %add3A_38 = arith.constant 80 : i32
    %add3A_39 = arith.addi %add3A_18, %add3A_38 : i32
    %dma_start3A_40 = tpu.memref_slice %arg4[%add3A_39] : memref<320000xi32, #tpu.memory_space<hbm>> -> memref<40xi32, #tpu.memory_space<hbm>>
    %dma_start3A_41 = tpu.memref_slice %arg4[%add3A_39] : memref<320000xi32, #tpu.memory_space<hbm>> -> memref<40xi32, #tpu.memory_space<hbm>>
    tpu.enqueue_dma source(%dma_start3A_41 : memref<40xi32, #tpu.memory_space<hbm>>) target(%arg18 : memref<40xi32, #tpu.memory_space<vmem>>) target_semaphore(%arg33 : memref<!tpu.dma_semaphore, #tpu.memory_space<semaphore_mem>>)
    %add3A_42 = arith.constant 120 : i32
    %add3A_43 = arith.addi %add3A_18, %add3A_42 : i32
    %dma_start3A_44 = tpu.memref_slice %arg3[%add3A_43] : memref<320000xi32, #tpu.memory_space<hbm>> -> memref<40xi32, #tpu.memory_space<hbm>>
    %dma_start3A_45 = tpu.memref_slice %arg3[%add3A_43] : memref<320000xi32, #tpu.memory_space<hbm>> -> memref<40xi32, #tpu.memory_space<hbm>>
    tpu.enqueue_dma source(%dma_start3A_45 : memref<40xi32, #tpu.memory_space<hbm>>) target(%arg9 : memref<40xi32, #tpu.memory_space<vmem>>) target_semaphore(%arg33 : memref<!tpu.dma_semaphore, #tpu.memory_space<semaphore_mem>>)
    %add3A_46 = arith.constant 120 : i32
    %add3A_47 = arith.addi %add3A_18, %add3A_46 : i32
    %dma_start3A_48 = tpu.memref_slice %arg4[%add3A_47] : memref<320000xi32, #tpu.memory_space<hbm>> -> memref<40xi32, #tpu.memory_space<hbm>>
    %dma_start3A_49 = tpu.memref_slice %arg4[%add3A_47] : memref<320000xi32, #tpu.memory_space<hbm>> -> memref<40xi32, #tpu.memory_space<hbm>>
    tpu.enqueue_dma source(%dma_start3A_49 : memref<40xi32, #tpu.memory_space<hbm>>) target(%arg19 : memref<40xi32, #tpu.memory_space<vmem>>) target_semaphore(%arg33 : memref<!tpu.dma_semaphore, #tpu.memory_space<semaphore_mem>>)
    %add3A_50 = arith.constant 160 : i32
    %add3A_51 = arith.addi %add3A_18, %add3A_50 : i32
    %dma_start3A_52 = tpu.memref_slice %arg3[%add3A_51] : memref<320000xi32, #tpu.memory_space<hbm>> -> memref<40xi32, #tpu.memory_space<hbm>>
    %dma_start3A_53 = tpu.memref_slice %arg3[%add3A_51] : memref<320000xi32, #tpu.memory_space<hbm>> -> memref<40xi32, #tpu.memory_space<hbm>>
    tpu.enqueue_dma source(%dma_start3A_53 : memref<40xi32, #tpu.memory_space<hbm>>) target(%arg10 : memref<40xi32, #tpu.memory_space<vmem>>) target_semaphore(%arg33 : memref<!tpu.dma_semaphore, #tpu.memory_space<semaphore_mem>>)
    %add3A_54 = arith.constant 160 : i32
    %add3A_55 = arith.addi %add3A_18, %add3A_54 : i32
    %dma_start3A_56 = tpu.memref_slice %arg4[%add3A_55] : memref<320000xi32, #tpu.memory_space<hbm>> -> memref<40xi32, #tpu.memory_space<hbm>>
    %dma_start3A_57 = tpu.memref_slice %arg4[%add3A_55] : memref<320000xi32, #tpu.memory_space<hbm>> -> memref<40xi32, #tpu.memory_space<hbm>>
    tpu.enqueue_dma source(%dma_start3A_57 : memref<40xi32, #tpu.memory_space<hbm>>) target(%arg20 : memref<40xi32, #tpu.memory_space<vmem>>) target_semaphore(%arg33 : memref<!tpu.dma_semaphore, #tpu.memory_space<semaphore_mem>>)
    %scan3A_58 = arith.constant 0 : i32
    %scan3A_59 = arith.constant 25 : i32
    %scan3A_60 = arith.addi %scan3A_58, %scan3A_59 : i32
    %scan3A_61 = arith.constant 1 : i32
    scf.for %scan3A_85 = %scan3A_58 to %scan3A_60 step %scan3A_61  : i32 {
      %mul3A_86 = arith.constant 1 : i32
      %mul3A_87 = arith.muli %scan3A_85, %mul3A_86 : i32
      %add3A_88 = arith.constant 0 : i32
      %add3A_89 = arith.addi %add3A_88, %mul3A_87 : i32
      %mul3A_90 = arith.constant 2 : i32
      %mul3A_91 = arith.muli %add3A_89, %mul3A_90 : i32
      %add3A_92 = arith.constant 0 : i32
      %add3A_93 = arith.addi %mul3A_91, %add3A_92 : i32
      %gt3A = arith.constant 0 : i32
      %gt3A_94 = arith.cmpi sgt, %add3A_93, %gt3A : i32
      %convert_element_type3A_95 = arith.extui %gt3A_94 : i1 to i32
      %cond3A_96 = arith.constant 0 : i32
      %cond3A_97 = arith.cmpi ne, %convert_element_type3A_95, %cond3A_96 : i32
      scf.if %cond3A_97 {
        %dma_wait3A_296 = arith.constant 0 : i32
        %dma_wait3A_297 = arith.constant 0 : i32
        %dma_wait3A_298 = tpu.memref_slice %arg32[%dma_wait3A_296, %dma_wait3A_297] : memref<10000x128xf32, #tpu.memory_space<vmem_shared>> -> memref<10000x128xf32, #tpu.memory_space<vmem_shared>>
        tpu.wait_indirect_dma semaphore(%arg35 : memref<!tpu.dma_semaphore, #tpu.memory_space<semaphore_mem>>) src(%arg26 : memref<40x128xf32, #tpu.memory_space<vmem>>) dst(%dma_wait3A_298 : memref<10000x128xf32, #tpu.memory_space<vmem_shared>>)
        %dma_wait3A_299 = arith.constant 0 : i32
        %dma_wait3A_300 = arith.constant 0 : i32
        %dma_wait3A_301 = tpu.memref_slice %arg32[%dma_wait3A_299, %dma_wait3A_300] : memref<10000x128xf32, #tpu.memory_space<vmem_shared>> -> memref<10000x128xf32, #tpu.memory_space<vmem_shared>>
        tpu.wait_indirect_dma semaphore(%arg35 : memref<!tpu.dma_semaphore, #tpu.memory_space<semaphore_mem>>) src(%arg27 : memref<40x128xf32, #tpu.memory_space<vmem>>) dst(%dma_wait3A_301 : memref<10000x128xf32, #tpu.memory_space<vmem_shared>>)
        %dma_wait3A_302 = arith.constant 0 : i32
        %dma_wait3A_303 = arith.constant 0 : i32
        %dma_wait3A_304 = tpu.memref_slice %arg32[%dma_wait3A_302, %dma_wait3A_303] : memref<10000x128xf32, #tpu.memory_space<vmem_shared>> -> memref<10000x128xf32, #tpu.memory_space<vmem_shared>>
        tpu.wait_indirect_dma semaphore(%arg35 : memref<!tpu.dma_semaphore, #tpu.memory_space<semaphore_mem>>) src(%arg28 : memref<40x128xf32, #tpu.memory_space<vmem>>) dst(%dma_wait3A_304 : memref<10000x128xf32, #tpu.memory_space<vmem_shared>>)
        %dma_wait3A_305 = arith.constant 0 : i32
        %dma_wait3A_306 = arith.constant 0 : i32
        %dma_wait3A_307 = tpu.memref_slice %arg32[%dma_wait3A_305, %dma_wait3A_306] : memref<10000x128xf32, #tpu.memory_space<vmem_shared>> -> memref<10000x128xf32, #tpu.memory_space<vmem_shared>>
        tpu.wait_indirect_dma semaphore(%arg35 : memref<!tpu.dma_semaphore, #tpu.memory_space<semaphore_mem>>) src(%arg29 : memref<40x128xf32, #tpu.memory_space<vmem>>) dst(%dma_wait3A_307 : memref<10000x128xf32, #tpu.memory_space<vmem_shared>>)
        %dma_wait3A_308 = arith.constant 0 : i32
        %dma_wait3A_309 = arith.constant 0 : i32
        %dma_wait3A_310 = tpu.memref_slice %arg32[%dma_wait3A_308, %dma_wait3A_309] : memref<10000x128xf32, #tpu.memory_space<vmem_shared>> -> memref<10000x128xf32, #tpu.memory_space<vmem_shared>>
        tpu.wait_indirect_dma semaphore(%arg35 : memref<!tpu.dma_semaphore, #tpu.memory_space<semaphore_mem>>) src(%arg30 : memref<40x128xf32, #tpu.memory_space<vmem>>) dst(%dma_wait3A_310 : memref<10000x128xf32, #tpu.memory_space<vmem_shared>>)
      } else {
      }
      %mul3A_98 = arith.constant 200 : i32
      %mul3A_99 = arith.muli %add3A_93, %mul3A_98 : i32
      %add3A_100 = arith.addi %mul3A_16, %mul3A_99 : i32
      %add3A_101 = arith.constant 0 : i32
      %add3A_102 = arith.addi %add3A_100, %add3A_101 : i32
      %dma_wait3A_103 = tpu.memref_slice %arg3[%add3A_102] : memref<320000xi32, #tpu.memory_space<hbm>> -> memref<40xi32, #tpu.memory_space<hbm>>
      %dma_wait3A_104 = tpu.memref_slice %arg3[%add3A_102] : memref<320000xi32, #tpu.memory_space<hbm>> -> memref<40xi32, #tpu.memory_space<hbm>>
      tpu.wait_dma2 semaphore(%arg33 : memref<!tpu.dma_semaphore, #tpu.memory_space<semaphore_mem>>) src(%dma_wait3A_104 : memref<40xi32, #tpu.memory_space<hbm>>) dst(%arg6 : memref<40xi32, #tpu.memory_space<vmem>>)
      %add3A_105 = arith.constant 0 : i32
      %add3A_106 = arith.addi %add3A_100, %add3A_105 : i32
      %dma_wait3A_107 = tpu.memref_slice %arg4[%add3A_106] : memref<320000xi32, #tpu.memory_space<hbm>> -> memref<40xi32, #tpu.memory_space<hbm>>
      %dma_wait3A_108 = tpu.memref_slice %arg4[%add3A_106] : memref<320000xi32, #tpu.memory_space<hbm>> -> memref<40xi32, #tpu.memory_space<hbm>>
      tpu.wait_dma2 semaphore(%arg33 : memref<!tpu.dma_semaphore, #tpu.memory_space<semaphore_mem>>) src(%dma_wait3A_108 : memref<40xi32, #tpu.memory_space<hbm>>) dst(%arg16 : memref<40xi32, #tpu.memory_space<vmem>>)
      %add3A_109 = arith.constant 40 : i32
      %add3A_110 = arith.addi %add3A_100, %add3A_109 : i32
      %dma_wait3A_111 = tpu.memref_slice %arg3[%add3A_110] : memref<320000xi32, #tpu.memory_space<hbm>> -> memref<40xi32, #tpu.memory_space<hbm>>
      %dma_wait3A_112 = tpu.memref_slice %arg3[%add3A_110] : memref<320000xi32, #tpu.memory_space<hbm>> -> memref<40xi32, #tpu.memory_space<hbm>>
      tpu.wait_dma2 semaphore(%arg33 : memref<!tpu.dma_semaphore, #tpu.memory_space<semaphore_mem>>) src(%dma_wait3A_112 : memref<40xi32, #tpu.memory_space<hbm>>) dst(%arg7 : memref<40xi32, #tpu.memory_space<vmem>>)
      %add3A_113 = arith.constant 40 : i32
      %add3A_114 = arith.addi %add3A_100, %add3A_113 : i32
      %dma_wait3A_115 = tpu.memref_slice %arg4[%add3A_114] : memref<320000xi32, #tpu.memory_space<hbm>> -> memref<40xi32, #tpu.memory_space<hbm>>
      %dma_wait3A_116 = tpu.memref_slice %arg4[%add3A_114] : memref<320000xi32, #tpu.memory_space<hbm>> -> memref<40xi32, #tpu.memory_space<hbm>>
      tpu.wait_dma2 semaphore(%arg33 : memref<!tpu.dma_semaphore, #tpu.memory_space<semaphore_mem>>) src(%dma_wait3A_116 : memref<40xi32, #tpu.memory_space<hbm>>) dst(%arg17 : memref<40xi32, #tpu.memory_space<vmem>>)
      %add3A_117 = arith.constant 80 : i32
      %add3A_118 = arith.addi %add3A_100, %add3A_117 : i32
      %dma_wait3A_119 = tpu.memref_slice %arg3[%add3A_118] : memref<320000xi32, #tpu.memory_space<hbm>> -> memref<40xi32, #tpu.memory_space<hbm>>
      %dma_wait3A_120 = tpu.memref_slice %arg3[%add3A_118] : memref<320000xi32, #tpu.memory_space<hbm>> -> memref<40xi32, #tpu.memory_space<hbm>>
      tpu.wait_dma2 semaphore(%arg33 : memref<!tpu.dma_semaphore, #tpu.memory_space<semaphore_mem>>) src(%dma_wait3A_120 : memref<40xi32, #tpu.memory_space<hbm>>) dst(%arg8 : memref<40xi32, #tpu.memory_space<vmem>>)
      %add3A_121 = arith.constant 80 : i32
      %add3A_122 = arith.addi %add3A_100, %add3A_121 : i32
      %dma_wait3A_123 = tpu.memref_slice %arg4[%add3A_122] : memref<320000xi32, #tpu.memory_space<hbm>> -> memref<40xi32, #tpu.memory_space<hbm>>
      %dma_wait3A_124 = tpu.memref_slice %arg4[%add3A_122] : memref<320000xi32, #tpu.memory_space<hbm>> -> memref<40xi32, #tpu.memory_space<hbm>>
      tpu.wait_dma2 semaphore(%arg33 : memref<!tpu.dma_semaphore, #tpu.memory_space<semaphore_mem>>) src(%dma_wait3A_124 : memref<40xi32, #tpu.memory_space<hbm>>) dst(%arg18 : memref<40xi32, #tpu.memory_space<vmem>>)
      %add3A_125 = arith.constant 120 : i32
      %add3A_126 = arith.addi %add3A_100, %add3A_125 : i32
      %dma_wait3A_127 = tpu.memref_slice %arg3[%add3A_126] : memref<320000xi32, #tpu.memory_space<hbm>> -> memref<40xi32, #tpu.memory_space<hbm>>
      %dma_wait3A_128 = tpu.memref_slice %arg3[%add3A_126] : memref<320000xi32, #tpu.memory_space<hbm>> -> memref<40xi32, #tpu.memory_space<hbm>>
      tpu.wait_dma2 semaphore(%arg33 : memref<!tpu.dma_semaphore, #tpu.memory_space<semaphore_mem>>) src(%dma_wait3A_128 : memref<40xi32, #tpu.memory_space<hbm>>) dst(%arg9 : memref<40xi32, #tpu.memory_space<vmem>>)
      %add3A_129 = arith.constant 120 : i32
      %add3A_130 = arith.addi %add3A_100, %add3A_129 : i32
      %dma_wait3A_131 = tpu.memref_slice %arg4[%add3A_130] : memref<320000xi32, #tpu.memory_space<hbm>> -> memref<40xi32, #tpu.memory_space<hbm>>
      %dma_wait3A_132 = tpu.memref_slice %arg4[%add3A_130] : memref<320000xi32, #tpu.memory_space<hbm>> -> memref<40xi32, #tpu.memory_space<hbm>>
      tpu.wait_dma2 semaphore(%arg33 : memref<!tpu.dma_semaphore, #tpu.memory_space<semaphore_mem>>) src(%dma_wait3A_132 : memref<40xi32, #tpu.memory_space<hbm>>) dst(%arg19 : memref<40xi32, #tpu.memory_space<vmem>>)
      %add3A_133 = arith.constant 160 : i32
      %add3A_134 = arith.addi %add3A_100, %add3A_133 : i32
      %dma_wait3A_135 = tpu.memref_slice %arg3[%add3A_134] : memref<320000xi32, #tpu.memory_space<hbm>> -> memref<40xi32, #tpu.memory_space<hbm>>
      %dma_wait3A_136 = tpu.memref_slice %arg3[%add3A_134] : memref<320000xi32, #tpu.memory_space<hbm>> -> memref<40xi32, #tpu.memory_space<hbm>>
      tpu.wait_dma2 semaphore(%arg33 : memref<!tpu.dma_semaphore, #tpu.memory_space<semaphore_mem>>) src(%dma_wait3A_136 : memref<40xi32, #tpu.memory_space<hbm>>) dst(%arg10 : memref<40xi32, #tpu.memory_space<vmem>>)
      %add3A_137 = arith.constant 160 : i32
      %add3A_138 = arith.addi %add3A_100, %add3A_137 : i32
      %dma_wait3A_139 = tpu.memref_slice %arg4[%add3A_138] : memref<320000xi32, #tpu.memory_space<hbm>> -> memref<40xi32, #tpu.memory_space<hbm>>
      %dma_wait3A_140 = tpu.memref_slice %arg4[%add3A_138] : memref<320000xi32, #tpu.memory_space<hbm>> -> memref<40xi32, #tpu.memory_space<hbm>>
      tpu.wait_dma2 semaphore(%arg33 : memref<!tpu.dma_semaphore, #tpu.memory_space<semaphore_mem>>) src(%dma_wait3A_140 : memref<40xi32, #tpu.memory_space<hbm>>) dst(%arg20 : memref<40xi32, #tpu.memory_space<vmem>>)
      %dma_start3A_141 = arith.constant 0 : i32
      %dma_start3A_142 = arith.constant 0 : i32
      %dma_start3A_143 = tpu.memref_slice %arg2[%dma_start3A_141, %dma_start3A_142] : memref<10000x128xf32, #tpu.memory_space<hbm>> -> memref<10000x128xf32, #tpu.memory_space<hbm>>
      tpu.enqueue_indirect_dma source(%dma_start3A_143 : memref<10000x128xf32, #tpu.memory_space<hbm>>) target(%arg26 : memref<40x128xf32, #tpu.memory_space<vmem>>) offsets(%arg6 : memref<40xi32, #tpu.memory_space<vmem>>) semaphore(%arg34 : memref<!tpu.dma_semaphore, #tpu.memory_space<semaphore_mem>>)
      %dma_start3A_144 = arith.constant 0 : i32
      %dma_start3A_145 = arith.constant 0 : i32
      %dma_start3A_146 = tpu.memref_slice %arg2[%dma_start3A_144, %dma_start3A_145] : memref<10000x128xf32, #tpu.memory_space<hbm>> -> memref<10000x128xf32, #tpu.memory_space<hbm>>
      tpu.enqueue_indirect_dma source(%dma_start3A_146 : memref<10000x128xf32, #tpu.memory_space<hbm>>) target(%arg27 : memref<40x128xf32, #tpu.memory_space<vmem>>) offsets(%arg7 : memref<40xi32, #tpu.memory_space<vmem>>) semaphore(%arg34 : memref<!tpu.dma_semaphore, #tpu.memory_space<semaphore_mem>>)
      %dma_start3A_147 = arith.constant 0 : i32
      %dma_start3A_148 = arith.constant 0 : i32
      %dma_start3A_149 = tpu.memref_slice %arg2[%dma_start3A_147, %dma_start3A_148] : memref<10000x128xf32, #tpu.memory_space<hbm>> -> memref<10000x128xf32, #tpu.memory_space<hbm>>
      tpu.enqueue_indirect_dma source(%dma_start3A_149 : memref<10000x128xf32, #tpu.memory_space<hbm>>) target(%arg28 : memref<40x128xf32, #tpu.memory_space<vmem>>) offsets(%arg8 : memref<40xi32, #tpu.memory_space<vmem>>) semaphore(%arg34 : memref<!tpu.dma_semaphore, #tpu.memory_space<semaphore_mem>>)
      %dma_start3A_150 = arith.constant 0 : i32
      %dma_start3A_151 = arith.constant 0 : i32
      %dma_start3A_152 = tpu.memref_slice %arg2[%dma_start3A_150, %dma_start3A_151] : memref<10000x128xf32, #tpu.memory_space<hbm>> -> memref<10000x128xf32, #tpu.memory_space<hbm>>
      tpu.enqueue_indirect_dma source(%dma_start3A_152 : memref<10000x128xf32, #tpu.memory_space<hbm>>) target(%arg29 : memref<40x128xf32, #tpu.memory_space<vmem>>) offsets(%arg9 : memref<40xi32, #tpu.memory_space<vmem>>) semaphore(%arg34 : memref<!tpu.dma_semaphore, #tpu.memory_space<semaphore_mem>>)
      %dma_start3A_153 = arith.constant 0 : i32
      %dma_start3A_154 = arith.constant 0 : i32
      %dma_start3A_155 = tpu.memref_slice %arg2[%dma_start3A_153, %dma_start3A_154] : memref<10000x128xf32, #tpu.memory_space<hbm>> -> memref<10000x128xf32, #tpu.memory_space<hbm>>
      tpu.enqueue_indirect_dma source(%dma_start3A_155 : memref<10000x128xf32, #tpu.memory_space<hbm>>) target(%arg30 : memref<40x128xf32, #tpu.memory_space<vmem>>) offsets(%arg10 : memref<40xi32, #tpu.memory_space<vmem>>) semaphore(%arg34 : memref<!tpu.dma_semaphore, #tpu.memory_space<semaphore_mem>>)
      %add3A_156 = arith.constant 1 : i32
      %add3A_157 = arith.addi %add3A_93, %add3A_156 : i32
      %lt3A = arith.constant 50 : i32
      %lt3A_158 = arith.cmpi slt, %add3A_157, %lt3A : i32
      %convert_element_type3A_159 = arith.extui %lt3A_158 : i1 to i32
      %cond3A_160 = arith.constant 0 : i32
      %cond3A_161 = arith.cmpi ne, %convert_element_type3A_159, %cond3A_160 : i32
      scf.if %cond3A_161 {
        %add3A_296 = arith.constant 1 : i32
        %add3A_297 = arith.addi %add3A_93, %add3A_296 : i32
        %mul3A_298 = arith.constant 200 : i32
        %mul3A_299 = arith.muli %add3A_297, %mul3A_298 : i32
        %add3A_300 = arith.addi %mul3A_16, %mul3A_299 : i32
        %add3A_301 = arith.constant 0 : i32
        %add3A_302 = arith.addi %add3A_300, %add3A_301 : i32
        %dma_start3A_303 = tpu.memref_slice %arg3[%add3A_302] : memref<320000xi32, #tpu.memory_space<hbm>> -> memref<40xi32, #tpu.memory_space<hbm>>
        %dma_start3A_304 = tpu.memref_slice %arg3[%add3A_302] : memref<320000xi32, #tpu.memory_space<hbm>> -> memref<40xi32, #tpu.memory_space<hbm>>
        tpu.enqueue_dma source(%dma_start3A_304 : memref<40xi32, #tpu.memory_space<hbm>>) target(%arg11 : memref<40xi32, #tpu.memory_space<vmem>>) target_semaphore(%arg33 : memref<!tpu.dma_semaphore, #tpu.memory_space<semaphore_mem>>)
        %add3A_305 = arith.constant 0 : i32
        %add3A_306 = arith.addi %add3A_300, %add3A_305 : i32
        %dma_start3A_307 = tpu.memref_slice %arg4[%add3A_306] : memref<320000xi32, #tpu.memory_space<hbm>> -> memref<40xi32, #tpu.memory_space<hbm>>
        %dma_start3A_308 = tpu.memref_slice %arg4[%add3A_306] : memref<320000xi32, #tpu.memory_space<hbm>> -> memref<40xi32, #tpu.memory_space<hbm>>
        tpu.enqueue_dma source(%dma_start3A_308 : memref<40xi32, #tpu.memory_space<hbm>>) target(%arg21 : memref<40xi32, #tpu.memory_space<vmem>>) target_semaphore(%arg33 : memref<!tpu.dma_semaphore, #tpu.memory_space<semaphore_mem>>)
        %add3A_309 = arith.constant 40 : i32
        %add3A_310 = arith.addi %add3A_300, %add3A_309 : i32
        %dma_start3A_311 = tpu.memref_slice %arg3[%add3A_310] : memref<320000xi32, #tpu.memory_space<hbm>> -> memref<40xi32, #tpu.memory_space<hbm>>
        %dma_start3A_312 = tpu.memref_slice %arg3[%add3A_310] : memref<320000xi32, #tpu.memory_space<hbm>> -> memref<40xi32, #tpu.memory_space<hbm>>
        tpu.enqueue_dma source(%dma_start3A_312 : memref<40xi32, #tpu.memory_space<hbm>>) target(%arg12 : memref<40xi32, #tpu.memory_space<vmem>>) target_semaphore(%arg33 : memref<!tpu.dma_semaphore, #tpu.memory_space<semaphore_mem>>)
        %add3A_313 = arith.constant 40 : i32
        %add3A_314 = arith.addi %add3A_300, %add3A_313 : i32
        %dma_start3A_315 = tpu.memref_slice %arg4[%add3A_314] : memref<320000xi32, #tpu.memory_space<hbm>> -> memref<40xi32, #tpu.memory_space<hbm>>
        %dma_start3A_316 = tpu.memref_slice %arg4[%add3A_314] : memref<320000xi32, #tpu.memory_space<hbm>> -> memref<40xi32, #tpu.memory_space<hbm>>
        tpu.enqueue_dma source(%dma_start3A_316 : memref<40xi32, #tpu.memory_space<hbm>>) target(%arg22 : memref<40xi32, #tpu.memory_space<vmem>>) target_semaphore(%arg33 : memref<!tpu.dma_semaphore, #tpu.memory_space<semaphore_mem>>)
        %add3A_317 = arith.constant 80 : i32
        %add3A_318 = arith.addi %add3A_300, %add3A_317 : i32
        %dma_start3A_319 = tpu.memref_slice %arg3[%add3A_318] : memref<320000xi32, #tpu.memory_space<hbm>> -> memref<40xi32, #tpu.memory_space<hbm>>
        %dma_start3A_320 = tpu.memref_slice %arg3[%add3A_318] : memref<320000xi32, #tpu.memory_space<hbm>> -> memref<40xi32, #tpu.memory_space<hbm>>
        tpu.enqueue_dma source(%dma_start3A_320 : memref<40xi32, #tpu.memory_space<hbm>>) target(%arg13 : memref<40xi32, #tpu.memory_space<vmem>>) target_semaphore(%arg33 : memref<!tpu.dma_semaphore, #tpu.memory_space<semaphore_mem>>)
        %add3A_321 = arith.constant 80 : i32
        %add3A_322 = arith.addi %add3A_300, %add3A_321 : i32
        %dma_start3A_323 = tpu.memref_slice %arg4[%add3A_322] : memref<320000xi32, #tpu.memory_space<hbm>> -> memref<40xi32, #tpu.memory_space<hbm>>
        %dma_start3A_324 = tpu.memref_slice %arg4[%add3A_322] : memref<320000xi32, #tpu.memory_space<hbm>> -> memref<40xi32, #tpu.memory_space<hbm>>
        tpu.enqueue_dma source(%dma_start3A_324 : memref<40xi32, #tpu.memory_space<hbm>>) target(%arg23 : memref<40xi32, #tpu.memory_space<vmem>>) target_semaphore(%arg33 : memref<!tpu.dma_semaphore, #tpu.memory_space<semaphore_mem>>)
        %add3A_325 = arith.constant 120 : i32
        %add3A_326 = arith.addi %add3A_300, %add3A_325 : i32
        %dma_start3A_327 = tpu.memref_slice %arg3[%add3A_326] : memref<320000xi32, #tpu.memory_space<hbm>> -> memref<40xi32, #tpu.memory_space<hbm>>
        %dma_start3A_328 = tpu.memref_slice %arg3[%add3A_326] : memref<320000xi32, #tpu.memory_space<hbm>> -> memref<40xi32, #tpu.memory_space<hbm>>
        tpu.enqueue_dma source(%dma_start3A_328 : memref<40xi32, #tpu.memory_space<hbm>>) target(%arg14 : memref<40xi32, #tpu.memory_space<vmem>>) target_semaphore(%arg33 : memref<!tpu.dma_semaphore, #tpu.memory_space<semaphore_mem>>)
        %add3A_329 = arith.constant 120 : i32
        %add3A_330 = arith.addi %add3A_300, %add3A_329 : i32
        %dma_start3A_331 = tpu.memref_slice %arg4[%add3A_330] : memref<320000xi32, #tpu.memory_space<hbm>> -> memref<40xi32, #tpu.memory_space<hbm>>
        %dma_start3A_332 = tpu.memref_slice %arg4[%add3A_330] : memref<320000xi32, #tpu.memory_space<hbm>> -> memref<40xi32, #tpu.memory_space<hbm>>
        tpu.enqueue_dma source(%dma_start3A_332 : memref<40xi32, #tpu.memory_space<hbm>>) target(%arg24 : memref<40xi32, #tpu.memory_space<vmem>>) target_semaphore(%arg33 : memref<!tpu.dma_semaphore, #tpu.memory_space<semaphore_mem>>)
        %add3A_333 = arith.constant 160 : i32
        %add3A_334 = arith.addi %add3A_300, %add3A_333 : i32
        %dma_start3A_335 = tpu.memref_slice %arg3[%add3A_334] : memref<320000xi32, #tpu.memory_space<hbm>> -> memref<40xi32, #tpu.memory_space<hbm>>
        %dma_start3A_336 = tpu.memref_slice %arg3[%add3A_334] : memref<320000xi32, #tpu.memory_space<hbm>> -> memref<40xi32, #tpu.memory_space<hbm>>
        tpu.enqueue_dma source(%dma_start3A_336 : memref<40xi32, #tpu.memory_space<hbm>>) target(%arg15 : memref<40xi32, #tpu.memory_space<vmem>>) target_semaphore(%arg33 : memref<!tpu.dma_semaphore, #tpu.memory_space<semaphore_mem>>)
        %add3A_337 = arith.constant 160 : i32
        %add3A_338 = arith.addi %add3A_300, %add3A_337 : i32
        %dma_start3A_339 = tpu.memref_slice %arg4[%add3A_338] : memref<320000xi32, #tpu.memory_space<hbm>> -> memref<40xi32, #tpu.memory_space<hbm>>
        %dma_start3A_340 = tpu.memref_slice %arg4[%add3A_338] : memref<320000xi32, #tpu.memory_space<hbm>> -> memref<40xi32, #tpu.memory_space<hbm>>
        tpu.enqueue_dma source(%dma_start3A_340 : memref<40xi32, #tpu.memory_space<hbm>>) target(%arg25 : memref<40xi32, #tpu.memory_space<vmem>>) target_semaphore(%arg33 : memref<!tpu.dma_semaphore, #tpu.memory_space<semaphore_mem>>)
      } else {
      }
      %dma_wait3A_162 = arith.constant 0 : i32
      %dma_wait3A_163 = arith.constant 0 : i32
      %dma_wait3A_164 = tpu.memref_slice %arg2[%dma_wait3A_162, %dma_wait3A_163] : memref<10000x128xf32, #tpu.memory_space<hbm>> -> memref<10000x128xf32, #tpu.memory_space<hbm>>
      tpu.wait_indirect_dma semaphore(%arg34 : memref<!tpu.dma_semaphore, #tpu.memory_space<semaphore_mem>>) src(%dma_wait3A_164 : memref<10000x128xf32, #tpu.memory_space<hbm>>) dst(%arg26 : memref<40x128xf32, #tpu.memory_space<vmem>>)
      %dma_start3A_165 = arith.constant 0 : i32
      %dma_start3A_166 = arith.constant 0 : i32
      %dma_start3A_167 = tpu.memref_slice %arg32[%dma_start3A_165, %dma_start3A_166] : memref<10000x128xf32, #tpu.memory_space<vmem_shared>> -> memref<10000x128xf32, #tpu.memory_space<vmem_shared>>
      tpu.enqueue_indirect_dma source(%arg26 : memref<40x128xf32, #tpu.memory_space<vmem>>) target(%dma_start3A_167 : memref<10000x128xf32, #tpu.memory_space<vmem_shared>>) offsets(%arg16 : memref<40xi32, #tpu.memory_space<vmem>>) semaphore(%arg35 : memref<!tpu.dma_semaphore, #tpu.memory_space<semaphore_mem>>) {add = true}
      %dma_wait3A_168 = arith.constant 0 : i32
      %dma_wait3A_169 = arith.constant 0 : i32
      %dma_wait3A_170 = tpu.memref_slice %arg2[%dma_wait3A_168, %dma_wait3A_169] : memref<10000x128xf32, #tpu.memory_space<hbm>> -> memref<10000x128xf32, #tpu.memory_space<hbm>>
      tpu.wait_indirect_dma semaphore(%arg34 : memref<!tpu.dma_semaphore, #tpu.memory_space<semaphore_mem>>) src(%dma_wait3A_170 : memref<10000x128xf32, #tpu.memory_space<hbm>>) dst(%arg27 : memref<40x128xf32, #tpu.memory_space<vmem>>)
      %dma_start3A_171 = arith.constant 0 : i32
      %dma_start3A_172 = arith.constant 0 : i32
      %dma_start3A_173 = tpu.memref_slice %arg32[%dma_start3A_171, %dma_start3A_172] : memref<10000x128xf32, #tpu.memory_space<vmem_shared>> -> memref<10000x128xf32, #tpu.memory_space<vmem_shared>>
      tpu.enqueue_indirect_dma source(%arg27 : memref<40x128xf32, #tpu.memory_space<vmem>>) target(%dma_start3A_173 : memref<10000x128xf32, #tpu.memory_space<vmem_shared>>) offsets(%arg17 : memref<40xi32, #tpu.memory_space<vmem>>) semaphore(%arg35 : memref<!tpu.dma_semaphore, #tpu.memory_space<semaphore_mem>>) {add = true}
      %dma_wait3A_174 = arith.constant 0 : i32
      %dma_wait3A_175 = arith.constant 0 : i32
      %dma_wait3A_176 = tpu.memref_slice %arg2[%dma_wait3A_174, %dma_wait3A_175] : memref<10000x128xf32, #tpu.memory_space<hbm>> -> memref<10000x128xf32, #tpu.memory_space<hbm>>
      tpu.wait_indirect_dma semaphore(%arg34 : memref<!tpu.dma_semaphore, #tpu.memory_space<semaphore_mem>>) src(%dma_wait3A_176 : memref<10000x128xf32, #tpu.memory_space<hbm>>) dst(%arg28 : memref<40x128xf32, #tpu.memory_space<vmem>>)
      %dma_start3A_177 = arith.constant 0 : i32
      %dma_start3A_178 = arith.constant 0 : i32
      %dma_start3A_179 = tpu.memref_slice %arg32[%dma_start3A_177, %dma_start3A_178] : memref<10000x128xf32, #tpu.memory_space<vmem_shared>> -> memref<10000x128xf32, #tpu.memory_space<vmem_shared>>
      tpu.enqueue_indirect_dma source(%arg28 : memref<40x128xf32, #tpu.memory_space<vmem>>) target(%dma_start3A_179 : memref<10000x128xf32, #tpu.memory_space<vmem_shared>>) offsets(%arg18 : memref<40xi32, #tpu.memory_space<vmem>>) semaphore(%arg35 : memref<!tpu.dma_semaphore, #tpu.memory_space<semaphore_mem>>) {add = true}
      %dma_wait3A_180 = arith.constant 0 : i32
      %dma_wait3A_181 = arith.constant 0 : i32
      %dma_wait3A_182 = tpu.memref_slice %arg2[%dma_wait3A_180, %dma_wait3A_181] : memref<10000x128xf32, #tpu.memory_space<hbm>> -> memref<10000x128xf32, #tpu.memory_space<hbm>>
      tpu.wait_indirect_dma semaphore(%arg34 : memref<!tpu.dma_semaphore, #tpu.memory_space<semaphore_mem>>) src(%dma_wait3A_182 : memref<10000x128xf32, #tpu.memory_space<hbm>>) dst(%arg29 : memref<40x128xf32, #tpu.memory_space<vmem>>)
      %dma_start3A_183 = arith.constant 0 : i32
      %dma_start3A_184 = arith.constant 0 : i32
      %dma_start3A_185 = tpu.memref_slice %arg32[%dma_start3A_183, %dma_start3A_184] : memref<10000x128xf32, #tpu.memory_space<vmem_shared>> -> memref<10000x128xf32, #tpu.memory_space<vmem_shared>>
      tpu.enqueue_indirect_dma source(%arg29 : memref<40x128xf32, #tpu.memory_space<vmem>>) target(%dma_start3A_185 : memref<10000x128xf32, #tpu.memory_space<vmem_shared>>) offsets(%arg19 : memref<40xi32, #tpu.memory_space<vmem>>) semaphore(%arg35 : memref<!tpu.dma_semaphore, #tpu.memory_space<semaphore_mem>>) {add = true}
      %dma_wait3A_186 = arith.constant 0 : i32
      %dma_wait3A_187 = arith.constant 0 : i32
      %dma_wait3A_188 = tpu.memref_slice %arg2[%dma_wait3A_186, %dma_wait3A_187] : memref<10000x128xf32, #tpu.memory_space<hbm>> -> memref<10000x128xf32, #tpu.memory_space<hbm>>
      tpu.wait_indirect_dma semaphore(%arg34 : memref<!tpu.dma_semaphore, #tpu.memory_space<semaphore_mem>>) src(%dma_wait3A_188 : memref<10000x128xf32, #tpu.memory_space<hbm>>) dst(%arg30 : memref<40x128xf32, #tpu.memory_space<vmem>>)
      %dma_start3A_189 = arith.constant 0 : i32
      %dma_start3A_190 = arith.constant 0 : i32
      %dma_start3A_191 = tpu.memref_slice %arg32[%dma_start3A_189, %dma_start3A_190] : memref<10000x128xf32, #tpu.memory_space<vmem_shared>> -> memref<10000x128xf32, #tpu.memory_space<vmem_shared>>
      tpu.enqueue_indirect_dma source(%arg30 : memref<40x128xf32, #tpu.memory_space<vmem>>) target(%dma_start3A_191 : memref<10000x128xf32, #tpu.memory_space<vmem_shared>>) offsets(%arg20 : memref<40xi32, #tpu.memory_space<vmem>>) semaphore(%arg35 : memref<!tpu.dma_semaphore, #tpu.memory_space<semaphore_mem>>) {add = true}
      %mul3A_192 = arith.constant 2 : i32
      %mul3A_193 = arith.muli %add3A_89, %mul3A_192 : i32
      %add3A_194 = arith.constant 1 : i32
      %add3A_195 = arith.addi %mul3A_193, %add3A_194 : i32
      %gt3A_196 = arith.constant 0 : i32
      %gt3A_197 = arith.cmpi sgt, %add3A_195, %gt3A_196 : i32
      %convert_element_type3A_198 = arith.extui %gt3A_197 : i1 to i32
      %cond3A_199 = arith.constant 0 : i32
      %cond3A_200 = arith.cmpi ne, %convert_element_type3A_198, %cond3A_199 : i32
      scf.if %cond3A_200 {
        %dma_wait3A_296 = arith.constant 0 : i32
        %dma_wait3A_297 = arith.constant 0 : i32
        %dma_wait3A_298 = tpu.memref_slice %arg32[%dma_wait3A_296, %dma_wait3A_297] : memref<10000x128xf32, #tpu.memory_space<vmem_shared>> -> memref<10000x128xf32, #tpu.memory_space<vmem_shared>>
        tpu.wait_indirect_dma semaphore(%arg35 : memref<!tpu.dma_semaphore, #tpu.memory_space<semaphore_mem>>) src(%arg26 : memref<40x128xf32, #tpu.memory_space<vmem>>) dst(%dma_wait3A_298 : memref<10000x128xf32, #tpu.memory_space<vmem_shared>>)
        %dma_wait3A_299 = arith.constant 0 : i32
        %dma_wait3A_300 = arith.constant 0 : i32
        %dma_wait3A_301 = tpu.memref_slice %arg32[%dma_wait3A_299, %dma_wait3A_300] : memref<10000x128xf32, #tpu.memory_space<vmem_shared>> -> memref<10000x128xf32, #tpu.memory_space<vmem_shared>>
        tpu.wait_indirect_dma semaphore(%arg35 : memref<!tpu.dma_semaphore, #tpu.memory_space<semaphore_mem>>) src(%arg27 : memref<40x128xf32, #tpu.memory_space<vmem>>) dst(%dma_wait3A_301 : memref<10000x128xf32, #tpu.memory_space<vmem_shared>>)
        %dma_wait3A_302 = arith.constant 0 : i32
        %dma_wait3A_303 = arith.constant 0 : i32
        %dma_wait3A_304 = tpu.memref_slice %arg32[%dma_wait3A_302, %dma_wait3A_303] : memref<10000x128xf32, #tpu.memory_space<vmem_shared>> -> memref<10000x128xf32, #tpu.memory_space<vmem_shared>>
        tpu.wait_indirect_dma semaphore(%arg35 : memref<!tpu.dma_semaphore, #tpu.memory_space<semaphore_mem>>) src(%arg28 : memref<40x128xf32, #tpu.memory_space<vmem>>) dst(%dma_wait3A_304 : memref<10000x128xf32, #tpu.memory_space<vmem_shared>>)
        %dma_wait3A_305 = arith.constant 0 : i32
        %dma_wait3A_306 = arith.constant 0 : i32
        %dma_wait3A_307 = tpu.memref_slice %arg32[%dma_wait3A_305, %dma_wait3A_306] : memref<10000x128xf32, #tpu.memory_space<vmem_shared>> -> memref<10000x128xf32, #tpu.memory_space<vmem_shared>>
        tpu.wait_indirect_dma semaphore(%arg35 : memref<!tpu.dma_semaphore, #tpu.memory_space<semaphore_mem>>) src(%arg29 : memref<40x128xf32, #tpu.memory_space<vmem>>) dst(%dma_wait3A_307 : memref<10000x128xf32, #tpu.memory_space<vmem_shared>>)
        %dma_wait3A_308 = arith.constant 0 : i32
        %dma_wait3A_309 = arith.constant 0 : i32
        %dma_wait3A_310 = tpu.memref_slice %arg32[%dma_wait3A_308, %dma_wait3A_309] : memref<10000x128xf32, #tpu.memory_space<vmem_shared>> -> memref<10000x128xf32, #tpu.memory_space<vmem_shared>>
        tpu.wait_indirect_dma semaphore(%arg35 : memref<!tpu.dma_semaphore, #tpu.memory_space<semaphore_mem>>) src(%arg30 : memref<40x128xf32, #tpu.memory_space<vmem>>) dst(%dma_wait3A_310 : memref<10000x128xf32, #tpu.memory_space<vmem_shared>>)
      } else {
      }
      %mul3A_201 = arith.constant 200 : i32
      %mul3A_202 = arith.muli %add3A_195, %mul3A_201 : i32
      %add3A_203 = arith.addi %mul3A_16, %mul3A_202 : i32
      %add3A_204 = arith.constant 0 : i32
      %add3A_205 = arith.addi %add3A_203, %add3A_204 : i32
      %dma_wait3A_206 = tpu.memref_slice %arg3[%add3A_205] : memref<320000xi32, #tpu.memory_space<hbm>> -> memref<40xi32, #tpu.memory_space<hbm>>
      %dma_wait3A_207 = tpu.memref_slice %arg3[%add3A_205] : memref<320000xi32, #tpu.memory_space<hbm>> -> memref<40xi32, #tpu.memory_space<hbm>>
      tpu.wait_dma2 semaphore(%arg33 : memref<!tpu.dma_semaphore, #tpu.memory_space<semaphore_mem>>) src(%dma_wait3A_207 : memref<40xi32, #tpu.memory_space<hbm>>) dst(%arg11 : memref<40xi32, #tpu.memory_space<vmem>>)
      %add3A_208 = arith.constant 0 : i32
      %add3A_209 = arith.addi %add3A_203, %add3A_208 : i32
      %dma_wait3A_210 = tpu.memref_slice %arg4[%add3A_209] : memref<320000xi32, #tpu.memory_space<hbm>> -> memref<40xi32, #tpu.memory_space<hbm>>
      %dma_wait3A_211 = tpu.memref_slice %arg4[%add3A_209] : memref<320000xi32, #tpu.memory_space<hbm>> -> memref<40xi32, #tpu.memory_space<hbm>>
      tpu.wait_dma2 semaphore(%arg33 : memref<!tpu.dma_semaphore, #tpu.memory_space<semaphore_mem>>) src(%dma_wait3A_211 : memref<40xi32, #tpu.memory_space<hbm>>) dst(%arg21 : memref<40xi32, #tpu.memory_space<vmem>>)
      %add3A_212 = arith.constant 40 : i32
      %add3A_213 = arith.addi %add3A_203, %add3A_212 : i32
      %dma_wait3A_214 = tpu.memref_slice %arg3[%add3A_213] : memref<320000xi32, #tpu.memory_space<hbm>> -> memref<40xi32, #tpu.memory_space<hbm>>
      %dma_wait3A_215 = tpu.memref_slice %arg3[%add3A_213] : memref<320000xi32, #tpu.memory_space<hbm>> -> memref<40xi32, #tpu.memory_space<hbm>>
      tpu.wait_dma2 semaphore(%arg33 : memref<!tpu.dma_semaphore, #tpu.memory_space<semaphore_mem>>) src(%dma_wait3A_215 : memref<40xi32, #tpu.memory_space<hbm>>) dst(%arg12 : memref<40xi32, #tpu.memory_space<vmem>>)
      %add3A_216 = arith.constant 40 : i32
      %add3A_217 = arith.addi %add3A_203, %add3A_216 : i32
      %dma_wait3A_218 = tpu.memref_slice %arg4[%add3A_217] : memref<320000xi32, #tpu.memory_space<hbm>> -> memref<40xi32, #tpu.memory_space<hbm>>
      %dma_wait3A_219 = tpu.memref_slice %arg4[%add3A_217] : memref<320000xi32, #tpu.memory_space<hbm>> -> memref<40xi32, #tpu.memory_space<hbm>>
      tpu.wait_dma2 semaphore(%arg33 : memref<!tpu.dma_semaphore, #tpu.memory_space<semaphore_mem>>) src(%dma_wait3A_219 : memref<40xi32, #tpu.memory_space<hbm>>) dst(%arg22 : memref<40xi32, #tpu.memory_space<vmem>>)
      %add3A_220 = arith.constant 80 : i32
      %add3A_221 = arith.addi %add3A_203, %add3A_220 : i32
      %dma_wait3A_222 = tpu.memref_slice %arg3[%add3A_221] : memref<320000xi32, #tpu.memory_space<hbm>> -> memref<40xi32, #tpu.memory_space<hbm>>
      %dma_wait3A_223 = tpu.memref_slice %arg3[%add3A_221] : memref<320000xi32, #tpu.memory_space<hbm>> -> memref<40xi32, #tpu.memory_space<hbm>>
      tpu.wait_dma2 semaphore(%arg33 : memref<!tpu.dma_semaphore, #tpu.memory_space<semaphore_mem>>) src(%dma_wait3A_223 : memref<40xi32, #tpu.memory_space<hbm>>) dst(%arg13 : memref<40xi32, #tpu.memory_space<vmem>>)
      %add3A_224 = arith.constant 80 : i32
      %add3A_225 = arith.addi %add3A_203, %add3A_224 : i32
      %dma_wait3A_226 = tpu.memref_slice %arg4[%add3A_225] : memref<320000xi32, #tpu.memory_space<hbm>> -> memref<40xi32, #tpu.memory_space<hbm>>
      %dma_wait3A_227 = tpu.memref_slice %arg4[%add3A_225] : memref<320000xi32, #tpu.memory_space<hbm>> -> memref<40xi32, #tpu.memory_space<hbm>>
      tpu.wait_dma2 semaphore(%arg33 : memref<!tpu.dma_semaphore, #tpu.memory_space<semaphore_mem>>) src(%dma_wait3A_227 : memref<40xi32, #tpu.memory_space<hbm>>) dst(%arg23 : memref<40xi32, #tpu.memory_space<vmem>>)
      %add3A_228 = arith.constant 120 : i32
      %add3A_229 = arith.addi %add3A_203, %add3A_228 : i32
      %dma_wait3A_230 = tpu.memref_slice %arg3[%add3A_229] : memref<320000xi32, #tpu.memory_space<hbm>> -> memref<40xi32, #tpu.memory_space<hbm>>
      %dma_wait3A_231 = tpu.memref_slice %arg3[%add3A_229] : memref<320000xi32, #tpu.memory_space<hbm>> -> memref<40xi32, #tpu.memory_space<hbm>>
      tpu.wait_dma2 semaphore(%arg33 : memref<!tpu.dma_semaphore, #tpu.memory_space<semaphore_mem>>) src(%dma_wait3A_231 : memref<40xi32, #tpu.memory_space<hbm>>) dst(%arg14 : memref<40xi32, #tpu.memory_space<vmem>>)
      %add3A_232 = arith.constant 120 : i32
      %add3A_233 = arith.addi %add3A_203, %add3A_232 : i32
      %dma_wait3A_234 = tpu.memref_slice %arg4[%add3A_233] : memref<320000xi32, #tpu.memory_space<hbm>> -> memref<40xi32, #tpu.memory_space<hbm>>
      %dma_wait3A_235 = tpu.memref_slice %arg4[%add3A_233] : memref<320000xi32, #tpu.memory_space<hbm>> -> memref<40xi32, #tpu.memory_space<hbm>>
      tpu.wait_dma2 semaphore(%arg33 : memref<!tpu.dma_semaphore, #tpu.memory_space<semaphore_mem>>) src(%dma_wait3A_235 : memref<40xi32, #tpu.memory_space<hbm>>) dst(%arg24 : memref<40xi32, #tpu.memory_space<vmem>>)
      %add3A_236 = arith.constant 160 : i32
      %add3A_237 = arith.addi %add3A_203, %add3A_236 : i32
      %dma_wait3A_238 = tpu.memref_slice %arg3[%add3A_237] : memref<320000xi32, #tpu.memory_space<hbm>> -> memref<40xi32, #tpu.memory_space<hbm>>
      %dma_wait3A_239 = tpu.memref_slice %arg3[%add3A_237] : memref<320000xi32, #tpu.memory_space<hbm>> -> memref<40xi32, #tpu.memory_space<hbm>>
      tpu.wait_dma2 semaphore(%arg33 : memref<!tpu.dma_semaphore, #tpu.memory_space<semaphore_mem>>) src(%dma_wait3A_239 : memref<40xi32, #tpu.memory_space<hbm>>) dst(%arg15 : memref<40xi32, #tpu.memory_space<vmem>>)
      %add3A_240 = arith.constant 160 : i32
      %add3A_241 = arith.addi %add3A_203, %add3A_240 : i32
      %dma_wait3A_242 = tpu.memref_slice %arg4[%add3A_241] : memref<320000xi32, #tpu.memory_space<hbm>> -> memref<40xi32, #tpu.memory_space<hbm>>
      %dma_wait3A_243 = tpu.memref_slice %arg4[%add3A_241] : memref<320000xi32, #tpu.memory_space<hbm>> -> memref<40xi32, #tpu.memory_space<hbm>>
      tpu.wait_dma2 semaphore(%arg33 : memref<!tpu.dma_semaphore, #tpu.memory_space<semaphore_mem>>) src(%dma_wait3A_243 : memref<40xi32, #tpu.memory_space<hbm>>) dst(%arg25 : memref<40xi32, #tpu.memory_space<vmem>>)
      %dma_start3A_244 = arith.constant 0 : i32
      %dma_start3A_245 = arith.constant 0 : i32
      %dma_start3A_246 = tpu.memref_slice %arg2[%dma_start3A_244, %dma_start3A_245] : memref<10000x128xf32, #tpu.memory_space<hbm>> -> memref<10000x128xf32, #tpu.memory_space<hbm>>
      tpu.enqueue_indirect_dma source(%dma_start3A_246 : memref<10000x128xf32, #tpu.memory_space<hbm>>) target(%arg26 : memref<40x128xf32, #tpu.memory_space<vmem>>) offsets(%arg11 : memref<40xi32, #tpu.memory_space<vmem>>) semaphore(%arg34 : memref<!tpu.dma_semaphore, #tpu.memory_space<semaphore_mem>>)
      %dma_start3A_247 = arith.constant 0 : i32
      %dma_start3A_248 = arith.constant 0 : i32
      %dma_start3A_249 = tpu.memref_slice %arg2[%dma_start3A_247, %dma_start3A_248] : memref<10000x128xf32, #tpu.memory_space<hbm>> -> memref<10000x128xf32, #tpu.memory_space<hbm>>
      tpu.enqueue_indirect_dma source(%dma_start3A_249 : memref<10000x128xf32, #tpu.memory_space<hbm>>) target(%arg27 : memref<40x128xf32, #tpu.memory_space<vmem>>) offsets(%arg12 : memref<40xi32, #tpu.memory_space<vmem>>) semaphore(%arg34 : memref<!tpu.dma_semaphore, #tpu.memory_space<semaphore_mem>>)
      %dma_start3A_250 = arith.constant 0 : i32
      %dma_start3A_251 = arith.constant 0 : i32
      %dma_start3A_252 = tpu.memref_slice %arg2[%dma_start3A_250, %dma_start3A_251] : memref<10000x128xf32, #tpu.memory_space<hbm>> -> memref<10000x128xf32, #tpu.memory_space<hbm>>
      tpu.enqueue_indirect_dma source(%dma_start3A_252 : memref<10000x128xf32, #tpu.memory_space<hbm>>) target(%arg28 : memref<40x128xf32, #tpu.memory_space<vmem>>) offsets(%arg13 : memref<40xi32, #tpu.memory_space<vmem>>) semaphore(%arg34 : memref<!tpu.dma_semaphore, #tpu.memory_space<semaphore_mem>>)
      %dma_start3A_253 = arith.constant 0 : i32
      %dma_start3A_254 = arith.constant 0 : i32
      %dma_start3A_255 = tpu.memref_slice %arg2[%dma_start3A_253, %dma_start3A_254] : memref<10000x128xf32, #tpu.memory_space<hbm>> -> memref<10000x128xf32, #tpu.memory_space<hbm>>
      tpu.enqueue_indirect_dma source(%dma_start3A_255 : memref<10000x128xf32, #tpu.memory_space<hbm>>) target(%arg29 : memref<40x128xf32, #tpu.memory_space<vmem>>) offsets(%arg14 : memref<40xi32, #tpu.memory_space<vmem>>) semaphore(%arg34 : memref<!tpu.dma_semaphore, #tpu.memory_space<semaphore_mem>>)
      %dma_start3A_256 = arith.constant 0 : i32
      %dma_start3A_257 = arith.constant 0 : i32
      %dma_start3A_258 = tpu.memref_slice %arg2[%dma_start3A_256, %dma_start3A_257] : memref<10000x128xf32, #tpu.memory_space<hbm>> -> memref<10000x128xf32, #tpu.memory_space<hbm>>
      tpu.enqueue_indirect_dma source(%dma_start3A_258 : memref<10000x128xf32, #tpu.memory_space<hbm>>) target(%arg30 : memref<40x128xf32, #tpu.memory_space<vmem>>) offsets(%arg15 : memref<40xi32, #tpu.memory_space<vmem>>) semaphore(%arg34 : memref<!tpu.dma_semaphore, #tpu.memory_space<semaphore_mem>>)
      %add3A_259 = arith.constant 1 : i32
      %add3A_260 = arith.addi %add3A_195, %add3A_259 : i32
      %lt3A_261 = arith.constant 50 : i32
      %lt3A_262 = arith.cmpi slt, %add3A_260, %lt3A_261 : i32
      %convert_element_type3A_263 = arith.extui %lt3A_262 : i1 to i32
      %cond3A_264 = arith.constant 0 : i32
      %cond3A_265 = arith.cmpi ne, %convert_element_type3A_263, %cond3A_264 : i32
      scf.if %cond3A_265 {
        %add3A_296 = arith.constant 1 : i32
        %add3A_297 = arith.addi %add3A_195, %add3A_296 : i32
        %mul3A_298 = arith.constant 200 : i32
        %mul3A_299 = arith.muli %add3A_297, %mul3A_298 : i32
        %add3A_300 = arith.addi %mul3A_16, %mul3A_299 : i32
        %add3A_301 = arith.constant 0 : i32
        %add3A_302 = arith.addi %add3A_300, %add3A_301 : i32
        %dma_start3A_303 = tpu.memref_slice %arg3[%add3A_302] : memref<320000xi32, #tpu.memory_space<hbm>> -> memref<40xi32, #tpu.memory_space<hbm>>
        %dma_start3A_304 = tpu.memref_slice %arg3[%add3A_302] : memref<320000xi32, #tpu.memory_space<hbm>> -> memref<40xi32, #tpu.memory_space<hbm>>
        tpu.enqueue_dma source(%dma_start3A_304 : memref<40xi32, #tpu.memory_space<hbm>>) target(%arg6 : memref<40xi32, #tpu.memory_space<vmem>>) target_semaphore(%arg33 : memref<!tpu.dma_semaphore, #tpu.memory_space<semaphore_mem>>)
        %add3A_305 = arith.constant 0 : i32
        %add3A_306 = arith.addi %add3A_300, %add3A_305 : i32
        %dma_start3A_307 = tpu.memref_slice %arg4[%add3A_306] : memref<320000xi32, #tpu.memory_space<hbm>> -> memref<40xi32, #tpu.memory_space<hbm>>
        %dma_start3A_308 = tpu.memref_slice %arg4[%add3A_306] : memref<320000xi32, #tpu.memory_space<hbm>> -> memref<40xi32, #tpu.memory_space<hbm>>
        tpu.enqueue_dma source(%dma_start3A_308 : memref<40xi32, #tpu.memory_space<hbm>>) target(%arg16 : memref<40xi32, #tpu.memory_space<vmem>>) target_semaphore(%arg33 : memref<!tpu.dma_semaphore, #tpu.memory_space<semaphore_mem>>)
        %add3A_309 = arith.constant 40 : i32
        %add3A_310 = arith.addi %add3A_300, %add3A_309 : i32
        %dma_start3A_311 = tpu.memref_slice %arg3[%add3A_310] : memref<320000xi32, #tpu.memory_space<hbm>> -> memref<40xi32, #tpu.memory_space<hbm>>
        %dma_start3A_312 = tpu.memref_slice %arg3[%add3A_310] : memref<320000xi32, #tpu.memory_space<hbm>> -> memref<40xi32, #tpu.memory_space<hbm>>
        tpu.enqueue_dma source(%dma_start3A_312 : memref<40xi32, #tpu.memory_space<hbm>>) target(%arg7 : memref<40xi32, #tpu.memory_space<vmem>>) target_semaphore(%arg33 : memref<!tpu.dma_semaphore, #tpu.memory_space<semaphore_mem>>)
        %add3A_313 = arith.constant 40 : i32
        %add3A_314 = arith.addi %add3A_300, %add3A_313 : i32
        %dma_start3A_315 = tpu.memref_slice %arg4[%add3A_314] : memref<320000xi32, #tpu.memory_space<hbm>> -> memref<40xi32, #tpu.memory_space<hbm>>
        %dma_start3A_316 = tpu.memref_slice %arg4[%add3A_314] : memref<320000xi32, #tpu.memory_space<hbm>> -> memref<40xi32, #tpu.memory_space<hbm>>
        tpu.enqueue_dma source(%dma_start3A_316 : memref<40xi32, #tpu.memory_space<hbm>>) target(%arg17 : memref<40xi32, #tpu.memory_space<vmem>>) target_semaphore(%arg33 : memref<!tpu.dma_semaphore, #tpu.memory_space<semaphore_mem>>)
        %add3A_317 = arith.constant 80 : i32
        %add3A_318 = arith.addi %add3A_300, %add3A_317 : i32
        %dma_start3A_319 = tpu.memref_slice %arg3[%add3A_318] : memref<320000xi32, #tpu.memory_space<hbm>> -> memref<40xi32, #tpu.memory_space<hbm>>
        %dma_start3A_320 = tpu.memref_slice %arg3[%add3A_318] : memref<320000xi32, #tpu.memory_space<hbm>> -> memref<40xi32, #tpu.memory_space<hbm>>
        tpu.enqueue_dma source(%dma_start3A_320 : memref<40xi32, #tpu.memory_space<hbm>>) target(%arg8 : memref<40xi32, #tpu.memory_space<vmem>>) target_semaphore(%arg33 : memref<!tpu.dma_semaphore, #tpu.memory_space<semaphore_mem>>)
        %add3A_321 = arith.constant 80 : i32
        %add3A_322 = arith.addi %add3A_300, %add3A_321 : i32
        %dma_start3A_323 = tpu.memref_slice %arg4[%add3A_322] : memref<320000xi32, #tpu.memory_space<hbm>> -> memref<40xi32, #tpu.memory_space<hbm>>
        %dma_start3A_324 = tpu.memref_slice %arg4[%add3A_322] : memref<320000xi32, #tpu.memory_space<hbm>> -> memref<40xi32, #tpu.memory_space<hbm>>
        tpu.enqueue_dma source(%dma_start3A_324 : memref<40xi32, #tpu.memory_space<hbm>>) target(%arg18 : memref<40xi32, #tpu.memory_space<vmem>>) target_semaphore(%arg33 : memref<!tpu.dma_semaphore, #tpu.memory_space<semaphore_mem>>)
        %add3A_325 = arith.constant 120 : i32
        %add3A_326 = arith.addi %add3A_300, %add3A_325 : i32
        %dma_start3A_327 = tpu.memref_slice %arg3[%add3A_326] : memref<320000xi32, #tpu.memory_space<hbm>> -> memref<40xi32, #tpu.memory_space<hbm>>
        %dma_start3A_328 = tpu.memref_slice %arg3[%add3A_326] : memref<320000xi32, #tpu.memory_space<hbm>> -> memref<40xi32, #tpu.memory_space<hbm>>
        tpu.enqueue_dma source(%dma_start3A_328 : memref<40xi32, #tpu.memory_space<hbm>>) target(%arg9 : memref<40xi32, #tpu.memory_space<vmem>>) target_semaphore(%arg33 : memref<!tpu.dma_semaphore, #tpu.memory_space<semaphore_mem>>)
        %add3A_329 = arith.constant 120 : i32
        %add3A_330 = arith.addi %add3A_300, %add3A_329 : i32
        %dma_start3A_331 = tpu.memref_slice %arg4[%add3A_330] : memref<320000xi32, #tpu.memory_space<hbm>> -> memref<40xi32, #tpu.memory_space<hbm>>
        %dma_start3A_332 = tpu.memref_slice %arg4[%add3A_330] : memref<320000xi32, #tpu.memory_space<hbm>> -> memref<40xi32, #tpu.memory_space<hbm>>
        tpu.enqueue_dma source(%dma_start3A_332 : memref<40xi32, #tpu.memory_space<hbm>>) target(%arg19 : memref<40xi32, #tpu.memory_space<vmem>>) target_semaphore(%arg33 : memref<!tpu.dma_semaphore, #tpu.memory_space<semaphore_mem>>)
        %add3A_333 = arith.constant 160 : i32
        %add3A_334 = arith.addi %add3A_300, %add3A_333 : i32
        %dma_start3A_335 = tpu.memref_slice %arg3[%add3A_334] : memref<320000xi32, #tpu.memory_space<hbm>> -> memref<40xi32, #tpu.memory_space<hbm>>
        %dma_start3A_336 = tpu.memref_slice %arg3[%add3A_334] : memref<320000xi32, #tpu.memory_space<hbm>> -> memref<40xi32, #tpu.memory_space<hbm>>
        tpu.enqueue_dma source(%dma_start3A_336 : memref<40xi32, #tpu.memory_space<hbm>>) target(%arg10 : memref<40xi32, #tpu.memory_space<vmem>>) target_semaphore(%arg33 : memref<!tpu.dma_semaphore, #tpu.memory_space<semaphore_mem>>)
        %add3A_337 = arith.constant 160 : i32
        %add3A_338 = arith.addi %add3A_300, %add3A_337 : i32
        %dma_start3A_339 = tpu.memref_slice %arg4[%add3A_338] : memref<320000xi32, #tpu.memory_space<hbm>> -> memref<40xi32, #tpu.memory_space<hbm>>
        %dma_start3A_340 = tpu.memref_slice %arg4[%add3A_338] : memref<320000xi32, #tpu.memory_space<hbm>> -> memref<40xi32, #tpu.memory_space<hbm>>
        tpu.enqueue_dma source(%dma_start3A_340 : memref<40xi32, #tpu.memory_space<hbm>>) target(%arg20 : memref<40xi32, #tpu.memory_space<vmem>>) target_semaphore(%arg33 : memref<!tpu.dma_semaphore, #tpu.memory_space<semaphore_mem>>)
      } else {
      }
      %dma_wait3A_266 = arith.constant 0 : i32
      %dma_wait3A_267 = arith.constant 0 : i32
      %dma_wait3A_268 = tpu.memref_slice %arg2[%dma_wait3A_266, %dma_wait3A_267] : memref<10000x128xf32, #tpu.memory_space<hbm>> -> memref<10000x128xf32, #tpu.memory_space<hbm>>
      tpu.wait_indirect_dma semaphore(%arg34 : memref<!tpu.dma_semaphore, #tpu.memory_space<semaphore_mem>>) src(%dma_wait3A_268 : memref<10000x128xf32, #tpu.memory_space<hbm>>) dst(%arg26 : memref<40x128xf32, #tpu.memory_space<vmem>>)
      %dma_start3A_269 = arith.constant 0 : i32
      %dma_start3A_270 = arith.constant 0 : i32
      %dma_start3A_271 = tpu.memref_slice %arg32[%dma_start3A_269, %dma_start3A_270] : memref<10000x128xf32, #tpu.memory_space<vmem_shared>> -> memref<10000x128xf32, #tpu.memory_space<vmem_shared>>
      tpu.enqueue_indirect_dma source(%arg26 : memref<40x128xf32, #tpu.memory_space<vmem>>) target(%dma_start3A_271 : memref<10000x128xf32, #tpu.memory_space<vmem_shared>>) offsets(%arg21 : memref<40xi32, #tpu.memory_space<vmem>>) semaphore(%arg35 : memref<!tpu.dma_semaphore, #tpu.memory_space<semaphore_mem>>) {add = true}
      %dma_wait3A_272 = arith.constant 0 : i32
      %dma_wait3A_273 = arith.constant 0 : i32
      %dma_wait3A_274 = tpu.memref_slice %arg2[%dma_wait3A_272, %dma_wait3A_273] : memref<10000x128xf32, #tpu.memory_space<hbm>> -> memref<10000x128xf32, #tpu.memory_space<hbm>>
      tpu.wait_indirect_dma semaphore(%arg34 : memref<!tpu.dma_semaphore, #tpu.memory_space<semaphore_mem>>) src(%dma_wait3A_274 : memref<10000x128xf32, #tpu.memory_space<hbm>>) dst(%arg27 : memref<40x128xf32, #tpu.memory_space<vmem>>)
      %dma_start3A_275 = arith.constant 0 : i32
      %dma_start3A_276 = arith.constant 0 : i32
      %dma_start3A_277 = tpu.memref_slice %arg32[%dma_start3A_275, %dma_start3A_276] : memref<10000x128xf32, #tpu.memory_space<vmem_shared>> -> memref<10000x128xf32, #tpu.memory_space<vmem_shared>>
      tpu.enqueue_indirect_dma source(%arg27 : memref<40x128xf32, #tpu.memory_space<vmem>>) target(%dma_start3A_277 : memref<10000x128xf32, #tpu.memory_space<vmem_shared>>) offsets(%arg22 : memref<40xi32, #tpu.memory_space<vmem>>) semaphore(%arg35 : memref<!tpu.dma_semaphore, #tpu.memory_space<semaphore_mem>>) {add = true}
      %dma_wait3A_278 = arith.constant 0 : i32
      %dma_wait3A_279 = arith.constant 0 : i32
      %dma_wait3A_280 = tpu.memref_slice %arg2[%dma_wait3A_278, %dma_wait3A_279] : memref<10000x128xf32, #tpu.memory_space<hbm>> -> memref<10000x128xf32, #tpu.memory_space<hbm>>
      tpu.wait_indirect_dma semaphore(%arg34 : memref<!tpu.dma_semaphore, #tpu.memory_space<semaphore_mem>>) src(%dma_wait3A_280 : memref<10000x128xf32, #tpu.memory_space<hbm>>) dst(%arg28 : memref<40x128xf32, #tpu.memory_space<vmem>>)
      %dma_start3A_281 = arith.constant 0 : i32
      %dma_start3A_282 = arith.constant 0 : i32
      %dma_start3A_283 = tpu.memref_slice %arg32[%dma_start3A_281, %dma_start3A_282] : memref<10000x128xf32, #tpu.memory_space<vmem_shared>> -> memref<10000x128xf32, #tpu.memory_space<vmem_shared>>
      tpu.enqueue_indirect_dma source(%arg28 : memref<40x128xf32, #tpu.memory_space<vmem>>) target(%dma_start3A_283 : memref<10000x128xf32, #tpu.memory_space<vmem_shared>>) offsets(%arg23 : memref<40xi32, #tpu.memory_space<vmem>>) semaphore(%arg35 : memref<!tpu.dma_semaphore, #tpu.memory_space<semaphore_mem>>) {add = true}
      %dma_wait3A_284 = arith.constant 0 : i32
      %dma_wait3A_285 = arith.constant 0 : i32
      %dma_wait3A_286 = tpu.memref_slice %arg2[%dma_wait3A_284, %dma_wait3A_285] : memref<10000x128xf32, #tpu.memory_space<hbm>> -> memref<10000x128xf32, #tpu.memory_space<hbm>>
      tpu.wait_indirect_dma semaphore(%arg34 : memref<!tpu.dma_semaphore, #tpu.memory_space<semaphore_mem>>) src(%dma_wait3A_286 : memref<10000x128xf32, #tpu.memory_space<hbm>>) dst(%arg29 : memref<40x128xf32, #tpu.memory_space<vmem>>)
      %dma_start3A_287 = arith.constant 0 : i32
      %dma_start3A_288 = arith.constant 0 : i32
      %dma_start3A_289 = tpu.memref_slice %arg32[%dma_start3A_287, %dma_start3A_288] : memref<10000x128xf32, #tpu.memory_space<vmem_shared>> -> memref<10000x128xf32, #tpu.memory_space<vmem_shared>>
      tpu.enqueue_indirect_dma source(%arg29 : memref<40x128xf32, #tpu.memory_space<vmem>>) target(%dma_start3A_289 : memref<10000x128xf32, #tpu.memory_space<vmem_shared>>) offsets(%arg24 : memref<40xi32, #tpu.memory_space<vmem>>) semaphore(%arg35 : memref<!tpu.dma_semaphore, #tpu.memory_space<semaphore_mem>>) {add = true}
      %dma_wait3A_290 = arith.constant 0 : i32
      %dma_wait3A_291 = arith.constant 0 : i32
      %dma_wait3A_292 = tpu.memref_slice %arg2[%dma_wait3A_290, %dma_wait3A_291] : memref<10000x128xf32, #tpu.memory_space<hbm>> -> memref<10000x128xf32, #tpu.memory_space<hbm>>
      tpu.wait_indirect_dma semaphore(%arg34 : memref<!tpu.dma_semaphore, #tpu.memory_space<semaphore_mem>>) src(%dma_wait3A_292 : memref<10000x128xf32, #tpu.memory_space<hbm>>) dst(%arg30 : memref<40x128xf32, #tpu.memory_space<vmem>>)
      %dma_start3A_293 = arith.constant 0 : i32
      %dma_start3A_294 = arith.constant 0 : i32
      %dma_start3A_295 = tpu.memref_slice %arg32[%dma_start3A_293, %dma_start3A_294] : memref<10000x128xf32, #tpu.memory_space<vmem_shared>> -> memref<10000x128xf32, #tpu.memory_space<vmem_shared>>
      tpu.enqueue_indirect_dma source(%arg30 : memref<40x128xf32, #tpu.memory_space<vmem>>) target(%dma_start3A_295 : memref<10000x128xf32, #tpu.memory_space<vmem_shared>>) offsets(%arg25 : memref<40xi32, #tpu.memory_space<vmem>>) semaphore(%arg35 : memref<!tpu.dma_semaphore, #tpu.memory_space<semaphore_mem>>) {add = true}
    }
    %scan3A_62 = arith.constant 25 : i32
    %dma_wait3A = arith.constant 0 : i32
    %dma_wait3A_63 = arith.constant 0 : i32
    %dma_wait3A_64 = tpu.memref_slice %arg32[%dma_wait3A, %dma_wait3A_63] : memref<10000x128xf32, #tpu.memory_space<vmem_shared>> -> memref<10000x128xf32, #tpu.memory_space<vmem_shared>>
    tpu.wait_indirect_dma semaphore(%arg35 : memref<!tpu.dma_semaphore, #tpu.memory_space<semaphore_mem>>) src(%arg26 : memref<40x128xf32, #tpu.memory_space<vmem>>) dst(%dma_wait3A_64 : memref<10000x128xf32, #tpu.memory_space<vmem_shared>>)
    %dma_wait3A_65 = arith.constant 0 : i32
    %dma_wait3A_66 = arith.constant 0 : i32
    %dma_wait3A_67 = tpu.memref_slice %arg32[%dma_wait3A_65, %dma_wait3A_66] : memref<10000x128xf32, #tpu.memory_space<vmem_shared>> -> memref<10000x128xf32, #tpu.memory_space<vmem_shared>>
    tpu.wait_indirect_dma semaphore(%arg35 : memref<!tpu.dma_semaphore, #tpu.memory_space<semaphore_mem>>) src(%arg27 : memref<40x128xf32, #tpu.memory_space<vmem>>) dst(%dma_wait3A_67 : memref<10000x128xf32, #tpu.memory_space<vmem_shared>>)
    %dma_wait3A_68 = arith.constant 0 : i32
    %dma_wait3A_69 = arith.constant 0 : i32
    %dma_wait3A_70 = tpu.memref_slice %arg32[%dma_wait3A_68, %dma_wait3A_69] : memref<10000x128xf32, #tpu.memory_space<vmem_shared>> -> memref<10000x128xf32, #tpu.memory_space<vmem_shared>>
    tpu.wait_indirect_dma semaphore(%arg35 : memref<!tpu.dma_semaphore, #tpu.memory_space<semaphore_mem>>) src(%arg28 : memref<40x128xf32, #tpu.memory_space<vmem>>) dst(%dma_wait3A_70 : memref<10000x128xf32, #tpu.memory_space<vmem_shared>>)
    %dma_wait3A_71 = arith.constant 0 : i32
    %dma_wait3A_72 = arith.constant 0 : i32
    %dma_wait3A_73 = tpu.memref_slice %arg32[%dma_wait3A_71, %dma_wait3A_72] : memref<10000x128xf32, #tpu.memory_space<vmem_shared>> -> memref<10000x128xf32, #tpu.memory_space<vmem_shared>>
    tpu.wait_indirect_dma semaphore(%arg35 : memref<!tpu.dma_semaphore, #tpu.memory_space<semaphore_mem>>) src(%arg29 : memref<40x128xf32, #tpu.memory_space<vmem>>) dst(%dma_wait3A_73 : memref<10000x128xf32, #tpu.memory_space<vmem_shared>>)
    %dma_wait3A_74 = arith.constant 0 : i32
    %dma_wait3A_75 = arith.constant 0 : i32
    %dma_wait3A_76 = tpu.memref_slice %arg32[%dma_wait3A_74, %dma_wait3A_75] : memref<10000x128xf32, #tpu.memory_space<vmem_shared>> -> memref<10000x128xf32, #tpu.memory_space<vmem_shared>>
    tpu.wait_indirect_dma semaphore(%arg35 : memref<!tpu.dma_semaphore, #tpu.memory_space<semaphore_mem>>) src(%arg30 : memref<40x128xf32, #tpu.memory_space<vmem>>) dst(%dma_wait3A_76 : memref<10000x128xf32, #tpu.memory_space<vmem_shared>>)
    %barrier3A_77 = arith.constant 0 : index
    tpu.barrier barrier_id(%barrier3A_77)
    %mul3A_78 = arith.constant 624 : i32
    %mul3A_79 = arith.muli %arg1, %mul3A_78 : i32
    "tpu.region"() ({
      %run_scoped3A = tpu.sem_alloc : memref<!tpu.dma_semaphore, #tpu.memory_space<semaphore_mem>>
      %dma_start3A_85 = arith.constant 0 : i32
      %dma_start3A_86 = arith.constant 0 : i32
      %dma_start3A_87 = tpu.memref_slice %arg5[%arg0, %dma_start3A_85, %dma_start3A_86] : memref<2x10000x128xf32, #tpu.memory_space<hbm>> -> memref<1x10000x128xf32, #tpu.memory_space<hbm>>
      %dma_start3A_88 = tpu.memref_squeeze %dma_start3A_87 : memref<1x10000x128xf32, #tpu.memory_space<hbm>> -> memref<10000x128xf32, #tpu.memory_space<hbm>>
      %dma_start3A_89 = arith.constant 0 : i32
      %dma_start3A_90 = tpu.memref_slice %dma_start3A_88[%mul3A_79, %dma_start3A_89] : memref<10000x128xf32, #tpu.memory_space<hbm>> -> memref<624x128xf32, #tpu.memory_space<hbm>>
      %dma_start3A_91 = arith.constant 0 : i32
      %dma_start3A_92 = tpu.memref_slice %arg32[%mul3A_79, %dma_start3A_91] : memref<10000x128xf32, #tpu.memory_space<vmem_shared>> -> memref<624x128xf32, #tpu.memory_space<vmem_shared>>
      tpu.enqueue_dma source(%dma_start3A_92 : memref<624x128xf32, #tpu.memory_space<vmem_shared>>) target(%dma_start3A_90 : memref<624x128xf32, #tpu.memory_space<hbm>>) target_semaphore(%run_scoped3A : memref<!tpu.dma_semaphore, #tpu.memory_space<semaphore_mem>>)
      %dma_wait3A_93 = arith.constant 0 : i32
      %dma_wait3A_94 = arith.constant 0 : i32
      %dma_wait3A_95 = tpu.memref_slice %arg5[%arg0, %dma_wait3A_93, %dma_wait3A_94] : memref<2x10000x128xf32, #tpu.memory_space<hbm>> -> memref<1x10000x128xf32, #tpu.memory_space<hbm>>
      %dma_wait3A_96 = tpu.memref_squeeze %dma_wait3A_95 : memref<1x10000x128xf32, #tpu.memory_space<hbm>> -> memref<10000x128xf32, #tpu.memory_space<hbm>>
      %dma_wait3A_97 = arith.constant 0 : i32
      %dma_wait3A_98 = tpu.memref_slice %dma_wait3A_96[%mul3A_79, %dma_wait3A_97] : memref<10000x128xf32, #tpu.memory_space<hbm>> -> memref<624x128xf32, #tpu.memory_space<hbm>>
      %dma_wait3A_99 = arith.constant 0 : i32
      %dma_wait3A_100 = tpu.memref_slice %arg32[%mul3A_79, %dma_wait3A_99] : memref<10000x128xf32, #tpu.memory_space<vmem_shared>> -> memref<624x128xf32, #tpu.memory_space<vmem_shared>>
      tpu.wait_dma2 semaphore(%run_scoped3A : memref<!tpu.dma_semaphore, #tpu.memory_space<semaphore_mem>>) src(%dma_wait3A_100 : memref<624x128xf32, #tpu.memory_space<vmem_shared>>) dst(%dma_wait3A_98 : memref<624x128xf32, #tpu.memory_space<hbm>>)
      tpu.yield
    }) : () -> ()
    %eq3A_80 = arith.constant 0 : i32
    %eq3A_81 = arith.cmpi eq, %arg1, %eq3A_80 : i32
    %convert_element_type3A_82 = arith.extui %eq3A_81 : i1 to i32
    %cond3A_83 = arith.constant 0 : i32
    %cond3A_84 = arith.cmpi ne, %convert_element_type3A_82, %cond3A_83 : i32
    scf.if %cond3A_84 {
      "tpu.region"() ({
        %run_scoped3A = tpu.sem_alloc : memref<!tpu.dma_semaphore, #tpu.memory_space<semaphore_mem>>
        %dma_start3A_85 = arith.constant 0 : i32
        %dma_start3A_86 = arith.constant 0 : i32
        %dma_start3A_87 = tpu.memref_slice %arg5[%arg0, %dma_start3A_85, %dma_start3A_86] : memref<2x10000x128xf32, #tpu.memory_space<hbm>> -> memref<1x10000x128xf32, #tpu.memory_space<hbm>>
        %dma_start3A_88 = tpu.memref_squeeze %dma_start3A_87 : memref<1x10000x128xf32, #tpu.memory_space<hbm>> -> memref<10000x128xf32, #tpu.memory_space<hbm>>
        %dma_start3A_89 = arith.constant 9984 : i32
        %dma_start3A_90 = arith.constant 0 : i32
        %dma_start3A_91 = tpu.memref_slice %dma_start3A_88[%dma_start3A_89, %dma_start3A_90] : memref<10000x128xf32, #tpu.memory_space<hbm>> -> memref<16x128xf32, #tpu.memory_space<hbm>>
        %dma_start3A_92 = arith.constant 9984 : i32
        %dma_start3A_93 = arith.constant 0 : i32
        %dma_start3A_94 = tpu.memref_slice %arg32[%dma_start3A_92, %dma_start3A_93] : memref<10000x128xf32, #tpu.memory_space<vmem_shared>> -> memref<16x128xf32, #tpu.memory_space<vmem_shared>>
        tpu.enqueue_dma source(%dma_start3A_94 : memref<16x128xf32, #tpu.memory_space<vmem_shared>>) target(%dma_start3A_91 : memref<16x128xf32, #tpu.memory_space<hbm>>) target_semaphore(%run_scoped3A : memref<!tpu.dma_semaphore, #tpu.memory_space<semaphore_mem>>)
        %dma_wait3A_95 = arith.constant 0 : i32
        %dma_wait3A_96 = arith.constant 0 : i32
        %dma_wait3A_97 = tpu.memref_slice %arg5[%arg0, %dma_wait3A_95, %dma_wait3A_96] : memref<2x10000x128xf32, #tpu.memory_space<hbm>> -> memref<1x10000x128xf32, #tpu.memory_space<hbm>>
        %dma_wait3A_98 = tpu.memref_squeeze %dma_wait3A_97 : memref<1x10000x128xf32, #tpu.memory_space<hbm>> -> memref<10000x128xf32, #tpu.memory_space<hbm>>
        %dma_wait3A_99 = arith.constant 9984 : i32
        %dma_wait3A_100 = arith.constant 0 : i32
        %dma_wait3A_101 = tpu.memref_slice %dma_wait3A_98[%dma_wait3A_99, %dma_wait3A_100] : memref<10000x128xf32, #tpu.memory_space<hbm>> -> memref<16x128xf32, #tpu.memory_space<hbm>>
        %dma_wait3A_102 = arith.constant 9984 : i32
        %dma_wait3A_103 = arith.constant 0 : i32
        %dma_wait3A_104 = tpu.memref_slice %arg32[%dma_wait3A_102, %dma_wait3A_103] : memref<10000x128xf32, #tpu.memory_space<vmem_shared>> -> memref<16x128xf32, #tpu.memory_space<vmem_shared>>
        tpu.wait_dma2 semaphore(%run_scoped3A : memref<!tpu.dma_semaphore, #tpu.memory_space<semaphore_mem>>) src(%dma_wait3A_104 : memref<16x128xf32, #tpu.memory_space<vmem_shared>>) dst(%dma_wait3A_101 : memref<16x128xf32, #tpu.memory_space<hbm>>)
        tpu.yield
      }) : () -> ()
    } else {
    }
    return
  }
}

module attributes {stable_mosaic.version = 14 : i64} {
  func.func @body(%arg0: i32, %arg1: memref<2000x128xf32, #tpu.memory_space<vmem>>, %arg2: memref<128x128xf32, #tpu.memory_space<vmem>>, %arg3: memref<2000x128xf32, #tpu.memory_space<vmem>>) attributes {dimension_semantics = [#tpu.dimension_semantics<arbitrary>], iteration_bounds = array<i64: 5>, scalar_prefetch = 0 : i64, scratch_operands = 0 : i64, tpu.core_type = #tpu.core_type<tc>, window_params = [{transform_indices = @transform_0, window_bounds = array<i64: 2000, 128>}, {pipeline_mode = #tpu.pipeline_mode<synchronous>, transform_indices = @transform_1, window_bounds = array<i64: 128, 128>}, {transform_indices = @transform_2, window_bounds = array<i64: 2000, 128>}]} {
    %get3A = arith.constant 0 : index
    %get3A_0 = arith.constant 0 : index
    %get3A_1 = vector.load %arg1[%get3A, %get3A_0] : memref<2000x128xf32, #tpu.memory_space<vmem>>, vector<2000x128xf32>
    %get3A_2 = arith.constant 0 : index
    %get3A_3 = arith.constant 0 : index
    %get3A_4 = vector.load %arg2[%get3A_2, %get3A_3] : memref<128x128xf32, #tpu.memory_space<vmem>>, vector<128x128xf32>
    %dot_general3A = arith.constant dense<0.000000e+00> : vector<2000x128xf32>
    %dot_general3A_5 = tpu.matmul %get3A_1, %get3A_4, %dot_general3A {dimension_numbers = #tpu.dot_dimension_numbers<[1], [0], [0], [1], [0, 0, 1, 1], [], []>, precision = #tpu.contract_precision<fp32>, transpose_lhs_hint = false} : vector<2000x128xf32>, vector<128x128xf32>, vector<2000x128xf32> -> vector<2000x128xf32>
    %swap3A = arith.constant 0 : index
    %swap3A_6 = arith.constant 0 : index
    %swap3A_7 = vector.load %arg3[%swap3A, %swap3A_6] : memref<2000x128xf32, #tpu.memory_space<vmem>>, vector<2000x128xf32>
    tpu.vector_store %arg3[%swap3A, %swap3A_6], %dot_general3A_5 {strides = array<i32>} : memref<2000x128xf32, #tpu.memory_space<vmem>>, vector<2000x128xf32>,
    return
  }
  func.func @transform_0(%arg0: i32) -> (i32, i32) {
    %c0_i32 = arith.constant 0 : i32
    %c0_i32_0 = arith.constant 0 : i32
    return %arg0, %c0_i32 : i32, i32
  }
  func.func @transform_1(%arg0: i32) -> (i32, i32) {
    %c0_i32 = arith.constant 0 : i32
    %c0_i32_0 = arith.constant 0 : i32
    %c0_i32_1 = arith.constant 0 : i32
    return %c0_i32, %c0_i32_0 : i32, i32
  }
  func.func @transform_2(%arg0: i32) -> (i32, i32) {
    %c0_i32 = arith.constant 0 : i32
    %c0_i32_0 = arith.constant 0 : i32
    return %arg0, %c0_i32 : i32, i32
  }
}

module attributes {stable_mosaic.version = 14 : i64} {
  func.func @body(%arg0: i32, %arg1: memref<2000x128xf32, #tpu.memory_space<vmem>>, %arg2: memref<1x2x2000xf32, #tpu.memory_space<vmem>>, %arg3: memref<2000x128xf32, #tpu.memory_space<vmem>>, %arg4: memref<2000x8xf32, #tpu.memory_space<vmem>>) attributes {dimension_semantics = [#tpu.dimension_semantics<arbitrary>], iteration_bounds = array<i64: 5>, scalar_prefetch = 0 : i64, scratch_operands = 0 : i64, tpu.core_type = #tpu.core_type<tc>, window_params = [{transform_indices = @transform_0, window_bounds = array<i64: 2000, 128>}, {transform_indices = @transform_1, window_bounds = array<i64: 1, 2, 2000>}, {transform_indices = @transform_2, window_bounds = array<i64: 2000, 128>}, {transform_indices = @transform_3, window_bounds = array<i64: 2000, 8>}]} {
    %get3A = arith.constant 0 : index
    %get3A_0 = arith.constant 0 : index
    %get3A_1 = arith.constant 0 : index
    %get3A_2 = vector.load %arg2[%get3A, %get3A_0, %get3A_1] : memref<1x2x2000xf32, #tpu.memory_space<vmem>>, vector<1x2x2000xf32>
    %slice3A = vector.extract_strided_slice %get3A_2 {offsets = [0, 0, 0], sizes = [1, 1, 2000], strides = [1, 1, 1]} : vector<1x2x2000xf32> to vector<1x1x2000xf32>
    %squeeze3A = vector.shape_cast %slice3A : vector<1x1x2000xf32> to vector<2000xf32>
    %slice3A_3 = vector.extract_strided_slice %get3A_2 {offsets = [0, 1, 0], sizes = [1, 1, 2000], strides = [1, 1, 1]} : vector<1x2x2000xf32> to vector<1x1x2000xf32>
    %squeeze3A_4 = vector.shape_cast %slice3A_3 : vector<1x1x2000xf32> to vector<2000xf32>
    %add3A = arith.addf %squeeze3A, %squeeze3A_4 : vector<2000xf32>
    %reshape3A = vector.shape_cast %add3A : vector<2000xf32> to vector<2000x1xf32>
    %add3A_5 = arith.constant 1.000000e+00 : f32
    %add3A_6 = vector.broadcast %add3A_5 : f32 to vector<2000x1xf32>
    %add3A_7 = arith.addf %reshape3A, %add3A_6 : vector<2000x1xf32>
    %sqrt3A = math.sqrt %add3A_7 : vector<2000x1xf32>
    %div3A = arith.constant 1.000000e+00 : f32
    %div3A_8 = vector.broadcast %div3A : f32 to vector<2000x1xf32>
    %div3A_9 = arith.divf %div3A_8, %sqrt3A : vector<2000x1xf32>
    %get3A_10 = arith.constant 0 : index
    %get3A_11 = arith.constant 0 : index
    %get3A_12 = vector.load %arg1[%get3A_10, %get3A_11] : memref<2000x128xf32, #tpu.memory_space<vmem>>, vector<2000x128xf32>
    %mul3A = vector.broadcast %div3A_9 : vector<2000x1xf32> to vector<2000x128xf32>
    %mul3A_13 = arith.mulf %get3A_12, %mul3A : vector<2000x128xf32>
    %swap3A = arith.constant 0 : index
    %swap3A_14 = arith.constant 0 : index
    %swap3A_15 = vector.load %arg3[%swap3A, %swap3A_14] : memref<2000x128xf32, #tpu.memory_space<vmem>>, vector<2000x128xf32>
    tpu.vector_store %arg3[%swap3A, %swap3A_14], %mul3A_13 {strides = array<i32>} : memref<2000x128xf32, #tpu.memory_space<vmem>>, vector<2000x128xf32>,
    %broadcast_in_dim3A = vector.shape_cast %div3A_9 : vector<2000x1xf32> to vector<2000x1xf32>
    %broadcast_in_dim3A_16 = vector.broadcast %broadcast_in_dim3A : vector<2000x1xf32> to vector<2000x8xf32>
    %swap3A_17 = arith.constant 0 : index
    %swap3A_18 = arith.constant 0 : index
    %swap3A_19 = vector.load %arg4[%swap3A_17, %swap3A_18] : memref<2000x8xf32, #tpu.memory_space<vmem>>, vector<2000x8xf32>
    tpu.vector_store %arg4[%swap3A_17, %swap3A_18], %broadcast_in_dim3A_16 {strides = array<i32>} : memref<2000x8xf32, #tpu.memory_space<vmem>>, vector<2000x8xf32>,
    return
  }
  func.func @transform_0(%arg0: i32) -> (i32, i32) {
    %c0_i32 = arith.constant 0 : i32
    %c0_i32_0 = arith.constant 0 : i32
    return %arg0, %c0_i32 : i32, i32
  }
  func.func @transform_1(%arg0: i32) -> (i32, i32, i32) {
    %c0_i32 = arith.constant 0 : i32
    %c0_i32_0 = arith.constant 0 : i32
    %c0_i32_1 = arith.constant 0 : i32
    return %arg0, %c0_i32, %c0_i32_0 : i32, i32, i32
  }
  func.func @transform_2(%arg0: i32) -> (i32, i32) {
    %c0_i32 = arith.constant 0 : i32
    %c0_i32_0 = arith.constant 0 : i32
    return %arg0, %c0_i32 : i32, i32
  }
  func.func @transform_3(%arg0: i32) -> (i32, i32) {
    %c0_i32 = arith.constant 0 : i32
    %c0_i32_0 = arith.constant 0 : i32
    return %arg0, %c0_i32 : i32, i32
  }
}

module attributes {stable_mosaic.version = 14 : i64} {
  func.func @body(%arg0: i32, %arg1: memref<2x2000x128xf32, #tpu.memory_space<vmem>>, %arg2: memref<2000x128xf32, #tpu.memory_space<vmem>>, %arg3: memref<2000x8xf32, #tpu.memory_space<vmem>>, %arg4: memref<1x128xf32, #tpu.memory_space<vmem>>, %arg5: memref<128x128xf32, #tpu.memory_space<vmem>>, %arg6: memref<2000x128xf32, #tpu.memory_space<vmem>>) attributes {dimension_semantics = [#tpu.dimension_semantics<arbitrary>], iteration_bounds = array<i64: 5>, scalar_prefetch = 0 : i64, scratch_operands = 0 : i64, tpu.core_type = #tpu.core_type<tc>, window_params = [{transform_indices = @transform_0, window_bounds = array<i64: 2, 2000, 128>}, {transform_indices = @transform_1, window_bounds = array<i64: 2000, 128>}, {transform_indices = @transform_2, window_bounds = array<i64: 2000, 8>}, {pipeline_mode = #tpu.pipeline_mode<synchronous>, transform_indices = @transform_3, window_bounds = array<i64: 1, 128>}, {pipeline_mode = #tpu.pipeline_mode<synchronous>, transform_indices = @transform_4, window_bounds = array<i64: 128, 128>}, {transform_indices = @transform_5, window_bounds = array<i64: 2000, 128>}]} {
    %get3A = arith.constant 0 : index
    %get3A_0 = arith.constant 0 : index
    %get3A_1 = vector.load %arg3[%get3A, %get3A_0] : memref<2000x8xf32, #tpu.memory_space<vmem>>, vector<2000x8xf32>
    %slice3A = vector.extract_strided_slice %get3A_1 {offsets = [0, 0], sizes = [2000, 1], strides = [1, 1]} : vector<2000x8xf32> to vector<2000x1xf32>
    %get3A_2 = arith.constant 0 : index
    %get3A_3 = arith.constant 0 : index
    %get3A_4 = arith.constant 0 : index
    %get3A_5 = vector.load %arg1[%get3A_2, %get3A_3, %get3A_4] : memref<2x2000x128xf32, #tpu.memory_space<vmem>>, vector<1x2000x128xf32>
    %get3A_6 = vector.shape_cast %get3A_5 : vector<1x2000x128xf32> to vector<2000x128xf32>
    %get3A_7 = arith.constant 1 : index
    %get3A_8 = arith.constant 0 : index
    %get3A_9 = arith.constant 0 : index
    %get3A_10 = vector.load %arg1[%get3A_7, %get3A_8, %get3A_9] : memref<2x2000x128xf32, #tpu.memory_space<vmem>>, vector<1x2000x128xf32>
    %get3A_11 = vector.shape_cast %get3A_10 : vector<1x2000x128xf32> to vector<2000x128xf32>
    %add3A = arith.addf %get3A_6, %get3A_11 : vector<2000x128xf32>
    %get3A_12 = arith.constant 0 : index
    %get3A_13 = arith.constant 0 : index
    %get3A_14 = vector.load %arg2[%get3A_12, %get3A_13] : memref<2000x128xf32, #tpu.memory_space<vmem>>, vector<2000x128xf32>
    %add3A_15 = arith.addf %add3A, %get3A_14 : vector<2000x128xf32>
    %mul3A = vector.broadcast %slice3A : vector<2000x1xf32> to vector<2000x128xf32>
    %mul3A_16 = arith.mulf %add3A_15, %mul3A : vector<2000x128xf32>
    %get3A_17 = arith.constant 0 : index
    %get3A_18 = arith.constant 0 : index
    %get3A_19 = vector.load %arg4[%get3A_17, %get3A_18] : memref<1x128xf32, #tpu.memory_space<vmem>>, vector<1x128xf32>
    %add3A_20 = vector.broadcast %get3A_19 : vector<1x128xf32> to vector<2000x128xf32>
    %add3A_21 = arith.addf %mul3A_16, %add3A_20 : vector<2000x128xf32>
    %max3A = arith.constant 0.000000e+00 : f32
    %max3A_22 = vector.broadcast %max3A : f32 to vector<2000x128xf32>
    %max3A_23 = arith.maximumf %add3A_21, %max3A_22 : vector<2000x128xf32>
    %get3A_24 = arith.constant 0 : index
    %get3A_25 = arith.constant 0 : index
    %get3A_26 = vector.load %arg5[%get3A_24, %get3A_25] : memref<128x128xf32, #tpu.memory_space<vmem>>, vector<128x128xf32>
    %dot_general3A = arith.constant dense<0.000000e+00> : vector<2000x128xf32>
    %dot_general3A_27 = tpu.matmul %max3A_23, %get3A_26, %dot_general3A {dimension_numbers = #tpu.dot_dimension_numbers<[1], [0], [0], [1], [0, 0, 1, 1], [], []>, precision = #tpu.contract_precision<fp32>, transpose_lhs_hint = false} : vector<2000x128xf32>, vector<128x128xf32>, vector<2000x128xf32> -> vector<2000x128xf32>
    %mul3A_28 = vector.broadcast %slice3A : vector<2000x1xf32> to vector<2000x128xf32>
    %mul3A_29 = arith.mulf %dot_general3A_27, %mul3A_28 : vector<2000x128xf32>
    %swap3A = arith.constant 0 : index
    %swap3A_30 = arith.constant 0 : index
    %swap3A_31 = vector.load %arg6[%swap3A, %swap3A_30] : memref<2000x128xf32, #tpu.memory_space<vmem>>, vector<2000x128xf32>
    tpu.vector_store %arg6[%swap3A, %swap3A_30], %mul3A_29 {strides = array<i32>} : memref<2000x128xf32, #tpu.memory_space<vmem>>, vector<2000x128xf32>,
    return
  }
  func.func @transform_0(%arg0: i32) -> (i32, i32, i32) {
    %c0_i32 = arith.constant 0 : i32
    %c0_i32_0 = arith.constant 0 : i32
    %c0_i32_1 = arith.constant 0 : i32
    return %c0_i32, %arg0, %c0_i32_0 : i32, i32, i32
  }
  func.func @transform_1(%arg0: i32) -> (i32, i32) {
    %c0_i32 = arith.constant 0 : i32
    %c0_i32_0 = arith.constant 0 : i32
    return %arg0, %c0_i32 : i32, i32
  }
  func.func @transform_2(%arg0: i32) -> (i32, i32) {
    %c0_i32 = arith.constant 0 : i32
    %c0_i32_0 = arith.constant 0 : i32
    return %arg0, %c0_i32 : i32, i32
  }
  func.func @transform_3(%arg0: i32) -> (i32, i32) {
    %c0_i32 = arith.constant 0 : i32
    %c0_i32_0 = arith.constant 0 : i32
    %c0_i32_1 = arith.constant 0 : i32
    return %c0_i32, %c0_i32_0 : i32, i32
  }
  func.func @transform_4(%arg0: i32) -> (i32, i32) {
    %c0_i32 = arith.constant 0 : i32
    %c0_i32_0 = arith.constant 0 : i32
    %c0_i32_1 = arith.constant 0 : i32
    return %c0_i32, %c0_i32_0 : i32, i32
  }
  func.func @transform_5(%arg0: i32) -> (i32, i32) {
    %c0_i32 = arith.constant 0 : i32
    %c0_i32_0 = arith.constant 0 : i32
    return %arg0, %c0_i32 : i32, i32
  }
}

module attributes {stable_mosaic.version = 14 : i64} {
  func.func @body(%arg0: i32, %arg1: memref<2x2000x128xf32, #tpu.memory_space<vmem>>, %arg2: memref<2000x128xf32, #tpu.memory_space<vmem>>, %arg3: memref<2000x8xf32, #tpu.memory_space<vmem>>, %arg4: memref<1x128xf32, #tpu.memory_space<vmem>>, %arg5: memref<1x1x2000xi32, #tpu.memory_space<vmem>>, %arg6: memref<128x10xf32, #tpu.memory_space<vmem>>, %arg7: memref<1x10xf32, #tpu.memory_space<vmem>>, %arg8: memref<64x10xf32, #tpu.memory_space<vmem>>, %arg9: memref<64x128xf32, #tpu.memory_space<vmem>>, %arg10: memref<64x128xf32, #tpu.memory_space<vmem>>) attributes {dimension_semantics = [#tpu.dimension_semantics<arbitrary>], iteration_bounds = array<i64: 5>, scalar_prefetch = 0 : i64, scratch_operands = 2 : i64, tpu.core_type = #tpu.core_type<tc>, window_params = [{transform_indices = @transform_0, window_bounds = array<i64: 2, 2000, 128>}, {transform_indices = @transform_1, window_bounds = array<i64: 2000, 128>}, {transform_indices = @transform_2, window_bounds = array<i64: 2000, 8>}, {pipeline_mode = #tpu.pipeline_mode<synchronous>, transform_indices = @transform_3, window_bounds = array<i64: 1, 128>}, {transform_indices = @transform_4, window_bounds = array<i64: 1, 1, 2000>}, {pipeline_mode = #tpu.pipeline_mode<synchronous>, transform_indices = @transform_5, window_bounds = array<i64: 128, 10>}, {pipeline_mode = #tpu.pipeline_mode<synchronous>, transform_indices = @transform_6, window_bounds = array<i64: 1, 10>}, {pipeline_mode = #tpu.pipeline_mode<synchronous>, transform_indices = @transform_7, window_bounds = array<i64: 64, 10>}]} {
    %eq3A = arith.constant 0 : i32
    %eq3A_0 = arith.cmpi eq, %arg0, %eq3A : i32
    %convert_element_type3A = arith.extui %eq3A_0 : i1 to i32
    %cond3A = arith.constant 0 : i32
    %cond3A_1 = arith.cmpi ne, %convert_element_type3A, %cond3A : i32
    scf.if %cond3A_1 {
      %broadcast_in_dim3A_56 = arith.constant 0.000000e+00 : f32
      %broadcast_in_dim3A_57 = vector.broadcast %broadcast_in_dim3A_56 : f32 to vector<64x128xf32>
      %swap3A_58 = arith.constant 0 : index
      %swap3A_59 = arith.constant 0 : index
      %swap3A_60 = vector.load %arg9[%swap3A_58, %swap3A_59] : memref<64x128xf32, #tpu.memory_space<vmem>>, vector<64x128xf32>
      tpu.vector_store %arg9[%swap3A_58, %swap3A_59], %broadcast_in_dim3A_57 {strides = array<i32>} : memref<64x128xf32, #tpu.memory_space<vmem>>, vector<64x128xf32>,
      %broadcast_in_dim3A_61 = arith.constant 0.000000e+00 : f32
      %broadcast_in_dim3A_62 = vector.broadcast %broadcast_in_dim3A_61 : f32 to vector<64x128xf32>
      %swap3A_63 = arith.constant 0 : index
      %swap3A_64 = arith.constant 0 : index
      %swap3A_65 = vector.load %arg10[%swap3A_63, %swap3A_64] : memref<64x128xf32, #tpu.memory_space<vmem>>, vector<64x128xf32>
      tpu.vector_store %arg10[%swap3A_63, %swap3A_64], %broadcast_in_dim3A_62 {strides = array<i32>} : memref<64x128xf32, #tpu.memory_space<vmem>>, vector<64x128xf32>,
    } else {
    }
    %get3A = arith.constant 0 : index
    %get3A_2 = arith.constant 0 : index
    %get3A_3 = vector.load %arg3[%get3A, %get3A_2] : memref<2000x8xf32, #tpu.memory_space<vmem>>, vector<2000x8xf32>
    %slice3A = vector.extract_strided_slice %get3A_3 {offsets = [0, 0], sizes = [2000, 1], strides = [1, 1]} : vector<2000x8xf32> to vector<2000x1xf32>
    %get3A_4 = arith.constant 0 : index
    %get3A_5 = arith.constant 0 : index
    %get3A_6 = arith.constant 0 : index
    %get3A_7 = vector.load %arg1[%get3A_4, %get3A_5, %get3A_6] : memref<2x2000x128xf32, #tpu.memory_space<vmem>>, vector<1x2000x128xf32>
    %get3A_8 = vector.shape_cast %get3A_7 : vector<1x2000x128xf32> to vector<2000x128xf32>
    %get3A_9 = arith.constant 1 : index
    %get3A_10 = arith.constant 0 : index
    %get3A_11 = arith.constant 0 : index
    %get3A_12 = vector.load %arg1[%get3A_9, %get3A_10, %get3A_11] : memref<2x2000x128xf32, #tpu.memory_space<vmem>>, vector<1x2000x128xf32>
    %get3A_13 = vector.shape_cast %get3A_12 : vector<1x2000x128xf32> to vector<2000x128xf32>
    %add3A = arith.addf %get3A_8, %get3A_13 : vector<2000x128xf32>
    %get3A_14 = arith.constant 0 : index
    %get3A_15 = arith.constant 0 : index
    %get3A_16 = vector.load %arg2[%get3A_14, %get3A_15] : memref<2000x128xf32, #tpu.memory_space<vmem>>, vector<2000x128xf32>
    %add3A_17 = arith.addf %add3A, %get3A_16 : vector<2000x128xf32>
    %mul3A = vector.broadcast %slice3A : vector<2000x1xf32> to vector<2000x128xf32>
    %mul3A_18 = arith.mulf %add3A_17, %mul3A : vector<2000x128xf32>
    %get3A_19 = arith.constant 0 : index
    %get3A_20 = arith.constant 0 : index
    %get3A_21 = vector.load %arg4[%get3A_19, %get3A_20] : memref<1x128xf32, #tpu.memory_space<vmem>>, vector<1x128xf32>
    %add3A_22 = vector.broadcast %get3A_21 : vector<1x128xf32> to vector<2000x128xf32>
    %add3A_23 = arith.addf %mul3A_18, %add3A_22 : vector<2000x128xf32>
    %max3A = arith.constant 0.000000e+00 : f32
    %max3A_24 = vector.broadcast %max3A : f32 to vector<2000x128xf32>
    %max3A_25 = arith.maximumf %add3A_23, %max3A_24 : vector<2000x128xf32>
    %iota3A = tpu.iota {dimensions = array<i32: 0>} : vector<64x2000xi32>
    %get3A_26 = arith.constant 0 : index
    %get3A_27 = arith.constant 0 : index
    %get3A_28 = arith.constant 0 : index
    %get3A_29 = vector.load %arg5[%get3A_26, %get3A_27, %get3A_28] : memref<1x1x2000xi32, #tpu.memory_space<vmem>>, vector<1x1x2000xi32>
    %reshape3A = vector.shape_cast %get3A_29 : vector<1x1x2000xi32> to vector<1x2000xi32>
    %eq3A_30 = vector.broadcast %reshape3A : vector<1x2000xi32> to vector<64x2000xi32>
    %eq3A_31 = arith.cmpi eq, %iota3A, %eq3A_30 : vector<64x2000xi32>
    %convert_element_type3A_32 = arith.extui %eq3A_31 : vector<64x2000xi1> to vector<64x2000xi32>
    %convert_element_type3A_33 = arith.sitofp %convert_element_type3A_32 : vector<64x2000xi32> to vector<64x2000xf32>
    %get3A_34 = arith.constant 0 : index
    %get3A_35 = arith.constant 0 : index
    %get3A_36 = vector.load %arg9[%get3A_34, %get3A_35] : memref<64x128xf32, #tpu.memory_space<vmem>>, vector<64x128xf32>
    %dot_general3A = arith.constant dense<0.000000e+00> : vector<64x128xf32>
    %dot_general3A_37 = tpu.matmul %convert_element_type3A_33, %max3A_25, %dot_general3A {dimension_numbers = #tpu.dot_dimension_numbers<[1], [0], [0], [1], [0, 0, 1, 1], [], []>, precision = #tpu.contract_precision<fp32>, transpose_lhs_hint = false} : vector<64x2000xf32>, vector<2000x128xf32>, vector<64x128xf32> -> vector<64x128xf32>
    %add3A_38 = arith.addf %get3A_36, %dot_general3A_37 : vector<64x128xf32>
    %swap3A = arith.constant 0 : index
    %swap3A_39 = arith.constant 0 : index
    %swap3A_40 = vector.load %arg9[%swap3A, %swap3A_39] : memref<64x128xf32, #tpu.memory_space<vmem>>, vector<64x128xf32>
    tpu.vector_store %arg9[%swap3A, %swap3A_39], %add3A_38 {strides = array<i32>} : memref<64x128xf32, #tpu.memory_space<vmem>>, vector<64x128xf32>,
    %get3A_41 = arith.constant 0 : index
    %get3A_42 = arith.constant 0 : index
    %get3A_43 = vector.load %arg10[%get3A_41, %get3A_42] : memref<64x128xf32, #tpu.memory_space<vmem>>, vector<64x128xf32>
    %reduce_sum3A = arith.constant dense<0.000000e+00> : vector<64xf32>
    %reduce_sum3A_44 = vector.multi_reduction <add>, %convert_element_type3A_33, %reduce_sum3A [1] : vector<64x2000xf32> to vector<64xf32>
    %broadcast_in_dim3A = vector.shape_cast %reduce_sum3A_44 : vector<64xf32> to vector<64x1xf32>
    %broadcast_in_dim3A_45 = vector.shape_cast %broadcast_in_dim3A : vector<64x1xf32> to vector<64x1xf32>
    %broadcast_in_dim3A_46 = vector.broadcast %broadcast_in_dim3A_45 : vector<64x1xf32> to vector<64x128xf32>
    %add3A_47 = arith.addf %get3A_43, %broadcast_in_dim3A_46 : vector<64x128xf32>
    %swap3A_48 = arith.constant 0 : index
    %swap3A_49 = arith.constant 0 : index
    %swap3A_50 = vector.load %arg10[%swap3A_48, %swap3A_49] : memref<64x128xf32, #tpu.memory_space<vmem>>, vector<64x128xf32>
    tpu.vector_store %arg10[%swap3A_48, %swap3A_49], %add3A_47 {strides = array<i32>} : memref<64x128xf32, #tpu.memory_space<vmem>>, vector<64x128xf32>,
    %eq3A_51 = arith.constant 4 : i32
    %eq3A_52 = arith.cmpi eq, %arg0, %eq3A_51 : i32
    %convert_element_type3A_53 = arith.extui %eq3A_52 : i1 to i32
    %cond3A_54 = arith.constant 0 : i32
    %cond3A_55 = arith.cmpi ne, %convert_element_type3A_53, %cond3A_54 : i32
    scf.if %cond3A_55 {
      %get3A_56 = arith.constant 0 : index
      %get3A_57 = arith.constant 0 : index
      %get3A_58 = vector.load %arg9[%get3A_56, %get3A_57] : memref<64x128xf32, #tpu.memory_space<vmem>>, vector<64x128xf32>
      %get3A_59 = arith.constant 0 : index
      %get3A_60 = arith.constant 0 : index
      %get3A_61 = vector.load %arg10[%get3A_59, %get3A_60] : memref<64x128xf32, #tpu.memory_space<vmem>>, vector<64x128xf32>
      %max3A_62 = arith.constant 1.000000e+00 : f32
      %max3A_63 = vector.broadcast %max3A_62 : f32 to vector<64x128xf32>
      %max3A_64 = arith.maximumf %get3A_61, %max3A_63 : vector<64x128xf32>
      %div3A = arith.divf %get3A_58, %max3A_64 : vector<64x128xf32>
      %get3A_65 = arith.constant 0 : index
      %get3A_66 = arith.constant 0 : index
      %get3A_67 = vector.load %arg6[%get3A_65, %get3A_66] : memref<128x10xf32, #tpu.memory_space<vmem>>, vector<128x10xf32>
      %dot_general3A_68 = arith.constant dense<0.000000e+00> : vector<64x10xf32>
      %dot_general3A_69 = tpu.matmul %div3A, %get3A_67, %dot_general3A_68 {dimension_numbers = #tpu.dot_dimension_numbers<[1], [0], [0], [1], [0, 0, 1, 1], [], []>, precision = #tpu.contract_precision<fp32>, transpose_lhs_hint = false} : vector<64x128xf32>, vector<128x10xf32>, vector<64x10xf32> -> vector<64x10xf32>
      %get3A_70 = arith.constant 0 : index
      %get3A_71 = arith.constant 0 : index
      %get3A_72 = vector.load %arg7[%get3A_70, %get3A_71] : memref<1x10xf32, #tpu.memory_space<vmem>>, vector<1x10xf32>
      %add3A_73 = vector.broadcast %get3A_72 : vector<1x10xf32> to vector<64x10xf32>
      %add3A_74 = arith.addf %dot_general3A_69, %add3A_73 : vector<64x10xf32>
      %swap3A_75 = arith.constant 0 : index
      %swap3A_76 = arith.constant 0 : index
      %swap3A_77 = vector.load %arg8[%swap3A_75, %swap3A_76] : memref<64x10xf32, #tpu.memory_space<vmem>>, vector<64x10xf32>
      tpu.vector_store %arg8[%swap3A_75, %swap3A_76], %add3A_74 {strides = array<i32>} : memref<64x10xf32, #tpu.memory_space<vmem>>, vector<64x10xf32>,
    } else {
    }
    return
  }
  func.func @transform_0(%arg0: i32) -> (i32, i32, i32) {
    %c0_i32 = arith.constant 0 : i32
    %c0_i32_0 = arith.constant 0 : i32
    %c0_i32_1 = arith.constant 0 : i32
    return %c0_i32, %arg0, %c0_i32_0 : i32, i32, i32
  }
  func.func @transform_1(%arg0: i32) -> (i32, i32) {
    %c0_i32 = arith.constant 0 : i32
    %c0_i32_0 = arith.constant 0 : i32
    return %arg0, %c0_i32 : i32, i32
  }
  func.func @transform_2(%arg0: i32) -> (i32, i32) {
    %c0_i32 = arith.constant 0 : i32
    %c0_i32_0 = arith.constant 0 : i32
    return %arg0, %c0_i32 : i32, i32
  }
  func.func @transform_3(%arg0: i32) -> (i32, i32) {
    %c0_i32 = arith.constant 0 : i32
    %c0_i32_0 = arith.constant 0 : i32
    %c0_i32_1 = arith.constant 0 : i32
    return %c0_i32, %c0_i32_0 : i32, i32
  }
  func.func @transform_4(%arg0: i32) -> (i32, i32, i32) {
    %c0_i32 = arith.constant 0 : i32
    %c0_i32_0 = arith.constant 0 : i32
    %c0_i32_1 = arith.constant 0 : i32
    return %arg0, %c0_i32, %c0_i32_0 : i32, i32, i32
  }
  func.func @transform_5(%arg0: i32) -> (i32, i32) {
    %c0_i32 = arith.constant 0 : i32
    %c0_i32_0 = arith.constant 0 : i32
    %c0_i32_1 = arith.constant 0 : i32
    return %c0_i32, %c0_i32_0 : i32, i32
  }
  func.func @transform_6(%arg0: i32) -> (i32, i32) {
    %c0_i32 = arith.constant 0 : i32
    %c0_i32_0 = arith.constant 0 : i32
    %c0_i32_1 = arith.constant 0 : i32
    return %c0_i32, %c0_i32_0 : i32, i32
  }
  func.func @transform_7(%arg0: i32) -> (i32, i32) {
    %c0_i32 = arith.constant 0 : i32
    %c0_i32_0 = arith.constant 0 : i32
    %c0_i32_1 = arith.constant 0 : i32
    return %c0_i32, %c0_i32_0 : i32, i32
  }
}

</mosaic_0001>

<sc_bundles>
// kernel: kernel.12.cloned.1.call-start
scs
__scs_entry_jumppad:
0x0: {  	(pc) =	sbr.rel $0x88, $3  }
0x1: {  	(tag) =	ssettag $0x0;
	lr =	simm.s32 $0x1  }
0x2: {  	[smem:$0x3F98] =	sst lr;
	_ =	strace $0xD0000000  }
0x3: {  	_ = 	snop  }
0x4: {  	_ = 	snop  }
0x5: {  	_ = 	snop  }
0x6: {  	_ = 	snop  }
0x7: {  	_ = 	snop  }
__scs_overlays_trampoline_lowered:
0x8: {  	[smem:$0x3FA7] =	sst s0  }
0x9: {  	[smem:$0x3FA8] =	sst s1  }
0xa: {  	[smem:$0x3FA9] =	sst s2  }
0xb: {  	[smem:$0x3FAA] =	sst s3  }
0xc: {  	[smem:$0x3FAB] =	sst s4  }
0xd: {  	[smem:$0x3FAC] =	sst s5  }
0xe: {  	[smem:$0x3FAD] =	sst s6  }
0xf: {  	[smem:$0x3FAE] =	sst s7  }
0x10: {  	[smem:$0x3FAF] =	sst s8  }
0x11: {  	[smem:$0x3FB0] =	sst s9;
	s0 =	simm.s32 @!p0 $0x0  }
0x12: {  	s1 =	sld [smem:$0x3F96];
	s0 =	simm.s32 @p0 $0x1  }
0x13: {  	[smem:$0x3FB1] =	sst s0;
	s0 =	simm.s32 @!p1 $0x0  }
0x14: {  	s2 =	sld [smem:$0x3F95];
	s0 =	simm.s32 @p1 $0x1  }
0x15: {  	[smem:$0x3FB2] =	sst s0;
	s0 =	simm.s32 @!p2 $0x0  }
0x16: {  	s3 =	sld [smem:$0x3FDB];
	s0 =	simm.s32 @p2 $0x1  }
0x17: {  	s4 =	simm.s32 $0x1BF5;
	[smem:$0x3FB4] =	sst s0  }
0x18: {  	s0 =	sld [smem:$0x3F97];
	_ =	swait.ge [sflag:s4], $0x0  }
0x19: {  	s7 =	sld [smem:$0x3F98]  }
0x1a: {  	s8 =	sadd.s32 $0xFFFFE003, lr  }
0x1b: {  	s9 =	sadd.s32 $0xFFFFFEF7, lr;
	s5 =	simm.s32 $0xFFFFFFFF;
	p2 =	slt.u32 s8, $0xFFFFF086  }
0x1c: {  	p1 =	slt.u32 s9, $0xF7A;
	s5 =	simm.s32 @!p2 $0x0  }
0x1d: {  	s5 =	simm.s32 @p1 $0x1;
	p0 =	seq.s32 s7, s2  }
0x1e: {  	s7 =	smul.u32 @!p0 $0xF7A, s2;
	p2 =	seq.s32 @!p0 s5, $0x0  }
0x1f: {  	s9 =	smul.u32 $0xF7A, s1;
	s8 =	simm.s32 @!p0 $0x1BF5;
	p2 =	por !p2, p0  }
0x20: {  	[sflag:s8] =	ssyncset.s32 @!p0 $0xFFFFF086;
	s6 =	sadd.s32 @!p0 s3, s7;
	s7 =	simm.s32 @!p0 $0x108  }
0x21: {  	s3 =	sadd.s32 s3, s9;
	s6 =	sadd.s32 @!p0 $0x88, s6;
	s7 =	simm.s32 @p2 $0x1082  }
0x22: {  	[simem:s7], [sflag:s8] =	dma.local @!p0 [hbm:s6], $0xF7A  }
0x23: {  	s9 =	sor.u32 $0xD0000000, s2;
	s6 =	simm.s32 $0x108;
	_ =	swait.ge @!p0 [sflag:s8], $0x0  }
0x24: {  	s3 =	sadd.s32 $0x88, s3;
	s6 =	simm.s32 @!p1 $0x1082;
	[sflag:s4] =	ssyncset.s32 $0xFFFFF086  }
0x25: {  	[simem:s6], [sflag:s4] =	dma.local [hbm:s3], $0xF7A  }
0x26: {  	[smem:$0x3F98] =	sst s1;
	(tag) =	ssettag s2;
	_ =	strace s9  }
0x27: {  	s1 =	sld [smem:$0x3FA8]  }
0x28: {  	s2 =	sld [smem:$0x3FA9]  }
0x29: {  	s4 =	sld [smem:$0x3FAB]  }
0x2a: {  	p0 =	seq.s32 s5, $0x0;
	s5 =	sld [smem:$0x3FAC]  }
0x2b: {  	s6 =	sld [smem:$0x3FAD]  }
0x2c: {  	s7 =	sld [smem:$0x3FAE]  }
0x2d: {  	s3 =	simm.s32 $0x108;
	s8 =	sld [smem:$0x3FAF]  }
0x2e: {  	s3 =	simm.s32 @!p0 $0x1082;
	s9 =	sld [smem:$0x3FB0]  }
0x2f: {  	lr =	sadd.s32 s0, s3;
	s0 =	sld [smem:$0x3FA7]  }
0x30: {  	s3 =	sld [smem:$0x3FAA]  }
0x31: {  	[smem:$0x3FB3] =	sst s10  }
0x32: {  	s10 =	sld [smem:$0x3FB1];
	_ =	sdelay $0x3  }
0x33: {  	p0 =	seq.s32 s10, $0x1;
	s10 =	sld [smem:$0x3FB3];
	_ =	sdelay $0x3  }
0x34: {  	[smem:$0x3FB3] =	sst s10  }
0x35: {  	s10 =	sld [smem:$0x3FB2];
	_ =	sdelay $0x3  }
0x36: {  	p1 =	seq.s32 s10, $0x1;
	s10 =	sld [smem:$0x3FB3];
	_ =	sdelay $0x3  }
0x37: {  	[smem:$0x3FB3] =	sst s10  }
0x38: {  	s10 =	sld [smem:$0x3FB4]  }
0x39: {  	_ = 	snop;
	(pc) =	sbr.ind lr, $3  }
0x3a: {  	_ = 	snop  }
0x3b: {  	_ = 	snop  }
0x3c: {  	p2 =	seq.s32 s10, $0x1;
	s10 =	sld [smem:$0x3FB3]  }
0x3d: {  	_ =	shalt  }
0x3e: {  	_ =	shalt  }
0x3f: {  	_ =	shalt  }
0x40: {  	_ =	shalt  }
0x41: {  	_ =	shalt  }
0x42: {  	_ =	shalt  }
0x43: {  	_ =	shalt  }
0x44: {  	_ =	shalt  }
0x45: {  	_ =	shalt  }
0x46: {  	_ =	shalt  }
0x47: {  	_ =	shalt  }
0x48: {  	_ =	shalt  }
0x49: {  	_ =	shalt  }
0x4a: {  	_ =	shalt  }
0x4b: {  	_ =	shalt  }
0x4c: {  	_ =	shalt  }
0x4d: {  	_ =	shalt  }
0x4e: {  	_ =	shalt  }
0x4f: {  	_ =	shalt  }
0x50: {  	_ =	shalt  }
0x51: {  	_ =	shalt  }
0x52: {  	_ =	shalt  }
0x53: {  	_ =	shalt  }
0x54: {  	_ =	shalt  }
0x55: {  	_ =	shalt  }
0x56: {  	_ =	shalt  }
0x57: {  	_ =	shalt  }
0x58: {  	_ =	shalt  }
0x59: {  	_ =	shalt  }
0x5a: {  	_ =	shalt  }
0x5b: {  	_ =	shalt  }
0x5c: {  	_ =	shalt  }
0x5d: {  	_ =	shalt  }
0x5e: {  	_ =	shalt  }
0x5f: {  	_ =	shalt  }
0x60: {  	_ =	shalt  }
0x61: {  	_ =	shalt  }
0x62: {  	_ =	shalt  }
0x63: {  	_ =	shalt  }
0x64: {  	_ =	shalt  }
0x65: {  	_ =	shalt  }
0x66: {  	_ =	shalt  }
0x67: {  	_ =	shalt  }
0x68: {  	_ =	shalt  }
0x69: {  	_ =	shalt  }
0x6a: {  	_ =	shalt  }
0x6b: {  	_ =	shalt  }
0x6c: {  	_ =	shalt  }
0x6d: {  	_ =	shalt  }
0x6e: {  	_ =	shalt  }
0x6f: {  	_ =	shalt  }
0x70: {  	_ =	shalt  }
0x71: {  	_ =	shalt  }
0x72: {  	_ =	shalt  }
0x73: {  	_ =	shalt  }
0x74: {  	_ =	shalt  }
0x75: {  	_ =	shalt  }
0x76: {  	_ =	shalt  }
0x77: {  	_ =	shalt  }
0x78: {  	_ =	shalt  }
0x79: {  	_ =	shalt  }
0x7a: {  	_ =	shalt  }
0x7b: {  	_ =	shalt  }
0x7c: {  	_ =	shalt  }
0x7d: {  	_ =	shalt  }
0x7e: {  	_ =	shalt  }
0x7f: {  	_ =	shalt  }
0x80: {  	_ =	shalt  }
0x81: {  	_ =	shalt  }
0x82: {  	_ =	shalt  }
0x83: {  	_ =	shalt  }
0x84: {  	_ =	shalt  }
0x85: {  	_ =	shalt  }
0x86: {  	_ =	shalt  }
0x87: {  	_ =	shalt  }
.Lfunc_end0:
.L_simem_size_0:
called_computation.1_lowered:
.L_overlay_start_0:
0x88: {  	s2 =	sld [smem:$0x3FD9]  }
0x89: {  	s3 =	sld [smem:$0x3FFE];
	_ =	sdelay $0x1  }
0x8a: {  	s1 =	srdreg.scid  }
0x8b: {  	s0 =	sand.u32 $0x1, s1  }
0x8c: {  	s16 =	sshll.u32 s0, $0xA;
	s2 =	sadd.s32 s3, s2  }
0x8d: {  	s2 =	sadd.s32 s2, s16  }
0x8e: {  	[smem:$0x3FBF] =	sst s2  }
0x8f: {  	_ = 	snop  }
0x90: {  	(tm) =	ssettm $0x1  }
0x91: {  	s17 =	sld [smem:$0x3FFB];
	_ =	sdelay $0x3  }
0x92: {  	_ =	strace s17  }
0x93: {  	s2 =	sld [smem:$0x3FFC];
	_ =	sdelay $0x3  }
0x94: {  	_ =	strace s2  }
0x95: {  	s2 =	sld [smem:$0x3FFD];
	_ =	sdelay $0x3  }
0x96: {  	_ =	strace s2  }
0x97: {  	_ =	strace $0x8FFFFFFF  }
0x98: {  	s18 =	sld [smem:$0x3FDB];
	_ =	sdelay $0x1  }
0x99: {  	s19 =	simm.s32 $_scs_section_size  }
0x9a: {  	s4 =	simm.s32 $_size__tile_overlayer_lowered;
	s5 =	simm.s32 $_tile_overlayer_lowered  }
0x9b: {  	s22 =	simm.s32 $0x1BFF;
	s21 =	sshll.u32 s5, $0x1;
	s2 =	sadd.s32 s19, s18  }
0x9c: {  	s6 =	simm.s32 $0x0;
	s20 =	sshll.u32 s4, $0x1;
	s4 =	sadd.s32 s21, s2  }
0x9d: {  	[timem:s6], [sflag:s22] =	dma.local [hbm:s4], s20  }
0x9e: {  	_ =	swait.ge [sflag:s22], s20  }
0x9f: {  	s3 =	ssub.s32 $0x0, s20;
	[sflag:s22] =	ssyncset.done $0x0  }
0xa0: {  	[sflag:s22] =	ssyncadd.s32 s3;
	_ =	sdelay $0x1  }
0xa1: {  	s23 =	simm.s32 $0x1B8B  }
0xa2: {  	_ =	swait.ge [sflag:s23], $0x1  }
0xa3: {  	[sflag:s23] =	ssyncset.done $0x0  }
0xa4: {  	s25 =	simm.s32 $0x1B8E;
	s24 =	sld [smem:$0x3FFE];
	[sflag:s23] =	ssyncadd.s32 $0xFFFFFFFF  }
0xa5: {  	s26 =	simm.s32 $execute0_lowered;
	[smem:$0x3FD2] =	sst s25  }
0xa6: {  	s4 =	sshll.u32 s26, $0x1;
	_ =	strace $0x80000049;
	[dreg:$0x1] =	wrdreg $0xFFFFFFFF  }
0xa7: {  	s28 =	simm.s32 $_size_execute0_lowered;
	s2 =	sadd.s32 s2, s4;
	[dreg:$0x0] =	wrdreg $0x0  }
0xa8: {  	s4 =	sshll.u32 s28, $0x1;
	[dreg:$0x2] =	wrdreg s2  }
0xa9: {  	[dreg:$0x3] =	wrdreg s4  }
0xaa: {  	[dreg:$0x4] =	wrdreg $0xC0  }
0xab: {  	_ =	task [dreg:s6], $0x5FFFF  }
0xac: {  	[dreg:$0x1] =	wrdreg $0xFFFFFFFF  }
0xad: {  	[dreg:$0x0] =	wrdreg $0x60  }
0xae: {  	[dreg:$0x2] =	wrdreg s24  }
0xaf: {  	[dreg:$0x3] =	wrdreg $0xBE000  }
0xb0: {  	[dreg:$0x4] =	wrdreg $0x9  }
0xb1: {  	_ =	task.clear_ibuf [dreg:s6], $0x5FFFF;
	_ =	strace $0x90000049  }
0xb2: {  	s29 =	simm.s32 $0x9;
	_ =	strace $0x8000004B  }
0xb3: {  	_ =	swait.ge [sflag:s29], $0x1  }
0xb4: {  	[sflag:s29] =	ssyncadd.s32 $0xFFFFFFFF  }
0xb5: {  	_ =	strace $0x9000004B  }
0xb6: {  	_ =	sfence  }
0xb7: {  	s30 =	sld [smem:$0x0];
	_ =	sdelay $0x2  }
0xb8: {  	s31 =	sshll.u32 s1, $0xD;
	s1 =	sshrl.u32 s1, $0x2  }
0xb9: {  	s3 =	sand.u32 $0x4000, s31;
	s1 =	sadd.s32 s1, s30  }
0xba: {  	s0 =	sor.u32 s3, s0;
	s1 =	sshll.u32 s1, $0x11  }
0xbb: {  	s0 =	sor.u32 s1, s0  }
0xbc: {  	s0 =	sadd.s32 $0x8F2B, s0  }
0xbd: {  	[sflag:s0] =	ssyncadd.remote.s32 $0x1  }
0xbe: {  	_ =	sfence.sel $0xFFFF  }
0xbf: {  	[dreg:$0x0] =	wrdreg $0xFFFFFFFF;
	(pc) =	sbr.abs _section_cstart, $3  }
0xc0: {  	[dreg:$0x1] =	wrdreg $0xFFFFFFFF  }
0xc1: {  	_ =	task.clear_ibuf [dreg:s6], $0x2FFFF;
	_ =	strace $0x9FFFFFFF  }
0xc2: {  	(tm) =	ssettm $0x7FFFFFFF  }
0xc3: {  	_ =	shalt  }
tec
execute0_lowered:
.L_overlay_start_1:
0x0: {  	(tag) =	ssettag $0x1  }
0x1: {  	s0 =	rddreg [dreg:$0x0]  }
0x2: {  	s1 =	rddreg [dreg:$0x1];
	s2 =	simm.s32 $0x0;
	s3 =	srdreg.scid  }
0x3: {  	s12 =	stileid.u32;
	[smem:$0x7FF] =	sst s2;
	s4 =	sand.u32 $0x1, s3  }
0x4: {  	s18 =	sadd.s32 $0x2C00, s0;
	s21 =	sadd.s32 $0xCA00, s0;
	s19 =	smul.u32 $0x4E000, s12  }
0x5: {  	s5 =	sshll.u32 s4, $0x4;
	s7 =	smul.u32 $0x27100, s4;
	s4 =	ssub.s32 $0x2, s4  }
0x6: {  	_ =	strace $0x8000004A;
	s6 =	sor.u32 s12, s5;
	s8 =	sshrl.u32 s4, $0x1  }
0x7: {  	s9 =	smul.u32 $0x2710, s6;
	s4 =	ssub.s32 s4, s8;
	s6 =	sadd.s32 $0x138000, s1  }
0x8: {  	s10 =	sadd.s32 s7, s0;
	s4 =	smax.u32 s4, $0x1;
	[dreg:$0x15] =	wrdreg s6  }
0x9: {  	s22 =	sshrl.u32 s19, $0x2;
	s5 =	sadd.s32 $0x3DA00, s10;
	[smem:$0x7F6] =	sst s4  }
0xa: {  	s10 =	sadd.s32 s22, s1;
	s23 =	sshrl.u32 s9, $0x3;
	[smem:$0x7FB] =	sst s5  }
0xb: {  	s24 =	sadd.s32 $0x28, s9;
	[smem:$0x7FD] =	sst s10;
	s25 =	sadd.s32 s18, s23  }
0xc: {  	s26 =	sadd.s32 s21, s23;
	s8 =	sshrl.u32 s24, $0x3;
	[dreg:$0x16] =	wrdreg s25  }
0xd: {  	[dreg:$0x17] =	wrdreg s26;
	s28 =	sadd.s32 s18, s8  }
0xe: {  	s11 =	sadd.s32 $0xA, s23;
	s31 =	sadd.s32 s21, s8;
	[dreg:$0x18] =	wrdreg s28  }
0xf: {  	s9 =	sadd.s32 $0x78, s9;
	s8 =	sadd.s32 s18, s11;
	[dreg:$0x19] =	wrdreg s31  }
0x10: {  	s13 =	sshrl.u32 s9, $0x3;
	s14 =	sadd.s32 s21, s11;
	[dreg:$0x1a] =	wrdreg s8  }
0x11: {  	s3 =	sadd.s32 $0x16800, s0;
	s15 =	sadd.s32 s18, s13;
	[dreg:$0x1b] =	wrdreg s14  }
0x12: {  	s0 =	sadd.s32 $0x14, s23;
	s17 =	sadd.s32 s21, s13;
	[dreg:$0x1c] =	wrdreg s15  }
0x13: {  	s29 =	simm.s32 $0x2;
	s20 =	sadd.s32 s18, s0;
	[dreg:$0x1d] =	wrdreg s17  }
0x14: {  	s16 =	smul.u32 $0x2710, s12;
	s0 =	sadd.s32 s21, s0;
	[dreg:$0x1e] =	wrdreg s20  }
0x15: {  	s30 =	simm.s32 $0x3;
	p0 =	sne.s32 s12, $0x0;
	[dreg:$0x1f] =	wrdreg s0  }
0x16: {  	s0 =	sadd.s32 s16, s7;
	s7 =	smul.u32 $0x2700, s12;
	s12 =	simm.s32 $0x1  }
0x17: {  	s23 =	sadd.s32 $0x230, s0;
	s9 =	sadd.s32 $0x208, s0;
	s31 =	sadd.s32 $0x1E0, s0  }
0x18: {  	s14 =	sadd.s32 $0x1B8, s0;
	s19 =	sadd.s32 $0xC8, s0;
	s8 =	sshrl.u32 s23, $0x3  }
0x19: {  	s26 =	sshrl.u32 s9, $0x3;
	s11 =	sshrl.u32 s31, $0x3;
	s16 =	sshrl.u32 s14, $0x3  }
0x1a: {  	s22 =	sshrl.u32 s19, $0x3;
	s31 =	sadd.s32 $0x140, s0;
	s24 =	sadd.s32 s8, s21  }
0x1b: {  	s14 =	sadd.s32 $0x118, s0;
	s25 =	sadd.s32 s8, s18;
	[dreg:$0x3] =	wrdreg s24  }
0x1c: {  	s19 =	sadd.s32 $0xF0, s0;
	s28 =	sadd.s32 s26, s21;
	[dreg:$0x4] =	wrdreg s25  }
0x1d: {  	s9 =	simm.s32 $0x100;
	s8 =	sadd.s32 s26, s18;
	[dreg:$0x5] =	wrdreg s28  }
0x1e: {  	s13 =	sadd.s32 s11, s21;
	s15 =	sadd.s32 s11, s18;
	[dreg:$0x6] =	wrdreg s8  }
0x1f: {  	s17 =	sadd.s32 s16, s21;
	s20 =	sadd.s32 s16, s18;
	[dreg:$0x7] =	wrdreg s13  }
0x20: {  	s23 =	sadd.s32 s22, s21;
	s11 =	sshrl.u32 s31, $0x3;
	[dreg:$0x8] =	wrdreg s15  }
0x21: {  	s16 =	sshrl.u32 s14, $0x3;
	s31 =	sadd.s32 s7, s5;
	[dreg:$0x9] =	wrdreg s17  }
0x22: {  	s5 =	simm.s32 $0x580;
	s14 =	simm.s32 $0xA00;
	[dreg:$0xa] =	wrdreg s20  }
0x23: {  	s7 =	simm.s32 $0x0;
	s24 =	sadd.s32 $0x168, s0;
	[dreg:$0xb] =	wrdreg s23  }
0x24: {  	s25 =	sadd.s32 s22, s18;
	s13 =	sadd.s32 s11, s21;
	[smem:$0x7FC] =	sst s31  }
0x25: {  	s15 =	sadd.s32 s11, s18;
	s17 =	sadd.s32 s16, s21;
	[dreg:$0xc] =	wrdreg s25  }
0x26: {  	s20 =	sadd.s32 s16, s18;
	s22 =	sshrl.u32 s19, $0x3;
	[dreg:$0xf] =	wrdreg s13  }
0x27: {  	s23 =	sadd.s32 $0x4E00, s10;
	s0 =	sadd.s32 $0x190, s0;
	[dreg:$0x10] =	wrdreg s15  }
0x28: {  	s11 =	simm.s32 $0x80;
	s16 =	simm.s32 $0x3200;
	[dreg:$0x11] =	wrdreg s17  }
0x29: {  	s19 =	simm.s32 $0x800;
	s26 =	sshrl.u32 s24, $0x3;
	[smem:$0x7F7] =	sst s23  }
0x2a: {  	[dreg:$0x12] =	wrdreg s20;
	s24 =	sadd.s32 s22, s21;
	s25 =	sadd.s32 $0x9C00, s10  }
0x2b: {  	[smem:$0x7FA] =	sst s0;
	s13 =	simm.s32 $0x28;
	s15 =	simm.s32 $0x1E00  }
0x2c: {  	s17 =	simm.s32 $0x4600;
	s20 =	simm.s32 $0x5A00;
	[dreg:$0x13] =	wrdreg s24  }
0x2d: {  	s23 =	simm.s32 $0x900;
	s28 =	sadd.s32 s26, s21;
	[smem:$0x7F8] =	sst s25  }
0x2e: {  	s8 =	sadd.s32 s26, s18;
	s26 =	sadd.s32 s22, s18;
	[dreg:$0xd] =	wrdreg s28  }
0x2f: {  	s22 =	simm.s32 $0x500;
	s25 =	simm.s32 $0x780;
	[dreg:$0xe] =	wrdreg s8  }
0x30: {  	s24 =	simm.s32 $0x880;
	[dreg:$0x14] =	wrdreg s26;
	s28 =	sadd.s32 $0xEA00, s10  }
0x31: {  	v0 =	vimm.f32 $0.0e+00;
	s8 =	simm.s32 $0x4;
	s26 =	simm.s32 $0x980;
	[smem:$0x7F9] =	sst s28  }
.LBB2_1:
0x32: {  	[smem:$0x7F5] =	sst s7;
	s0 =	simm.s32 $0x70;
	s4 =	simm.s32 $0x3C0  }
.LBB2_2:
0x33: {  	p1 =	sne.s32 s4, $0x137C0;
	[tilespmem:s0+$0x6E00] =	vst v0  }
0x34: {  	[tilespmem:s0+$0x6D90] =	vst v0  }
0x35: {  	[tilespmem:s0+$0x6DA0] =	vst v0  }
.Ltmp0:
0x36: {  	[tilespmem:s0+$0x6DB0] =	vst v0;
	(pc) =	sbr.rel @p1 .LBB2_2-.Ltmp0, $4  }
0x37: {  	[tilespmem:s0+$0x6DC0] =	vst v0  }
0x38: {  	[tilespmem:s0+$0x6DD0] =	vst v0  }
0x39: {  	[tilespmem:s0+$0x6DE0] =	vst v0  }
0x3a: {  	[tilespmem:s0+$0x6DF0] =	vst v0;
	s0 =	sshra.s32 s4, $0x2;
	s4 =	sadd.s32 $0x200, s4  }
0x3b: {  	[tilespmem:s0+$0x6E00] =	vst v0  }
0x3c: {  	[tilespmem:s0+$0x6D90] =	vst v0  }
0x3d: {  	[tilespmem:s0+$0x6DA0] =	vst v0  }
0x3e: {  	[tilespmem:s0+$0x6DB0] =	vst v0  }
0x3f: {  	[tilespmem:s0+$0x6DC0] =	vst v0  }
0x40: {  	[tilespmem:s0+$0x6DD0] =	vst v0  }
0x41: {  	[tilespmem:s0+$0x6DE0] =	vst v0  }
0x42: {  	[tilespmem:s0+$0x6DF0] =	vst v0;
	s4 =	simm.s32 $0x6E00  }
0x43: {  	[spmem:s10] =	stream.linear.scatter [tilespmem:s4], [sflag:$0x4], $0x4E00, $0x38;
	[tilespmem:$0x1F680] =	vst v63  }
0x44: {  	_ =	swait.ge [sflag:s8], $0x4E00  }
0x45: {  	s10 =	sld [smem:$0x7F7]  }
0x46: {  	[sflag:s8] =	ssyncset.done $0x0  }
0x47: {  	[sflag:s8] =	ssyncadd.s32 $0xFFFFB200  }
0x48: {  	[spmem:s10] =	stream.linear.scatter [tilespmem:s4], [sflag:$0x4], $0x4E00, $0x38;
	[tilespmem:$0x1F680] =	vst v63  }
0x49: {  	_ =	swait.ge [sflag:s8], $0x4E00  }
0x4a: {  	s28 =	sld [smem:$0x7F8]  }
0x4b: {  	[sflag:s8] =	ssyncset.done $0x0  }
0x4c: {  	[sflag:s8] =	ssyncadd.s32 $0xFFFFB200  }
0x4d: {  	[spmem:s28] =	stream.linear.scatter [tilespmem:s4], [sflag:$0x4], $0x4E00, $0x38;
	[tilespmem:$0x1F680] =	vst v63  }
0x4e: {  	_ =	swait.ge [sflag:s8], $0x4E00  }
0x4f: {  	s7 =	sld [smem:$0x7F9]  }
0x50: {  	[sflag:s8] =	ssyncset.done $0x0  }
0x51: {  	[sflag:s8] =	ssyncadd.s32 $0xFFFFB200  }
0x52: {  	[spmem:s7] =	stream.linear.scatter [tilespmem:s4], [sflag:$0x4], $0x4E00, $0x38;
	[tilespmem:$0x1F680] =	vst v63  }
0x53: {  	_ =	swait.ge [sflag:s8], $0x4E00  }
0x54: {  	[sflag:s8] =	ssyncset.done $0x0  }
0x55: {  	s0 =	simm.s32 @!p0 $0x6E00;
	[sflag:s8] =	ssyncadd.s32 $0xFFFFB200  }
0x56: {  	[spmem:s6] =	stream.linear.scatter @!p0 [tilespmem:s0], [sflag:$0x4], $0x800, $0x38;
	[tilespmem:$0x1F680] =	vst v63  }
0x57: {  	s0 =	simm.s32 @!p0 $0x4  }
0x58: {  	_ =	swait.ge @!p0 [sflag:s0], $0x800  }
0x59: {  	[sflag:s0] =	ssyncset.done @!p0 $0x0  }
0x5a: {  	[sflag:s0] =	ssyncadd.s32 @!p0 $0xFFFFF800  }
0x5b: {  	[bflag:$0x0] =	sbarrier.arrive $0xFFFF  }
0x5c: {  	s0 =	simm.s32 $0x0;
	s8 =	rddreg [dreg:$0x16]  }
0x5d: {  	[tilespmem:s0], [sflag:$0x1] =	stream.linear.gather [hbm4b:s8+s0], $0x28, $0x38;
	[tilespmem:$0x1F680] =	vst v63  }
0x5e: {  	s10 =	rddreg [dreg:$0x17]  }
0x5f: {  	[tilespmem:s22], [sflag:$0x1] =	stream.linear.gather [hbm4b:s10+s0], $0x28, $0x38;
	[tilespmem:$0x1F680] =	vst v63  }
0x60: {  	s28 =	rddreg [dreg:$0x18]  }
0x61: {  	[tilespmem:s11], [sflag:$0x1] =	stream.linear.gather [hbm4b:s28+s0], $0x28, $0x38;
	[tilespmem:$0x1F680] =	vst v63  }
0x62: {  	s6 =	rddreg [dreg:$0x19]  }
0x63: {  	[tilespmem:s5], [sflag:$0x1] =	stream.linear.gather [hbm4b:s6+s0], $0x28, $0x38;
	[tilespmem:$0x1F680] =	vst v63  }
0x64: {  	s7 =	rddreg [dreg:$0x1a]  }
0x65: {  	[tilespmem:s9], [sflag:$0x1] =	stream.linear.gather [hbm4b:s7+s0], $0x28, $0x38;
	[tilespmem:$0x1F680] =	vst v63  }
0x66: {  	s31 =	simm.s32 $0x600;
	s8 =	rddreg [dreg:$0x1b]  }
0x67: {  	[tilespmem:s31], [sflag:$0x1] =	stream.linear.gather [hbm4b:s8+s0], $0x28, $0x38;
	[tilespmem:$0x1F680] =	vst v63  }
0x68: {  	s10 =	rddreg [dreg:$0x1c];
	s6 =	simm.s32 $0x180  }
0x69: {  	[tilespmem:s6], [sflag:$0x1] =	stream.linear.gather [hbm4b:s10+s0], $0x28, $0x38;
	[tilespmem:$0x1F680] =	vst v63  }
0x6a: {  	s28 =	rddreg [dreg:$0x1d];
	s7 =	simm.s32 $0x680  }
0x6b: {  	[tilespmem:s7], [sflag:$0x1] =	stream.linear.gather [hbm4b:s28+s0], $0x28, $0x38;
	[tilespmem:$0x1F680] =	vst v63  }
0x6c: {  	p1 =	por $0x1, $0x1;
	s8 =	rddreg [dreg:$0x1e];
	s7 =	simm.s32 $0x200  }
0x6d: {  	[tilespmem:s7], [sflag:$0x1] =	stream.linear.gather [hbm4b:s8+s0], $0x28, $0x38;
	[tilespmem:$0x1F680] =	vst v63  }
0x6e: {  	p1 =	por p1, p1;
	s10 =	rddreg [dreg:$0x1f];
	s28 =	simm.s32 $0x700  }
0x6f: {  	[tilespmem:s28], [sflag:$0x1] =	stream.linear.gather [hbm4b:s10+s0], $0x28, $0x38;
	[tilespmem:$0x1F680] =	vst v63  }
0x70: {  	s0 =	simm.s32 @!p1 $0x3  }
0x71: {  	_ =	swait.ge @!p1 [sflag:s0], $0x1400  }
0x72: {  	[sflag:s0] =	ssyncset.done @!p1 $0x0  }
0x73: {  	[sflag:s0] =	ssyncadd.s32 @!p1 $0xFFFFEC00  }
0x74: {  	_ =	swait.ge @!p1 [sflag:s0], $0x1400  }
0x75: {  	[sflag:s0] =	ssyncset.done @!p1 $0x0  }
0x76: {  	[sflag:s0] =	ssyncadd.s32 @!p1 $0xFFFFEC00  }
0x77: {  	_ =	swait.ge @!p1 [sflag:s0], $0x1400  }
0x78: {  	[sflag:s0] =	ssyncset.done @!p1 $0x0  }
0x79: {  	[sflag:s0] =	ssyncadd.s32 @!p1 $0xFFFFEC00  }
0x7a: {  	_ =	swait.ge @!p1 [sflag:s0], $0x1400  }
0x7b: {  	[sflag:s0] =	ssyncset.done @!p1 $0x0  }
0x7c: {  	[sflag:s0] =	ssyncadd.s32 @!p1 $0xFFFFEC00  }
0x7d: {  	_ =	swait.ge @!p1 [sflag:s0], $0x1400  }
0x7e: {  	[sflag:s0] =	ssyncset.done @!p1 $0x0  }
0x7f: {  	[sflag:s0] =	ssyncadd.s32 @!p1 $0xFFFFEC00  }
0x80: {  	_ =	swait.ge [sflag:s12], $0x28  }
0x81: {  	[sflag:s12] =	ssyncset.done $0x0  }
0x82: {  	[sflag:s12] =	ssyncadd.s32 $0xFFFFFFD8  }
0x83: {  	_ =	swait.ge [sflag:s12], $0x28  }
0x84: {  	[sflag:s12] =	ssyncset.done $0x0  }
0x85: {  	[sflag:s12] =	ssyncadd.s32 $0xFFFFFFD8  }
0x86: {  	_ =	swait.ge [sflag:s12], $0x28  }
0x87: {  	[sflag:s12] =	ssyncset.done $0x0  }
0x88: {  	[sflag:s12] =	ssyncadd.s32 $0xFFFFFFD8  }
0x89: {  	_ =	swait.ge [sflag:s12], $0x28  }
0x8a: {  	[sflag:s12] =	ssyncset.done $0x0  }
0x8b: {  	[sflag:s12] =	ssyncadd.s32 $0xFFFFFFD8  }
0x8c: {  	_ =	swait.ge [sflag:s12], $0x28  }
0x8d: {  	[sflag:s12] =	ssyncset.done $0x0  }
0x8e: {  	[sflag:s12] =	ssyncadd.s32 $0xFFFFFFD8  }
0x8f: {  	_ =	swait.ge [sflag:s12], $0x28  }
0x90: {  	[sflag:s12] =	ssyncset.done $0x0  }
0x91: {  	[sflag:s12] =	ssyncadd.s32 $0xFFFFFFD8  }
0x92: {  	_ =	swait.ge [sflag:s12], $0x28  }
0x93: {  	[sflag:s12] =	ssyncset.done $0x0  }
0x94: {  	[sflag:s12] =	ssyncadd.s32 $0xFFFFFFD8  }
0x95: {  	_ =	swait.ge [sflag:s12], $0x28  }
0x96: {  	[sflag:s12] =	ssyncset.done $0x0  }
0x97: {  	[sflag:s12] =	ssyncadd.s32 $0xFFFFFFD8  }
0x98: {  	_ =	swait.ge [sflag:s12], $0x28  }
0x99: {  	[sflag:s12] =	ssyncset.done $0x0  }
0x9a: {  	[sflag:s12] =	ssyncadd.s32 $0xFFFFFFD8  }
0x9b: {  	_ =	swait.ge [sflag:s12], $0x28  }
0x9c: {  	[sflag:s12] =	ssyncset.done $0x0  }
0x9d: {  	[sflag:s12] =	ssyncadd.s32 $0xFFFFFFD8  }
0x9e: {  	[tilespmem:s14], [sflag:$0x2] =	stream.indirect.gather [hbm4b:s3+s13], $0x80, s2, s13, $0xb8;
	[tilespmem:$0x1F680] =	vst v63  }
0x9f: {  	_ = 	snop  }
0xa0: {  	[tilespmem:s15], [sflag:$0x2] =	stream.indirect.gather [hbm4b:s3+s13], $0x80, s11, s13, $0xb8;
	[tilespmem:$0x1F680] =	vst v63  }
0xa1: {  	_ = 	snop  }
0xa2: {  	[tilespmem:s16], [sflag:$0x2] =	stream.indirect.gather [hbm4b:s3+s13], $0x80, s9, s13, $0xb8;
	[tilespmem:$0x1F680] =	vst v63  }
0xa3: {  	_ = 	snop  }
0xa4: {  	[tilespmem:s17], [sflag:$0x2] =	stream.indirect.gather [hbm4b:s3+s13], $0x80, s6, s13, $0xb8;
	[tilespmem:$0x1F680] =	vst v63  }
0xa5: {  	s8 =	rddreg [dreg:$0xc]  }
0xa6: {  	[tilespmem:s20], [sflag:$0x2] =	stream.indirect.gather [hbm4b:s3+s13], $0x80, s7, s13, $0xb8;
	[tilespmem:$0x1F680] =	vst v63  }
0xa7: {  	s10 =	simm.s32 $0x280;
	s0 =	sadd.s32 $0x0, s8;
	s9 =	rddreg [dreg:$0xb]  }
0xa8: {  	[tilespmem:s10], [sflag:$0x1] =	stream.linear.gather [hbm4b:s0+s2], $0x28, $0x38;
	[tilespmem:$0x1F680] =	vst v63  }
0xa9: {  	s28 =	rddreg [dreg:$0x14];
	s7 =	sadd.s32 $0x0, s9  }
0xaa: {  	[tilespmem:s25], [sflag:$0x1] =	stream.linear.gather [hbm4b:s7+s2], $0x28, $0x38;
	[tilespmem:$0x1F680] =	vst v63  }
0xab: {  	s4 =	rddreg [dreg:$0x13];
	s9 =	sadd.s32 $0x0, s28;
	s28 =	simm.s32 $0x300  }
0xac: {  	[tilespmem:s28], [sflag:$0x1] =	stream.linear.gather [hbm4b:s9+s2], $0x28, $0x38;
	[tilespmem:$0x1F680] =	vst v63  }
0xad: {  	s7 =	rddreg [dreg:$0x12];
	s9 =	sadd.s32 $0x0, s4  }
0xae: {  	[tilespmem:s19], [sflag:$0x1] =	stream.linear.gather [hbm4b:s9+s2], $0x28, $0x38;
	[tilespmem:$0x1F680] =	vst v63  }
0xaf: {  	s7 =	sadd.s32 $0x0, s7;
	s4 =	rddreg [dreg:$0x11];
	s9 =	simm.s32 $0x380  }
0xb0: {  	[tilespmem:s9], [sflag:$0x1] =	stream.linear.gather [hbm4b:s7+s2], $0x28, $0x38;
	[tilespmem:$0x1F680] =	vst v63  }
0xb1: {  	s8 =	rddreg [dreg:$0x10];
	s7 =	sadd.s32 $0x0, s4  }
0xb2: {  	[tilespmem:s24], [sflag:$0x1] =	stream.linear.gather [hbm4b:s7+s2], $0x28, $0x38;
	[tilespmem:$0x1F680] =	vst v63  }
0xb3: {  	s0 =	sadd.s32 $0x0, s8;
	s4 =	rddreg [dreg:$0xf];
	s7 =	simm.s32 $0x400  }
0xb4: {  	[tilespmem:s7], [sflag:$0x1] =	stream.linear.gather [hbm4b:s0+s2], $0x28, $0x38;
	[tilespmem:$0x1F680] =	vst v63  }
0xb5: {  	s8 =	rddreg [dreg:$0xe];
	s0 =	sadd.s32 $0x0, s4  }
0xb6: {  	[tilespmem:s23], [sflag:$0x1] =	stream.linear.gather [hbm4b:s0+s2], $0x28, $0x38;
	[tilespmem:$0x1F680] =	vst v63  }
0xb7: {  	s4 =	rddreg [dreg:$0xd];
	s23 =	sadd.s32 $0x0, s8;
	s8 =	simm.s32 $0x480  }
0xb8: {  	[tilespmem:s8], [sflag:$0x1] =	stream.linear.gather [hbm4b:s23+s2], $0x28, $0x38;
	[tilespmem:$0x1F680] =	vst v63  }
0xb9: {  	s4 =	sadd.s32 $0x0, s4  }
0xba: {  	[tilespmem:s26], [sflag:$0x1] =	stream.linear.gather [hbm4b:s4+s2], $0x28, $0x38;
	[tilespmem:$0x1F680] =	vst v63  }
0xbb: {  	_ =	swait.ge [sflag:s29], $0x1400  }
0xbc: {  	[sflag:s29] =	ssyncset.done $0x0  }
0xbd: {  	[sflag:s29] =	ssyncadd.s32 $0xFFFFEC00  }
0xbe: {  	[spmem:s1] =	stream.indirect.scatter.add.f32 [tilespmem:s14], [sflag:$0x3], $0x80, s22, s13, $0xb8;
	[tilespmem:$0x1F680] =	vst v63  }
0xbf: {  	_ =	swait.ge [sflag:s29], $0x1400  }
0xc0: {  	[sflag:s29] =	ssyncset.done $0x0  }
0xc1: {  	[sflag:s29] =	ssyncadd.s32 $0xFFFFEC00  }
0xc2: {  	[spmem:s1] =	stream.indirect.scatter.add.f32 [tilespmem:s15], [sflag:$0x3], $0x80, s5, s13, $0xb8;
	[tilespmem:$0x1F680] =	vst v63  }
0xc3: {  	_ =	swait.ge [sflag:s29], $0x1400  }
0xc4: {  	[sflag:s29] =	ssyncset.done $0x0  }
0xc5: {  	[sflag:s29] =	ssyncadd.s32 $0xFFFFEC00  }
0xc6: {  	[spmem:s1] =	stream.indirect.scatter.add.f32 [tilespmem:s16], [sflag:$0x3], $0x80, s31, s13, $0xb8;
	[tilespmem:$0x1F680] =	vst v63  }
0xc7: {  	_ =	swait.ge [sflag:s29], $0x1400  }
0xc8: {  	[sflag:s29] =	ssyncset.done $0x0  }
0xc9: {  	s23 =	simm.s32 $0x680;
	[sflag:s29] =	ssyncadd.s32 $0xFFFFEC00  }
0xca: {  	[spmem:s1] =	stream.indirect.scatter.add.f32 [tilespmem:s17], [sflag:$0x3], $0x80, s23, s13, $0xb8;
	[tilespmem:$0x1F680] =	vst v63  }
0xcb: {  	_ =	swait.ge [sflag:s29], $0x1400  }
0xcc: {  	[sflag:s29] =	ssyncset.done $0x0  }
0xcd: {  	s26 =	simm.s32 $0x700;
	[sflag:s29] =	ssyncadd.s32 $0xFFFFEC00  }
0xce: {  	[spmem:s1] =	stream.indirect.scatter.add.f32 [tilespmem:s20], [sflag:$0x3], $0x80, s26, s13, $0xb8;
	[tilespmem:$0x1F680] =	vst v63  }
0xcf: {  	_ =	swait.ge [sflag:s30], $0x1400  }
0xd0: {  	[sflag:s30] =	ssyncset.done $0x0  }
0xd1: {  	[sflag:s30] =	ssyncadd.s32 $0xFFFFEC00  }
0xd2: {  	_ =	swait.ge [sflag:s30], $0x1400  }
0xd3: {  	[sflag:s30] =	ssyncset.done $0x0  }
0xd4: {  	[sflag:s30] =	ssyncadd.s32 $0xFFFFEC00  }
0xd5: {  	_ =	swait.ge [sflag:s30], $0x1400  }
0xd6: {  	[sflag:s30] =	ssyncset.done $0x0  }
0xd7: {  	[sflag:s30] =	ssyncadd.s32 $0xFFFFEC00  }
0xd8: {  	_ =	swait.ge [sflag:s30], $0x1400  }
0xd9: {  	[sflag:s30] =	ssyncset.done $0x0  }
0xda: {  	[sflag:s30] =	ssyncadd.s32 $0xFFFFEC00  }
0xdb: {  	_ =	swait.ge [sflag:s30], $0x1400  }
0xdc: {  	[sflag:s30] =	ssyncset.done $0x0  }
0xdd: {  	[sflag:s30] =	ssyncadd.s32 $0xFFFFEC00  }
0xde: {  	_ =	swait.ge [sflag:s12], $0x28  }
0xdf: {  	[sflag:s12] =	ssyncset.done $0x0  }
0xe0: {  	[sflag:s12] =	ssyncadd.s32 $0xFFFFFFD8  }
0xe1: {  	_ =	swait.ge [sflag:s12], $0x28  }
0xe2: {  	[sflag:s12] =	ssyncset.done $0x0  }
0xe3: {  	[sflag:s12] =	ssyncadd.s32 $0xFFFFFFD8  }
0xe4: {  	_ =	swait.ge [sflag:s12], $0x28  }
0xe5: {  	[sflag:s12] =	ssyncset.done $0x0  }
0xe6: {  	[sflag:s12] =	ssyncadd.s32 $0xFFFFFFD8  }
0xe7: {  	_ =	swait.ge [sflag:s12], $0x28  }
0xe8: {  	[sflag:s12] =	ssyncset.done $0x0  }
0xe9: {  	[sflag:s12] =	ssyncadd.s32 $0xFFFFFFD8  }
0xea: {  	_ =	swait.ge [sflag:s12], $0x28  }
0xeb: {  	[sflag:s12] =	ssyncset.done $0x0  }
0xec: {  	[sflag:s12] =	ssyncadd.s32 $0xFFFFFFD8  }
0xed: {  	_ =	swait.ge [sflag:s12], $0x28  }
0xee: {  	[sflag:s12] =	ssyncset.done $0x0  }
0xef: {  	[sflag:s12] =	ssyncadd.s32 $0xFFFFFFD8  }
0xf0: {  	_ =	swait.ge [sflag:s12], $0x28  }
0xf1: {  	[sflag:s12] =	ssyncset.done $0x0  }
0xf2: {  	[sflag:s12] =	ssyncadd.s32 $0xFFFFFFD8  }
0xf3: {  	_ =	swait.ge [sflag:s12], $0x28  }
0xf4: {  	[sflag:s12] =	ssyncset.done $0x0  }
0xf5: {  	[sflag:s12] =	ssyncadd.s32 $0xFFFFFFD8  }
0xf6: {  	_ =	swait.ge [sflag:s12], $0x28  }
0xf7: {  	[sflag:s12] =	ssyncset.done $0x0  }
0xf8: {  	[sflag:s12] =	ssyncadd.s32 $0xFFFFFFD8  }
0xf9: {  	_ =	swait.ge [sflag:s12], $0x28  }
0xfa: {  	[sflag:s12] =	ssyncset.done $0x0  }
0xfb: {  	[sflag:s12] =	ssyncadd.s32 $0xFFFFFFD8  }
0xfc: {  	[tilespmem:s14], [sflag:$0x2] =	stream.indirect.gather [hbm4b:s3+s13], $0x80, s10, s13, $0xb8;
	[tilespmem:$0x1F680] =	vst v63  }
0xfd: {  	_ = 	snop  }
0xfe: {  	[tilespmem:s15], [sflag:$0x2] =	stream.indirect.gather [hbm4b:s3+s13], $0x80, s28, s13, $0xb8;
	[tilespmem:$0x1F680] =	vst v63  }
0xff: {  	s5 =	sld [smem:$0x7FA]  }
0x100: {  	[tilespmem:s16], [sflag:$0x2] =	stream.indirect.gather [hbm4b:s3+s13], $0x80, s9, s13, $0xb8;
	[tilespmem:$0x1F680] =	vst v63  }
0x101: {  	p1 =	por $0x0, $0x0  }
0x102: {  	[tilespmem:s17], [sflag:$0x2] =	stream.indirect.gather [hbm4b:s3+s13], $0x80, s7, s13, $0xb8;
	[tilespmem:$0x1F680] =	vst v63  }
0x103: {  	s0 =	sshrl.u32 @!p1 s5, $0x3  }
0x104: {  	[tilespmem:s20], [sflag:$0x2] =	stream.indirect.gather [hbm4b:s3+s13], $0x80, s8, s13, $0xb8;
	[tilespmem:$0x1F680] =	vst v63  }
0x105: {  	s4 =	simm.s32 @!p1 $0x0;
	s8 =	sadd.s32 @!p1 s18, s0  }
0x106: {  	[tilespmem:s4], [sflag:$0x1] =	stream.linear.gather @!p1 [hbm4b:s8+s4], $0x28, $0x38;
	[tilespmem:$0x1F680] =	vst v63  }
0x107: {  	s9 =	simm.s32 @!p1 $0x500;
	s0 =	sadd.s32 @!p1 s21, s0;
	s8 =	rddreg [dreg:$0xa]  }
0x108: {  	[tilespmem:s9], [sflag:$0x1] =	stream.linear.gather @!p1 [hbm4b:s0+s4], $0x28, $0x38;
	[tilespmem:$0x1F680] =	vst v63  }
0x109: {  	s8 =	sadd.s32 @!p1 $0x0, s8;
	s0 =	rddreg [dreg:$0x9];
	s9 =	simm.s32 @!p1 $0x80  }
0x10a: {  	[tilespmem:s9], [sflag:$0x1] =	stream.linear.gather @!p1 [hbm4b:s8+s4], $0x28, $0x38;
	[tilespmem:$0x1F680] =	vst v63  }
0x10b: {  	s0 =	sadd.s32 @!p1 $0x0, s0;
	s8 =	simm.s32 @!p1 $0x580;
	s9 =	rddreg [dreg:$0x8]  }
0x10c: {  	[tilespmem:s8], [sflag:$0x1] =	stream.linear.gather @!p1 [hbm4b:s0+s4], $0x28, $0x38;
	[tilespmem:$0x1F680] =	vst v63  }
0x10d: {  	s9 =	sadd.s32 @!p1 $0x0, s9;
	s0 =	rddreg [dreg:$0x7];
	s8 =	simm.s32 @!p1 $0x100  }
0x10e: {  	[tilespmem:s8], [sflag:$0x1] =	stream.linear.gather @!p1 [hbm4b:s9+s4], $0x28, $0x38;
	[tilespmem:$0x1F680] =	vst v63  }
0x10f: {  	s0 =	sadd.s32 @!p1 $0x0, s0;
	s8 =	simm.s32 @!p1 $0x600;
	s9 =	rddreg [dreg:$0x6]  }
0x110: {  	[tilespmem:s8], [sflag:$0x1] =	stream.linear.gather @!p1 [hbm4b:s0+s4], $0x28, $0x38;
	[tilespmem:$0x1F680] =	vst v63  }
0x111: {  	s9 =	sadd.s32 @!p1 $0x0, s9;
	s0 =	rddreg [dreg:$0x5];
	s8 =	simm.s32 @!p1 $0x180  }
0x112: {  	[tilespmem:s8], [sflag:$0x1] =	stream.linear.gather @!p1 [hbm4b:s9+s4], $0x28, $0x38;
	[tilespmem:$0x1F680] =	vst v63  }
0x113: {  	s0 =	sadd.s32 @!p1 $0x0, s0;
	s8 =	simm.s32 @!p1 $0x680;
	s9 =	rddreg [dreg:$0x4]  }
0x114: {  	[tilespmem:s8], [sflag:$0x1] =	stream.linear.gather @!p1 [hbm4b:s0+s4], $0x28, $0x38;
	[tilespmem:$0x1F680] =	vst v63  }
0x115: {  	s9 =	sadd.s32 @!p1 $0x0, s9;
	s0 =	rddreg [dreg:$0x3];
	s8 =	simm.s32 @!p1 $0x200  }
0x116: {  	[tilespmem:s8], [sflag:$0x1] =	stream.linear.gather @!p1 [hbm4b:s9+s4], $0x28, $0x38;
	[tilespmem:$0x1F680] =	vst v63  }
0x117: {  	s0 =	sadd.s32 @!p1 $0x0, s0;
	s8 =	simm.s32 @!p1 $0x700  }
0x118: {  	[tilespmem:s8], [sflag:$0x1] =	stream.linear.gather @!p1 [hbm4b:s0+s4], $0x28, $0x38;
	[tilespmem:$0x1F680] =	vst v63  }
0x119: {  	_ =	swait.ge [sflag:s29], $0x1400  }
0x11a: {  	[sflag:s29] =	ssyncset.done $0x0  }
0x11b: {  	[sflag:s29] =	ssyncadd.s32 $0xFFFFEC00  }
0x11c: {  	[spmem:s1] =	stream.indirect.scatter.add.f32 [tilespmem:s14], [sflag:$0x3], $0x80, s25, s13, $0xb8;
	[tilespmem:$0x1F680] =	vst v63  }
0x11d: {  	_ =	swait.ge [sflag:s29], $0x1400  }
0x11e: {  	[sflag:s29] =	ssyncset.done $0x0  }
0x11f: {  	[sflag:s29] =	ssyncadd.s32 $0xFFFFEC00  }
0x120: {  	[spmem:s1] =	stream.indirect.scatter.add.f32 [tilespmem:s15], [sflag:$0x3], $0x80, s19, s13, $0xb8;
	[tilespmem:$0x1F680] =	vst v63  }
0x121: {  	_ =	swait.ge [sflag:s29], $0x1400  }
0x122: {  	[sflag:s29] =	ssyncset.done $0x0  }
0x123: {  	[sflag:s29] =	ssyncadd.s32 $0xFFFFEC00  }
0x124: {  	[spmem:s1] =	stream.indirect.scatter.add.f32 [tilespmem:s16], [sflag:$0x3], $0x80, s24, s13, $0xb8;
	[tilespmem:$0x1F680] =	vst v63  }
0x125: {  	_ =	swait.ge [sflag:s29], $0x1400  }
0x126: {  	p6 =	por $0x0, $0x0;
	[sflag:s29] =	ssyncset.done $0x0  }
0x127: {  	s31 =	simm.s32 $0x32;
	s28 =	simm.s32 $0x900;
	[sflag:s29] =	ssyncadd.s32 $0xFFFFEC00  }
0x128: {  	[spmem:s1] =	stream.indirect.scatter.add.f32 [tilespmem:s17], [sflag:$0x3], $0x80, s28, s13, $0xb8;
	[tilespmem:$0x1F680] =	vst v63  }
0x129: {  	s4 =	simm.s32 $0x64;
	p1 =	por p6, p6;
	_ =	swait.ge [sflag:s29], $0x1400  }
0x12a: {  	s0 =	sadd.s32 $0x190, s5;
	s9 =	simm.s32 @!p1 $0x3;
	[sflag:s29] =	ssyncset.done $0x0  }
.LBB2_4:
0x12b: {  	[sflag:s29] =	ssyncadd.s32 $0xFFFFEC00;
	s23 =	simm.s32 $0x980  }
0x12c: {  	[spmem:s1] =	stream.indirect.scatter.add.f32 [tilespmem:s20], [sflag:$0x3], $0x80, s23, s13, $0xb8;
	[tilespmem:$0x1F680] =	vst v63  }
0x12d: {  	_ =	swait.ge @!p1 [sflag:s9], $0x1400  }
0x12e: {  	[sflag:s9] =	ssyncset.done @!p1 $0x0  }
0x12f: {  	[sflag:s9] =	ssyncadd.s32 @!p1 $0xFFFFEC00  }
0x130: {  	_ =	swait.ge @!p1 [sflag:s9], $0x1400  }
0x131: {  	[sflag:s9] =	ssyncset.done @!p1 $0x0  }
0x132: {  	[sflag:s9] =	ssyncadd.s32 @!p1 $0xFFFFEC00  }
0x133: {  	_ =	swait.ge @!p1 [sflag:s9], $0x1400  }
0x134: {  	[sflag:s9] =	ssyncset.done @!p1 $0x0  }
0x135: {  	[sflag:s9] =	ssyncadd.s32 @!p1 $0xFFFFEC00  }
0x136: {  	_ =	swait.ge @!p1 [sflag:s9], $0x1400  }
0x137: {  	[sflag:s9] =	ssyncset.done @!p1 $0x0  }
0x138: {  	[sflag:s9] =	ssyncadd.s32 @!p1 $0xFFFFEC00  }
0x139: {  	_ =	swait.ge @!p1 [sflag:s9], $0x1400  }
0x13a: {  	[sflag:s9] =	ssyncset.done @!p1 $0x0  }
0x13b: {  	[sflag:s9] =	ssyncadd.s32 @!p1 $0xFFFFEC00  }
0x13c: {  	_ =	swait.ge [sflag:s12], $0x28  }
0x13d: {  	[sflag:s12] =	ssyncset.done $0x0  }
0x13e: {  	[sflag:s12] =	ssyncadd.s32 $0xFFFFFFD8  }
0x13f: {  	_ =	swait.ge [sflag:s12], $0x28  }
0x140: {  	[sflag:s12] =	ssyncset.done $0x0  }
0x141: {  	[sflag:s12] =	ssyncadd.s32 $0xFFFFFFD8  }
0x142: {  	_ =	swait.ge [sflag:s12], $0x28  }
0x143: {  	[sflag:s12] =	ssyncset.done $0x0  }
0x144: {  	[sflag:s12] =	ssyncadd.s32 $0xFFFFFFD8  }
0x145: {  	_ =	swait.ge [sflag:s12], $0x28  }
0x146: {  	[sflag:s12] =	ssyncset.done $0x0  }
0x147: {  	[sflag:s12] =	ssyncadd.s32 $0xFFFFFFD8  }
0x148: {  	_ =	swait.ge [sflag:s12], $0x28  }
0x149: {  	[sflag:s12] =	ssyncset.done $0x0  }
0x14a: {  	[sflag:s12] =	ssyncadd.s32 $0xFFFFFFD8  }
0x14b: {  	_ =	swait.ge [sflag:s12], $0x28  }
0x14c: {  	[sflag:s12] =	ssyncset.done $0x0  }
0x14d: {  	[sflag:s12] =	ssyncadd.s32 $0xFFFFFFD8  }
0x14e: {  	_ =	swait.ge [sflag:s12], $0x28  }
0x14f: {  	[sflag:s12] =	ssyncset.done $0x0  }
0x150: {  	[sflag:s12] =	ssyncadd.s32 $0xFFFFFFD8  }
0x151: {  	_ =	swait.ge [sflag:s12], $0x28  }
0x152: {  	[sflag:s12] =	ssyncset.done $0x0  }
0x153: {  	[sflag:s12] =	ssyncadd.s32 $0xFFFFFFD8  }
0x154: {  	_ =	swait.ge [sflag:s12], $0x28  }
0x155: {  	[sflag:s12] =	ssyncset.done $0x0  }
0x156: {  	[sflag:s12] =	ssyncadd.s32 $0xFFFFFFD8  }
0x157: {  	_ =	swait.ge [sflag:s12], $0x28  }
0x158: {  	[sflag:s12] =	ssyncset.done $0x0  }
0x159: {  	[sflag:s12] =	ssyncadd.s32 $0xFFFFFFD8  }
0x15a: {  	[tilespmem:s14], [sflag:$0x2] =	stream.indirect.gather [hbm4b:s3+s13], $0x80, s2, s13, $0xb8;
	[tilespmem:$0x1F680] =	vst v63  }
0x15b: {  	_ = 	snop  }
0x15c: {  	[tilespmem:s15], [sflag:$0x2] =	stream.indirect.gather [hbm4b:s3+s13], $0x80, s11, s13, $0xb8;
	[tilespmem:$0x1F680] =	vst v63  }
0x15d: {  	s5 =	simm.s32 $0x100  }
0x15e: {  	[tilespmem:s16], [sflag:$0x2] =	stream.indirect.gather [hbm4b:s3+s13], $0x80, s5, s13, $0xb8;
	[tilespmem:$0x1F680] =	vst v63  }
0x15f: {  	_ = 	snop  }
0x160: {  	[tilespmem:s17], [sflag:$0x2] =	stream.indirect.gather [hbm4b:s3+s13], $0x80, s6, s13, $0xb8;
	[tilespmem:$0x1F680] =	vst v63  }
0x161: {  	s26 =	simm.s32 $0x200;
	s25 =	rddreg [dreg:$0xc]  }
0x162: {  	[tilespmem:s20], [sflag:$0x2] =	stream.indirect.gather [hbm4b:s3+s13], $0x80, s26, s13, $0xb8;
	[tilespmem:$0x1F680] =	vst v63  }
0x163: {  	s10 =	rddreg [dreg:$0xb];
	s9 =	sadd.s32 s31, s25;
	s6 =	simm.s32 $0x280  }
0x164: {  	[tilespmem:s6], [sflag:$0x1] =	stream.linear.gather [hbm4b:s9+s2], $0x28, $0x38;
	[tilespmem:$0x1F680] =	vst v63  }
0x165: {  	s28 =	rddreg [dreg:$0x14];
	s14 =	simm.s32 $0x780;
	s5 =	sadd.s32 s31, s10  }
0x166: {  	[tilespmem:s14], [sflag:$0x1] =	stream.linear.gather [hbm4b:s5+s2], $0x28, $0x38;
	[tilespmem:$0x1F680] =	vst v63  }
0x167: {  	s7 =	rddreg [dreg:$0x13];
	s19 =	sadd.s32 s31, s28;
	s28 =	simm.s32 $0x300  }
0x168: {  	[tilespmem:s28], [sflag:$0x1] =	stream.linear.gather [hbm4b:s19+s2], $0x28, $0x38;
	[tilespmem:$0x1F680] =	vst v63  }
0x169: {  	s24 =	rddreg [dreg:$0x12];
	s25 =	simm.s32 $0x800;
	s26 =	sadd.s32 s31, s7  }
0x16a: {  	[tilespmem:s25], [sflag:$0x1] =	stream.linear.gather [hbm4b:s26+s2], $0x28, $0x38;
	[tilespmem:$0x1F680] =	vst v63  }
0x16b: {  	s7 =	simm.s32 $0x380;
	s5 =	rddreg [dreg:$0x11];
	s19 =	sadd.s32 s31, s24  }
0x16c: {  	[tilespmem:s7], [sflag:$0x1] =	stream.linear.gather [hbm4b:s19+s2], $0x28, $0x38;
	[tilespmem:$0x1F680] =	vst v63  }
0x16d: {  	s24 =	rddreg [dreg:$0x10];
	s26 =	sadd.s32 s31, s5;
	s19 =	simm.s32 $0x880  }
0x16e: {  	[tilespmem:s19], [sflag:$0x1] =	stream.linear.gather [hbm4b:s26+s2], $0x28, $0x38;
	[tilespmem:$0x1F680] =	vst v63  }
0x16f: {  	s24 =	sadd.s32 s31, s24;
	s5 =	rddreg [dreg:$0xf];
	s26 =	simm.s32 $0x400  }
0x170: {  	[tilespmem:s26], [sflag:$0x1] =	stream.linear.gather [hbm4b:s24+s2], $0x28, $0x38;
	[tilespmem:$0x1F680] =	vst v63  }
0x171: {  	s11 =	rddreg [dreg:$0xe];
	s5 =	sadd.s32 s31, s5;
	s24 =	simm.s32 $0x900  }
0x172: {  	[tilespmem:s24], [sflag:$0x1] =	stream.linear.gather [hbm4b:s5+s2], $0x28, $0x38;
	[tilespmem:$0x1F680] =	vst v63  }
0x173: {  	s10 =	rddreg [dreg:$0xd];
	s5 =	sadd.s32 s31, s11;
	s11 =	simm.s32 $0x480  }
0x174: {  	[tilespmem:s11], [sflag:$0x1] =	stream.linear.gather [hbm4b:s5+s2], $0x28, $0x38;
	[tilespmem:$0x1F680] =	vst v63  }
0x175: {  	s5 =	sadd.s32 s31, s10  }
0x176: {  	[tilespmem:s23], [sflag:$0x1] =	stream.linear.gather [hbm4b:s5+s2], $0x28, $0x38;
	[tilespmem:$0x1F680] =	vst v63  }
0x177: {  	_ =	swait.ge [sflag:s29], $0x1400  }
0x178: {  	[sflag:s29] =	ssyncset.done $0x0  }
0x179: {  	s15 =	simm.s32 $0xA00;
	[sflag:s29] =	ssyncadd.s32 $0xFFFFEC00  }
0x17a: {  	[spmem:s1] =	stream.indirect.scatter.add.f32 [tilespmem:s15], [sflag:$0x3], $0x80, s22, s13, $0xb8;
	[tilespmem:$0x1F680] =	vst v63  }
0x17b: {  	_ =	swait.ge [sflag:s29], $0x1400  }
0x17c: {  	[sflag:s29] =	ssyncset.done $0x0  }
0x17d: {  	s16 =	simm.s32 $0x1E00;
	s9 =	simm.s32 $0x580;
	[sflag:s29] =	ssyncadd.s32 $0xFFFFEC00  }
0x17e: {  	[spmem:s1] =	stream.indirect.scatter.add.f32 [tilespmem:s16], [sflag:$0x3], $0x80, s9, s13, $0xb8;
	[tilespmem:$0x1F680] =	vst v63  }
0x17f: {  	_ =	swait.ge [sflag:s29], $0x1400  }
0x180: {  	[sflag:s29] =	ssyncset.done $0x0  }
0x181: {  	s17 =	simm.s32 $0x3200;
	s10 =	simm.s32 $0x600;
	[sflag:s29] =	ssyncadd.s32 $0xFFFFEC00  }
0x182: {  	[spmem:s1] =	stream.indirect.scatter.add.f32 [tilespmem:s17], [sflag:$0x3], $0x80, s10, s13, $0xb8;
	[tilespmem:$0x1F680] =	vst v63  }
0x183: {  	_ =	swait.ge [sflag:s29], $0x1400  }
0x184: {  	[sflag:s29] =	ssyncset.done $0x0  }
0x185: {  	s22 =	simm.s32 $0x680;
	s17 =	simm.s32 $0x4600;
	[sflag:s29] =	ssyncadd.s32 $0xFFFFEC00  }
0x186: {  	[spmem:s1] =	stream.indirect.scatter.add.f32 [tilespmem:s17], [sflag:$0x3], $0x80, s22, s13, $0xb8;
	[tilespmem:$0x1F680] =	vst v63  }
0x187: {  	_ =	swait.ge [sflag:s29], $0x1400  }
0x188: {  	[sflag:s29] =	ssyncset.done $0x0  }
0x189: {  	s23 =	simm.s32 $0x700;
	[sflag:s29] =	ssyncadd.s32 $0xFFFFEC00  }
0x18a: {  	[spmem:s1] =	stream.indirect.scatter.add.f32 [tilespmem:s20], [sflag:$0x3], $0x80, s23, s13, $0xb8;
	[tilespmem:$0x1F680] =	vst v63  }
0x18b: {  	_ =	swait.ge [sflag:s30], $0x1400  }
0x18c: {  	[sflag:s30] =	ssyncset.done $0x0  }
0x18d: {  	[sflag:s30] =	ssyncadd.s32 $0xFFFFEC00  }
0x18e: {  	_ =	swait.ge [sflag:s30], $0x1400  }
0x18f: {  	[sflag:s30] =	ssyncset.done $0x0  }
0x190: {  	[sflag:s30] =	ssyncadd.s32 $0xFFFFEC00  }
0x191: {  	_ =	swait.ge [sflag:s30], $0x1400  }
0x192: {  	[sflag:s30] =	ssyncset.done $0x0  }
0x193: {  	[sflag:s30] =	ssyncadd.s32 $0xFFFFEC00  }
0x194: {  	_ =	swait.ge [sflag:s30], $0x1400  }
0x195: {  	[sflag:s30] =	ssyncset.done $0x0  }
0x196: {  	[sflag:s30] =	ssyncadd.s32 $0xFFFFEC00  }
0x197: {  	_ =	swait.ge [sflag:s30], $0x1400  }
0x198: {  	[sflag:s30] =	ssyncset.done $0x0  }
0x199: {  	[sflag:s30] =	ssyncadd.s32 $0xFFFFEC00  }
0x19a: {  	_ =	swait.ge [sflag:s12], $0x28  }
0x19b: {  	[sflag:s12] =	ssyncset.done $0x0  }
0x19c: {  	[sflag:s12] =	ssyncadd.s32 $0xFFFFFFD8  }
0x19d: {  	_ =	swait.ge [sflag:s12], $0x28  }
0x19e: {  	[sflag:s12] =	ssyncset.done $0x0  }
0x19f: {  	[sflag:s12] =	ssyncadd.s32 $0xFFFFFFD8  }
0x1a0: {  	_ =	swait.ge [sflag:s12], $0x28  }
0x1a1: {  	[sflag:s12] =	ssyncset.done $0x0  }
0x1a2: {  	[sflag:s12] =	ssyncadd.s32 $0xFFFFFFD8  }
0x1a3: {  	_ =	swait.ge [sflag:s12], $0x28  }
0x1a4: {  	[sflag:s12] =	ssyncset.done $0x0  }
0x1a5: {  	[sflag:s12] =	ssyncadd.s32 $0xFFFFFFD8  }
0x1a6: {  	_ =	swait.ge [sflag:s12], $0x28  }
0x1a7: {  	[sflag:s12] =	ssyncset.done $0x0  }
0x1a8: {  	[sflag:s12] =	ssyncadd.s32 $0xFFFFFFD8  }
0x1a9: {  	_ =	swait.ge [sflag:s12], $0x28  }
0x1aa: {  	[sflag:s12] =	ssyncset.done $0x0  }
0x1ab: {  	[sflag:s12] =	ssyncadd.s32 $0xFFFFFFD8  }
0x1ac: {  	_ =	swait.ge [sflag:s12], $0x28  }
0x1ad: {  	[sflag:s12] =	ssyncset.done $0x0  }
0x1ae: {  	[sflag:s12] =	ssyncadd.s32 $0xFFFFFFD8  }
0x1af: {  	_ =	swait.ge [sflag:s12], $0x28  }
0x1b0: {  	[sflag:s12] =	ssyncset.done $0x0  }
0x1b1: {  	[sflag:s12] =	ssyncadd.s32 $0xFFFFFFD8  }
0x1b2: {  	_ =	swait.ge [sflag:s12], $0x28  }
0x1b3: {  	[sflag:s12] =	ssyncset.done $0x0  }
0x1b4: {  	[sflag:s12] =	ssyncadd.s32 $0xFFFFFFD8  }
0x1b5: {  	_ =	swait.ge [sflag:s12], $0x28  }
0x1b6: {  	[sflag:s12] =	ssyncset.done $0x0  }
0x1b7: {  	[sflag:s12] =	ssyncadd.s32 $0xFFFFFFD8  }
0x1b8: {  	[tilespmem:s15], [sflag:$0x2] =	stream.indirect.gather [hbm4b:s3+s13], $0x80, s6, s13, $0xb8;
	[tilespmem:$0x1F680] =	vst v63  }
0x1b9: {  	_ = 	snop  }
0x1ba: {  	[tilespmem:s16], [sflag:$0x2] =	stream.indirect.gather [hbm4b:s3+s13], $0x80, s28, s13, $0xb8;
	[tilespmem:$0x1F680] =	vst v63  }
0x1bb: {  	p3 =	seq.s32 s4, $0x0;
	s16 =	simm.s32 $0x3200  }
0x1bc: {  	[tilespmem:s16], [sflag:$0x2] =	stream.indirect.gather [hbm4b:s3+s13], $0x80, s7, s13, $0xb8;
	[tilespmem:$0x1F680] =	vst v63  }
0x1bd: {  	p1 =	por p3, p3;
	p3 =	seq.s32 s31, $0x4B0  }
0x1be: {  	[tilespmem:s17], [sflag:$0x2] =	stream.indirect.gather [hbm4b:s3+s13], $0x80, s26, s13, $0xb8;
	[tilespmem:$0x1F680] =	vst v63  }
0x1bf: {  	s9 =	sshrl.u32 @!p3 s0, $0x3  }
0x1c0: {  	[tilespmem:s20], [sflag:$0x2] =	stream.indirect.gather [hbm4b:s3+s13], $0x80, s11, s13, $0xb8;
	[tilespmem:$0x1F680] =	vst v63  }
0x1c1: {  	s5 =	sadd.s32 @!p3 s18, s9;
	s9 =	sadd.s32 @!p3 s21, s9;
	s10 =	simm.s32 @!p3 $0x0  }
0x1c2: {  	[tilespmem:s10], [sflag:$0x1] =	stream.linear.gather @!p3 [hbm4b:s5+s10], $0x28, $0x38;
	[tilespmem:$0x1F680] =	vst v63  }
0x1c3: {  	s6 =	simm.s32 @!p3 $0x500;
	s28 =	smov.u32 s18;
	s11 =	rddreg [dreg:$0xa]  }
0x1c4: {  	[tilespmem:s6], [sflag:$0x1] =	stream.linear.gather @!p3 [hbm4b:s9+s10], $0x28, $0x38;
	[tilespmem:$0x1F680] =	vst v63  }
0x1c5: {  	s18 =	rddreg [dreg:$0x9];
	s5 =	sadd.s32 @!p3 s31, s11;
	s11 =	simm.s32 @!p3 $0x80  }
0x1c6: {  	[tilespmem:s11], [sflag:$0x1] =	stream.linear.gather @!p3 [hbm4b:s5+s10], $0x28, $0x38;
	[tilespmem:$0x1F680] =	vst v63  }
0x1c7: {  	s6 =	simm.s32 @!p3 $0x580;
	s9 =	rddreg [dreg:$0x8];
	s5 =	sadd.s32 @!p3 s31, s18  }
0x1c8: {  	[tilespmem:s6], [sflag:$0x1] =	stream.linear.gather @!p3 [hbm4b:s5+s10], $0x28, $0x38;
	[tilespmem:$0x1F680] =	vst v63  }
0x1c9: {  	s11 =	simm.s32 @!p3 $0x100;
	s18 =	rddreg [dreg:$0x7];
	s5 =	sadd.s32 @!p3 s31, s9  }
0x1ca: {  	[tilespmem:s11], [sflag:$0x1] =	stream.linear.gather @!p3 [hbm4b:s5+s10], $0x28, $0x38;
	[tilespmem:$0x1F680] =	vst v63  }
0x1cb: {  	s6 =	simm.s32 @!p3 $0x600;
	s9 =	rddreg [dreg:$0x6];
	s5 =	sadd.s32 @!p3 s31, s18  }
0x1cc: {  	[tilespmem:s6], [sflag:$0x1] =	stream.linear.gather @!p3 [hbm4b:s5+s10], $0x28, $0x38;
	[tilespmem:$0x1F680] =	vst v63  }
0x1cd: {  	s11 =	simm.s32 @!p3 $0x180;
	s18 =	rddreg [dreg:$0x5];
	s5 =	sadd.s32 @!p3 s31, s9  }
0x1ce: {  	[tilespmem:s11], [sflag:$0x1] =	stream.linear.gather @!p3 [hbm4b:s5+s10], $0x28, $0x38;
	[tilespmem:$0x1F680] =	vst v63  }
0x1cf: {  	s6 =	simm.s32 @!p3 $0x680;
	s9 =	rddreg [dreg:$0x4];
	s5 =	sadd.s32 @!p3 s31, s18  }
0x1d0: {  	[tilespmem:s6], [sflag:$0x1] =	stream.linear.gather @!p3 [hbm4b:s5+s10], $0x28, $0x38;
	[tilespmem:$0x1F680] =	vst v63  }
0x1d1: {  	s11 =	simm.s32 @!p3 $0x200;
	s18 =	rddreg [dreg:$0x3];
	s5 =	sadd.s32 @!p3 s31, s9  }
0x1d2: {  	[tilespmem:s11], [sflag:$0x1] =	stream.linear.gather @!p3 [hbm4b:s5+s10], $0x28, $0x38;
	[tilespmem:$0x1F680] =	vst v63  }
0x1d3: {  	s6 =	simm.s32 @!p3 $0x700;
	s5 =	sadd.s32 @!p3 s31, s18  }
0x1d4: {  	[tilespmem:s6], [sflag:$0x1] =	stream.linear.gather @!p3 [hbm4b:s5+s10], $0x28, $0x38;
	[tilespmem:$0x1F680] =	vst v63  }
0x1d5: {  	_ =	swait.ge [sflag:s29], $0x1400  }
0x1d6: {  	[sflag:s29] =	ssyncset.done $0x0  }
0x1d7: {  	[sflag:s29] =	ssyncadd.s32 $0xFFFFEC00  }
0x1d8: {  	[spmem:s1] =	stream.indirect.scatter.add.f32 [tilespmem:s15], [sflag:$0x3], $0x80, s14, s13, $0xb8;
	[tilespmem:$0x1F680] =	vst v63  }
0x1d9: {  	_ =	swait.ge [sflag:s29], $0x1400  }
0x1da: {  	[sflag:s29] =	ssyncset.done $0x0  }
0x1db: {  	s15 =	simm.s32 $0x1E00;
	[sflag:s29] =	ssyncadd.s32 $0xFFFFEC00  }
0x1dc: {  	[spmem:s1] =	stream.indirect.scatter.add.f32 [tilespmem:s15], [sflag:$0x3], $0x80, s25, s13, $0xb8;
	[tilespmem:$0x1F680] =	vst v63  }
0x1dd: {  	_ =	swait.ge [sflag:s29], $0x1400  }
0x1de: {  	s8 =	smov.u32 s4;
	s4 =	sadd.s32 $0x32, s4;
	[sflag:s29] =	ssyncset.done $0x0  }
0x1df: {  	p2 =	sne.s32 s4, $0x4E2;
	s0 =	sadd.s32 $0x190, s0;
	[sflag:s29] =	ssyncadd.s32 $0xFFFFEC00  }
0x1e0: {  	[spmem:s1] =	stream.indirect.scatter.add.f32 [tilespmem:s16], [sflag:$0x3], $0x80, s19, s13, $0xb8;
	[tilespmem:$0x1F680] =	vst v63  }
0x1e1: {  	s22 =	simm.s32 $0x500;
	s26 =	smov.u32 s21;
	_ =	swait.ge [sflag:s29], $0x1400  }
.Ltmp1:
0x1e2: {  	s21 =	smov.u32 s26;
	[sflag:s29] =	ssyncset.done $0x0;
	(pc) =	sbr.rel @p2 .LBB2_4-.Ltmp1, $4  }
0x1e3: {  	s9 =	simm.s32 @!p1 $0x3;
	s11 =	simm.s32 $0x80;
	[sflag:s29] =	ssyncadd.s32 $0xFFFFEC00  }
0x1e4: {  	[spmem:s1] =	stream.indirect.scatter.add.f32 [tilespmem:s17], [sflag:$0x3], $0x80, s24, s13, $0xb8;
	[tilespmem:$0x1F680] =	vst v63  }
0x1e5: {  	s18 =	smov.u32 s28;
	s31 =	smov.u32 s8;
	_ =	swait.ge [sflag:s29], $0x1400  }
0x1e6: {  	s6 =	simm.s32 $0x180;
	s14 =	simm.s32 $0xA00;
	[sflag:s29] =	ssyncset.done $0x0  }
0x1e7: {  	[sflag:s29] =	ssyncadd.s32 $0xFFFFEC00;
	s26 =	simm.s32 $0x980  }
0x1e8: {  	[spmem:s1] =	stream.indirect.scatter.add.f32 [tilespmem:s20], [sflag:$0x3], $0x80, s26, s13, $0xb8;
	[tilespmem:$0x1F680] =	vst v63  }
0x1e9: {  	_ =	swait.ge @!p1 [sflag:s9], $0x1400  }
0x1ea: {  	[sflag:s9] =	ssyncset.done @!p1 $0x0  }
0x1eb: {  	[sflag:s9] =	ssyncadd.s32 @!p1 $0xFFFFEC00  }
0x1ec: {  	_ =	swait.ge @!p1 [sflag:s9], $0x1400  }
0x1ed: {  	[sflag:s9] =	ssyncset.done @!p1 $0x0  }
0x1ee: {  	[sflag:s9] =	ssyncadd.s32 @!p1 $0xFFFFEC00  }
0x1ef: {  	_ =	swait.ge @!p1 [sflag:s9], $0x1400  }
0x1f0: {  	[sflag:s9] =	ssyncset.done @!p1 $0x0  }
0x1f1: {  	[sflag:s9] =	ssyncadd.s32 @!p1 $0xFFFFEC00  }
0x1f2: {  	_ =	swait.ge @!p1 [sflag:s9], $0x1400  }
0x1f3: {  	[sflag:s9] =	ssyncset.done @!p1 $0x0  }
0x1f4: {  	[sflag:s9] =	ssyncadd.s32 @!p1 $0xFFFFEC00  }
0x1f5: {  	_ =	swait.ge @!p1 [sflag:s9], $0x1400  }
0x1f6: {  	[sflag:s9] =	ssyncset.done @!p1 $0x0  }
0x1f7: {  	[sflag:s9] =	ssyncadd.s32 @!p1 $0xFFFFEC00  }
0x1f8: {  	_ =	swait.ge [sflag:s12], $0x28  }
0x1f9: {  	[sflag:s12] =	ssyncset.done $0x0  }
0x1fa: {  	[sflag:s12] =	ssyncadd.s32 $0xFFFFFFD8  }
0x1fb: {  	_ =	swait.ge [sflag:s12], $0x28  }
0x1fc: {  	[sflag:s12] =	ssyncset.done $0x0  }
0x1fd: {  	[sflag:s12] =	ssyncadd.s32 $0xFFFFFFD8  }
0x1fe: {  	_ =	swait.ge [sflag:s12], $0x28  }
0x1ff: {  	[sflag:s12] =	ssyncset.done $0x0  }
0x200: {  	[sflag:s12] =	ssyncadd.s32 $0xFFFFFFD8  }
0x201: {  	_ =	swait.ge [sflag:s12], $0x28  }
0x202: {  	[sflag:s12] =	ssyncset.done $0x0  }
0x203: {  	[sflag:s12] =	ssyncadd.s32 $0xFFFFFFD8  }
0x204: {  	_ =	swait.ge [sflag:s12], $0x28  }
0x205: {  	[sflag:s12] =	ssyncset.done $0x0  }
0x206: {  	[sflag:s12] =	ssyncadd.s32 $0xFFFFFFD8  }
0x207: {  	_ =	swait.ge [sflag:s12], $0x28  }
0x208: {  	[sflag:s12] =	ssyncset.done $0x0  }
0x209: {  	[sflag:s12] =	ssyncadd.s32 $0xFFFFFFD8  }
0x20a: {  	_ =	swait.ge [sflag:s12], $0x28  }
0x20b: {  	[sflag:s12] =	ssyncset.done $0x0  }
0x20c: {  	[sflag:s12] =	ssyncadd.s32 $0xFFFFFFD8  }
0x20d: {  	_ =	swait.ge [sflag:s12], $0x28  }
0x20e: {  	[sflag:s12] =	ssyncset.done $0x0  }
0x20f: {  	[sflag:s12] =	ssyncadd.s32 $0xFFFFFFD8  }
0x210: {  	_ =	swait.ge [sflag:s12], $0x28  }
0x211: {  	[sflag:s12] =	ssyncset.done $0x0  }
0x212: {  	[sflag:s12] =	ssyncadd.s32 $0xFFFFFFD8  }
0x213: {  	_ =	swait.ge [sflag:s12], $0x28  }
0x214: {  	[sflag:s12] =	ssyncset.done $0x0  }
0x215: {  	[sflag:s12] =	ssyncadd.s32 $0xFFFFFFD8  }
0x216: {  	[tilespmem:s14], [sflag:$0x2] =	stream.indirect.gather [hbm4b:s3+s13], $0x80, s2, s13, $0xb8;
	[tilespmem:$0x1F680] =	vst v63  }
0x217: {  	_ = 	snop  }
0x218: {  	[tilespmem:s15], [sflag:$0x2] =	stream.indirect.gather [hbm4b:s3+s13], $0x80, s11, s13, $0xb8;
	[tilespmem:$0x1F680] =	vst v63  }
0x219: {  	s4 =	simm.s32 $0x100  }
0x21a: {  	[tilespmem:s16], [sflag:$0x2] =	stream.indirect.gather [hbm4b:s3+s13], $0x80, s4, s13, $0xb8;
	[tilespmem:$0x1F680] =	vst v63  }
0x21b: {  	_ = 	snop  }
0x21c: {  	[tilespmem:s17], [sflag:$0x2] =	stream.indirect.gather [hbm4b:s3+s13], $0x80, s6, s13, $0xb8;
	[tilespmem:$0x1F680] =	vst v63  }
0x21d: {  	s16 =	rddreg [dreg:$0xc];
	s17 =	simm.s32 $0x200  }
0x21e: {  	[tilespmem:s20], [sflag:$0x2] =	stream.indirect.gather [hbm4b:s3+s13], $0x80, s17, s13, $0xb8;
	[tilespmem:$0x1F680] =	vst v63  }
0x21f: {  	s8 =	simm.s32 $0x280;
	s5 =	rddreg [dreg:$0xb];
	s4 =	sadd.s32 s31, s16  }
0x220: {  	[tilespmem:s8], [sflag:$0x1] =	stream.linear.gather [hbm4b:s4+s2], $0x28, $0x38;
	[tilespmem:$0x1F680] =	vst v63  }
0x221: {  	s19 =	rddreg [dreg:$0x14];
	s23 =	sadd.s32 s31, s5;
	s14 =	simm.s32 $0x780  }
0x222: {  	[tilespmem:s14], [sflag:$0x1] =	stream.linear.gather [hbm4b:s23+s2], $0x28, $0x38;
	[tilespmem:$0x1F680] =	vst v63  }
0x223: {  	s9 =	simm.s32 $0x300;
	s24 =	rddreg [dreg:$0x13];
	s25 =	sadd.s32 s31, s19  }
0x224: {  	[tilespmem:s9], [sflag:$0x1] =	stream.linear.gather [hbm4b:s25+s2], $0x28, $0x38;
	[tilespmem:$0x1F680] =	vst v63  }
0x225: {  	s28 =	rddreg [dreg:$0x12];
	s7 =	sadd.s32 s31, s24;
	s24 =	simm.s32 $0x800  }
0x226: {  	[tilespmem:s24], [sflag:$0x1] =	stream.linear.gather [hbm4b:s7+s2], $0x28, $0x38;
	[tilespmem:$0x1F680] =	vst v63  }
0x227: {  	s10 =	rddreg [dreg:$0x11];
	s19 =	sadd.s32 s31, s28;
	s7 =	simm.s32 $0x380  }
0x228: {  	[tilespmem:s7], [sflag:$0x1] =	stream.linear.gather [hbm4b:s19+s2], $0x28, $0x38;
	[tilespmem:$0x1F680] =	vst v63  }
0x229: {  	s23 =	rddreg [dreg:$0x10];
	s25 =	sadd.s32 s31, s10;
	s19 =	simm.s32 $0x880  }
0x22a: {  	[tilespmem:s19], [sflag:$0x1] =	stream.linear.gather [hbm4b:s25+s2], $0x28, $0x38;
	[tilespmem:$0x1F680] =	vst v63  }
0x22b: {  	s28 =	rddreg [dreg:$0xf];
	s23 =	sadd.s32 s31, s23;
	s10 =	simm.s32 $0x400  }
0x22c: {  	[tilespmem:s10], [sflag:$0x1] =	stream.linear.gather [hbm4b:s23+s2], $0x28, $0x38;
	[tilespmem:$0x1F680] =	vst v63  }
0x22d: {  	s6 =	rddreg [dreg:$0xe];
	s25 =	sadd.s32 s31, s28;
	s23 =	simm.s32 $0x900  }
0x22e: {  	[tilespmem:s23], [sflag:$0x1] =	stream.linear.gather [hbm4b:s25+s2], $0x28, $0x38;
	[tilespmem:$0x1F680] =	vst v63  }
0x22f: {  	s28 =	rddreg [dreg:$0xd];
	s25 =	sadd.s32 s31, s6;
	s6 =	simm.s32 $0x480  }
0x230: {  	[tilespmem:s6], [sflag:$0x1] =	stream.linear.gather [hbm4b:s25+s2], $0x28, $0x38;
	[tilespmem:$0x1F680] =	vst v63  }
0x231: {  	s28 =	sadd.s32 s31, s28  }
0x232: {  	[tilespmem:s26], [sflag:$0x1] =	stream.linear.gather [hbm4b:s28+s2], $0x28, $0x38;
	[tilespmem:$0x1F680] =	vst v63  }
0x233: {  	_ =	swait.ge [sflag:s29], $0x1400  }
0x234: {  	[sflag:s29] =	ssyncset.done $0x0  }
0x235: {  	s15 =	simm.s32 $0xA00;
	[sflag:s29] =	ssyncadd.s32 $0xFFFFEC00  }
0x236: {  	[spmem:s1] =	stream.indirect.scatter.add.f32 [tilespmem:s15], [sflag:$0x3], $0x80, s22, s13, $0xb8;
	[tilespmem:$0x1F680] =	vst v63  }
0x237: {  	_ =	swait.ge [sflag:s29], $0x1400  }
0x238: {  	[sflag:s29] =	ssyncset.done $0x0  }
0x239: {  	s5 =	simm.s32 $0x580;
	s16 =	simm.s32 $0x1E00;
	[sflag:s29] =	ssyncadd.s32 $0xFFFFEC00  }
0x23a: {  	[spmem:s1] =	stream.indirect.scatter.add.f32 [tilespmem:s16], [sflag:$0x3], $0x80, s5, s13, $0xb8;
	[tilespmem:$0x1F680] =	vst v63  }
0x23b: {  	_ =	swait.ge [sflag:s29], $0x1400  }
0x23c: {  	[sflag:s29] =	ssyncset.done $0x0  }
0x23d: {  	s17 =	simm.s32 $0x3200;
	s25 =	simm.s32 $0x600;
	[sflag:s29] =	ssyncadd.s32 $0xFFFFEC00  }
0x23e: {  	[spmem:s1] =	stream.indirect.scatter.add.f32 [tilespmem:s17], [sflag:$0x3], $0x80, s25, s13, $0xb8;
	[tilespmem:$0x1F680] =	vst v63  }
0x23f: {  	_ =	swait.ge [sflag:s29], $0x1400  }
0x240: {  	[sflag:s29] =	ssyncset.done $0x0  }
0x241: {  	s28 =	simm.s32 $0x680;
	s17 =	simm.s32 $0x4600;
	[sflag:s29] =	ssyncadd.s32 $0xFFFFEC00  }
0x242: {  	[spmem:s1] =	stream.indirect.scatter.add.f32 [tilespmem:s17], [sflag:$0x3], $0x80, s28, s13, $0xb8;
	[tilespmem:$0x1F680] =	vst v63  }
0x243: {  	_ =	swait.ge [sflag:s29], $0x1400  }
0x244: {  	[sflag:s29] =	ssyncset.done $0x0  }
0x245: {  	s5 =	simm.s32 $0x700;
	[sflag:s29] =	ssyncadd.s32 $0xFFFFEC00  }
0x246: {  	[spmem:s1] =	stream.indirect.scatter.add.f32 [tilespmem:s20], [sflag:$0x3], $0x80, s5, s13, $0xb8;
	[tilespmem:$0x1F680] =	vst v63  }
0x247: {  	_ =	swait.ge [sflag:s30], $0x1400  }
0x248: {  	[sflag:s30] =	ssyncset.done $0x0  }
0x249: {  	[sflag:s30] =	ssyncadd.s32 $0xFFFFEC00  }
0x24a: {  	_ =	swait.ge [sflag:s30], $0x1400  }
0x24b: {  	[sflag:s30] =	ssyncset.done $0x0  }
0x24c: {  	[sflag:s30] =	ssyncadd.s32 $0xFFFFEC00  }
0x24d: {  	_ =	swait.ge [sflag:s30], $0x1400  }
0x24e: {  	[sflag:s30] =	ssyncset.done $0x0  }
0x24f: {  	[sflag:s30] =	ssyncadd.s32 $0xFFFFEC00  }
0x250: {  	_ =	swait.ge [sflag:s30], $0x1400  }
0x251: {  	[sflag:s30] =	ssyncset.done $0x0  }
0x252: {  	[sflag:s30] =	ssyncadd.s32 $0xFFFFEC00  }
0x253: {  	_ =	swait.ge [sflag:s30], $0x1400  }
0x254: {  	[sflag:s30] =	ssyncset.done $0x0  }
0x255: {  	[sflag:s30] =	ssyncadd.s32 $0xFFFFEC00  }
0x256: {  	_ =	swait.ge [sflag:s12], $0x28  }
0x257: {  	[sflag:s12] =	ssyncset.done $0x0  }
0x258: {  	[sflag:s12] =	ssyncadd.s32 $0xFFFFFFD8  }
0x259: {  	_ =	swait.ge [sflag:s12], $0x28  }
0x25a: {  	[sflag:s12] =	ssyncset.done $0x0  }
0x25b: {  	[sflag:s12] =	ssyncadd.s32 $0xFFFFFFD8  }
0x25c: {  	_ =	swait.ge [sflag:s12], $0x28  }
0x25d: {  	[sflag:s12] =	ssyncset.done $0x0  }
0x25e: {  	[sflag:s12] =	ssyncadd.s32 $0xFFFFFFD8  }
0x25f: {  	_ =	swait.ge [sflag:s12], $0x28  }
0x260: {  	[sflag:s12] =	ssyncset.done $0x0  }
0x261: {  	[sflag:s12] =	ssyncadd.s32 $0xFFFFFFD8  }
0x262: {  	_ =	swait.ge [sflag:s12], $0x28  }
0x263: {  	[sflag:s12] =	ssyncset.done $0x0  }
0x264: {  	[sflag:s12] =	ssyncadd.s32 $0xFFFFFFD8  }
0x265: {  	_ =	swait.ge [sflag:s12], $0x28  }
0x266: {  	[sflag:s12] =	ssyncset.done $0x0  }
0x267: {  	[sflag:s12] =	ssyncadd.s32 $0xFFFFFFD8  }
0x268: {  	_ =	swait.ge [sflag:s12], $0x28  }
0x269: {  	[sflag:s12] =	ssyncset.done $0x0  }
0x26a: {  	[sflag:s12] =	ssyncadd.s32 $0xFFFFFFD8  }
0x26b: {  	_ =	swait.ge [sflag:s12], $0x28  }
0x26c: {  	[sflag:s12] =	ssyncset.done $0x0  }
0x26d: {  	[sflag:s12] =	ssyncadd.s32 $0xFFFFFFD8  }
0x26e: {  	_ =	swait.ge [sflag:s12], $0x28  }
0x26f: {  	[sflag:s12] =	ssyncset.done $0x0  }
0x270: {  	[sflag:s12] =	ssyncadd.s32 $0xFFFFFFD8  }
0x271: {  	_ =	swait.ge [sflag:s12], $0x28  }
0x272: {  	[sflag:s12] =	ssyncset.done $0x0  }
0x273: {  	[sflag:s12] =	ssyncadd.s32 $0xFFFFFFD8  }
0x274: {  	[tilespmem:s15], [sflag:$0x2] =	stream.indirect.gather [hbm4b:s3+s13], $0x80, s8, s13, $0xb8;
	[tilespmem:$0x1F680] =	vst v63  }
0x275: {  	_ = 	snop  }
0x276: {  	[tilespmem:s16], [sflag:$0x2] =	stream.indirect.gather [hbm4b:s3+s13], $0x80, s9, s13, $0xb8;
	[tilespmem:$0x1F680] =	vst v63  }
0x277: {  	s16 =	simm.s32 $0x3200  }
0x278: {  	[tilespmem:s16], [sflag:$0x2] =	stream.indirect.gather [hbm4b:s3+s13], $0x80, s7, s13, $0xb8;
	[tilespmem:$0x1F680] =	vst v63  }
0x279: {  	p1 =	seq.s32 s31, $0x4B0  }
0x27a: {  	[tilespmem:s17], [sflag:$0x2] =	stream.indirect.gather [hbm4b:s3+s13], $0x80, s10, s13, $0xb8;
	[tilespmem:$0x1F680] =	vst v63  }
0x27b: {  	s0 =	sshrl.u32 @!p1 s0, $0x3  }
0x27c: {  	[tilespmem:s20], [sflag:$0x2] =	stream.indirect.gather [hbm4b:s3+s13], $0x80, s6, s13, $0xb8;
	[tilespmem:$0x1F680] =	vst v63  }
0x27d: {  	s4 =	simm.s32 @!p1 $0x0;
	s5 =	sadd.s32 @!p1 s18, s0  }
0x27e: {  	[tilespmem:s4], [sflag:$0x1] =	stream.linear.gather @!p1 [hbm4b:s5+s4], $0x28, $0x38;
	[tilespmem:$0x1F680] =	vst v63  }
0x27f: {  	s0 =	sadd.s32 @!p1 s21, s0;
	s6 =	simm.s32 @!p1 $0x500;
	s5 =	rddreg [dreg:$0xa]  }
0x280: {  	[tilespmem:s6], [sflag:$0x1] =	stream.linear.gather @!p1 [hbm4b:s0+s4], $0x28, $0x38;
	[tilespmem:$0x1F680] =	vst v63  }
0x281: {  	s5 =	sadd.s32 @!p1 s31, s5;
	s0 =	rddreg [dreg:$0x9];
	s6 =	simm.s32 @!p1 $0x80  }
0x282: {  	[tilespmem:s6], [sflag:$0x1] =	stream.linear.gather @!p1 [hbm4b:s5+s4], $0x28, $0x38;
	[tilespmem:$0x1F680] =	vst v63  }
0x283: {  	s0 =	sadd.s32 @!p1 s31, s0;
	s5 =	simm.s32 @!p1 $0x580;
	s6 =	rddreg [dreg:$0x8]  }
0x284: {  	[tilespmem:s5], [sflag:$0x1] =	stream.linear.gather @!p1 [hbm4b:s0+s4], $0x28, $0x38;
	[tilespmem:$0x1F680] =	vst v63  }
0x285: {  	s6 =	sadd.s32 @!p1 s31, s6;
	s0 =	rddreg [dreg:$0x7];
	s5 =	simm.s32 @!p1 $0x100  }
0x286: {  	[tilespmem:s5], [sflag:$0x1] =	stream.linear.gather @!p1 [hbm4b:s6+s4], $0x28, $0x38;
	[tilespmem:$0x1F680] =	vst v63  }
0x287: {  	s0 =	sadd.s32 @!p1 s31, s0;
	s5 =	simm.s32 @!p1 $0x600;
	s6 =	rddreg [dreg:$0x6]  }
0x288: {  	[tilespmem:s5], [sflag:$0x1] =	stream.linear.gather @!p1 [hbm4b:s0+s4], $0x28, $0x38;
	[tilespmem:$0x1F680] =	vst v63  }
0x289: {  	s6 =	sadd.s32 @!p1 s31, s6;
	s0 =	rddreg [dreg:$0x5];
	s5 =	simm.s32 @!p1 $0x180  }
0x28a: {  	[tilespmem:s5], [sflag:$0x1] =	stream.linear.gather @!p1 [hbm4b:s6+s4], $0x28, $0x38;
	[tilespmem:$0x1F680] =	vst v63  }
0x28b: {  	s0 =	sadd.s32 @!p1 s31, s0;
	s5 =	simm.s32 @!p1 $0x680;
	s6 =	rddreg [dreg:$0x4]  }
0x28c: {  	[tilespmem:s5], [sflag:$0x1] =	stream.linear.gather @!p1 [hbm4b:s0+s4], $0x28, $0x38;
	[tilespmem:$0x1F680] =	vst v63  }
0x28d: {  	s6 =	sadd.s32 @!p1 s31, s6;
	s0 =	rddreg [dreg:$0x3];
	s5 =	simm.s32 @!p1 $0x200  }
0x28e: {  	[tilespmem:s5], [sflag:$0x1] =	stream.linear.gather @!p1 [hbm4b:s6+s4], $0x28, $0x38;
	[tilespmem:$0x1F680] =	vst v63  }
0x28f: {  	s0 =	sadd.s32 @!p1 s31, s0;
	s5 =	simm.s32 @!p1 $0x700  }
0x290: {  	[tilespmem:s5], [sflag:$0x1] =	stream.linear.gather @!p1 [hbm4b:s0+s4], $0x28, $0x38;
	[tilespmem:$0x1F680] =	vst v63  }
0x291: {  	_ =	swait.ge [sflag:s29], $0x1400  }
0x292: {  	[sflag:s29] =	ssyncset.done $0x0  }
0x293: {  	[sflag:s29] =	ssyncadd.s32 $0xFFFFEC00  }
0x294: {  	[spmem:s1] =	stream.indirect.scatter.add.f32 [tilespmem:s15], [sflag:$0x3], $0x80, s14, s13, $0xb8;
	[tilespmem:$0x1F680] =	vst v63  }
0x295: {  	_ =	swait.ge [sflag:s29], $0x1400  }
0x296: {  	[sflag:s29] =	ssyncset.done $0x0  }
0x297: {  	s15 =	simm.s32 $0x1E00;
	[sflag:s29] =	ssyncadd.s32 $0xFFFFEC00  }
0x298: {  	[spmem:s1] =	stream.indirect.scatter.add.f32 [tilespmem:s15], [sflag:$0x3], $0x80, s24, s13, $0xb8;
	[tilespmem:$0x1F680] =	vst v63  }
0x299: {  	_ =	swait.ge [sflag:s29], $0x1400  }
0x29a: {  	[sflag:s29] =	ssyncset.done $0x0  }
0x29b: {  	[sflag:s29] =	ssyncadd.s32 $0xFFFFEC00  }
0x29c: {  	[spmem:s1] =	stream.indirect.scatter.add.f32 [tilespmem:s16], [sflag:$0x3], $0x80, s19, s13, $0xb8;
	[tilespmem:$0x1F680] =	vst v63  }
0x29d: {  	_ =	swait.ge [sflag:s29], $0x1400  }
0x29e: {  	[sflag:s29] =	ssyncset.done $0x0  }
0x29f: {  	[sflag:s29] =	ssyncadd.s32 $0xFFFFEC00  }
0x2a0: {  	[spmem:s1] =	stream.indirect.scatter.add.f32 [tilespmem:s17], [sflag:$0x3], $0x80, s23, s13, $0xb8;
	[tilespmem:$0x1F680] =	vst v63  }
0x2a1: {  	_ =	swait.ge [sflag:s29], $0x1400  }
0x2a2: {  	[sflag:s29] =	ssyncset.done $0x0  }
0x2a3: {  	[sflag:s29] =	ssyncadd.s32 $0xFFFFEC00  }
0x2a4: {  	[spmem:s1] =	stream.indirect.scatter.add.f32 [tilespmem:s20], [sflag:$0x3], $0x80, s26, s13, $0xb8;
	[tilespmem:$0x1F680] =	vst v63  }
0x2a5: {  	_ =	swait.ge [sflag:s30], $0x1400  }
0x2a6: {  	[sflag:s30] =	ssyncset.done $0x0  }
0x2a7: {  	[sflag:s30] =	ssyncadd.s32 $0xFFFFEC00  }
0x2a8: {  	_ =	swait.ge [sflag:s30], $0x1400  }
0x2a9: {  	[sflag:s30] =	ssyncset.done $0x0  }
0x2aa: {  	[sflag:s30] =	ssyncadd.s32 $0xFFFFEC00  }
0x2ab: {  	_ =	swait.ge [sflag:s30], $0x1400  }
0x2ac: {  	[sflag:s30] =	ssyncset.done $0x0  }
0x2ad: {  	[sflag:s30] =	ssyncadd.s32 $0xFFFFEC00  }
0x2ae: {  	_ =	swait.ge [sflag:s30], $0x1400  }
0x2af: {  	[sflag:s30] =	ssyncset.done $0x0  }
0x2b0: {  	[sflag:s30] =	ssyncadd.s32 $0xFFFFEC00  }
0x2b1: {  	_ =	swait.ge [sflag:s30], $0x1400  }
0x2b2: {  	[sflag:s30] =	ssyncset.done $0x0  }
0x2b3: {  	[sflag:s30] =	ssyncadd.s32 $0xFFFFEC00  }
0x2b4: {  	[bflag:$0x0] =	sbarrier.arrive $0xFFFF  }
0x2b5: {  	s10 =	sld [smem:$0x7FD]  }
0x2b6: {  	s24 =	stileid.u32;
	s26 =	sld [smem:$0x7FC]  }
0x2b7: {  	s0 =	sshll.u32 s24, $0x6  }
0x2b8: {  	s8 =	simm.s32 $0x4;
	s0 =	sor.u32 $0x1C04, s0;
	s25 =	sshrl.u32 s10, $0x3  }
0x2b9: {  	[hbm:s26], [sflag:s0] =	dma.local [spmem:s25], $0x2700  }
0x2ba: {  	_ =	swait.ge [sflag:s8], $0x2700  }
0x2bb: {  	s4 =	sld [smem:$0x7FB];
	_ =	sdelay $0x1  }
0x2bc: {  	[sflag:s8] =	ssyncset.done $0x0;
	s6 =	rddreg [dreg:$0x15]  }
0x2bd: {  	[sflag:s8] =	ssyncadd.s32 $0xFFFFD900;
	s5 =	sshrl.u32 @!p0 s6, $0x3;
	s4 =	sadd.s32 @!p0 $0x27000, s4  }
0x2be: {  	[hbm:s4], [sflag:s0] =	dma.local @!p0 [spmem:s5], $0x100  }
0x2bf: {  	s0 =	simm.s32 @!p0 $0x4  }
0x2c0: {  	_ =	swait.ge @!p0 [sflag:s0], $0x100  }
0x2c1: {  	s28 =	sld [smem:$0x7F5]  }
0x2c2: {  	s31 =	sld [smem:$0x7F6];
	_ =	sdelay $0x1  }
0x2c3: {  	s7 =	sadd.s32 $0x1, s28  }
0x2c4: {  	p1 =	sne.s32 s7, s31  }
.Ltmp2:
0x2c5: {  	_ = 	snop;
	(pc) =	sbr.rel @p1 .LBB2_1-.Ltmp2, $4  }
0x2c6: {  	s9 =	simm.s32 $0x100  }
0x2c7: {  	s14 =	simm.s32 $0xA00;
	s24 =	simm.s32 $0x880;
	s19 =	simm.s32 $0x800  }
0x2c8: {  	s23 =	simm.s32 $0x900;
	s25 =	simm.s32 $0x780;
	[sflag:s0] =	ssyncset.done @!p0 $0x0  }
0x2c9: {  	s26 =	simm.s32 $0x980;
	s5 =	simm.s32 $0x580;
	[sflag:s0] =	ssyncadd.s32 @!p0 $0xFFFFFF00  }
0x2ca: {  	_ =	sfence.sel $0x180000  }
0x2cb: {  	[bflag:$0x0] =	sbarrier.arrive $0xFFFF  }
0x2cc: {  	_ =	strace $0x9000004A  }
0x2cd: {  	[bflag:$0x2] =	sbarrier.arrive $0xFFFF  }
0x2ce: {  	s0 =	rddreg [dreg:$0x2]  }
0x2cf: {  	s0 =	sadd.s32 @!p0 $0x100000, s0  }
0x2d0: {  	[sflag:s0] =	ssyncadd.tile.s32 @!p0 $0x1;
	_ =	shalt  }
.Lfunc_end2:
_tile_overlayer_lowered:
.L_overlay_start_2:
0x2d1: {  	(tag) =	ssettag $0x2  }
0x2d2: {  	s0 =	rddreg [dreg:$0x0];
	s2 =	stileid.u32  }
0x2d3: {  	s1 =	rddreg [dreg:$0x1];
	p0 =	sne.s32 s2, $0x0  }
0x2d4: {  	s3 =	rddreg [dreg:$0x2];
	[bflag:$0x3] =	sbarrier.arrive $0xFFFF;
	s2 =	simm.s32 @!p0 $0x1C04  }
0x2d5: {  	[timem:s3], [sflag:s2] =	dma.local @!p0 [hbm:s0], s1  }
0x2d6: {  	s0 =	simm.s32 @!p0 $0x4  }
0x2d7: {  	_ =	swait.ge @!p0 [sflag:s0], s1  }
0x2d8: {  	s1 =	ssub.s32 @!p0 $0x0, s1;
	[sflag:s0] =	ssyncset.done @!p0 $0x0  }
0x2d9: {  	[sflag:s0] =	ssyncadd.s32 @!p0 s1  }
0x2da: {  	[bflag:$0x3] =	sbarrier.arrive $0xFFFF  }
0x2db: {  	_ =	shalt  }

// kernel: kernel.15.cloned.1.call-start
scs
__scs_entry_jumppad:
0x0: {  	(pc) =	sbr.rel $0x88, $3  }
0x1: {  	(tag) =	ssettag $0x0;
	lr =	simm.s32 $0x1  }
0x2: {  	[smem:$0x3F98] =	sst lr;
	_ =	strace $0xD0000000  }
0x3: {  	_ = 	snop  }
0x4: {  	_ = 	snop  }
0x5: {  	_ = 	snop  }
0x6: {  	_ = 	snop  }
0x7: {  	_ = 	snop  }
__scs_overlays_trampoline_lowered:
0x8: {  	[smem:$0x3FA7] =	sst s0  }
0x9: {  	[smem:$0x3FA8] =	sst s1  }
0xa: {  	[smem:$0x3FA9] =	sst s2  }
0xb: {  	[smem:$0x3FAA] =	sst s3  }
0xc: {  	[smem:$0x3FAB] =	sst s4  }
0xd: {  	[smem:$0x3FAC] =	sst s5  }
0xe: {  	[smem:$0x3FAD] =	sst s6  }
0xf: {  	[smem:$0x3FAE] =	sst s7  }
0x10: {  	[smem:$0x3FAF] =	sst s8  }
0x11: {  	[smem:$0x3FB0] =	sst s9;
	s0 =	simm.s32 @!p0 $0x0  }
0x12: {  	s1 =	sld [smem:$0x3F96];
	s0 =	simm.s32 @p0 $0x1  }
0x13: {  	[smem:$0x3FB1] =	sst s0;
	s0 =	simm.s32 @!p1 $0x0  }
0x14: {  	s2 =	sld [smem:$0x3F95];
	s0 =	simm.s32 @p1 $0x1  }
0x15: {  	[smem:$0x3FB2] =	sst s0;
	s0 =	simm.s32 @!p2 $0x0  }
0x16: {  	s3 =	sld [smem:$0x3FDB];
	s0 =	simm.s32 @p2 $0x1  }
0x17: {  	s4 =	simm.s32 $0x1BF5;
	[smem:$0x3FB4] =	sst s0  }
0x18: {  	s0 =	sld [smem:$0x3F97];
	_ =	swait.ge [sflag:s4], $0x0  }
0x19: {  	s7 =	sld [smem:$0x3F98]  }
0x1a: {  	s8 =	sadd.s32 $0xFFFFE003, lr  }
0x1b: {  	s9 =	sadd.s32 $0xFFFFFEF7, lr;
	s5 =	simm.s32 $0xFFFFFFFF;
	p2 =	slt.u32 s8, $0xFFFFF086  }
0x1c: {  	p1 =	slt.u32 s9, $0xF7A;
	s5 =	simm.s32 @!p2 $0x0  }
0x1d: {  	s5 =	simm.s32 @p1 $0x1;
	p0 =	seq.s32 s7, s2  }
0x1e: {  	s7 =	smul.u32 @!p0 $0xF7A, s2;
	p2 =	seq.s32 @!p0 s5, $0x0  }
0x1f: {  	s9 =	smul.u32 $0xF7A, s1;
	s8 =	simm.s32 @!p0 $0x1BF5;
	p2 =	por !p2, p0  }
0x20: {  	[sflag:s8] =	ssyncset.s32 @!p0 $0xFFFFF086;
	s6 =	sadd.s32 @!p0 s3, s7;
	s7 =	simm.s32 @!p0 $0x108  }
0x21: {  	s3 =	sadd.s32 s3, s9;
	s6 =	sadd.s32 @!p0 $0x88, s6;
	s7 =	simm.s32 @p2 $0x1082  }
0x22: {  	[simem:s7], [sflag:s8] =	dma.local @!p0 [hbm:s6], $0xF7A  }
0x23: {  	s9 =	sor.u32 $0xD0000000, s2;
	s6 =	simm.s32 $0x108;
	_ =	swait.ge @!p0 [sflag:s8], $0x0  }
0x24: {  	s3 =	sadd.s32 $0x88, s3;
	s6 =	simm.s32 @!p1 $0x1082;
	[sflag:s4] =	ssyncset.s32 $0xFFFFF086  }
0x25: {  	[simem:s6], [sflag:s4] =	dma.local [hbm:s3], $0xF7A  }
0x26: {  	[smem:$0x3F98] =	sst s1;
	(tag) =	ssettag s2;
	_ =	strace s9  }
0x27: {  	s1 =	sld [smem:$0x3FA8]  }
0x28: {  	s2 =	sld [smem:$0x3FA9]  }
0x29: {  	s4 =	sld [smem:$0x3FAB]  }
0x2a: {  	p0 =	seq.s32 s5, $0x0;
	s5 =	sld [smem:$0x3FAC]  }
0x2b: {  	s6 =	sld [smem:$0x3FAD]  }
0x2c: {  	s7 =	sld [smem:$0x3FAE]  }
0x2d: {  	s3 =	simm.s32 $0x108;
	s8 =	sld [smem:$0x3FAF]  }
0x2e: {  	s3 =	simm.s32 @!p0 $0x1082;
	s9 =	sld [smem:$0x3FB0]  }
0x2f: {  	lr =	sadd.s32 s0, s3;
	s0 =	sld [smem:$0x3FA7]  }
0x30: {  	s3 =	sld [smem:$0x3FAA]  }
0x31: {  	[smem:$0x3FB3] =	sst s10  }
0x32: {  	s10 =	sld [smem:$0x3FB1];
	_ =	sdelay $0x3  }
0x33: {  	p0 =	seq.s32 s10, $0x1;
	s10 =	sld [smem:$0x3FB3];
	_ =	sdelay $0x3  }
0x34: {  	[smem:$0x3FB3] =	sst s10  }
0x35: {  	s10 =	sld [smem:$0x3FB2];
	_ =	sdelay $0x3  }
0x36: {  	p1 =	seq.s32 s10, $0x1;
	s10 =	sld [smem:$0x3FB3];
	_ =	sdelay $0x3  }
0x37: {  	[smem:$0x3FB3] =	sst s10  }
0x38: {  	s10 =	sld [smem:$0x3FB4]  }
0x39: {  	_ = 	snop;
	(pc) =	sbr.ind lr, $3  }
0x3a: {  	_ = 	snop  }
0x3b: {  	_ = 	snop  }
0x3c: {  	p2 =	seq.s32 s10, $0x1;
	s10 =	sld [smem:$0x3FB3]  }
0x3d: {  	_ =	shalt  }
0x3e: {  	_ =	shalt  }
0x3f: {  	_ =	shalt  }
0x40: {  	_ =	shalt  }
0x41: {  	_ =	shalt  }
0x42: {  	_ =	shalt  }
0x43: {  	_ =	shalt  }
0x44: {  	_ =	shalt  }
0x45: {  	_ =	shalt  }
0x46: {  	_ =	shalt  }
0x47: {  	_ =	shalt  }
0x48: {  	_ =	shalt  }
0x49: {  	_ =	shalt  }
0x4a: {  	_ =	shalt  }
0x4b: {  	_ =	shalt  }
0x4c: {  	_ =	shalt  }
0x4d: {  	_ =	shalt  }
0x4e: {  	_ =	shalt  }
0x4f: {  	_ =	shalt  }
0x50: {  	_ =	shalt  }
0x51: {  	_ =	shalt  }
0x52: {  	_ =	shalt  }
0x53: {  	_ =	shalt  }
0x54: {  	_ =	shalt  }
0x55: {  	_ =	shalt  }
0x56: {  	_ =	shalt  }
0x57: {  	_ =	shalt  }
0x58: {  	_ =	shalt  }
0x59: {  	_ =	shalt  }
0x5a: {  	_ =	shalt  }
0x5b: {  	_ =	shalt  }
0x5c: {  	_ =	shalt  }
0x5d: {  	_ =	shalt  }
0x5e: {  	_ =	shalt  }
0x5f: {  	_ =	shalt  }
0x60: {  	_ =	shalt  }
0x61: {  	_ =	shalt  }
0x62: {  	_ =	shalt  }
0x63: {  	_ =	shalt  }
0x64: {  	_ =	shalt  }
0x65: {  	_ =	shalt  }
0x66: {  	_ =	shalt  }
0x67: {  	_ =	shalt  }
0x68: {  	_ =	shalt  }
0x69: {  	_ =	shalt  }
0x6a: {  	_ =	shalt  }
0x6b: {  	_ =	shalt  }
0x6c: {  	_ =	shalt  }
0x6d: {  	_ =	shalt  }
0x6e: {  	_ =	shalt  }
0x6f: {  	_ =	shalt  }
0x70: {  	_ =	shalt  }
0x71: {  	_ =	shalt  }
0x72: {  	_ =	shalt  }
0x73: {  	_ =	shalt  }
0x74: {  	_ =	shalt  }
0x75: {  	_ =	shalt  }
0x76: {  	_ =	shalt  }
0x77: {  	_ =	shalt  }
0x78: {  	_ =	shalt  }
0x79: {  	_ =	shalt  }
0x7a: {  	_ =	shalt  }
0x7b: {  	_ =	shalt  }
0x7c: {  	_ =	shalt  }
0x7d: {  	_ =	shalt  }
0x7e: {  	_ =	shalt  }
0x7f: {  	_ =	shalt  }
0x80: {  	_ =	shalt  }
0x81: {  	_ =	shalt  }
0x82: {  	_ =	shalt  }
0x83: {  	_ =	shalt  }
0x84: {  	_ =	shalt  }
0x85: {  	_ =	shalt  }
0x86: {  	_ =	shalt  }
0x87: {  	_ =	shalt  }
.Lfunc_end0:
.L_simem_size_0:
called_computation.2_lowered:
.L_overlay_start_0:
0x88: {  	s2 =	sld [smem:$0x3FD9]  }
0x89: {  	s3 =	sld [smem:$0x3FFE];
	_ =	sdelay $0x1  }
0x8a: {  	s1 =	srdreg.scid  }
0x8b: {  	s0 =	sand.u32 $0x1, s1  }
0x8c: {  	s16 =	sshll.u32 s0, $0xA;
	s2 =	sadd.s32 s3, s2  }
0x8d: {  	s2 =	sadd.s32 s2, s16  }
0x8e: {  	[smem:$0x3FBF] =	sst s2  }
0x8f: {  	_ = 	snop  }
0x90: {  	(tm) =	ssettm $0x1  }
0x91: {  	s17 =	sld [smem:$0x3FFB];
	_ =	sdelay $0x3  }
0x92: {  	_ =	strace s17  }
0x93: {  	s2 =	sld [smem:$0x3FFC];
	_ =	sdelay $0x3  }
0x94: {  	_ =	strace s2  }
0x95: {  	s2 =	sld [smem:$0x3FFD];
	_ =	sdelay $0x3  }
0x96: {  	_ =	strace s2  }
0x97: {  	_ =	strace $0x8FFFFFFF  }
0x98: {  	s18 =	sld [smem:$0x3FDB];
	_ =	sdelay $0x1  }
0x99: {  	s19 =	simm.s32 $_scs_section_size  }
0x9a: {  	s4 =	simm.s32 $_size__tile_overlayer_lowered;
	s5 =	simm.s32 $_tile_overlayer_lowered  }
0x9b: {  	s22 =	simm.s32 $0x1BFF;
	s21 =	sshll.u32 s5, $0x1;
	s2 =	sadd.s32 s19, s18  }
0x9c: {  	s6 =	simm.s32 $0x0;
	s20 =	sshll.u32 s4, $0x1;
	s4 =	sadd.s32 s21, s2  }
0x9d: {  	[timem:s6], [sflag:s22] =	dma.local [hbm:s4], s20  }
0x9e: {  	_ =	swait.ge [sflag:s22], s20  }
0x9f: {  	s3 =	ssub.s32 $0x0, s20;
	[sflag:s22] =	ssyncset.done $0x0  }
0xa0: {  	[sflag:s22] =	ssyncadd.s32 s3;
	_ =	sdelay $0x1  }
0xa1: {  	s23 =	simm.s32 $0x1B8B  }
0xa2: {  	_ =	swait.ge [sflag:s23], $0x1  }
0xa3: {  	[sflag:s23] =	ssyncset.done $0x0  }
0xa4: {  	s25 =	simm.s32 $0x1B8E;
	s24 =	sld [smem:$0x3FFE];
	[sflag:s23] =	ssyncadd.s32 $0xFFFFFFFF  }
0xa5: {  	s26 =	simm.s32 $execute0_lowered;
	[smem:$0x3FD2] =	sst s25  }
0xa6: {  	s4 =	sshll.u32 s26, $0x1;
	_ =	strace $0x8000004C;
	[dreg:$0x1] =	wrdreg $0xFFFFFFFF  }
0xa7: {  	s28 =	simm.s32 $_size_execute0_lowered;
	s2 =	sadd.s32 s2, s4;
	[dreg:$0x0] =	wrdreg $0x0  }
0xa8: {  	s4 =	sshll.u32 s28, $0x1;
	[dreg:$0x2] =	wrdreg s2  }
0xa9: {  	[dreg:$0x3] =	wrdreg s4  }
0xaa: {  	[dreg:$0x4] =	wrdreg $0xC0  }
0xab: {  	_ =	task [dreg:s6], $0x5FFFF  }
0xac: {  	[dreg:$0x1] =	wrdreg $0xFFFFFFFF  }
0xad: {  	[dreg:$0x0] =	wrdreg $0x60  }
0xae: {  	[dreg:$0x2] =	wrdreg s24  }
0xaf: {  	[dreg:$0x3] =	wrdreg $0xBE000  }
0xb0: {  	[dreg:$0x4] =	wrdreg $0x9  }
0xb1: {  	_ =	task.clear_ibuf [dreg:s6], $0x5FFFF;
	_ =	strace $0x9000004C  }
0xb2: {  	s29 =	simm.s32 $0x9;
	_ =	strace $0x8000004E  }
0xb3: {  	_ =	swait.ge [sflag:s29], $0x1  }
0xb4: {  	[sflag:s29] =	ssyncadd.s32 $0xFFFFFFFF  }
0xb5: {  	_ =	strace $0x9000004E  }
0xb6: {  	_ =	sfence  }
0xb7: {  	s30 =	sld [smem:$0x0];
	_ =	sdelay $0x2  }
0xb8: {  	s31 =	sshll.u32 s1, $0xD;
	s1 =	sshrl.u32 s1, $0x2  }
0xb9: {  	s3 =	sand.u32 $0x4000, s31;
	s1 =	sadd.s32 s1, s30  }
0xba: {  	s0 =	sor.u32 s3, s0;
	s1 =	sshll.u32 s1, $0x11  }
0xbb: {  	s0 =	sor.u32 s1, s0  }
0xbc: {  	s0 =	sadd.s32 $0x8F2B, s0  }
0xbd: {  	[sflag:s0] =	ssyncadd.remote.s32 $0x1  }
0xbe: {  	_ =	sfence.sel $0xFFFF  }
0xbf: {  	[dreg:$0x0] =	wrdreg $0xFFFFFFFF;
	(pc) =	sbr.abs _section_cstart, $3  }
0xc0: {  	[dreg:$0x1] =	wrdreg $0xFFFFFFFF  }
0xc1: {  	_ =	task.clear_ibuf [dreg:s6], $0x2FFFF;
	_ =	strace $0x9FFFFFFF  }
0xc2: {  	(tm) =	ssettm $0x7FFFFFFF  }
0xc3: {  	_ =	shalt  }
tec
execute0_lowered:
.L_overlay_start_1:
0x0: {  	(tag) =	ssettag $0x1  }
0x1: {  	s0 =	rddreg [dreg:$0x0]  }
0x2: {  	s1 =	rddreg [dreg:$0x1];
	s2 =	simm.s32 $0x0;
	s3 =	srdreg.scid  }
0x3: {  	s12 =	stileid.u32;
	[smem:$0x7FF] =	sst s2;
	s4 =	sand.u32 $0x1, s3  }
0x4: {  	s18 =	sadd.s32 $0x2C00, s0;
	s21 =	sadd.s32 $0xCA00, s0;
	s19 =	smul.u32 $0x4E000, s12  }
0x5: {  	s5 =	sshll.u32 s4, $0x4;
	s7 =	smul.u32 $0x27100, s4;
	s4 =	ssub.s32 $0x2, s4  }
0x6: {  	_ =	strace $0x8000004D;
	s6 =	sor.u32 s12, s5;
	s8 =	sshrl.u32 s4, $0x1  }
0x7: {  	s9 =	smul.u32 $0x2710, s6;
	s4 =	ssub.s32 s4, s8;
	s6 =	sadd.s32 $0x138000, s1  }
0x8: {  	s10 =	sadd.s32 s7, s0;
	s4 =	smax.u32 s4, $0x1;
	[dreg:$0x15] =	wrdreg s6  }
0x9: {  	s22 =	sshrl.u32 s19, $0x2;
	s5 =	sadd.s32 $0x3DA00, s10;
	[smem:$0x7F6] =	sst s4  }
0xa: {  	s10 =	sadd.s32 s22, s1;
	s23 =	sshrl.u32 s9, $0x3;
	[smem:$0x7FB] =	sst s5  }
0xb: {  	s24 =	sadd.s32 $0x28, s9;
	[smem:$0x7FD] =	sst s10;
	s25 =	sadd.s32 s18, s23  }
0xc: {  	s26 =	sadd.s32 s21, s23;
	s8 =	sshrl.u32 s24, $0x3;
	[dreg:$0x16] =	wrdreg s25  }
0xd: {  	[dreg:$0x17] =	wrdreg s26;
	s28 =	sadd.s32 s18, s8  }
0xe: {  	s11 =	sadd.s32 $0xA, s23;
	s31 =	sadd.s32 s21, s8;
	[dreg:$0x18] =	wrdreg s28  }
0xf: {  	s9 =	sadd.s32 $0x78, s9;
	s8 =	sadd.s32 s18, s11;
	[dreg:$0x19] =	wrdreg s31  }
0x10: {  	s13 =	sshrl.u32 s9, $0x3;
	s14 =	sadd.s32 s21, s11;
	[dreg:$0x1a] =	wrdreg s8  }
0x11: {  	s3 =	sadd.s32 $0x16800, s0;
	s15 =	sadd.s32 s18, s13;
	[dreg:$0x1b] =	wrdreg s14  }
0x12: {  	s0 =	sadd.s32 $0x14, s23;
	s17 =	sadd.s32 s21, s13;
	[dreg:$0x1c] =	wrdreg s15  }
0x13: {  	s29 =	simm.s32 $0x2;
	s20 =	sadd.s32 s18, s0;
	[dreg:$0x1d] =	wrdreg s17  }
0x14: {  	s16 =	smul.u32 $0x2710, s12;
	s0 =	sadd.s32 s21, s0;
	[dreg:$0x1e] =	wrdreg s20  }
0x15: {  	s30 =	simm.s32 $0x3;
	p0 =	sne.s32 s12, $0x0;
	[dreg:$0x1f] =	wrdreg s0  }
0x16: {  	s0 =	sadd.s32 s16, s7;
	s7 =	smul.u32 $0x2700, s12;
	s12 =	simm.s32 $0x1  }
0x17: {  	s23 =	sadd.s32 $0x230, s0;
	s9 =	sadd.s32 $0x208, s0;
	s31 =	sadd.s32 $0x1E0, s0  }
0x18: {  	s14 =	sadd.s32 $0x1B8, s0;
	s19 =	sadd.s32 $0xC8, s0;
	s8 =	sshrl.u32 s23, $0x3  }
0x19: {  	s26 =	sshrl.u32 s9, $0x3;
	s11 =	sshrl.u32 s31, $0x3;
	s16 =	sshrl.u32 s14, $0x3  }
0x1a: {  	s22 =	sshrl.u32 s19, $0x3;
	s31 =	sadd.s32 $0x140, s0;
	s24 =	sadd.s32 s8, s21  }
0x1b: {  	s14 =	sadd.s32 $0x118, s0;
	s25 =	sadd.s32 s8, s18;
	[dreg:$0x3] =	wrdreg s24  }
0x1c: {  	s19 =	sadd.s32 $0xF0, s0;
	s28 =	sadd.s32 s26, s21;
	[dreg:$0x4] =	wrdreg s25  }
0x1d: {  	s9 =	simm.s32 $0x100;
	s8 =	sadd.s32 s26, s18;
	[dreg:$0x5] =	wrdreg s28  }
0x1e: {  	s13 =	sadd.s32 s11, s21;
	s15 =	sadd.s32 s11, s18;
	[dreg:$0x6] =	wrdreg s8  }
0x1f: {  	s17 =	sadd.s32 s16, s21;
	s20 =	sadd.s32 s16, s18;
	[dreg:$0x7] =	wrdreg s13  }
0x20: {  	s23 =	sadd.s32 s22, s21;
	s11 =	sshrl.u32 s31, $0x3;
	[dreg:$0x8] =	wrdreg s15  }
0x21: {  	s16 =	sshrl.u32 s14, $0x3;
	s31 =	sadd.s32 s7, s5;
	[dreg:$0x9] =	wrdreg s17  }
0x22: {  	s5 =	simm.s32 $0x580;
	s14 =	simm.s32 $0xA00;
	[dreg:$0xa] =	wrdreg s20  }
0x23: {  	s7 =	simm.s32 $0x0;
	s24 =	sadd.s32 $0x168, s0;
	[dreg:$0xb] =	wrdreg s23  }
0x24: {  	s25 =	sadd.s32 s22, s18;
	s13 =	sadd.s32 s11, s21;
	[smem:$0x7FC] =	sst s31  }
0x25: {  	s15 =	sadd.s32 s11, s18;
	s17 =	sadd.s32 s16, s21;
	[dreg:$0xc] =	wrdreg s25  }
0x26: {  	s20 =	sadd.s32 s16, s18;
	s22 =	sshrl.u32 s19, $0x3;
	[dreg:$0xf] =	wrdreg s13  }
0x27: {  	s23 =	sadd.s32 $0x4E00, s10;
	s0 =	sadd.s32 $0x190, s0;
	[dreg:$0x10] =	wrdreg s15  }
0x28: {  	s11 =	simm.s32 $0x80;
	s16 =	simm.s32 $0x3200;
	[dreg:$0x11] =	wrdreg s17  }
0x29: {  	s19 =	simm.s32 $0x800;
	s26 =	sshrl.u32 s24, $0x3;
	[smem:$0x7F7] =	sst s23  }
0x2a: {  	[dreg:$0x12] =	wrdreg s20;
	s24 =	sadd.s32 s22, s21;
	s25 =	sadd.s32 $0x9C00, s10  }
0x2b: {  	[smem:$0x7FA] =	sst s0;
	s13 =	simm.s32 $0x28;
	s15 =	simm.s32 $0x1E00  }
0x2c: {  	s17 =	simm.s32 $0x4600;
	s20 =	simm.s32 $0x5A00;
	[dreg:$0x13] =	wrdreg s24  }
0x2d: {  	s23 =	simm.s32 $0x900;
	s28 =	sadd.s32 s26, s21;
	[smem:$0x7F8] =	sst s25  }
0x2e: {  	s8 =	sadd.s32 s26, s18;
	s26 =	sadd.s32 s22, s18;
	[dreg:$0xd] =	wrdreg s28  }
0x2f: {  	s22 =	simm.s32 $0x500;
	s25 =	simm.s32 $0x780;
	[dreg:$0xe] =	wrdreg s8  }
0x30: {  	s24 =	simm.s32 $0x880;
	[dreg:$0x14] =	wrdreg s26;
	s28 =	sadd.s32 $0xEA00, s10  }
0x31: {  	v0 =	vimm.f32 $0.0e+00;
	s8 =	simm.s32 $0x4;
	s26 =	simm.s32 $0x980;
	[smem:$0x7F9] =	sst s28  }
.LBB2_1:
0x32: {  	[smem:$0x7F5] =	sst s7;
	s0 =	simm.s32 $0x70;
	s4 =	simm.s32 $0x3C0  }
.LBB2_2:
0x33: {  	p1 =	sne.s32 s4, $0x137C0;
	[tilespmem:s0+$0x6E00] =	vst v0  }
0x34: {  	[tilespmem:s0+$0x6D90] =	vst v0  }
0x35: {  	[tilespmem:s0+$0x6DA0] =	vst v0  }
.Ltmp0:
0x36: {  	[tilespmem:s0+$0x6DB0] =	vst v0;
	(pc) =	sbr.rel @p1 .LBB2_2-.Ltmp0, $4  }
0x37: {  	[tilespmem:s0+$0x6DC0] =	vst v0  }
0x38: {  	[tilespmem:s0+$0x6DD0] =	vst v0  }
0x39: {  	[tilespmem:s0+$0x6DE0] =	vst v0  }
0x3a: {  	[tilespmem:s0+$0x6DF0] =	vst v0;
	s0 =	sshra.s32 s4, $0x2;
	s4 =	sadd.s32 $0x200, s4  }
0x3b: {  	[tilespmem:s0+$0x6E00] =	vst v0  }
0x3c: {  	[tilespmem:s0+$0x6D90] =	vst v0  }
0x3d: {  	[tilespmem:s0+$0x6DA0] =	vst v0  }
0x3e: {  	[tilespmem:s0+$0x6DB0] =	vst v0  }
0x3f: {  	[tilespmem:s0+$0x6DC0] =	vst v0  }
0x40: {  	[tilespmem:s0+$0x6DD0] =	vst v0  }
0x41: {  	[tilespmem:s0+$0x6DE0] =	vst v0  }
0x42: {  	[tilespmem:s0+$0x6DF0] =	vst v0;
	s4 =	simm.s32 $0x6E00  }
0x43: {  	[spmem:s10] =	stream.linear.scatter [tilespmem:s4], [sflag:$0x4], $0x4E00, $0x38;
	[tilespmem:$0x1F680] =	vst v63  }
0x44: {  	_ =	swait.ge [sflag:s8], $0x4E00  }
0x45: {  	s10 =	sld [smem:$0x7F7]  }
0x46: {  	[sflag:s8] =	ssyncset.done $0x0  }
0x47: {  	[sflag:s8] =	ssyncadd.s32 $0xFFFFB200  }
0x48: {  	[spmem:s10] =	stream.linear.scatter [tilespmem:s4], [sflag:$0x4], $0x4E00, $0x38;
	[tilespmem:$0x1F680] =	vst v63  }
0x49: {  	_ =	swait.ge [sflag:s8], $0x4E00  }
0x4a: {  	s28 =	sld [smem:$0x7F8]  }
0x4b: {  	[sflag:s8] =	ssyncset.done $0x0  }
0x4c: {  	[sflag:s8] =	ssyncadd.s32 $0xFFFFB200  }
0x4d: {  	[spmem:s28] =	stream.linear.scatter [tilespmem:s4], [sflag:$0x4], $0x4E00, $0x38;
	[tilespmem:$0x1F680] =	vst v63  }
0x4e: {  	_ =	swait.ge [sflag:s8], $0x4E00  }
0x4f: {  	s7 =	sld [smem:$0x7F9]  }
0x50: {  	[sflag:s8] =	ssyncset.done $0x0  }
0x51: {  	[sflag:s8] =	ssyncadd.s32 $0xFFFFB200  }
0x52: {  	[spmem:s7] =	stream.linear.scatter [tilespmem:s4], [sflag:$0x4], $0x4E00, $0x38;
	[tilespmem:$0x1F680] =	vst v63  }
0x53: {  	_ =	swait.ge [sflag:s8], $0x4E00  }
0x54: {  	[sflag:s8] =	ssyncset.done $0x0  }
0x55: {  	s0 =	simm.s32 @!p0 $0x6E00;
	[sflag:s8] =	ssyncadd.s32 $0xFFFFB200  }
0x56: {  	[spmem:s6] =	stream.linear.scatter @!p0 [tilespmem:s0], [sflag:$0x4], $0x800, $0x38;
	[tilespmem:$0x1F680] =	vst v63  }
0x57: {  	s0 =	simm.s32 @!p0 $0x4  }
0x58: {  	_ =	swait.ge @!p0 [sflag:s0], $0x800  }
0x59: {  	[sflag:s0] =	ssyncset.done @!p0 $0x0  }
0x5a: {  	[sflag:s0] =	ssyncadd.s32 @!p0 $0xFFFFF800  }
0x5b: {  	[bflag:$0x0] =	sbarrier.arrive $0xFFFF  }
0x5c: {  	s0 =	simm.s32 $0x0;
	s8 =	rddreg [dreg:$0x16]  }
0x5d: {  	[tilespmem:s0], [sflag:$0x1] =	stream.linear.gather [hbm4b:s8+s0], $0x28, $0x38;
	[tilespmem:$0x1F680] =	vst v63  }
0x5e: {  	s10 =	rddreg [dreg:$0x17]  }
0x5f: {  	[tilespmem:s22], [sflag:$0x1] =	stream.linear.gather [hbm4b:s10+s0], $0x28, $0x38;
	[tilespmem:$0x1F680] =	vst v63  }
0x60: {  	s28 =	rddreg [dreg:$0x18]  }
0x61: {  	[tilespmem:s11], [sflag:$0x1] =	stream.linear.gather [hbm4b:s28+s0], $0x28, $0x38;
	[tilespmem:$0x1F680] =	vst v63  }
0x62: {  	s6 =	rddreg [dreg:$0x19]  }
0x63: {  	[tilespmem:s5], [sflag:$0x1] =	stream.linear.gather [hbm4b:s6+s0], $0x28, $0x38;
	[tilespmem:$0x1F680] =	vst v63  }
0x64: {  	s7 =	rddreg [dreg:$0x1a]  }
0x65: {  	[tilespmem:s9], [sflag:$0x1] =	stream.linear.gather [hbm4b:s7+s0], $0x28, $0x38;
	[tilespmem:$0x1F680] =	vst v63  }
0x66: {  	s31 =	simm.s32 $0x600;
	s8 =	rddreg [dreg:$0x1b]  }
0x67: {  	[tilespmem:s31], [sflag:$0x1] =	stream.linear.gather [hbm4b:s8+s0], $0x28, $0x38;
	[tilespmem:$0x1F680] =	vst v63  }
0x68: {  	s10 =	rddreg [dreg:$0x1c];
	s6 =	simm.s32 $0x180  }
0x69: {  	[tilespmem:s6], [sflag:$0x1] =	stream.linear.gather [hbm4b:s10+s0], $0x28, $0x38;
	[tilespmem:$0x1F680] =	vst v63  }
0x6a: {  	s28 =	rddreg [dreg:$0x1d];
	s7 =	simm.s32 $0x680  }
0x6b: {  	[tilespmem:s7], [sflag:$0x1] =	stream.linear.gather [hbm4b:s28+s0], $0x28, $0x38;
	[tilespmem:$0x1F680] =	vst v63  }
0x6c: {  	p1 =	por $0x1, $0x1;
	s8 =	rddreg [dreg:$0x1e];
	s7 =	simm.s32 $0x200  }
0x6d: {  	[tilespmem:s7], [sflag:$0x1] =	stream.linear.gather [hbm4b:s8+s0], $0x28, $0x38;
	[tilespmem:$0x1F680] =	vst v63  }
0x6e: {  	p1 =	por p1, p1;
	s10 =	rddreg [dreg:$0x1f];
	s28 =	simm.s32 $0x700  }
0x6f: {  	[tilespmem:s28], [sflag:$0x1] =	stream.linear.gather [hbm4b:s10+s0], $0x28, $0x38;
	[tilespmem:$0x1F680] =	vst v63  }
0x70: {  	s0 =	simm.s32 @!p1 $0x3  }
0x71: {  	_ =	swait.ge @!p1 [sflag:s0], $0x1400  }
0x72: {  	[sflag:s0] =	ssyncset.done @!p1 $0x0  }
0x73: {  	[sflag:s0] =	ssyncadd.s32 @!p1 $0xFFFFEC00  }
0x74: {  	_ =	swait.ge @!p1 [sflag:s0], $0x1400  }
0x75: {  	[sflag:s0] =	ssyncset.done @!p1 $0x0  }
0x76: {  	[sflag:s0] =	ssyncadd.s32 @!p1 $0xFFFFEC00  }
0x77: {  	_ =	swait.ge @!p1 [sflag:s0], $0x1400  }
0x78: {  	[sflag:s0] =	ssyncset.done @!p1 $0x0  }
0x79: {  	[sflag:s0] =	ssyncadd.s32 @!p1 $0xFFFFEC00  }
0x7a: {  	_ =	swait.ge @!p1 [sflag:s0], $0x1400  }
0x7b: {  	[sflag:s0] =	ssyncset.done @!p1 $0x0  }
0x7c: {  	[sflag:s0] =	ssyncadd.s32 @!p1 $0xFFFFEC00  }
0x7d: {  	_ =	swait.ge @!p1 [sflag:s0], $0x1400  }
0x7e: {  	[sflag:s0] =	ssyncset.done @!p1 $0x0  }
0x7f: {  	[sflag:s0] =	ssyncadd.s32 @!p1 $0xFFFFEC00  }
0x80: {  	_ =	swait.ge [sflag:s12], $0x28  }
0x81: {  	[sflag:s12] =	ssyncset.done $0x0  }
0x82: {  	[sflag:s12] =	ssyncadd.s32 $0xFFFFFFD8  }
0x83: {  	_ =	swait.ge [sflag:s12], $0x28  }
0x84: {  	[sflag:s12] =	ssyncset.done $0x0  }
0x85: {  	[sflag:s12] =	ssyncadd.s32 $0xFFFFFFD8  }
0x86: {  	_ =	swait.ge [sflag:s12], $0x28  }
0x87: {  	[sflag:s12] =	ssyncset.done $0x0  }
0x88: {  	[sflag:s12] =	ssyncadd.s32 $0xFFFFFFD8  }
0x89: {  	_ =	swait.ge [sflag:s12], $0x28  }
0x8a: {  	[sflag:s12] =	ssyncset.done $0x0  }
0x8b: {  	[sflag:s12] =	ssyncadd.s32 $0xFFFFFFD8  }
0x8c: {  	_ =	swait.ge [sflag:s12], $0x28  }
0x8d: {  	[sflag:s12] =	ssyncset.done $0x0  }
0x8e: {  	[sflag:s12] =	ssyncadd.s32 $0xFFFFFFD8  }
0x8f: {  	_ =	swait.ge [sflag:s12], $0x28  }
0x90: {  	[sflag:s12] =	ssyncset.done $0x0  }
0x91: {  	[sflag:s12] =	ssyncadd.s32 $0xFFFFFFD8  }
0x92: {  	_ =	swait.ge [sflag:s12], $0x28  }
0x93: {  	[sflag:s12] =	ssyncset.done $0x0  }
0x94: {  	[sflag:s12] =	ssyncadd.s32 $0xFFFFFFD8  }
0x95: {  	_ =	swait.ge [sflag:s12], $0x28  }
0x96: {  	[sflag:s12] =	ssyncset.done $0x0  }
0x97: {  	[sflag:s12] =	ssyncadd.s32 $0xFFFFFFD8  }
0x98: {  	_ =	swait.ge [sflag:s12], $0x28  }
0x99: {  	[sflag:s12] =	ssyncset.done $0x0  }
0x9a: {  	[sflag:s12] =	ssyncadd.s32 $0xFFFFFFD8  }
0x9b: {  	_ =	swait.ge [sflag:s12], $0x28  }
0x9c: {  	[sflag:s12] =	ssyncset.done $0x0  }
0x9d: {  	[sflag:s12] =	ssyncadd.s32 $0xFFFFFFD8  }
0x9e: {  	[tilespmem:s14], [sflag:$0x2] =	stream.indirect.gather [hbm4b:s3+s13], $0x80, s2, s13, $0xb8;
	[tilespmem:$0x1F680] =	vst v63  }
0x9f: {  	_ = 	snop  }
0xa0: {  	[tilespmem:s15], [sflag:$0x2] =	stream.indirect.gather [hbm4b:s3+s13], $0x80, s11, s13, $0xb8;
	[tilespmem:$0x1F680] =	vst v63  }
0xa1: {  	_ = 	snop  }
0xa2: {  	[tilespmem:s16], [sflag:$0x2] =	stream.indirect.gather [hbm4b:s3+s13], $0x80, s9, s13, $0xb8;
	[tilespmem:$0x1F680] =	vst v63  }
0xa3: {  	_ = 	snop  }
0xa4: {  	[tilespmem:s17], [sflag:$0x2] =	stream.indirect.gather [hbm4b:s3+s13], $0x80, s6, s13, $0xb8;
	[tilespmem:$0x1F680] =	vst v63  }
0xa5: {  	s8 =	rddreg [dreg:$0xc]  }
0xa6: {  	[tilespmem:s20], [sflag:$0x2] =	stream.indirect.gather [hbm4b:s3+s13], $0x80, s7, s13, $0xb8;
	[tilespmem:$0x1F680] =	vst v63  }
0xa7: {  	s10 =	simm.s32 $0x280;
	s0 =	sadd.s32 $0x0, s8;
	s9 =	rddreg [dreg:$0xb]  }
0xa8: {  	[tilespmem:s10], [sflag:$0x1] =	stream.linear.gather [hbm4b:s0+s2], $0x28, $0x38;
	[tilespmem:$0x1F680] =	vst v63  }
0xa9: {  	s28 =	rddreg [dreg:$0x14];
	s7 =	sadd.s32 $0x0, s9  }
0xaa: {  	[tilespmem:s25], [sflag:$0x1] =	stream.linear.gather [hbm4b:s7+s2], $0x28, $0x38;
	[tilespmem:$0x1F680] =	vst v63  }
0xab: {  	s4 =	rddreg [dreg:$0x13];
	s9 =	sadd.s32 $0x0, s28;
	s28 =	simm.s32 $0x300  }
0xac: {  	[tilespmem:s28], [sflag:$0x1] =	stream.linear.gather [hbm4b:s9+s2], $0x28, $0x38;
	[tilespmem:$0x1F680] =	vst v63  }
0xad: {  	s7 =	rddreg [dreg:$0x12];
	s9 =	sadd.s32 $0x0, s4  }
0xae: {  	[tilespmem:s19], [sflag:$0x1] =	stream.linear.gather [hbm4b:s9+s2], $0x28, $0x38;
	[tilespmem:$0x1F680] =	vst v63  }
0xaf: {  	s7 =	sadd.s32 $0x0, s7;
	s4 =	rddreg [dreg:$0x11];
	s9 =	simm.s32 $0x380  }
0xb0: {  	[tilespmem:s9], [sflag:$0x1] =	stream.linear.gather [hbm4b:s7+s2], $0x28, $0x38;
	[tilespmem:$0x1F680] =	vst v63  }
0xb1: {  	s8 =	rddreg [dreg:$0x10];
	s7 =	sadd.s32 $0x0, s4  }
0xb2: {  	[tilespmem:s24], [sflag:$0x1] =	stream.linear.gather [hbm4b:s7+s2], $0x28, $0x38;
	[tilespmem:$0x1F680] =	vst v63  }
0xb3: {  	s0 =	sadd.s32 $0x0, s8;
	s4 =	rddreg [dreg:$0xf];
	s7 =	simm.s32 $0x400  }
0xb4: {  	[tilespmem:s7], [sflag:$0x1] =	stream.linear.gather [hbm4b:s0+s2], $0x28, $0x38;
	[tilespmem:$0x1F680] =	vst v63  }
0xb5: {  	s8 =	rddreg [dreg:$0xe];
	s0 =	sadd.s32 $0x0, s4  }
0xb6: {  	[tilespmem:s23], [sflag:$0x1] =	stream.linear.gather [hbm4b:s0+s2], $0x28, $0x38;
	[tilespmem:$0x1F680] =	vst v63  }
0xb7: {  	s4 =	rddreg [dreg:$0xd];
	s23 =	sadd.s32 $0x0, s8;
	s8 =	simm.s32 $0x480  }
0xb8: {  	[tilespmem:s8], [sflag:$0x1] =	stream.linear.gather [hbm4b:s23+s2], $0x28, $0x38;
	[tilespmem:$0x1F680] =	vst v63  }
0xb9: {  	s4 =	sadd.s32 $0x0, s4  }
0xba: {  	[tilespmem:s26], [sflag:$0x1] =	stream.linear.gather [hbm4b:s4+s2], $0x28, $0x38;
	[tilespmem:$0x1F680] =	vst v63  }
0xbb: {  	_ =	swait.ge [sflag:s29], $0x1400  }
0xbc: {  	[sflag:s29] =	ssyncset.done $0x0  }
0xbd: {  	[sflag:s29] =	ssyncadd.s32 $0xFFFFEC00  }
0xbe: {  	[spmem:s1] =	stream.indirect.scatter.add.f32 [tilespmem:s14], [sflag:$0x3], $0x80, s22, s13, $0xb8;
	[tilespmem:$0x1F680] =	vst v63  }
0xbf: {  	_ =	swait.ge [sflag:s29], $0x1400  }
0xc0: {  	[sflag:s29] =	ssyncset.done $0x0  }
0xc1: {  	[sflag:s29] =	ssyncadd.s32 $0xFFFFEC00  }
0xc2: {  	[spmem:s1] =	stream.indirect.scatter.add.f32 [tilespmem:s15], [sflag:$0x3], $0x80, s5, s13, $0xb8;
	[tilespmem:$0x1F680] =	vst v63  }
0xc3: {  	_ =	swait.ge [sflag:s29], $0x1400  }
0xc4: {  	[sflag:s29] =	ssyncset.done $0x0  }
0xc5: {  	[sflag:s29] =	ssyncadd.s32 $0xFFFFEC00  }
0xc6: {  	[spmem:s1] =	stream.indirect.scatter.add.f32 [tilespmem:s16], [sflag:$0x3], $0x80, s31, s13, $0xb8;
	[tilespmem:$0x1F680] =	vst v63  }
0xc7: {  	_ =	swait.ge [sflag:s29], $0x1400  }
0xc8: {  	[sflag:s29] =	ssyncset.done $0x0  }
0xc9: {  	s23 =	simm.s32 $0x680;
	[sflag:s29] =	ssyncadd.s32 $0xFFFFEC00  }
0xca: {  	[spmem:s1] =	stream.indirect.scatter.add.f32 [tilespmem:s17], [sflag:$0x3], $0x80, s23, s13, $0xb8;
	[tilespmem:$0x1F680] =	vst v63  }
0xcb: {  	_ =	swait.ge [sflag:s29], $0x1400  }
0xcc: {  	[sflag:s29] =	ssyncset.done $0x0  }
0xcd: {  	s26 =	simm.s32 $0x700;
	[sflag:s29] =	ssyncadd.s32 $0xFFFFEC00  }
0xce: {  	[spmem:s1] =	stream.indirect.scatter.add.f32 [tilespmem:s20], [sflag:$0x3], $0x80, s26, s13, $0xb8;
	[tilespmem:$0x1F680] =	vst v63  }
0xcf: {  	_ =	swait.ge [sflag:s30], $0x1400  }
0xd0: {  	[sflag:s30] =	ssyncset.done $0x0  }
0xd1: {  	[sflag:s30] =	ssyncadd.s32 $0xFFFFEC00  }
0xd2: {  	_ =	swait.ge [sflag:s30], $0x1400  }
0xd3: {  	[sflag:s30] =	ssyncset.done $0x0  }
0xd4: {  	[sflag:s30] =	ssyncadd.s32 $0xFFFFEC00  }
0xd5: {  	_ =	swait.ge [sflag:s30], $0x1400  }
0xd6: {  	[sflag:s30] =	ssyncset.done $0x0  }
0xd7: {  	[sflag:s30] =	ssyncadd.s32 $0xFFFFEC00  }
0xd8: {  	_ =	swait.ge [sflag:s30], $0x1400  }
0xd9: {  	[sflag:s30] =	ssyncset.done $0x0  }
0xda: {  	[sflag:s30] =	ssyncadd.s32 $0xFFFFEC00  }
0xdb: {  	_ =	swait.ge [sflag:s30], $0x1400  }
0xdc: {  	[sflag:s30] =	ssyncset.done $0x0  }
0xdd: {  	[sflag:s30] =	ssyncadd.s32 $0xFFFFEC00  }
0xde: {  	_ =	swait.ge [sflag:s12], $0x28  }
0xdf: {  	[sflag:s12] =	ssyncset.done $0x0  }
0xe0: {  	[sflag:s12] =	ssyncadd.s32 $0xFFFFFFD8  }
0xe1: {  	_ =	swait.ge [sflag:s12], $0x28  }
0xe2: {  	[sflag:s12] =	ssyncset.done $0x0  }
0xe3: {  	[sflag:s12] =	ssyncadd.s32 $0xFFFFFFD8  }
0xe4: {  	_ =	swait.ge [sflag:s12], $0x28  }
0xe5: {  	[sflag:s12] =	ssyncset.done $0x0  }
0xe6: {  	[sflag:s12] =	ssyncadd.s32 $0xFFFFFFD8  }
0xe7: {  	_ =	swait.ge [sflag:s12], $0x28  }
0xe8: {  	[sflag:s12] =	ssyncset.done $0x0  }
0xe9: {  	[sflag:s12] =	ssyncadd.s32 $0xFFFFFFD8  }
0xea: {  	_ =	swait.ge [sflag:s12], $0x28  }
0xeb: {  	[sflag:s12] =	ssyncset.done $0x0  }
0xec: {  	[sflag:s12] =	ssyncadd.s32 $0xFFFFFFD8  }
0xed: {  	_ =	swait.ge [sflag:s12], $0x28  }
0xee: {  	[sflag:s12] =	ssyncset.done $0x0  }
0xef: {  	[sflag:s12] =	ssyncadd.s32 $0xFFFFFFD8  }
0xf0: {  	_ =	swait.ge [sflag:s12], $0x28  }
0xf1: {  	[sflag:s12] =	ssyncset.done $0x0  }
0xf2: {  	[sflag:s12] =	ssyncadd.s32 $0xFFFFFFD8  }
0xf3: {  	_ =	swait.ge [sflag:s12], $0x28  }
0xf4: {  	[sflag:s12] =	ssyncset.done $0x0  }
0xf5: {  	[sflag:s12] =	ssyncadd.s32 $0xFFFFFFD8  }
0xf6: {  	_ =	swait.ge [sflag:s12], $0x28  }
0xf7: {  	[sflag:s12] =	ssyncset.done $0x0  }
0xf8: {  	[sflag:s12] =	ssyncadd.s32 $0xFFFFFFD8  }
0xf9: {  	_ =	swait.ge [sflag:s12], $0x28  }
0xfa: {  	[sflag:s12] =	ssyncset.done $0x0  }
0xfb: {  	[sflag:s12] =	ssyncadd.s32 $0xFFFFFFD8  }
0xfc: {  	[tilespmem:s14], [sflag:$0x2] =	stream.indirect.gather [hbm4b:s3+s13], $0x80, s10, s13, $0xb8;
	[tilespmem:$0x1F680] =	vst v63  }
0xfd: {  	_ = 	snop  }
0xfe: {  	[tilespmem:s15], [sflag:$0x2] =	stream.indirect.gather [hbm4b:s3+s13], $0x80, s28, s13, $0xb8;
	[tilespmem:$0x1F680] =	vst v63  }
0xff: {  	s5 =	sld [smem:$0x7FA]  }
0x100: {  	[tilespmem:s16], [sflag:$0x2] =	stream.indirect.gather [hbm4b:s3+s13], $0x80, s9, s13, $0xb8;
	[tilespmem:$0x1F680] =	vst v63  }
0x101: {  	p1 =	por $0x0, $0x0  }
0x102: {  	[tilespmem:s17], [sflag:$0x2] =	stream.indirect.gather [hbm4b:s3+s13], $0x80, s7, s13, $0xb8;
	[tilespmem:$0x1F680] =	vst v63  }
0x103: {  	s0 =	sshrl.u32 @!p1 s5, $0x3  }
0x104: {  	[tilespmem:s20], [sflag:$0x2] =	stream.indirect.gather [hbm4b:s3+s13], $0x80, s8, s13, $0xb8;
	[tilespmem:$0x1F680] =	vst v63  }
0x105: {  	s4 =	simm.s32 @!p1 $0x0;
	s8 =	sadd.s32 @!p1 s18, s0  }
0x106: {  	[tilespmem:s4], [sflag:$0x1] =	stream.linear.gather @!p1 [hbm4b:s8+s4], $0x28, $0x38;
	[tilespmem:$0x1F680] =	vst v63  }
0x107: {  	s9 =	simm.s32 @!p1 $0x500;
	s0 =	sadd.s32 @!p1 s21, s0;
	s8 =	rddreg [dreg:$0xa]  }
0x108: {  	[tilespmem:s9], [sflag:$0x1] =	stream.linear.gather @!p1 [hbm4b:s0+s4], $0x28, $0x38;
	[tilespmem:$0x1F680] =	vst v63  }
0x109: {  	s8 =	sadd.s32 @!p1 $0x0, s8;
	s0 =	rddreg [dreg:$0x9];
	s9 =	simm.s32 @!p1 $0x80  }
0x10a: {  	[tilespmem:s9], [sflag:$0x1] =	stream.linear.gather @!p1 [hbm4b:s8+s4], $0x28, $0x38;
	[tilespmem:$0x1F680] =	vst v63  }
0x10b: {  	s0 =	sadd.s32 @!p1 $0x0, s0;
	s8 =	simm.s32 @!p1 $0x580;
	s9 =	rddreg [dreg:$0x8]  }
0x10c: {  	[tilespmem:s8], [sflag:$0x1] =	stream.linear.gather @!p1 [hbm4b:s0+s4], $0x28, $0x38;
	[tilespmem:$0x1F680] =	vst v63  }
0x10d: {  	s9 =	sadd.s32 @!p1 $0x0, s9;
	s0 =	rddreg [dreg:$0x7];
	s8 =	simm.s32 @!p1 $0x100  }
0x10e: {  	[tilespmem:s8], [sflag:$0x1] =	stream.linear.gather @!p1 [hbm4b:s9+s4], $0x28, $0x38;
	[tilespmem:$0x1F680] =	vst v63  }
0x10f: {  	s0 =	sadd.s32 @!p1 $0x0, s0;
	s8 =	simm.s32 @!p1 $0x600;
	s9 =	rddreg [dreg:$0x6]  }
0x110: {  	[tilespmem:s8], [sflag:$0x1] =	stream.linear.gather @!p1 [hbm4b:s0+s4], $0x28, $0x38;
	[tilespmem:$0x1F680] =	vst v63  }
0x111: {  	s9 =	sadd.s32 @!p1 $0x0, s9;
	s0 =	rddreg [dreg:$0x5];
	s8 =	simm.s32 @!p1 $0x180  }
0x112: {  	[tilespmem:s8], [sflag:$0x1] =	stream.linear.gather @!p1 [hbm4b:s9+s4], $0x28, $0x38;
	[tilespmem:$0x1F680] =	vst v63  }
0x113: {  	s0 =	sadd.s32 @!p1 $0x0, s0;
	s8 =	simm.s32 @!p1 $0x680;
	s9 =	rddreg [dreg:$0x4]  }
0x114: {  	[tilespmem:s8], [sflag:$0x1] =	stream.linear.gather @!p1 [hbm4b:s0+s4], $0x28, $0x38;
	[tilespmem:$0x1F680] =	vst v63  }
0x115: {  	s9 =	sadd.s32 @!p1 $0x0, s9;
	s0 =	rddreg [dreg:$0x3];
	s8 =	simm.s32 @!p1 $0x200  }
0x116: {  	[tilespmem:s8], [sflag:$0x1] =	stream.linear.gather @!p1 [hbm4b:s9+s4], $0x28, $0x38;
	[tilespmem:$0x1F680] =	vst v63  }
0x117: {  	s0 =	sadd.s32 @!p1 $0x0, s0;
	s8 =	simm.s32 @!p1 $0x700  }
0x118: {  	[tilespmem:s8], [sflag:$0x1] =	stream.linear.gather @!p1 [hbm4b:s0+s4], $0x28, $0x38;
	[tilespmem:$0x1F680] =	vst v63  }
0x119: {  	_ =	swait.ge [sflag:s29], $0x1400  }
0x11a: {  	[sflag:s29] =	ssyncset.done $0x0  }
0x11b: {  	[sflag:s29] =	ssyncadd.s32 $0xFFFFEC00  }
0x11c: {  	[spmem:s1] =	stream.indirect.scatter.add.f32 [tilespmem:s14], [sflag:$0x3], $0x80, s25, s13, $0xb8;
	[tilespmem:$0x1F680] =	vst v63  }
0x11d: {  	_ =	swait.ge [sflag:s29], $0x1400  }
0x11e: {  	[sflag:s29] =	ssyncset.done $0x0  }
0x11f: {  	[sflag:s29] =	ssyncadd.s32 $0xFFFFEC00  }
0x120: {  	[spmem:s1] =	stream.indirect.scatter.add.f32 [tilespmem:s15], [sflag:$0x3], $0x80, s19, s13, $0xb8;
	[tilespmem:$0x1F680] =	vst v63  }
0x121: {  	_ =	swait.ge [sflag:s29], $0x1400  }
0x122: {  	[sflag:s29] =	ssyncset.done $0x0  }
0x123: {  	[sflag:s29] =	ssyncadd.s32 $0xFFFFEC00  }
0x124: {  	[spmem:s1] =	stream.indirect.scatter.add.f32 [tilespmem:s16], [sflag:$0x3], $0x80, s24, s13, $0xb8;
	[tilespmem:$0x1F680] =	vst v63  }
0x125: {  	_ =	swait.ge [sflag:s29], $0x1400  }
0x126: {  	p6 =	por $0x0, $0x0;
	[sflag:s29] =	ssyncset.done $0x0  }
0x127: {  	s31 =	simm.s32 $0x32;
	s28 =	simm.s32 $0x900;
	[sflag:s29] =	ssyncadd.s32 $0xFFFFEC00  }
0x128: {  	[spmem:s1] =	stream.indirect.scatter.add.f32 [tilespmem:s17], [sflag:$0x3], $0x80, s28, s13, $0xb8;
	[tilespmem:$0x1F680] =	vst v63  }
0x129: {  	s4 =	simm.s32 $0x64;
	p1 =	por p6, p6;
	_ =	swait.ge [sflag:s29], $0x1400  }
0x12a: {  	s0 =	sadd.s32 $0x190, s5;
	s9 =	simm.s32 @!p1 $0x3;
	[sflag:s29] =	ssyncset.done $0x0  }
.LBB2_4:
0x12b: {  	[sflag:s29] =	ssyncadd.s32 $0xFFFFEC00;
	s23 =	simm.s32 $0x980  }
0x12c: {  	[spmem:s1] =	stream.indirect.scatter.add.f32 [tilespmem:s20], [sflag:$0x3], $0x80, s23, s13, $0xb8;
	[tilespmem:$0x1F680] =	vst v63  }
0x12d: {  	_ =	swait.ge @!p1 [sflag:s9], $0x1400  }
0x12e: {  	[sflag:s9] =	ssyncset.done @!p1 $0x0  }
0x12f: {  	[sflag:s9] =	ssyncadd.s32 @!p1 $0xFFFFEC00  }
0x130: {  	_ =	swait.ge @!p1 [sflag:s9], $0x1400  }
0x131: {  	[sflag:s9] =	ssyncset.done @!p1 $0x0  }
0x132: {  	[sflag:s9] =	ssyncadd.s32 @!p1 $0xFFFFEC00  }
0x133: {  	_ =	swait.ge @!p1 [sflag:s9], $0x1400  }
0x134: {  	[sflag:s9] =	ssyncset.done @!p1 $0x0  }
0x135: {  	[sflag:s9] =	ssyncadd.s32 @!p1 $0xFFFFEC00  }
0x136: {  	_ =	swait.ge @!p1 [sflag:s9], $0x1400  }
0x137: {  	[sflag:s9] =	ssyncset.done @!p1 $0x0  }
0x138: {  	[sflag:s9] =	ssyncadd.s32 @!p1 $0xFFFFEC00  }
0x139: {  	_ =	swait.ge @!p1 [sflag:s9], $0x1400  }
0x13a: {  	[sflag:s9] =	ssyncset.done @!p1 $0x0  }
0x13b: {  	[sflag:s9] =	ssyncadd.s32 @!p1 $0xFFFFEC00  }
0x13c: {  	_ =	swait.ge [sflag:s12], $0x28  }
0x13d: {  	[sflag:s12] =	ssyncset.done $0x0  }
0x13e: {  	[sflag:s12] =	ssyncadd.s32 $0xFFFFFFD8  }
0x13f: {  	_ =	swait.ge [sflag:s12], $0x28  }
0x140: {  	[sflag:s12] =	ssyncset.done $0x0  }
0x141: {  	[sflag:s12] =	ssyncadd.s32 $0xFFFFFFD8  }
0x142: {  	_ =	swait.ge [sflag:s12], $0x28  }
0x143: {  	[sflag:s12] =	ssyncset.done $0x0  }
0x144: {  	[sflag:s12] =	ssyncadd.s32 $0xFFFFFFD8  }
0x145: {  	_ =	swait.ge [sflag:s12], $0x28  }
0x146: {  	[sflag:s12] =	ssyncset.done $0x0  }
0x147: {  	[sflag:s12] =	ssyncadd.s32 $0xFFFFFFD8  }
0x148: {  	_ =	swait.ge [sflag:s12], $0x28  }
0x149: {  	[sflag:s12] =	ssyncset.done $0x0  }
0x14a: {  	[sflag:s12] =	ssyncadd.s32 $0xFFFFFFD8  }
0x14b: {  	_ =	swait.ge [sflag:s12], $0x28  }
0x14c: {  	[sflag:s12] =	ssyncset.done $0x0  }
0x14d: {  	[sflag:s12] =	ssyncadd.s32 $0xFFFFFFD8  }
0x14e: {  	_ =	swait.ge [sflag:s12], $0x28  }
0x14f: {  	[sflag:s12] =	ssyncset.done $0x0  }
0x150: {  	[sflag:s12] =	ssyncadd.s32 $0xFFFFFFD8  }
0x151: {  	_ =	swait.ge [sflag:s12], $0x28  }
0x152: {  	[sflag:s12] =	ssyncset.done $0x0  }
0x153: {  	[sflag:s12] =	ssyncadd.s32 $0xFFFFFFD8  }
0x154: {  	_ =	swait.ge [sflag:s12], $0x28  }
0x155: {  	[sflag:s12] =	ssyncset.done $0x0  }
0x156: {  	[sflag:s12] =	ssyncadd.s32 $0xFFFFFFD8  }
0x157: {  	_ =	swait.ge [sflag:s12], $0x28  }
0x158: {  	[sflag:s12] =	ssyncset.done $0x0  }
0x159: {  	[sflag:s12] =	ssyncadd.s32 $0xFFFFFFD8  }
0x15a: {  	[tilespmem:s14], [sflag:$0x2] =	stream.indirect.gather [hbm4b:s3+s13], $0x80, s2, s13, $0xb8;
	[tilespmem:$0x1F680] =	vst v63  }
0x15b: {  	_ = 	snop  }
0x15c: {  	[tilespmem:s15], [sflag:$0x2] =	stream.indirect.gather [hbm4b:s3+s13], $0x80, s11, s13, $0xb8;
	[tilespmem:$0x1F680] =	vst v63  }
0x15d: {  	s5 =	simm.s32 $0x100  }
0x15e: {  	[tilespmem:s16], [sflag:$0x2] =	stream.indirect.gather [hbm4b:s3+s13], $0x80, s5, s13, $0xb8;
	[tilespmem:$0x1F680] =	vst v63  }
0x15f: {  	_ = 	snop  }
0x160: {  	[tilespmem:s17], [sflag:$0x2] =	stream.indirect.gather [hbm4b:s3+s13], $0x80, s6, s13, $0xb8;
	[tilespmem:$0x1F680] =	vst v63  }
0x161: {  	s26 =	simm.s32 $0x200;
	s25 =	rddreg [dreg:$0xc]  }
0x162: {  	[tilespmem:s20], [sflag:$0x2] =	stream.indirect.gather [hbm4b:s3+s13], $0x80, s26, s13, $0xb8;
	[tilespmem:$0x1F680] =	vst v63  }
0x163: {  	s10 =	rddreg [dreg:$0xb];
	s9 =	sadd.s32 s31, s25;
	s6 =	simm.s32 $0x280  }
0x164: {  	[tilespmem:s6], [sflag:$0x1] =	stream.linear.gather [hbm4b:s9+s2], $0x28, $0x38;
	[tilespmem:$0x1F680] =	vst v63  }
0x165: {  	s28 =	rddreg [dreg:$0x14];
	s14 =	simm.s32 $0x780;
	s5 =	sadd.s32 s31, s10  }
0x166: {  	[tilespmem:s14], [sflag:$0x1] =	stream.linear.gather [hbm4b:s5+s2], $0x28, $0x38;
	[tilespmem:$0x1F680] =	vst v63  }
0x167: {  	s7 =	rddreg [dreg:$0x13];
	s19 =	sadd.s32 s31, s28;
	s28 =	simm.s32 $0x300  }
0x168: {  	[tilespmem:s28], [sflag:$0x1] =	stream.linear.gather [hbm4b:s19+s2], $0x28, $0x38;
	[tilespmem:$0x1F680] =	vst v63  }
0x169: {  	s24 =	rddreg [dreg:$0x12];
	s25 =	simm.s32 $0x800;
	s26 =	sadd.s32 s31, s7  }
0x16a: {  	[tilespmem:s25], [sflag:$0x1] =	stream.linear.gather [hbm4b:s26+s2], $0x28, $0x38;
	[tilespmem:$0x1F680] =	vst v63  }
0x16b: {  	s7 =	simm.s32 $0x380;
	s5 =	rddreg [dreg:$0x11];
	s19 =	sadd.s32 s31, s24  }
0x16c: {  	[tilespmem:s7], [sflag:$0x1] =	stream.linear.gather [hbm4b:s19+s2], $0x28, $0x38;
	[tilespmem:$0x1F680] =	vst v63  }
0x16d: {  	s24 =	rddreg [dreg:$0x10];
	s26 =	sadd.s32 s31, s5;
	s19 =	simm.s32 $0x880  }
0x16e: {  	[tilespmem:s19], [sflag:$0x1] =	stream.linear.gather [hbm4b:s26+s2], $0x28, $0x38;
	[tilespmem:$0x1F680] =	vst v63  }
0x16f: {  	s24 =	sadd.s32 s31, s24;
	s5 =	rddreg [dreg:$0xf];
	s26 =	simm.s32 $0x400  }
0x170: {  	[tilespmem:s26], [sflag:$0x1] =	stream.linear.gather [hbm4b:s24+s2], $0x28, $0x38;
	[tilespmem:$0x1F680] =	vst v63  }
0x171: {  	s11 =	rddreg [dreg:$0xe];
	s5 =	sadd.s32 s31, s5;
	s24 =	simm.s32 $0x900  }
0x172: {  	[tilespmem:s24], [sflag:$0x1] =	stream.linear.gather [hbm4b:s5+s2], $0x28, $0x38;
	[tilespmem:$0x1F680] =	vst v63  }
0x173: {  	s10 =	rddreg [dreg:$0xd];
	s5 =	sadd.s32 s31, s11;
	s11 =	simm.s32 $0x480  }
0x174: {  	[tilespmem:s11], [sflag:$0x1] =	stream.linear.gather [hbm4b:s5+s2], $0x28, $0x38;
	[tilespmem:$0x1F680] =	vst v63  }
0x175: {  	s5 =	sadd.s32 s31, s10  }
0x176: {  	[tilespmem:s23], [sflag:$0x1] =	stream.linear.gather [hbm4b:s5+s2], $0x28, $0x38;
	[tilespmem:$0x1F680] =	vst v63  }
0x177: {  	_ =	swait.ge [sflag:s29], $0x1400  }
0x178: {  	[sflag:s29] =	ssyncset.done $0x0  }
0x179: {  	s15 =	simm.s32 $0xA00;
	[sflag:s29] =	ssyncadd.s32 $0xFFFFEC00  }
0x17a: {  	[spmem:s1] =	stream.indirect.scatter.add.f32 [tilespmem:s15], [sflag:$0x3], $0x80, s22, s13, $0xb8;
	[tilespmem:$0x1F680] =	vst v63  }
0x17b: {  	_ =	swait.ge [sflag:s29], $0x1400  }
0x17c: {  	[sflag:s29] =	ssyncset.done $0x0  }
0x17d: {  	s16 =	simm.s32 $0x1E00;
	s9 =	simm.s32 $0x580;
	[sflag:s29] =	ssyncadd.s32 $0xFFFFEC00  }
0x17e: {  	[spmem:s1] =	stream.indirect.scatter.add.f32 [tilespmem:s16], [sflag:$0x3], $0x80, s9, s13, $0xb8;
	[tilespmem:$0x1F680] =	vst v63  }
0x17f: {  	_ =	swait.ge [sflag:s29], $0x1400  }
0x180: {  	[sflag:s29] =	ssyncset.done $0x0  }
0x181: {  	s17 =	simm.s32 $0x3200;
	s10 =	simm.s32 $0x600;
	[sflag:s29] =	ssyncadd.s32 $0xFFFFEC00  }
0x182: {  	[spmem:s1] =	stream.indirect.scatter.add.f32 [tilespmem:s17], [sflag:$0x3], $0x80, s10, s13, $0xb8;
	[tilespmem:$0x1F680] =	vst v63  }
0x183: {  	_ =	swait.ge [sflag:s29], $0x1400  }
0x184: {  	[sflag:s29] =	ssyncset.done $0x0  }
0x185: {  	s22 =	simm.s32 $0x680;
	s17 =	simm.s32 $0x4600;
	[sflag:s29] =	ssyncadd.s32 $0xFFFFEC00  }
0x186: {  	[spmem:s1] =	stream.indirect.scatter.add.f32 [tilespmem:s17], [sflag:$0x3], $0x80, s22, s13, $0xb8;
	[tilespmem:$0x1F680] =	vst v63  }
0x187: {  	_ =	swait.ge [sflag:s29], $0x1400  }
0x188: {  	[sflag:s29] =	ssyncset.done $0x0  }
0x189: {  	s23 =	simm.s32 $0x700;
	[sflag:s29] =	ssyncadd.s32 $0xFFFFEC00  }
0x18a: {  	[spmem:s1] =	stream.indirect.scatter.add.f32 [tilespmem:s20], [sflag:$0x3], $0x80, s23, s13, $0xb8;
	[tilespmem:$0x1F680] =	vst v63  }
0x18b: {  	_ =	swait.ge [sflag:s30], $0x1400  }
0x18c: {  	[sflag:s30] =	ssyncset.done $0x0  }
0x18d: {  	[sflag:s30] =	ssyncadd.s32 $0xFFFFEC00  }
0x18e: {  	_ =	swait.ge [sflag:s30], $0x1400  }
0x18f: {  	[sflag:s30] =	ssyncset.done $0x0  }
0x190: {  	[sflag:s30] =	ssyncadd.s32 $0xFFFFEC00  }
0x191: {  	_ =	swait.ge [sflag:s30], $0x1400  }
0x192: {  	[sflag:s30] =	ssyncset.done $0x0  }
0x193: {  	[sflag:s30] =	ssyncadd.s32 $0xFFFFEC00  }
0x194: {  	_ =	swait.ge [sflag:s30], $0x1400  }
0x195: {  	[sflag:s30] =	ssyncset.done $0x0  }
0x196: {  	[sflag:s30] =	ssyncadd.s32 $0xFFFFEC00  }
0x197: {  	_ =	swait.ge [sflag:s30], $0x1400  }
0x198: {  	[sflag:s30] =	ssyncset.done $0x0  }
0x199: {  	[sflag:s30] =	ssyncadd.s32 $0xFFFFEC00  }
0x19a: {  	_ =	swait.ge [sflag:s12], $0x28  }
0x19b: {  	[sflag:s12] =	ssyncset.done $0x0  }
0x19c: {  	[sflag:s12] =	ssyncadd.s32 $0xFFFFFFD8  }
0x19d: {  	_ =	swait.ge [sflag:s12], $0x28  }
0x19e: {  	[sflag:s12] =	ssyncset.done $0x0  }
0x19f: {  	[sflag:s12] =	ssyncadd.s32 $0xFFFFFFD8  }
0x1a0: {  	_ =	swait.ge [sflag:s12], $0x28  }
0x1a1: {  	[sflag:s12] =	ssyncset.done $0x0  }
0x1a2: {  	[sflag:s12] =	ssyncadd.s32 $0xFFFFFFD8  }
0x1a3: {  	_ =	swait.ge [sflag:s12], $0x28  }
0x1a4: {  	[sflag:s12] =	ssyncset.done $0x0  }
0x1a5: {  	[sflag:s12] =	ssyncadd.s32 $0xFFFFFFD8  }
0x1a6: {  	_ =	swait.ge [sflag:s12], $0x28  }
0x1a7: {  	[sflag:s12] =	ssyncset.done $0x0  }
0x1a8: {  	[sflag:s12] =	ssyncadd.s32 $0xFFFFFFD8  }
0x1a9: {  	_ =	swait.ge [sflag:s12], $0x28  }
0x1aa: {  	[sflag:s12] =	ssyncset.done $0x0  }
0x1ab: {  	[sflag:s12] =	ssyncadd.s32 $0xFFFFFFD8  }
0x1ac: {  	_ =	swait.ge [sflag:s12], $0x28  }
0x1ad: {  	[sflag:s12] =	ssyncset.done $0x0  }
0x1ae: {  	[sflag:s12] =	ssyncadd.s32 $0xFFFFFFD8  }
0x1af: {  	_ =	swait.ge [sflag:s12], $0x28  }
0x1b0: {  	[sflag:s12] =	ssyncset.done $0x0  }
0x1b1: {  	[sflag:s12] =	ssyncadd.s32 $0xFFFFFFD8  }
0x1b2: {  	_ =	swait.ge [sflag:s12], $0x28  }
0x1b3: {  	[sflag:s12] =	ssyncset.done $0x0  }
0x1b4: {  	[sflag:s12] =	ssyncadd.s32 $0xFFFFFFD8  }
0x1b5: {  	_ =	swait.ge [sflag:s12], $0x28  }
0x1b6: {  	[sflag:s12] =	ssyncset.done $0x0  }
0x1b7: {  	[sflag:s12] =	ssyncadd.s32 $0xFFFFFFD8  }
0x1b8: {  	[tilespmem:s15], [sflag:$0x2] =	stream.indirect.gather [hbm4b:s3+s13], $0x80, s6, s13, $0xb8;
	[tilespmem:$0x1F680] =	vst v63  }
0x1b9: {  	_ = 	snop  }
0x1ba: {  	[tilespmem:s16], [sflag:$0x2] =	stream.indirect.gather [hbm4b:s3+s13], $0x80, s28, s13, $0xb8;
	[tilespmem:$0x1F680] =	vst v63  }
0x1bb: {  	p3 =	seq.s32 s4, $0x0;
	s16 =	simm.s32 $0x3200  }
0x1bc: {  	[tilespmem:s16], [sflag:$0x2] =	stream.indirect.gather [hbm4b:s3+s13], $0x80, s7, s13, $0xb8;
	[tilespmem:$0x1F680] =	vst v63  }
0x1bd: {  	p1 =	por p3, p3;
	p3 =	seq.s32 s31, $0x4B0  }
0x1be: {  	[tilespmem:s17], [sflag:$0x2] =	stream.indirect.gather [hbm4b:s3+s13], $0x80, s26, s13, $0xb8;
	[tilespmem:$0x1F680] =	vst v63  }
0x1bf: {  	s9 =	sshrl.u32 @!p3 s0, $0x3  }
0x1c0: {  	[tilespmem:s20], [sflag:$0x2] =	stream.indirect.gather [hbm4b:s3+s13], $0x80, s11, s13, $0xb8;
	[tilespmem:$0x1F680] =	vst v63  }
0x1c1: {  	s5 =	sadd.s32 @!p3 s18, s9;
	s9 =	sadd.s32 @!p3 s21, s9;
	s10 =	simm.s32 @!p3 $0x0  }
0x1c2: {  	[tilespmem:s10], [sflag:$0x1] =	stream.linear.gather @!p3 [hbm4b:s5+s10], $0x28, $0x38;
	[tilespmem:$0x1F680] =	vst v63  }
0x1c3: {  	s6 =	simm.s32 @!p3 $0x500;
	s28 =	smov.u32 s18;
	s11 =	rddreg [dreg:$0xa]  }
0x1c4: {  	[tilespmem:s6], [sflag:$0x1] =	stream.linear.gather @!p3 [hbm4b:s9+s10], $0x28, $0x38;
	[tilespmem:$0x1F680] =	vst v63  }
0x1c5: {  	s18 =	rddreg [dreg:$0x9];
	s5 =	sadd.s32 @!p3 s31, s11;
	s11 =	simm.s32 @!p3 $0x80  }
0x1c6: {  	[tilespmem:s11], [sflag:$0x1] =	stream.linear.gather @!p3 [hbm4b:s5+s10], $0x28, $0x38;
	[tilespmem:$0x1F680] =	vst v63  }
0x1c7: {  	s6 =	simm.s32 @!p3 $0x580;
	s9 =	rddreg [dreg:$0x8];
	s5 =	sadd.s32 @!p3 s31, s18  }
0x1c8: {  	[tilespmem:s6], [sflag:$0x1] =	stream.linear.gather @!p3 [hbm4b:s5+s10], $0x28, $0x38;
	[tilespmem:$0x1F680] =	vst v63  }
0x1c9: {  	s11 =	simm.s32 @!p3 $0x100;
	s18 =	rddreg [dreg:$0x7];
	s5 =	sadd.s32 @!p3 s31, s9  }
0x1ca: {  	[tilespmem:s11], [sflag:$0x1] =	stream.linear.gather @!p3 [hbm4b:s5+s10], $0x28, $0x38;
	[tilespmem:$0x1F680] =	vst v63  }
0x1cb: {  	s6 =	simm.s32 @!p3 $0x600;
	s9 =	rddreg [dreg:$0x6];
	s5 =	sadd.s32 @!p3 s31, s18  }
0x1cc: {  	[tilespmem:s6], [sflag:$0x1] =	stream.linear.gather @!p3 [hbm4b:s5+s10], $0x28, $0x38;
	[tilespmem:$0x1F680] =	vst v63  }
0x1cd: {  	s11 =	simm.s32 @!p3 $0x180;
	s18 =	rddreg [dreg:$0x5];
	s5 =	sadd.s32 @!p3 s31, s9  }
0x1ce: {  	[tilespmem:s11], [sflag:$0x1] =	stream.linear.gather @!p3 [hbm4b:s5+s10], $0x28, $0x38;
	[tilespmem:$0x1F680] =	vst v63  }
0x1cf: {  	s6 =	simm.s32 @!p3 $0x680;
	s9 =	rddreg [dreg:$0x4];
	s5 =	sadd.s32 @!p3 s31, s18  }
0x1d0: {  	[tilespmem:s6], [sflag:$0x1] =	stream.linear.gather @!p3 [hbm4b:s5+s10], $0x28, $0x38;
	[tilespmem:$0x1F680] =	vst v63  }
0x1d1: {  	s11 =	simm.s32 @!p3 $0x200;
	s18 =	rddreg [dreg:$0x3];
	s5 =	sadd.s32 @!p3 s31, s9  }
0x1d2: {  	[tilespmem:s11], [sflag:$0x1] =	stream.linear.gather @!p3 [hbm4b:s5+s10], $0x28, $0x38;
	[tilespmem:$0x1F680] =	vst v63  }
0x1d3: {  	s6 =	simm.s32 @!p3 $0x700;
	s5 =	sadd.s32 @!p3 s31, s18  }
0x1d4: {  	[tilespmem:s6], [sflag:$0x1] =	stream.linear.gather @!p3 [hbm4b:s5+s10], $0x28, $0x38;
	[tilespmem:$0x1F680] =	vst v63  }
0x1d5: {  	_ =	swait.ge [sflag:s29], $0x1400  }
0x1d6: {  	[sflag:s29] =	ssyncset.done $0x0  }
0x1d7: {  	[sflag:s29] =	ssyncadd.s32 $0xFFFFEC00  }
0x1d8: {  	[spmem:s1] =	stream.indirect.scatter.add.f32 [tilespmem:s15], [sflag:$0x3], $0x80, s14, s13, $0xb8;
	[tilespmem:$0x1F680] =	vst v63  }
0x1d9: {  	_ =	swait.ge [sflag:s29], $0x1400  }
0x1da: {  	[sflag:s29] =	ssyncset.done $0x0  }
0x1db: {  	s15 =	simm.s32 $0x1E00;
	[sflag:s29] =	ssyncadd.s32 $0xFFFFEC00  }
0x1dc: {  	[spmem:s1] =	stream.indirect.scatter.add.f32 [tilespmem:s15], [sflag:$0x3], $0x80, s25, s13, $0xb8;
	[tilespmem:$0x1F680] =	vst v63  }
0x1dd: {  	_ =	swait.ge [sflag:s29], $0x1400  }
0x1de: {  	s8 =	smov.u32 s4;
	s4 =	sadd.s32 $0x32, s4;
	[sflag:s29] =	ssyncset.done $0x0  }
0x1df: {  	p2 =	sne.s32 s4, $0x4E2;
	s0 =	sadd.s32 $0x190, s0;
	[sflag:s29] =	ssyncadd.s32 $0xFFFFEC00  }
0x1e0: {  	[spmem:s1] =	stream.indirect.scatter.add.f32 [tilespmem:s16], [sflag:$0x3], $0x80, s19, s13, $0xb8;
	[tilespmem:$0x1F680] =	vst v63  }
0x1e1: {  	s22 =	simm.s32 $0x500;
	s26 =	smov.u32 s21;
	_ =	swait.ge [sflag:s29], $0x1400  }
.Ltmp1:
0x1e2: {  	s21 =	smov.u32 s26;
	[sflag:s29] =	ssyncset.done $0x0;
	(pc) =	sbr.rel @p2 .LBB2_4-.Ltmp1, $4  }
0x1e3: {  	s9 =	simm.s32 @!p1 $0x3;
	s11 =	simm.s32 $0x80;
	[sflag:s29] =	ssyncadd.s32 $0xFFFFEC00  }
0x1e4: {  	[spmem:s1] =	stream.indirect.scatter.add.f32 [tilespmem:s17], [sflag:$0x3], $0x80, s24, s13, $0xb8;
	[tilespmem:$0x1F680] =	vst v63  }
0x1e5: {  	s18 =	smov.u32 s28;
	s31 =	smov.u32 s8;
	_ =	swait.ge [sflag:s29], $0x1400  }
0x1e6: {  	s6 =	simm.s32 $0x180;
	s14 =	simm.s32 $0xA00;
	[sflag:s29] =	ssyncset.done $0x0  }
0x1e7: {  	[sflag:s29] =	ssyncadd.s32 $0xFFFFEC00;
	s26 =	simm.s32 $0x980  }
0x1e8: {  	[spmem:s1] =	stream.indirect.scatter.add.f32 [tilespmem:s20], [sflag:$0x3], $0x80, s26, s13, $0xb8;
	[tilespmem:$0x1F680] =	vst v63  }
0x1e9: {  	_ =	swait.ge @!p1 [sflag:s9], $0x1400  }
0x1ea: {  	[sflag:s9] =	ssyncset.done @!p1 $0x0  }
0x1eb: {  	[sflag:s9] =	ssyncadd.s32 @!p1 $0xFFFFEC00  }
0x1ec: {  	_ =	swait.ge @!p1 [sflag:s9], $0x1400  }
0x1ed: {  	[sflag:s9] =	ssyncset.done @!p1 $0x0  }
0x1ee: {  	[sflag:s9] =	ssyncadd.s32 @!p1 $0xFFFFEC00  }
0x1ef: {  	_ =	swait.ge @!p1 [sflag:s9], $0x1400  }
0x1f0: {  	[sflag:s9] =	ssyncset.done @!p1 $0x0  }
0x1f1: {  	[sflag:s9] =	ssyncadd.s32 @!p1 $0xFFFFEC00  }
0x1f2: {  	_ =	swait.ge @!p1 [sflag:s9], $0x1400  }
0x1f3: {  	[sflag:s9] =	ssyncset.done @!p1 $0x0  }
0x1f4: {  	[sflag:s9] =	ssyncadd.s32 @!p1 $0xFFFFEC00  }
0x1f5: {  	_ =	swait.ge @!p1 [sflag:s9], $0x1400  }
0x1f6: {  	[sflag:s9] =	ssyncset.done @!p1 $0x0  }
0x1f7: {  	[sflag:s9] =	ssyncadd.s32 @!p1 $0xFFFFEC00  }
0x1f8: {  	_ =	swait.ge [sflag:s12], $0x28  }
0x1f9: {  	[sflag:s12] =	ssyncset.done $0x0  }
0x1fa: {  	[sflag:s12] =	ssyncadd.s32 $0xFFFFFFD8  }
0x1fb: {  	_ =	swait.ge [sflag:s12], $0x28  }
0x1fc: {  	[sflag:s12] =	ssyncset.done $0x0  }
0x1fd: {  	[sflag:s12] =	ssyncadd.s32 $0xFFFFFFD8  }
0x1fe: {  	_ =	swait.ge [sflag:s12], $0x28  }
0x1ff: {  	[sflag:s12] =	ssyncset.done $0x0  }
0x200: {  	[sflag:s12] =	ssyncadd.s32 $0xFFFFFFD8  }
0x201: {  	_ =	swait.ge [sflag:s12], $0x28  }
0x202: {  	[sflag:s12] =	ssyncset.done $0x0  }
0x203: {  	[sflag:s12] =	ssyncadd.s32 $0xFFFFFFD8  }
0x204: {  	_ =	swait.ge [sflag:s12], $0x28  }
0x205: {  	[sflag:s12] =	ssyncset.done $0x0  }
0x206: {  	[sflag:s12] =	ssyncadd.s32 $0xFFFFFFD8  }
0x207: {  	_ =	swait.ge [sflag:s12], $0x28  }
0x208: {  	[sflag:s12] =	ssyncset.done $0x0  }
0x209: {  	[sflag:s12] =	ssyncadd.s32 $0xFFFFFFD8  }
0x20a: {  	_ =	swait.ge [sflag:s12], $0x28  }
0x20b: {  	[sflag:s12] =	ssyncset.done $0x0  }
0x20c: {  	[sflag:s12] =	ssyncadd.s32 $0xFFFFFFD8  }
0x20d: {  	_ =	swait.ge [sflag:s12], $0x28  }
0x20e: {  	[sflag:s12] =	ssyncset.done $0x0  }
0x20f: {  	[sflag:s12] =	ssyncadd.s32 $0xFFFFFFD8  }
0x210: {  	_ =	swait.ge [sflag:s12], $0x28  }
0x211: {  	[sflag:s12] =	ssyncset.done $0x0  }
0x212: {  	[sflag:s12] =	ssyncadd.s32 $0xFFFFFFD8  }
0x213: {  	_ =	swait.ge [sflag:s12], $0x28  }
0x214: {  	[sflag:s12] =	ssyncset.done $0x0  }
0x215: {  	[sflag:s12] =	ssyncadd.s32 $0xFFFFFFD8  }
0x216: {  	[tilespmem:s14], [sflag:$0x2] =	stream.indirect.gather [hbm4b:s3+s13], $0x80, s2, s13, $0xb8;
	[tilespmem:$0x1F680] =	vst v63  }
0x217: {  	_ = 	snop  }
0x218: {  	[tilespmem:s15], [sflag:$0x2] =	stream.indirect.gather [hbm4b:s3+s13], $0x80, s11, s13, $0xb8;
	[tilespmem:$0x1F680] =	vst v63  }
0x219: {  	s4 =	simm.s32 $0x100  }
0x21a: {  	[tilespmem:s16], [sflag:$0x2] =	stream.indirect.gather [hbm4b:s3+s13], $0x80, s4, s13, $0xb8;
	[tilespmem:$0x1F680] =	vst v63  }
0x21b: {  	_ = 	snop  }
0x21c: {  	[tilespmem:s17], [sflag:$0x2] =	stream.indirect.gather [hbm4b:s3+s13], $0x80, s6, s13, $0xb8;
	[tilespmem:$0x1F680] =	vst v63  }
0x21d: {  	s16 =	rddreg [dreg:$0xc];
	s17 =	simm.s32 $0x200  }
0x21e: {  	[tilespmem:s20], [sflag:$0x2] =	stream.indirect.gather [hbm4b:s3+s13], $0x80, s17, s13, $0xb8;
	[tilespmem:$0x1F680] =	vst v63  }
0x21f: {  	s8 =	simm.s32 $0x280;
	s5 =	rddreg [dreg:$0xb];
	s4 =	sadd.s32 s31, s16  }
0x220: {  	[tilespmem:s8], [sflag:$0x1] =	stream.linear.gather [hbm4b:s4+s2], $0x28, $0x38;
	[tilespmem:$0x1F680] =	vst v63  }
0x221: {  	s19 =	rddreg [dreg:$0x14];
	s23 =	sadd.s32 s31, s5;
	s14 =	simm.s32 $0x780  }
0x222: {  	[tilespmem:s14], [sflag:$0x1] =	stream.linear.gather [hbm4b:s23+s2], $0x28, $0x38;
	[tilespmem:$0x1F680] =	vst v63  }
0x223: {  	s9 =	simm.s32 $0x300;
	s24 =	rddreg [dreg:$0x13];
	s25 =	sadd.s32 s31, s19  }
0x224: {  	[tilespmem:s9], [sflag:$0x1] =	stream.linear.gather [hbm4b:s25+s2], $0x28, $0x38;
	[tilespmem:$0x1F680] =	vst v63  }
0x225: {  	s28 =	rddreg [dreg:$0x12];
	s7 =	sadd.s32 s31, s24;
	s24 =	simm.s32 $0x800  }
0x226: {  	[tilespmem:s24], [sflag:$0x1] =	stream.linear.gather [hbm4b:s7+s2], $0x28, $0x38;
	[tilespmem:$0x1F680] =	vst v63  }
0x227: {  	s10 =	rddreg [dreg:$0x11];
	s19 =	sadd.s32 s31, s28;
	s7 =	simm.s32 $0x380  }
0x228: {  	[tilespmem:s7], [sflag:$0x1] =	stream.linear.gather [hbm4b:s19+s2], $0x28, $0x38;
	[tilespmem:$0x1F680] =	vst v63  }
0x229: {  	s23 =	rddreg [dreg:$0x10];
	s25 =	sadd.s32 s31, s10;
	s19 =	simm.s32 $0x880  }
0x22a: {  	[tilespmem:s19], [sflag:$0x1] =	stream.linear.gather [hbm4b:s25+s2], $0x28, $0x38;
	[tilespmem:$0x1F680] =	vst v63  }
0x22b: {  	s28 =	rddreg [dreg:$0xf];
	s23 =	sadd.s32 s31, s23;
	s10 =	simm.s32 $0x400  }
0x22c: {  	[tilespmem:s10], [sflag:$0x1] =	stream.linear.gather [hbm4b:s23+s2], $0x28, $0x38;
	[tilespmem:$0x1F680] =	vst v63  }
0x22d: {  	s6 =	rddreg [dreg:$0xe];
	s25 =	sadd.s32 s31, s28;
	s23 =	simm.s32 $0x900  }
0x22e: {  	[tilespmem:s23], [sflag:$0x1] =	stream.linear.gather [hbm4b:s25+s2], $0x28, $0x38;
	[tilespmem:$0x1F680] =	vst v63  }
0x22f: {  	s28 =	rddreg [dreg:$0xd];
	s25 =	sadd.s32 s31, s6;
	s6 =	simm.s32 $0x480  }
0x230: {  	[tilespmem:s6], [sflag:$0x1] =	stream.linear.gather [hbm4b:s25+s2], $0x28, $0x38;
	[tilespmem:$0x1F680] =	vst v63  }
0x231: {  	s28 =	sadd.s32 s31, s28  }
0x232: {  	[tilespmem:s26], [sflag:$0x1] =	stream.linear.gather [hbm4b:s28+s2], $0x28, $0x38;
	[tilespmem:$0x1F680] =	vst v63  }
0x233: {  	_ =	swait.ge [sflag:s29], $0x1400  }
0x234: {  	[sflag:s29] =	ssyncset.done $0x0  }
0x235: {  	s15 =	simm.s32 $0xA00;
	[sflag:s29] =	ssyncadd.s32 $0xFFFFEC00  }
0x236: {  	[spmem:s1] =	stream.indirect.scatter.add.f32 [tilespmem:s15], [sflag:$0x3], $0x80, s22, s13, $0xb8;
	[tilespmem:$0x1F680] =	vst v63  }
0x237: {  	_ =	swait.ge [sflag:s29], $0x1400  }
0x238: {  	[sflag:s29] =	ssyncset.done $0x0  }
0x239: {  	s5 =	simm.s32 $0x580;
	s16 =	simm.s32 $0x1E00;
	[sflag:s29] =	ssyncadd.s32 $0xFFFFEC00  }
0x23a: {  	[spmem:s1] =	stream.indirect.scatter.add.f32 [tilespmem:s16], [sflag:$0x3], $0x80, s5, s13, $0xb8;
	[tilespmem:$0x1F680] =	vst v63  }
0x23b: {  	_ =	swait.ge [sflag:s29], $0x1400  }
0x23c: {  	[sflag:s29] =	ssyncset.done $0x0  }
0x23d: {  	s17 =	simm.s32 $0x3200;
	s25 =	simm.s32 $0x600;
	[sflag:s29] =	ssyncadd.s32 $0xFFFFEC00  }
0x23e: {  	[spmem:s1] =	stream.indirect.scatter.add.f32 [tilespmem:s17], [sflag:$0x3], $0x80, s25, s13, $0xb8;
	[tilespmem:$0x1F680] =	vst v63  }
0x23f: {  	_ =	swait.ge [sflag:s29], $0x1400  }
0x240: {  	[sflag:s29] =	ssyncset.done $0x0  }
0x241: {  	s28 =	simm.s32 $0x680;
	s17 =	simm.s32 $0x4600;
	[sflag:s29] =	ssyncadd.s32 $0xFFFFEC00  }
0x242: {  	[spmem:s1] =	stream.indirect.scatter.add.f32 [tilespmem:s17], [sflag:$0x3], $0x80, s28, s13, $0xb8;
	[tilespmem:$0x1F680] =	vst v63  }
0x243: {  	_ =	swait.ge [sflag:s29], $0x1400  }
0x244: {  	[sflag:s29] =	ssyncset.done $0x0  }
0x245: {  	s5 =	simm.s32 $0x700;
	[sflag:s29] =	ssyncadd.s32 $0xFFFFEC00  }
0x246: {  	[spmem:s1] =	stream.indirect.scatter.add.f32 [tilespmem:s20], [sflag:$0x3], $0x80, s5, s13, $0xb8;
	[tilespmem:$0x1F680] =	vst v63  }
0x247: {  	_ =	swait.ge [sflag:s30], $0x1400  }
0x248: {  	[sflag:s30] =	ssyncset.done $0x0  }
0x249: {  	[sflag:s30] =	ssyncadd.s32 $0xFFFFEC00  }
0x24a: {  	_ =	swait.ge [sflag:s30], $0x1400  }
0x24b: {  	[sflag:s30] =	ssyncset.done $0x0  }
0x24c: {  	[sflag:s30] =	ssyncadd.s32 $0xFFFFEC00  }
0x24d: {  	_ =	swait.ge [sflag:s30], $0x1400  }
0x24e: {  	[sflag:s30] =	ssyncset.done $0x0  }
0x24f: {  	[sflag:s30] =	ssyncadd.s32 $0xFFFFEC00  }
0x250: {  	_ =	swait.ge [sflag:s30], $0x1400  }
0x251: {  	[sflag:s30] =	ssyncset.done $0x0  }
0x252: {  	[sflag:s30] =	ssyncadd.s32 $0xFFFFEC00  }
0x253: {  	_ =	swait.ge [sflag:s30], $0x1400  }
0x254: {  	[sflag:s30] =	ssyncset.done $0x0  }
0x255: {  	[sflag:s30] =	ssyncadd.s32 $0xFFFFEC00  }
0x256: {  	_ =	swait.ge [sflag:s12], $0x28  }
0x257: {  	[sflag:s12] =	ssyncset.done $0x0  }
0x258: {  	[sflag:s12] =	ssyncadd.s32 $0xFFFFFFD8  }
0x259: {  	_ =	swait.ge [sflag:s12], $0x28  }
0x25a: {  	[sflag:s12] =	ssyncset.done $0x0  }
0x25b: {  	[sflag:s12] =	ssyncadd.s32 $0xFFFFFFD8  }
0x25c: {  	_ =	swait.ge [sflag:s12], $0x28  }
0x25d: {  	[sflag:s12] =	ssyncset.done $0x0  }
0x25e: {  	[sflag:s12] =	ssyncadd.s32 $0xFFFFFFD8  }
0x25f: {  	_ =	swait.ge [sflag:s12], $0x28  }
0x260: {  	[sflag:s12] =	ssyncset.done $0x0  }
0x261: {  	[sflag:s12] =	ssyncadd.s32 $0xFFFFFFD8  }
0x262: {  	_ =	swait.ge [sflag:s12], $0x28  }
0x263: {  	[sflag:s12] =	ssyncset.done $0x0  }
0x264: {  	[sflag:s12] =	ssyncadd.s32 $0xFFFFFFD8  }
0x265: {  	_ =	swait.ge [sflag:s12], $0x28  }
0x266: {  	[sflag:s12] =	ssyncset.done $0x0  }
0x267: {  	[sflag:s12] =	ssyncadd.s32 $0xFFFFFFD8  }
0x268: {  	_ =	swait.ge [sflag:s12], $0x28  }
0x269: {  	[sflag:s12] =	ssyncset.done $0x0  }
0x26a: {  	[sflag:s12] =	ssyncadd.s32 $0xFFFFFFD8  }
0x26b: {  	_ =	swait.ge [sflag:s12], $0x28  }
0x26c: {  	[sflag:s12] =	ssyncset.done $0x0  }
0x26d: {  	[sflag:s12] =	ssyncadd.s32 $0xFFFFFFD8  }
0x26e: {  	_ =	swait.ge [sflag:s12], $0x28  }
0x26f: {  	[sflag:s12] =	ssyncset.done $0x0  }
0x270: {  	[sflag:s12] =	ssyncadd.s32 $0xFFFFFFD8  }
0x271: {  	_ =	swait.ge [sflag:s12], $0x28  }
0x272: {  	[sflag:s12] =	ssyncset.done $0x0  }
0x273: {  	[sflag:s12] =	ssyncadd.s32 $0xFFFFFFD8  }
0x274: {  	[tilespmem:s15], [sflag:$0x2] =	stream.indirect.gather [hbm4b:s3+s13], $0x80, s8, s13, $0xb8;
	[tilespmem:$0x1F680] =	vst v63  }
0x275: {  	_ = 	snop  }
0x276: {  	[tilespmem:s16], [sflag:$0x2] =	stream.indirect.gather [hbm4b:s3+s13], $0x80, s9, s13, $0xb8;
	[tilespmem:$0x1F680] =	vst v63  }
0x277: {  	s16 =	simm.s32 $0x3200  }
0x278: {  	[tilespmem:s16], [sflag:$0x2] =	stream.indirect.gather [hbm4b:s3+s13], $0x80, s7, s13, $0xb8;
	[tilespmem:$0x1F680] =	vst v63  }
0x279: {  	p1 =	seq.s32 s31, $0x4B0  }
0x27a: {  	[tilespmem:s17], [sflag:$0x2] =	stream.indirect.gather [hbm4b:s3+s13], $0x80, s10, s13, $0xb8;
	[tilespmem:$0x1F680] =	vst v63  }
0x27b: {  	s0 =	sshrl.u32 @!p1 s0, $0x3  }
0x27c: {  	[tilespmem:s20], [sflag:$0x2] =	stream.indirect.gather [hbm4b:s3+s13], $0x80, s6, s13, $0xb8;
	[tilespmem:$0x1F680] =	vst v63  }
0x27d: {  	s4 =	simm.s32 @!p1 $0x0;
	s5 =	sadd.s32 @!p1 s18, s0  }
0x27e: {  	[tilespmem:s4], [sflag:$0x1] =	stream.linear.gather @!p1 [hbm4b:s5+s4], $0x28, $0x38;
	[tilespmem:$0x1F680] =	vst v63  }
0x27f: {  	s0 =	sadd.s32 @!p1 s21, s0;
	s6 =	simm.s32 @!p1 $0x500;
	s5 =	rddreg [dreg:$0xa]  }
0x280: {  	[tilespmem:s6], [sflag:$0x1] =	stream.linear.gather @!p1 [hbm4b:s0+s4], $0x28, $0x38;
	[tilespmem:$0x1F680] =	vst v63  }
0x281: {  	s5 =	sadd.s32 @!p1 s31, s5;
	s0 =	rddreg [dreg:$0x9];
	s6 =	simm.s32 @!p1 $0x80  }
0x282: {  	[tilespmem:s6], [sflag:$0x1] =	stream.linear.gather @!p1 [hbm4b:s5+s4], $0x28, $0x38;
	[tilespmem:$0x1F680] =	vst v63  }
0x283: {  	s0 =	sadd.s32 @!p1 s31, s0;
	s5 =	simm.s32 @!p1 $0x580;
	s6 =	rddreg [dreg:$0x8]  }
0x284: {  	[tilespmem:s5], [sflag:$0x1] =	stream.linear.gather @!p1 [hbm4b:s0+s4], $0x28, $0x38;
	[tilespmem:$0x1F680] =	vst v63  }
0x285: {  	s6 =	sadd.s32 @!p1 s31, s6;
	s0 =	rddreg [dreg:$0x7];
	s5 =	simm.s32 @!p1 $0x100  }
0x286: {  	[tilespmem:s5], [sflag:$0x1] =	stream.linear.gather @!p1 [hbm4b:s6+s4], $0x28, $0x38;
	[tilespmem:$0x1F680] =	vst v63  }
0x287: {  	s0 =	sadd.s32 @!p1 s31, s0;
	s5 =	simm.s32 @!p1 $0x600;
	s6 =	rddreg [dreg:$0x6]  }
0x288: {  	[tilespmem:s5], [sflag:$0x1] =	stream.linear.gather @!p1 [hbm4b:s0+s4], $0x28, $0x38;
	[tilespmem:$0x1F680] =	vst v63  }
0x289: {  	s6 =	sadd.s32 @!p1 s31, s6;
	s0 =	rddreg [dreg:$0x5];
	s5 =	simm.s32 @!p1 $0x180  }
0x28a: {  	[tilespmem:s5], [sflag:$0x1] =	stream.linear.gather @!p1 [hbm4b:s6+s4], $0x28, $0x38;
	[tilespmem:$0x1F680] =	vst v63  }
0x28b: {  	s0 =	sadd.s32 @!p1 s31, s0;
	s5 =	simm.s32 @!p1 $0x680;
	s6 =	rddreg [dreg:$0x4]  }
0x28c: {  	[tilespmem:s5], [sflag:$0x1] =	stream.linear.gather @!p1 [hbm4b:s0+s4], $0x28, $0x38;
	[tilespmem:$0x1F680] =	vst v63  }
0x28d: {  	s6 =	sadd.s32 @!p1 s31, s6;
	s0 =	rddreg [dreg:$0x3];
	s5 =	simm.s32 @!p1 $0x200  }
0x28e: {  	[tilespmem:s5], [sflag:$0x1] =	stream.linear.gather @!p1 [hbm4b:s6+s4], $0x28, $0x38;
	[tilespmem:$0x1F680] =	vst v63  }
0x28f: {  	s0 =	sadd.s32 @!p1 s31, s0;
	s5 =	simm.s32 @!p1 $0x700  }
0x290: {  	[tilespmem:s5], [sflag:$0x1] =	stream.linear.gather @!p1 [hbm4b:s0+s4], $0x28, $0x38;
	[tilespmem:$0x1F680] =	vst v63  }
0x291: {  	_ =	swait.ge [sflag:s29], $0x1400  }
0x292: {  	[sflag:s29] =	ssyncset.done $0x0  }
0x293: {  	[sflag:s29] =	ssyncadd.s32 $0xFFFFEC00  }
0x294: {  	[spmem:s1] =	stream.indirect.scatter.add.f32 [tilespmem:s15], [sflag:$0x3], $0x80, s14, s13, $0xb8;
	[tilespmem:$0x1F680] =	vst v63  }
0x295: {  	_ =	swait.ge [sflag:s29], $0x1400  }
0x296: {  	[sflag:s29] =	ssyncset.done $0x0  }
0x297: {  	s15 =	simm.s32 $0x1E00;
	[sflag:s29] =	ssyncadd.s32 $0xFFFFEC00  }
0x298: {  	[spmem:s1] =	stream.indirect.scatter.add.f32 [tilespmem:s15], [sflag:$0x3], $0x80, s24, s13, $0xb8;
	[tilespmem:$0x1F680] =	vst v63  }
0x299: {  	_ =	swait.ge [sflag:s29], $0x1400  }
0x29a: {  	[sflag:s29] =	ssyncset.done $0x0  }
0x29b: {  	[sflag:s29] =	ssyncadd.s32 $0xFFFFEC00  }
0x29c: {  	[spmem:s1] =	stream.indirect.scatter.add.f32 [tilespmem:s16], [sflag:$0x3], $0x80, s19, s13, $0xb8;
	[tilespmem:$0x1F680] =	vst v63  }
0x29d: {  	_ =	swait.ge [sflag:s29], $0x1400  }
0x29e: {  	[sflag:s29] =	ssyncset.done $0x0  }
0x29f: {  	[sflag:s29] =	ssyncadd.s32 $0xFFFFEC00  }
0x2a0: {  	[spmem:s1] =	stream.indirect.scatter.add.f32 [tilespmem:s17], [sflag:$0x3], $0x80, s23, s13, $0xb8;
	[tilespmem:$0x1F680] =	vst v63  }
0x2a1: {  	_ =	swait.ge [sflag:s29], $0x1400  }
0x2a2: {  	[sflag:s29] =	ssyncset.done $0x0  }
0x2a3: {  	[sflag:s29] =	ssyncadd.s32 $0xFFFFEC00  }
0x2a4: {  	[spmem:s1] =	stream.indirect.scatter.add.f32 [tilespmem:s20], [sflag:$0x3], $0x80, s26, s13, $0xb8;
	[tilespmem:$0x1F680] =	vst v63  }
0x2a5: {  	_ =	swait.ge [sflag:s30], $0x1400  }
0x2a6: {  	[sflag:s30] =	ssyncset.done $0x0  }
0x2a7: {  	[sflag:s30] =	ssyncadd.s32 $0xFFFFEC00  }
0x2a8: {  	_ =	swait.ge [sflag:s30], $0x1400  }
0x2a9: {  	[sflag:s30] =	ssyncset.done $0x0  }
0x2aa: {  	[sflag:s30] =	ssyncadd.s32 $0xFFFFEC00  }
0x2ab: {  	_ =	swait.ge [sflag:s30], $0x1400  }
0x2ac: {  	[sflag:s30] =	ssyncset.done $0x0  }
0x2ad: {  	[sflag:s30] =	ssyncadd.s32 $0xFFFFEC00  }
0x2ae: {  	_ =	swait.ge [sflag:s30], $0x1400  }
0x2af: {  	[sflag:s30] =	ssyncset.done $0x0  }
0x2b0: {  	[sflag:s30] =	ssyncadd.s32 $0xFFFFEC00  }
0x2b1: {  	_ =	swait.ge [sflag:s30], $0x1400  }
0x2b2: {  	[sflag:s30] =	ssyncset.done $0x0  }
0x2b3: {  	[sflag:s30] =	ssyncadd.s32 $0xFFFFEC00  }
0x2b4: {  	[bflag:$0x0] =	sbarrier.arrive $0xFFFF  }
0x2b5: {  	s10 =	sld [smem:$0x7FD]  }
0x2b6: {  	s24 =	stileid.u32;
	s26 =	sld [smem:$0x7FC]  }
0x2b7: {  	s0 =	sshll.u32 s24, $0x6  }
0x2b8: {  	s8 =	simm.s32 $0x4;
	s0 =	sor.u32 $0x1C04, s0;
	s25 =	sshrl.u32 s10, $0x3  }
0x2b9: {  	[hbm:s26], [sflag:s0] =	dma.local [spmem:s25], $0x2700  }
0x2ba: {  	_ =	swait.ge [sflag:s8], $0x2700  }
0x2bb: {  	s4 =	sld [smem:$0x7FB];
	_ =	sdelay $0x1  }
0x2bc: {  	[sflag:s8] =	ssyncset.done $0x0;
	s6 =	rddreg [dreg:$0x15]  }
0x2bd: {  	[sflag:s8] =	ssyncadd.s32 $0xFFFFD900;
	s5 =	sshrl.u32 @!p0 s6, $0x3;
	s4 =	sadd.s32 @!p0 $0x27000, s4  }
0x2be: {  	[hbm:s4], [sflag:s0] =	dma.local @!p0 [spmem:s5], $0x100  }
0x2bf: {  	s0 =	simm.s32 @!p0 $0x4  }
0x2c0: {  	_ =	swait.ge @!p0 [sflag:s0], $0x100  }
0x2c1: {  	s28 =	sld [smem:$0x7F5]  }
0x2c2: {  	s31 =	sld [smem:$0x7F6];
	_ =	sdelay $0x1  }
0x2c3: {  	s7 =	sadd.s32 $0x1, s28  }
0x2c4: {  	p1 =	sne.s32 s7, s31  }
.Ltmp2:
0x2c5: {  	_ = 	snop;
	(pc) =	sbr.rel @p1 .LBB2_1-.Ltmp2, $4  }
0x2c6: {  	s9 =	simm.s32 $0x100  }
0x2c7: {  	s14 =	simm.s32 $0xA00;
	s24 =	simm.s32 $0x880;
	s19 =	simm.s32 $0x800  }
0x2c8: {  	s23 =	simm.s32 $0x900;
	s25 =	simm.s32 $0x780;
	[sflag:s0] =	ssyncset.done @!p0 $0x0  }
0x2c9: {  	s26 =	simm.s32 $0x980;
	s5 =	simm.s32 $0x580;
	[sflag:s0] =	ssyncadd.s32 @!p0 $0xFFFFFF00  }
0x2ca: {  	_ =	sfence.sel $0x180000  }
0x2cb: {  	[bflag:$0x0] =	sbarrier.arrive $0xFFFF  }
0x2cc: {  	_ =	strace $0x9000004D  }
0x2cd: {  	[bflag:$0x2] =	sbarrier.arrive $0xFFFF  }
0x2ce: {  	s0 =	rddreg [dreg:$0x2]  }
0x2cf: {  	s0 =	sadd.s32 @!p0 $0x100000, s0  }
0x2d0: {  	[sflag:s0] =	ssyncadd.tile.s32 @!p0 $0x1;
	_ =	shalt  }
.Lfunc_end2:
_tile_overlayer_lowered:
.L_overlay_start_2:
0x2d1: {  	(tag) =	ssettag $0x2  }
0x2d2: {  	s0 =	rddreg [dreg:$0x0];
	s2 =	stileid.u32  }
0x2d3: {  	s1 =	rddreg [dreg:$0x1];
	p0 =	sne.s32 s2, $0x0  }
0x2d4: {  	s3 =	rddreg [dreg:$0x2];
	[bflag:$0x3] =	sbarrier.arrive $0xFFFF;
	s2 =	simm.s32 @!p0 $0x1C04  }
0x2d5: {  	[timem:s3], [sflag:s2] =	dma.local @!p0 [hbm:s0], s1  }
0x2d6: {  	s0 =	simm.s32 @!p0 $0x4  }
0x2d7: {  	_ =	swait.ge @!p0 [sflag:s0], s1  }
0x2d8: {  	s1 =	ssub.s32 @!p0 $0x0, s1;
	[sflag:s0] =	ssyncset.done @!p0 $0x0  }
0x2d9: {  	[sflag:s0] =	ssyncadd.s32 @!p0 s1  }
0x2da: {  	[bflag:$0x3] =	sbarrier.arrive $0xFFFF  }
0x2db: {  	_ =	shalt  }

// kernel: kernel.9.cloned.1.call-start
scs
__scs_entry_jumppad:
0x0: {  	(pc) =	sbr.rel $0x88, $3  }
0x1: {  	(tag) =	ssettag $0x0;
	lr =	simm.s32 $0x1  }
0x2: {  	[smem:$0x3F98] =	sst lr;
	_ =	strace $0xD0000000  }
0x3: {  	_ = 	snop  }
0x4: {  	_ = 	snop  }
0x5: {  	_ = 	snop  }
0x6: {  	_ = 	snop  }
0x7: {  	_ = 	snop  }
__scs_overlays_trampoline_lowered:
0x8: {  	[smem:$0x3FA7] =	sst s0  }
0x9: {  	[smem:$0x3FA8] =	sst s1  }
0xa: {  	[smem:$0x3FA9] =	sst s2  }
0xb: {  	[smem:$0x3FAA] =	sst s3  }
0xc: {  	[smem:$0x3FAB] =	sst s4  }
0xd: {  	[smem:$0x3FAC] =	sst s5  }
0xe: {  	[smem:$0x3FAD] =	sst s6  }
0xf: {  	[smem:$0x3FAE] =	sst s7  }
0x10: {  	[smem:$0x3FAF] =	sst s8  }
0x11: {  	[smem:$0x3FB0] =	sst s9;
	s0 =	simm.s32 @!p0 $0x0  }
0x12: {  	s1 =	sld [smem:$0x3F96];
	s0 =	simm.s32 @p0 $0x1  }
0x13: {  	[smem:$0x3FB1] =	sst s0;
	s0 =	simm.s32 @!p1 $0x0  }
0x14: {  	s2 =	sld [smem:$0x3F95];
	s0 =	simm.s32 @p1 $0x1  }
0x15: {  	[smem:$0x3FB2] =	sst s0;
	s0 =	simm.s32 @!p2 $0x0  }
0x16: {  	s3 =	sld [smem:$0x3FDB];
	s0 =	simm.s32 @p2 $0x1  }
0x17: {  	s4 =	simm.s32 $0x1BF5;
	[smem:$0x3FB4] =	sst s0  }
0x18: {  	s0 =	sld [smem:$0x3F97];
	_ =	swait.ge [sflag:s4], $0x0  }
0x19: {  	s7 =	sld [smem:$0x3F98]  }
0x1a: {  	s8 =	sadd.s32 $0xFFFFE003, lr  }
0x1b: {  	s9 =	sadd.s32 $0xFFFFFEF7, lr;
	s5 =	simm.s32 $0xFFFFFFFF;
	p2 =	slt.u32 s8, $0xFFFFF086  }
0x1c: {  	p1 =	slt.u32 s9, $0xF7A;
	s5 =	simm.s32 @!p2 $0x0  }
0x1d: {  	s5 =	simm.s32 @p1 $0x1;
	p0 =	seq.s32 s7, s2  }
0x1e: {  	s7 =	smul.u32 @!p0 $0xF7A, s2;
	p2 =	seq.s32 @!p0 s5, $0x0  }
0x1f: {  	s9 =	smul.u32 $0xF7A, s1;
	s8 =	simm.s32 @!p0 $0x1BF5;
	p2 =	por !p2, p0  }
0x20: {  	[sflag:s8] =	ssyncset.s32 @!p0 $0xFFFFF086;
	s6 =	sadd.s32 @!p0 s3, s7;
	s7 =	simm.s32 @!p0 $0x108  }
0x21: {  	s3 =	sadd.s32 s3, s9;
	s6 =	sadd.s32 @!p0 $0x88, s6;
	s7 =	simm.s32 @p2 $0x1082  }
0x22: {  	[simem:s7], [sflag:s8] =	dma.local @!p0 [hbm:s6], $0xF7A  }
0x23: {  	s9 =	sor.u32 $0xD0000000, s2;
	s6 =	simm.s32 $0x108;
	_ =	swait.ge @!p0 [sflag:s8], $0x0  }
0x24: {  	s3 =	sadd.s32 $0x88, s3;
	s6 =	simm.s32 @!p1 $0x1082;
	[sflag:s4] =	ssyncset.s32 $0xFFFFF086  }
0x25: {  	[simem:s6], [sflag:s4] =	dma.local [hbm:s3], $0xF7A  }
0x26: {  	[smem:$0x3F98] =	sst s1;
	(tag) =	ssettag s2;
	_ =	strace s9  }
0x27: {  	s1 =	sld [smem:$0x3FA8]  }
0x28: {  	s2 =	sld [smem:$0x3FA9]  }
0x29: {  	s4 =	sld [smem:$0x3FAB]  }
0x2a: {  	p0 =	seq.s32 s5, $0x0;
	s5 =	sld [smem:$0x3FAC]  }
0x2b: {  	s6 =	sld [smem:$0x3FAD]  }
0x2c: {  	s7 =	sld [smem:$0x3FAE]  }
0x2d: {  	s3 =	simm.s32 $0x108;
	s8 =	sld [smem:$0x3FAF]  }
0x2e: {  	s3 =	simm.s32 @!p0 $0x1082;
	s9 =	sld [smem:$0x3FB0]  }
0x2f: {  	lr =	sadd.s32 s0, s3;
	s0 =	sld [smem:$0x3FA7]  }
0x30: {  	s3 =	sld [smem:$0x3FAA]  }
0x31: {  	[smem:$0x3FB3] =	sst s10  }
0x32: {  	s10 =	sld [smem:$0x3FB1];
	_ =	sdelay $0x3  }
0x33: {  	p0 =	seq.s32 s10, $0x1;
	s10 =	sld [smem:$0x3FB3];
	_ =	sdelay $0x3  }
0x34: {  	[smem:$0x3FB3] =	sst s10  }
0x35: {  	s10 =	sld [smem:$0x3FB2];
	_ =	sdelay $0x3  }
0x36: {  	p1 =	seq.s32 s10, $0x1;
	s10 =	sld [smem:$0x3FB3];
	_ =	sdelay $0x3  }
0x37: {  	[smem:$0x3FB3] =	sst s10  }
0x38: {  	s10 =	sld [smem:$0x3FB4]  }
0x39: {  	_ = 	snop;
	(pc) =	sbr.ind lr, $3  }
0x3a: {  	_ = 	snop  }
0x3b: {  	_ = 	snop  }
0x3c: {  	p2 =	seq.s32 s10, $0x1;
	s10 =	sld [smem:$0x3FB3]  }
0x3d: {  	_ =	shalt  }
0x3e: {  	_ =	shalt  }
0x3f: {  	_ =	shalt  }
0x40: {  	_ =	shalt  }
0x41: {  	_ =	shalt  }
0x42: {  	_ =	shalt  }
0x43: {  	_ =	shalt  }
0x44: {  	_ =	shalt  }
0x45: {  	_ =	shalt  }
0x46: {  	_ =	shalt  }
0x47: {  	_ =	shalt  }
0x48: {  	_ =	shalt  }
0x49: {  	_ =	shalt  }
0x4a: {  	_ =	shalt  }
0x4b: {  	_ =	shalt  }
0x4c: {  	_ =	shalt  }
0x4d: {  	_ =	shalt  }
0x4e: {  	_ =	shalt  }
0x4f: {  	_ =	shalt  }
0x50: {  	_ =	shalt  }
0x51: {  	_ =	shalt  }
0x52: {  	_ =	shalt  }
0x53: {  	_ =	shalt  }
0x54: {  	_ =	shalt  }
0x55: {  	_ =	shalt  }
0x56: {  	_ =	shalt  }
0x57: {  	_ =	shalt  }
0x58: {  	_ =	shalt  }
0x59: {  	_ =	shalt  }
0x5a: {  	_ =	shalt  }
0x5b: {  	_ =	shalt  }
0x5c: {  	_ =	shalt  }
0x5d: {  	_ =	shalt  }
0x5e: {  	_ =	shalt  }
0x5f: {  	_ =	shalt  }
0x60: {  	_ =	shalt  }
0x61: {  	_ =	shalt  }
0x62: {  	_ =	shalt  }
0x63: {  	_ =	shalt  }
0x64: {  	_ =	shalt  }
0x65: {  	_ =	shalt  }
0x66: {  	_ =	shalt  }
0x67: {  	_ =	shalt  }
0x68: {  	_ =	shalt  }
0x69: {  	_ =	shalt  }
0x6a: {  	_ =	shalt  }
0x6b: {  	_ =	shalt  }
0x6c: {  	_ =	shalt  }
0x6d: {  	_ =	shalt  }
0x6e: {  	_ =	shalt  }
0x6f: {  	_ =	shalt  }
0x70: {  	_ =	shalt  }
0x71: {  	_ =	shalt  }
0x72: {  	_ =	shalt  }
0x73: {  	_ =	shalt  }
0x74: {  	_ =	shalt  }
0x75: {  	_ =	shalt  }
0x76: {  	_ =	shalt  }
0x77: {  	_ =	shalt  }
0x78: {  	_ =	shalt  }
0x79: {  	_ =	shalt  }
0x7a: {  	_ =	shalt  }
0x7b: {  	_ =	shalt  }
0x7c: {  	_ =	shalt  }
0x7d: {  	_ =	shalt  }
0x7e: {  	_ =	shalt  }
0x7f: {  	_ =	shalt  }
0x80: {  	_ =	shalt  }
0x81: {  	_ =	shalt  }
0x82: {  	_ =	shalt  }
0x83: {  	_ =	shalt  }
0x84: {  	_ =	shalt  }
0x85: {  	_ =	shalt  }
0x86: {  	_ =	shalt  }
0x87: {  	_ =	shalt  }
.Lfunc_end0:
.L_simem_size_0:
called_computation_lowered:
.L_overlay_start_0:
0x88: {  	s2 =	sld [smem:$0x3FD9]  }
0x89: {  	s3 =	sld [smem:$0x3FFE];
	_ =	sdelay $0x1  }
0x8a: {  	s1 =	srdreg.scid  }
0x8b: {  	s0 =	sand.u32 $0x1, s1  }
0x8c: {  	s16 =	sshll.u32 s0, $0xA;
	s2 =	sadd.s32 s3, s2  }
0x8d: {  	s2 =	sadd.s32 s2, s16  }
0x8e: {  	[smem:$0x3FBF] =	sst s2  }
0x8f: {  	_ = 	snop  }
0x90: {  	(tm) =	ssettm $0x1  }
0x91: {  	s17 =	sld [smem:$0x3FFB];
	_ =	sdelay $0x3  }
0x92: {  	_ =	strace s17  }
0x93: {  	s2 =	sld [smem:$0x3FFC];
	_ =	sdelay $0x3  }
0x94: {  	_ =	strace s2  }
0x95: {  	s2 =	sld [smem:$0x3FFD];
	_ =	sdelay $0x3  }
0x96: {  	_ =	strace s2  }
0x97: {  	_ =	strace $0x8FFFFFFF  }
0x98: {  	s18 =	sld [smem:$0x3FDB];
	_ =	sdelay $0x1  }
0x99: {  	s19 =	simm.s32 $_scs_section_size  }
0x9a: {  	s4 =	simm.s32 $_size__tile_overlayer_lowered;
	s5 =	simm.s32 $_tile_overlayer_lowered  }
0x9b: {  	s22 =	simm.s32 $0x1BFF;
	s21 =	sshll.u32 s5, $0x1;
	s2 =	sadd.s32 s19, s18  }
0x9c: {  	s6 =	simm.s32 $0x0;
	s20 =	sshll.u32 s4, $0x1;
	s4 =	sadd.s32 s21, s2  }
0x9d: {  	[timem:s6], [sflag:s22] =	dma.local [hbm:s4], s20  }
0x9e: {  	_ =	swait.ge [sflag:s22], s20  }
0x9f: {  	s3 =	ssub.s32 $0x0, s20;
	[sflag:s22] =	ssyncset.done $0x0  }
0xa0: {  	[sflag:s22] =	ssyncadd.s32 s3;
	_ =	sdelay $0x1  }
0xa1: {  	s23 =	simm.s32 $0x1B8B  }
0xa2: {  	_ =	swait.ge [sflag:s23], $0x1  }
0xa3: {  	[sflag:s23] =	ssyncset.done $0x0  }
0xa4: {  	s25 =	simm.s32 $0x1B8E;
	s24 =	sld [smem:$0x3FFE];
	[sflag:s23] =	ssyncadd.s32 $0xFFFFFFFF  }
0xa5: {  	s26 =	simm.s32 $execute0_lowered;
	[smem:$0x3FD2] =	sst s25  }
0xa6: {  	s4 =	sshll.u32 s26, $0x1;
	_ =	strace $0x80000046;
	[dreg:$0x1] =	wrdreg $0xFFFFFFFF  }
0xa7: {  	s28 =	simm.s32 $_size_execute0_lowered;
	s2 =	sadd.s32 s2, s4;
	[dreg:$0x0] =	wrdreg $0x0  }
0xa8: {  	s4 =	sshll.u32 s28, $0x1;
	[dreg:$0x2] =	wrdreg s2  }
0xa9: {  	[dreg:$0x3] =	wrdreg s4  }
0xaa: {  	[dreg:$0x4] =	wrdreg $0xC0  }
0xab: {  	_ =	task [dreg:s6], $0x5FFFF  }
0xac: {  	[dreg:$0x1] =	wrdreg $0xFFFFFFFF  }
0xad: {  	[dreg:$0x0] =	wrdreg $0x60  }
0xae: {  	[dreg:$0x2] =	wrdreg s24  }
0xaf: {  	[dreg:$0x3] =	wrdreg $0x34800  }
0xb0: {  	[dreg:$0x4] =	wrdreg $0x9  }
0xb1: {  	_ =	task.clear_ibuf [dreg:s6], $0x5FFFF;
	_ =	strace $0x90000046  }
0xb2: {  	s29 =	simm.s32 $0x9;
	_ =	strace $0x80000048  }
0xb3: {  	_ =	swait.ge [sflag:s29], $0x1  }
0xb4: {  	[sflag:s29] =	ssyncadd.s32 $0xFFFFFFFF  }
0xb5: {  	_ =	strace $0x90000048  }
0xb6: {  	_ =	sfence  }
0xb7: {  	s30 =	sld [smem:$0x0];
	_ =	sdelay $0x2  }
0xb8: {  	s31 =	sshll.u32 s1, $0xD;
	s1 =	sshrl.u32 s1, $0x2  }
0xb9: {  	s3 =	sand.u32 $0x4000, s31;
	s1 =	sadd.s32 s1, s30  }
0xba: {  	s0 =	sor.u32 s3, s0;
	s1 =	sshll.u32 s1, $0x11  }
0xbb: {  	s0 =	sor.u32 s1, s0  }
0xbc: {  	s0 =	sadd.s32 $0x8F2B, s0  }
0xbd: {  	[sflag:s0] =	ssyncadd.remote.s32 $0x1  }
0xbe: {  	_ =	sfence.sel $0xFFFF  }
0xbf: {  	[dreg:$0x0] =	wrdreg $0xFFFFFFFF;
	(pc) =	sbr.abs _section_cstart, $3  }
0xc0: {  	[dreg:$0x1] =	wrdreg $0xFFFFFFFF  }
0xc1: {  	_ =	task.clear_ibuf [dreg:s6], $0x2FFFF;
	_ =	strace $0x9FFFFFFF  }
0xc2: {  	(tm) =	ssettm $0x7FFFFFFF  }
0xc3: {  	_ =	shalt  }
tec
execute0_lowered:
.L_overlay_start_1:
0x0: {  	(tag) =	ssettag $0x1  }
0x1: {  	s0 =	srdreg.scid;
	s1 =	stileid.u32  }
0x2: {  	s6 =	rddreg [dreg:$0x0];
	s29 =	simm.s32 $0x100;
	s30 =	simm.s32 $0x180  }
0x3: {  	s3 =	sand.u32 $0x1, s0;
	s0 =	simm.s32 $0x0;
	s5 =	smul.u32 $0x2710, s1  }
0x4: {  	s2 =	sadd.s32 $0xCA00, s6;
	p0 =	sne.s32 s1, $0x0;
	s4 =	smul.u32 $0x27100, s3  }
0x5: {  	s1 =	simm.s32 $0x0;
	[smem:$0x7FF] =	sst s0;
	s8 =	ssub.s32 $0x2, s3  }
0x6: {  	s7 =	sshll.u32 s3, $0x4;
	s23 =	sshrl.u32 s8, $0x1;
	s5 =	sadd.s32 s5, s4  }
0x7: {  	s3 =	sadd.s32 s7, s6;
	s4 =	ssub.s32 s8, s23;
	s24 =	sadd.s32 $0x3C0, s5  }
0x8: {  	s25 =	sshrl.u32 s5, $0x3;
	s26 =	sadd.s32 $0x398, s5;
	s28 =	sadd.s32 $0x370, s5  }
0x9: {  	s31 =	sadd.s32 $0x348, s5;
	s12 =	sadd.s32 $0x320, s5;
	s13 =	sadd.s32 $0x2F8, s5  }
0xa: {  	s14 =	sadd.s32 $0x2D0, s5;
	s18 =	sadd.s32 $0x2A8, s5;
	s19 =	sadd.s32 $0x280, s5  }
0xb: {  	s20 =	sadd.s32 $0x258, s5;
	s8 =	sadd.s32 $0x1B8, s5;
	s6 =	sshrl.u32 s24, $0x3  }
0xc: {  	s7 =	sadd.s32 s25, s2;
	s9 =	sshrl.u32 s28, $0x3;
	s10 =	sshrl.u32 s31, $0x3  }
0xd: {  	s15 =	sshrl.u32 s13, $0x3;
	s16 =	sshrl.u32 s14, $0x3;
	s21 =	sshrl.u32 s19, $0x3  }
0xe: {  	s22 =	sshrl.u32 s20, $0x3;
	s24 =	sadd.s32 $0x230, s5;
	s25 =	sadd.s32 $0x208, s5  }
0xf: {  	s14 =	sadd.s32 $0x140, s5;
	s20 =	sadd.s32 $0xC8, s5;
	[dreg:$0x3] =	wrdreg s7  }
0x10: {  	s6 =	sadd.s32 s6, s2;
	s11 =	sadd.s32 s10, s2;
	s17 =	sadd.s32 s16, s2  }
0x11: {  	s23 =	sadd.s32 s22, s2;
	s28 =	sshrl.u32 s25, $0x3;
	[dreg:$0x4] =	wrdreg s6  }
0x12: {  	s10 =	sadd.s32 $0x168, s5;
	s16 =	sadd.s32 $0xF0, s5;
	[dreg:$0x7] =	wrdreg s11  }
0x13: {  	s22 =	sadd.s32 $0x78, s5;
	s6 =	sshrl.u32 s26, $0x3;
	[dreg:$0xa] =	wrdreg s17  }
0x14: {  	[dreg:$0xd] =	wrdreg s23;
	s26 =	sadd.s32 $0x1E0, s5;
	s6 =	sadd.s32 s6, s2  }
0x15: {  	s31 =	sshrl.u32 s26, $0x3;
	s26 =	sadd.s32 $0x50, s5;
	[dreg:$0x5] =	wrdreg s6  }
0x16: {  	s6 =	sadd.s32 s9, s2;
	s7 =	sadd.s32 s31, s2;
	s9 =	sadd.s32 $0x190, s5  }
0x17: {  	s31 =	smax.u32 s4, $0x1;
	[dreg:$0x6] =	wrdreg s6;
	s6 =	sshrl.u32 s12, $0x3  }
0x18: {  	[dreg:$0x10] =	wrdreg s7;
	s11 =	sshrl.u32 s9, $0x3;
	s12 =	sshrl.u32 s10, $0x3  }
0x19: {  	s7 =	simm.s32 $0x500;
	s9 =	simm.s32 $0x600;
	s6 =	sadd.s32 s6, s2  }
0x1a: {  	s10 =	simm.s32 $0x680;
	s13 =	sadd.s32 s12, s2;
	[dreg:$0x8] =	wrdreg s6  }
0x1b: {  	s12 =	simm.s32 $0x780;
	s6 =	sadd.s32 s15, s2;
	[dreg:$0x13] =	wrdreg s13  }
0x1c: {  	s15 =	sadd.s32 $0x118, s5;
	s13 =	simm.s32 $0x800;
	[dreg:$0x9] =	wrdreg s6  }
0x1d: {  	s6 =	sshrl.u32 s18, $0x3;
	s17 =	sshrl.u32 s15, $0x3;
	s18 =	sshrl.u32 s16, $0x3  }
0x1e: {  	s15 =	simm.s32 $0x900;
	s16 =	simm.s32 $0x980;
	s6 =	sadd.s32 s6, s2  }
0x1f: {  	s19 =	sadd.s32 s18, s2;
	[dreg:$0xb] =	wrdreg s6;
	s6 =	sadd.s32 s21, s2  }
0x20: {  	s18 =	simm.s32 $0xA80;
	[dreg:$0xc] =	wrdreg s6;
	s6 =	sshrl.u32 s24, $0x3  }
0x21: {  	[dreg:$0x16] =	wrdreg s19;
	s21 =	sadd.s32 $0xA0, s5;
	s6 =	sadd.s32 s6, s2  }
0x22: {  	s5 =	sadd.s32 $0x28, s5;
	[dreg:$0xe] =	wrdreg s6;
	s6 =	sadd.s32 s28, s2  }
0x23: {  	s19 =	simm.s32 $0xB00;
	[dreg:$0xf] =	wrdreg s6;
	s6 =	sshrl.u32 s8, $0x3  }
0x24: {  	s23 =	sshrl.u32 s21, $0x3;
	s24 =	sshrl.u32 s22, $0x3;
	s6 =	sadd.s32 s6, s2  }
0x25: {  	s5 =	sshrl.u32 s5, $0x3;
	[dreg:$0x11] =	wrdreg s6;
	s6 =	sadd.s32 s11, s2  }
0x26: {  	s25 =	sadd.s32 s24, s2;
	[dreg:$0x12] =	wrdreg s6;
	s6 =	sshrl.u32 s14, $0x3  }
0x27: {  	s21 =	simm.s32 $0x1;
	[dreg:$0x19] =	wrdreg s25;
	s6 =	sadd.s32 s6, s2  }
0x28: {  	s22 =	simm.s32 $0x28;
	[dreg:$0x14] =	wrdreg s6;
	s6 =	sadd.s32 s17, s2  }
0x29: {  	s24 =	simm.s32 $0x200;
	[dreg:$0x15] =	wrdreg s6;
	s6 =	sshrl.u32 s20, $0x3  }
0x2a: {  	s25 =	rddreg [dreg:$0x1];
	s28 =	sadd.s32 $0x16800, s3;
	s6 =	sadd.s32 s6, s2  }
0x2b: {  	s8 =	simm.s32 $0x580;
	[dreg:$0x17] =	wrdreg s6;
	s6 =	sadd.s32 s23, s2  }
0x2c: {  	s11 =	simm.s32 $0x700;
	[dreg:$0x18] =	wrdreg s6;
	s6 =	sshrl.u32 s26, $0x3  }
.Ltmp0:
0x2d: {  	s14 =	simm.s32 $0x880;
	s6 =	sadd.s32 s6, s2;
	(pc) =	sbr.rel .LBB2_1-.Ltmp0, $4  }
0x2e: {  	s17 =	simm.s32 $0xA00;
	s2 =	sadd.s32 s5, s2;
	[dreg:$0x1a] =	wrdreg s6  }
0x2f: {  	s20 =	simm.s32 $0xB80;
	s23 =	simm.s32 $0xC80;
	[dreg:$0x1b] =	wrdreg s2  }
0x30: {  	s26 =	simm.s32 $0x2;
	_ =	strace $0x80000047;
	[dreg:$0x1c] =	wrdreg s28  }
0x31: {  	v0 =	vimm.f32 $1.000000000e+00;
	v1 =	vimm.f32 $0.0e+00;
	s5 =	simm.s32 $0x400;
	s6 =	simm.s32 $0x480;
	[dreg:$0x1d] =	wrdreg s31  }
.LBB2_9:
0x32: {  	_ =	swait.ge [sflag:s26], $0x28  }
0x33: {  	[sflag:s26] =	ssyncset.done $0x0  }
0x34: {  	[sflag:s26] =	ssyncadd.s32 $0xFFFFFFD8  }
0x35: {  	_ =	swait.ge [sflag:s26], $0x28  }
0x36: {  	[sflag:s26] =	ssyncset.done $0x0  }
0x37: {  	[sflag:s26] =	ssyncadd.s32 $0xFFFFFFD8  }
0x38: {  	_ =	swait.ge [sflag:s26], $0x28  }
0x39: {  	[sflag:s26] =	ssyncset.done $0x0  }
0x3a: {  	[sflag:s26] =	ssyncadd.s32 $0xFFFFFFD8  }
0x3b: {  	_ =	swait.ge [sflag:s26], $0x28  }
0x3c: {  	[sflag:s26] =	ssyncset.done $0x0  }
0x3d: {  	[sflag:s26] =	ssyncadd.s32 $0xFFFFFFD8  }
0x3e: {  	_ =	swait.ge [sflag:s26], $0x28  }
0x3f: {  	[sflag:s26] =	ssyncset.done $0x0  }
0x40: {  	[sflag:s26] =	ssyncadd.s32 $0xFFFFFFD8  }
0x41: {  	_ =	swait.ge [sflag:s26], $0x28  }
0x42: {  	[sflag:s26] =	ssyncset.done $0x0  }
0x43: {  	[sflag:s26] =	ssyncadd.s32 $0xFFFFFFD8  }
0x44: {  	_ =	swait.ge [sflag:s26], $0x28  }
0x45: {  	[sflag:s26] =	ssyncset.done $0x0  }
0x46: {  	[sflag:s26] =	ssyncadd.s32 $0xFFFFFFD8  }
0x47: {  	_ =	swait.ge [sflag:s26], $0x28  }
0x48: {  	[sflag:s26] =	ssyncset.done $0x0  }
0x49: {  	[sflag:s26] =	ssyncadd.s32 $0xFFFFFFD8  }
0x4a: {  	_ =	swait.ge [sflag:s26], $0x28  }
0x4b: {  	[sflag:s26] =	ssyncset.done $0x0  }
0x4c: {  	[sflag:s26] =	ssyncadd.s32 $0xFFFFFFD8  }
0x4d: {  	_ =	swait.ge [sflag:s26], $0x28  }
0x4e: {  	[sflag:s26] =	ssyncset.done $0x0  }
0x4f: {  	[sflag:s26] =	ssyncadd.s32 $0xFFFFFFD8  }
0x50: {  	_ =	swait.ge [sflag:s26], $0x28  }
0x51: {  	[sflag:s26] =	ssyncset.done $0x0  }
0x52: {  	[sflag:s26] =	ssyncadd.s32 $0xFFFFFFD8  }
0x53: {  	_ =	swait.ge [sflag:s26], $0x28  }
0x54: {  	[sflag:s26] =	ssyncset.done $0x0  }
0x55: {  	[sflag:s26] =	ssyncadd.s32 $0xFFFFFFD8  }
0x56: {  	_ =	swait.ge [sflag:s26], $0x28  }
0x57: {  	[sflag:s26] =	ssyncset.done $0x0  }
0x58: {  	[sflag:s26] =	ssyncadd.s32 $0xFFFFFFD8  }
0x59: {  	_ =	swait.ge [sflag:s26], $0x28  }
0x5a: {  	[sflag:s26] =	ssyncset.done $0x0  }
0x5b: {  	[sflag:s26] =	ssyncadd.s32 $0xFFFFFFD8  }
0x5c: {  	_ =	swait.ge [sflag:s26], $0x28  }
0x5d: {  	[sflag:s26] =	ssyncset.done $0x0  }
0x5e: {  	[sflag:s26] =	ssyncadd.s32 $0xFFFFFFD8  }
0x5f: {  	_ =	swait.ge [sflag:s26], $0x28  }
0x60: {  	[sflag:s26] =	ssyncset.done $0x0  }
0x61: {  	[sflag:s26] =	ssyncadd.s32 $0xFFFFFFD8  }
0x62: {  	_ =	swait.ge [sflag:s26], $0x28  }
0x63: {  	[sflag:s26] =	ssyncset.done $0x0  }
0x64: {  	[sflag:s26] =	ssyncadd.s32 $0xFFFFFFD8  }
0x65: {  	_ =	swait.ge [sflag:s26], $0x28  }
0x66: {  	[sflag:s26] =	ssyncset.done $0x0  }
0x67: {  	[sflag:s26] =	ssyncadd.s32 $0xFFFFFFD8  }
0x68: {  	_ =	swait.ge [sflag:s26], $0x28  }
0x69: {  	[sflag:s26] =	ssyncset.done $0x0  }
0x6a: {  	[sflag:s26] =	ssyncadd.s32 $0xFFFFFFD8  }
0x6b: {  	_ =	swait.ge [sflag:s26], $0x28  }
0x6c: {  	[sflag:s26] =	ssyncset.done $0x0  }
0x6d: {  	[sflag:s26] =	ssyncadd.s32 $0xFFFFFFD8  }
0x6e: {  	_ =	swait.ge [sflag:s26], $0x28  }
0x6f: {  	[sflag:s26] =	ssyncset.done $0x0  }
0x70: {  	[sflag:s26] =	ssyncadd.s32 $0xFFFFFFD8  }
0x71: {  	_ =	swait.ge [sflag:s26], $0x28  }
0x72: {  	[sflag:s26] =	ssyncset.done $0x0  }
0x73: {  	[sflag:s26] =	ssyncadd.s32 $0xFFFFFFD8  }
0x74: {  	_ =	swait.ge [sflag:s26], $0x28  }
0x75: {  	[sflag:s26] =	ssyncset.done $0x0  }
0x76: {  	[sflag:s26] =	ssyncadd.s32 $0xFFFFFFD8  }
0x77: {  	_ =	swait.ge [sflag:s26], $0x28  }
0x78: {  	[sflag:s26] =	ssyncset.done $0x0  }
0x79: {  	[sflag:s26] =	ssyncadd.s32 $0xFFFFFFD8  }
0x7a: {  	_ =	swait.ge [sflag:s26], $0x28  }
0x7b: {  	[sflag:s26] =	ssyncset.done $0x0  }
0x7c: {  	s1 =	sshrl.u32 @!p0 s25, $0x3;
	[sflag:s26] =	ssyncadd.s32 $0xFFFFFFD8  }
0x7d: {  	s2 =	simm.s32 @!p0 $0x1;
	s3 =	simm.s32 @!p0 $0x20;
	[bflag:$0x0] =	sbarrier.arrive $0xFFFF  }
0x7e: {  	s4 =	simm.s32 @!p0 $0x10;
	s31 =	simm.s32 @!p0 $0x1C03;
	s28 =	rddreg [dreg:$0x1c]  }
0x7f: {  	[hbm:s28@s3], [sflag:s31] =	dma.strided @!p0 [spmem:s1@s4], $0x4F0, s2, $0x10   }
0x80: {  	s28 =	simm.s32 @!p0 $0x3  }
0x81: {  	_ =	swait.ge @!p0 [sflag:s28], $0x4F0  }
0x82: {  	s3 =	rddreg [dreg:$0x1e]  }
0x83: {  	s4 =	rddreg [dreg:$0x1d];
	s1 =	sadd.s32 $0x1, s3  }
0x84: {  	p1 =	sne.s32 s1, s4  }
.Ltmp1:
0x85: {  	_ = 	snop;
	(pc) =	sbr.rel @!p1 .LBB2_10-.Ltmp1, $3  }
0x86: {  	_ =	sdelay $0x1  }
0x87: {  	[sflag:s28] =	ssyncset.done @!p0 $0x0  }
0x88: {  	[sflag:s28] =	ssyncadd.s32 @!p0 $0xFFFFFB10  }
.LBB2_1:
.Ltmp2:
0x89: {  	(pc) =	sbr.rel @p0 .LBB2_5-.Ltmp2, $4  }
0x8a: {  	_ = 	snop  }
0x8b: {  	[tilespmem:$0xC80] =	vst v0  }
0x8c: {  	[tilespmem:$0xC90] =	vst v0  }
0x8d: {  	[dreg:$0x1e] =	wrdreg s1;
	[tilespmem:$0xCA0] =	vst v0  }
0x8e: {  	s28 =	simm.s32 $0x40;
	s31 =	simm.s32 $0x0  }
.LBB2_3:
0x8f: {  	p1 =	sne.s32 s28, $0x9C00;
	[tilespmem:s31+$0xD00] =	vst v1;
	s31 =	smov.u32 s28;
	s28 =	sadd.s32 $0x40, s28  }
.Ltmp3:
0x90: {  	(pc) =	sbr.rel @p1 .LBB2_3-.Ltmp3, $2  }
0x91: {  	_ =	sdelay $0x2  }
0x92: {  	s31 =	sshra.s32 s31, $0x2  }
0x93: {  	[tilespmem:s31+$0xD00] =	vst v1;
	s28 =	simm.s32 $0xD00;
	s31 =	simm.s32 $0x3  }
0x94: {  	[spmem:s25] =	stream.linear.scatter [tilespmem:s28], [sflag:$0x3], $0x2780, $0x38;
	[tilespmem:$0x36F8] =	vst v63  }
0x95: {  	_ =	swait.ge [sflag:s31], $0x2780  }
0x96: {  	[sflag:s31] =	ssyncset.done $0x0  }
0x97: {  	[sflag:s31] =	ssyncadd.s32 $0xFFFFD880  }
.LBB2_5:
.Ltmp4:
0x98: {  	(pc) =	sbr.rel .LBB2_6-.Ltmp4, $3  }
0x99: {  	_ =	sdelay $0x1  }
0x9a: {  	[bflag:$0x0] =	sbarrier.arrive $0xFFFF  }
0x9b: {  	s28 =	simm.s32 $0x0  }
.LBB2_8:
0x9c: {  	s31 =	rddreg [dreg:$0x3]  }
0x9d: {  	s2 =	rddreg [dreg:$0x1b];
	s31 =	sadd.s32 s28, s31  }
0x9e: {  	[tilespmem:s0], [sflag:$0x1] =	stream.linear.gather [hbm4b:s31+s0], $0x28, $0x38;
	[tilespmem:$0x36F8] =	vst v63  }
0x9f: {  	s1 =	simm.s32 $0x80;
	s3 =	rddreg [dreg:$0x1a];
	s31 =	sadd.s32 s28, s2  }
0xa0: {  	[tilespmem:s1], [sflag:$0x1] =	stream.linear.gather [hbm4b:s31+s0], $0x28, $0x38;
	[tilespmem:$0x36F8] =	vst v63  }
0xa1: {  	s4 =	rddreg [dreg:$0x19];
	s31 =	sadd.s32 s28, s3  }
0xa2: {  	[tilespmem:s29], [sflag:$0x1] =	stream.linear.gather [hbm4b:s31+s0], $0x28, $0x38;
	[tilespmem:$0x36F8] =	vst v63  }
0xa3: {  	s1 =	rddreg [dreg:$0x18];
	s31 =	sadd.s32 s28, s4  }
0xa4: {  	[tilespmem:s30], [sflag:$0x1] =	stream.linear.gather [hbm4b:s31+s0], $0x28, $0x38;
	[tilespmem:$0x36F8] =	vst v63  }
0xa5: {  	s2 =	rddreg [dreg:$0x17];
	s31 =	sadd.s32 s28, s1  }
0xa6: {  	[tilespmem:s24], [sflag:$0x1] =	stream.linear.gather [hbm4b:s31+s0], $0x28, $0x38;
	[tilespmem:$0x36F8] =	vst v63  }
0xa7: {  	s3 =	rddreg [dreg:$0x16];
	s31 =	sadd.s32 s28, s2;
	s2 =	simm.s32 $0x280  }
0xa8: {  	[tilespmem:s2], [sflag:$0x1] =	stream.linear.gather [hbm4b:s31+s0], $0x28, $0x38;
	[tilespmem:$0x36F8] =	vst v63  }
0xa9: {  	s4 =	rddreg [dreg:$0x15];
	s31 =	sadd.s32 s28, s3;
	s3 =	simm.s32 $0x300  }
0xaa: {  	[tilespmem:s3], [sflag:$0x1] =	stream.linear.gather [hbm4b:s31+s0], $0x28, $0x38;
	[tilespmem:$0x36F8] =	vst v63  }
0xab: {  	s1 =	rddreg [dreg:$0x14];
	s31 =	sadd.s32 s28, s4;
	s4 =	simm.s32 $0x380  }
0xac: {  	[tilespmem:s4], [sflag:$0x1] =	stream.linear.gather [hbm4b:s31+s0], $0x28, $0x38;
	[tilespmem:$0x36F8] =	vst v63  }
0xad: {  	s31 =	sadd.s32 s28, s1;
	s1 =	rddreg [dreg:$0x13]  }
0xae: {  	[tilespmem:s5], [sflag:$0x1] =	stream.linear.gather [hbm4b:s31+s0], $0x28, $0x38;
	[tilespmem:$0x36F8] =	vst v63  }
0xaf: {  	s31 =	sadd.s32 s28, s1;
	s1 =	rddreg [dreg:$0x12]  }
0xb0: {  	[tilespmem:s6], [sflag:$0x1] =	stream.linear.gather [hbm4b:s31+s0], $0x28, $0x38;
	[tilespmem:$0x36F8] =	vst v63  }
0xb1: {  	s31 =	sadd.s32 s28, s1;
	s1 =	rddreg [dreg:$0x11]  }
0xb2: {  	[tilespmem:s7], [sflag:$0x1] =	stream.linear.gather [hbm4b:s31+s0], $0x28, $0x38;
	[tilespmem:$0x36F8] =	vst v63  }
0xb3: {  	s31 =	sadd.s32 s28, s1;
	s1 =	rddreg [dreg:$0x10]  }
0xb4: {  	[tilespmem:s8], [sflag:$0x1] =	stream.linear.gather [hbm4b:s31+s0], $0x28, $0x38;
	[tilespmem:$0x36F8] =	vst v63  }
0xb5: {  	s31 =	sadd.s32 s28, s1;
	s1 =	rddreg [dreg:$0xf]  }
0xb6: {  	[tilespmem:s9], [sflag:$0x1] =	stream.linear.gather [hbm4b:s31+s0], $0x28, $0x38;
	[tilespmem:$0x36F8] =	vst v63  }
0xb7: {  	s31 =	sadd.s32 s28, s1;
	s1 =	rddreg [dreg:$0xe]  }
0xb8: {  	[tilespmem:s10], [sflag:$0x1] =	stream.linear.gather [hbm4b:s31+s0], $0x28, $0x38;
	[tilespmem:$0x36F8] =	vst v63  }
0xb9: {  	s31 =	sadd.s32 s28, s1;
	s1 =	rddreg [dreg:$0xd]  }
0xba: {  	[tilespmem:s11], [sflag:$0x1] =	stream.linear.gather [hbm4b:s31+s0], $0x28, $0x38;
	[tilespmem:$0x36F8] =	vst v63  }
0xbb: {  	s31 =	sadd.s32 s28, s1;
	s1 =	rddreg [dreg:$0xc]  }
0xbc: {  	[tilespmem:s12], [sflag:$0x1] =	stream.linear.gather [hbm4b:s31+s0], $0x28, $0x38;
	[tilespmem:$0x36F8] =	vst v63  }
0xbd: {  	s31 =	sadd.s32 s28, s1;
	s1 =	rddreg [dreg:$0xb]  }
0xbe: {  	[tilespmem:s13], [sflag:$0x1] =	stream.linear.gather [hbm4b:s31+s0], $0x28, $0x38;
	[tilespmem:$0x36F8] =	vst v63  }
0xbf: {  	s31 =	sadd.s32 s28, s1;
	s1 =	rddreg [dreg:$0xa]  }
0xc0: {  	[tilespmem:s14], [sflag:$0x1] =	stream.linear.gather [hbm4b:s31+s0], $0x28, $0x38;
	[tilespmem:$0x36F8] =	vst v63  }
0xc1: {  	s31 =	sadd.s32 s28, s1;
	s1 =	rddreg [dreg:$0x9]  }
0xc2: {  	[tilespmem:s15], [sflag:$0x1] =	stream.linear.gather [hbm4b:s31+s0], $0x28, $0x38;
	[tilespmem:$0x36F8] =	vst v63  }
0xc3: {  	s31 =	sadd.s32 s28, s1;
	s1 =	rddreg [dreg:$0x8]  }
0xc4: {  	[tilespmem:s16], [sflag:$0x1] =	stream.linear.gather [hbm4b:s31+s0], $0x28, $0x38;
	[tilespmem:$0x36F8] =	vst v63  }
0xc5: {  	s31 =	sadd.s32 s28, s1;
	s1 =	rddreg [dreg:$0x7]  }
0xc6: {  	[tilespmem:s17], [sflag:$0x1] =	stream.linear.gather [hbm4b:s31+s0], $0x28, $0x38;
	[tilespmem:$0x36F8] =	vst v63  }
0xc7: {  	s31 =	sadd.s32 s28, s1;
	s1 =	rddreg [dreg:$0x6]  }
0xc8: {  	[tilespmem:s18], [sflag:$0x1] =	stream.linear.gather [hbm4b:s31+s0], $0x28, $0x38;
	[tilespmem:$0x36F8] =	vst v63  }
0xc9: {  	s31 =	sadd.s32 s28, s1;
	s1 =	rddreg [dreg:$0x5]  }
0xca: {  	[tilespmem:s19], [sflag:$0x1] =	stream.linear.gather [hbm4b:s31+s0], $0x28, $0x38;
	[tilespmem:$0x36F8] =	vst v63  }
0xcb: {  	s31 =	sadd.s32 s28, s1;
	s1 =	rddreg [dreg:$0x4]  }
0xcc: {  	[tilespmem:s20], [sflag:$0x1] =	stream.linear.gather [hbm4b:s31+s0], $0x28, $0x38;
	[tilespmem:$0x36F8] =	vst v63  }
0xcd: {  	s31 =	sadd.s32 s28, s1;
	s1 =	simm.s32 $0xC00  }
0xce: {  	[tilespmem:s1], [sflag:$0x1] =	stream.linear.gather [hbm4b:s31+s0], $0x28, $0x38;
	[tilespmem:$0x36F8] =	vst v63  }
0xcf: {  	_ =	swait.ge [sflag:s21], $0x28  }
0xd0: {  	[sflag:s21] =	ssyncset.done $0x0  }
0xd1: {  	[sflag:s21] =	ssyncadd.s32 $0xFFFFFFD8  }
0xd2: {  	_ =	swait.ge [sflag:s21], $0x28  }
0xd3: {  	[sflag:s21] =	ssyncset.done $0x0  }
0xd4: {  	[sflag:s21] =	ssyncadd.s32 $0xFFFFFFD8  }
0xd5: {  	_ =	swait.ge [sflag:s21], $0x28  }
0xd6: {  	[sflag:s21] =	ssyncset.done $0x0  }
0xd7: {  	[sflag:s21] =	ssyncadd.s32 $0xFFFFFFD8  }
0xd8: {  	_ =	swait.ge [sflag:s21], $0x28  }
0xd9: {  	[sflag:s21] =	ssyncset.done $0x0  }
0xda: {  	[sflag:s21] =	ssyncadd.s32 $0xFFFFFFD8  }
0xdb: {  	_ =	swait.ge [sflag:s21], $0x28  }
0xdc: {  	[sflag:s21] =	ssyncset.done $0x0  }
0xdd: {  	[sflag:s21] =	ssyncadd.s32 $0xFFFFFFD8  }
0xde: {  	_ =	swait.ge [sflag:s21], $0x28  }
0xdf: {  	[sflag:s21] =	ssyncset.done $0x0  }
0xe0: {  	[sflag:s21] =	ssyncadd.s32 $0xFFFFFFD8  }
0xe1: {  	_ =	swait.ge [sflag:s21], $0x28  }
0xe2: {  	[sflag:s21] =	ssyncset.done $0x0  }
0xe3: {  	[sflag:s21] =	ssyncadd.s32 $0xFFFFFFD8  }
0xe4: {  	_ =	swait.ge [sflag:s21], $0x28  }
0xe5: {  	[sflag:s21] =	ssyncset.done $0x0  }
0xe6: {  	[sflag:s21] =	ssyncadd.s32 $0xFFFFFFD8  }
0xe7: {  	_ =	swait.ge [sflag:s21], $0x28  }
0xe8: {  	[sflag:s21] =	ssyncset.done $0x0  }
0xe9: {  	[sflag:s21] =	ssyncadd.s32 $0xFFFFFFD8  }
0xea: {  	_ =	swait.ge [sflag:s21], $0x28  }
0xeb: {  	[sflag:s21] =	ssyncset.done $0x0  }
0xec: {  	[sflag:s21] =	ssyncadd.s32 $0xFFFFFFD8  }
0xed: {  	_ =	swait.ge [sflag:s21], $0x28  }
0xee: {  	[sflag:s21] =	ssyncset.done $0x0  }
0xef: {  	[sflag:s21] =	ssyncadd.s32 $0xFFFFFFD8  }
0xf0: {  	_ =	swait.ge [sflag:s21], $0x28  }
0xf1: {  	[sflag:s21] =	ssyncset.done $0x0  }
0xf2: {  	[sflag:s21] =	ssyncadd.s32 $0xFFFFFFD8  }
0xf3: {  	_ =	swait.ge [sflag:s21], $0x28  }
0xf4: {  	[sflag:s21] =	ssyncset.done $0x0  }
0xf5: {  	[sflag:s21] =	ssyncadd.s32 $0xFFFFFFD8  }
0xf6: {  	_ =	swait.ge [sflag:s21], $0x28  }
0xf7: {  	[sflag:s21] =	ssyncset.done $0x0  }
0xf8: {  	[sflag:s21] =	ssyncadd.s32 $0xFFFFFFD8  }
0xf9: {  	_ =	swait.ge [sflag:s21], $0x28  }
0xfa: {  	[sflag:s21] =	ssyncset.done $0x0  }
0xfb: {  	[sflag:s21] =	ssyncadd.s32 $0xFFFFFFD8  }
0xfc: {  	_ =	swait.ge [sflag:s21], $0x28  }
0xfd: {  	[sflag:s21] =	ssyncset.done $0x0  }
0xfe: {  	[sflag:s21] =	ssyncadd.s32 $0xFFFFFFD8  }
0xff: {  	_ =	swait.ge [sflag:s21], $0x28  }
0x100: {  	[sflag:s21] =	ssyncset.done $0x0  }
0x101: {  	[sflag:s21] =	ssyncadd.s32 $0xFFFFFFD8  }
0x102: {  	_ =	swait.ge [sflag:s21], $0x28  }
0x103: {  	[sflag:s21] =	ssyncset.done $0x0  }
0x104: {  	[sflag:s21] =	ssyncadd.s32 $0xFFFFFFD8  }
0x105: {  	_ =	swait.ge [sflag:s21], $0x28  }
0x106: {  	[sflag:s21] =	ssyncset.done $0x0  }
0x107: {  	[sflag:s21] =	ssyncadd.s32 $0xFFFFFFD8  }
0x108: {  	_ =	swait.ge [sflag:s21], $0x28  }
0x109: {  	[sflag:s21] =	ssyncset.done $0x0  }
0x10a: {  	[sflag:s21] =	ssyncadd.s32 $0xFFFFFFD8  }
0x10b: {  	_ =	swait.ge [sflag:s21], $0x28  }
0x10c: {  	[sflag:s21] =	ssyncset.done $0x0  }
0x10d: {  	[sflag:s21] =	ssyncadd.s32 $0xFFFFFFD8  }
0x10e: {  	_ =	swait.ge [sflag:s21], $0x28  }
0x10f: {  	[sflag:s21] =	ssyncset.done $0x0  }
0x110: {  	[sflag:s21] =	ssyncadd.s32 $0xFFFFFFD8  }
0x111: {  	_ =	swait.ge [sflag:s21], $0x28  }
0x112: {  	[sflag:s21] =	ssyncset.done $0x0  }
0x113: {  	[sflag:s21] =	ssyncadd.s32 $0xFFFFFFD8  }
0x114: {  	_ =	swait.ge [sflag:s21], $0x28  }
0x115: {  	[sflag:s21] =	ssyncset.done $0x0  }
0x116: {  	[sflag:s21] =	ssyncadd.s32 $0xFFFFFFD8  }
0x117: {  	_ =	swait.ge [sflag:s21], $0x28  }
0x118: {  	[sflag:s21] =	ssyncset.done $0x0  }
0x119: {  	[sflag:s21] =	ssyncadd.s32 $0xFFFFFFD8  }
0x11a: {  	[spmem:s25] =	stream.indirect.scatter.add.f32 [tilespmem:s23], [sflag:$0x2], $0x1, s0, s22, $0xb8;
	[tilespmem:$0x36F8] =	vst v63  }
0x11b: {  	s31 =	simm.s32 $0x80  }
0x11c: {  	[spmem:s25] =	stream.indirect.scatter.add.f32 [tilespmem:s23], [sflag:$0x2], $0x1, s31, s22, $0xb8;
	[tilespmem:$0x36F8] =	vst v63  }
0x11d: {  	_ = 	snop  }
0x11e: {  	[spmem:s25] =	stream.indirect.scatter.add.f32 [tilespmem:s23], [sflag:$0x2], $0x1, s29, s22, $0xb8;
	[tilespmem:$0x36F8] =	vst v63  }
0x11f: {  	_ = 	snop  }
0x120: {  	[spmem:s25] =	stream.indirect.scatter.add.f32 [tilespmem:s23], [sflag:$0x2], $0x1, s30, s22, $0xb8;
	[tilespmem:$0x36F8] =	vst v63  }
0x121: {  	_ = 	snop  }
0x122: {  	[spmem:s25] =	stream.indirect.scatter.add.f32 [tilespmem:s23], [sflag:$0x2], $0x1, s24, s22, $0xb8;
	[tilespmem:$0x36F8] =	vst v63  }
0x123: {  	_ = 	snop  }
0x124: {  	[spmem:s25] =	stream.indirect.scatter.add.f32 [tilespmem:s23], [sflag:$0x2], $0x1, s2, s22, $0xb8;
	[tilespmem:$0x36F8] =	vst v63  }
0x125: {  	_ = 	snop  }
0x126: {  	[spmem:s25] =	stream.indirect.scatter.add.f32 [tilespmem:s23], [sflag:$0x2], $0x1, s3, s22, $0xb8;
	[tilespmem:$0x36F8] =	vst v63  }
0x127: {  	_ = 	snop  }
0x128: {  	[spmem:s25] =	stream.indirect.scatter.add.f32 [tilespmem:s23], [sflag:$0x2], $0x1, s4, s22, $0xb8;
	[tilespmem:$0x36F8] =	vst v63  }
0x129: {  	_ = 	snop  }
0x12a: {  	[spmem:s25] =	stream.indirect.scatter.add.f32 [tilespmem:s23], [sflag:$0x2], $0x1, s5, s22, $0xb8;
	[tilespmem:$0x36F8] =	vst v63  }
0x12b: {  	_ = 	snop  }
0x12c: {  	[spmem:s25] =	stream.indirect.scatter.add.f32 [tilespmem:s23], [sflag:$0x2], $0x1, s6, s22, $0xb8;
	[tilespmem:$0x36F8] =	vst v63  }
0x12d: {  	_ = 	snop  }
0x12e: {  	[spmem:s25] =	stream.indirect.scatter.add.f32 [tilespmem:s23], [sflag:$0x2], $0x1, s7, s22, $0xb8;
	[tilespmem:$0x36F8] =	vst v63  }
0x12f: {  	_ = 	snop  }
0x130: {  	[spmem:s25] =	stream.indirect.scatter.add.f32 [tilespmem:s23], [sflag:$0x2], $0x1, s8, s22, $0xb8;
	[tilespmem:$0x36F8] =	vst v63  }
0x131: {  	_ = 	snop  }
0x132: {  	[spmem:s25] =	stream.indirect.scatter.add.f32 [tilespmem:s23], [sflag:$0x2], $0x1, s9, s22, $0xb8;
	[tilespmem:$0x36F8] =	vst v63  }
0x133: {  	_ = 	snop  }
0x134: {  	[spmem:s25] =	stream.indirect.scatter.add.f32 [tilespmem:s23], [sflag:$0x2], $0x1, s10, s22, $0xb8;
	[tilespmem:$0x36F8] =	vst v63  }
0x135: {  	_ = 	snop  }
0x136: {  	[spmem:s25] =	stream.indirect.scatter.add.f32 [tilespmem:s23], [sflag:$0x2], $0x1, s11, s22, $0xb8;
	[tilespmem:$0x36F8] =	vst v63  }
0x137: {  	_ = 	snop  }
0x138: {  	[spmem:s25] =	stream.indirect.scatter.add.f32 [tilespmem:s23], [sflag:$0x2], $0x1, s12, s22, $0xb8;
	[tilespmem:$0x36F8] =	vst v63  }
0x139: {  	_ = 	snop  }
0x13a: {  	[spmem:s25] =	stream.indirect.scatter.add.f32 [tilespmem:s23], [sflag:$0x2], $0x1, s13, s22, $0xb8;
	[tilespmem:$0x36F8] =	vst v63  }
0x13b: {  	_ = 	snop  }
0x13c: {  	[spmem:s25] =	stream.indirect.scatter.add.f32 [tilespmem:s23], [sflag:$0x2], $0x1, s14, s22, $0xb8;
	[tilespmem:$0x36F8] =	vst v63  }
0x13d: {  	_ = 	snop  }
0x13e: {  	[spmem:s25] =	stream.indirect.scatter.add.f32 [tilespmem:s23], [sflag:$0x2], $0x1, s15, s22, $0xb8;
	[tilespmem:$0x36F8] =	vst v63  }
0x13f: {  	_ = 	snop  }
0x140: {  	[spmem:s25] =	stream.indirect.scatter.add.f32 [tilespmem:s23], [sflag:$0x2], $0x1, s16, s22, $0xb8;
	[tilespmem:$0x36F8] =	vst v63  }
0x141: {  	_ = 	snop  }
0x142: {  	[spmem:s25] =	stream.indirect.scatter.add.f32 [tilespmem:s23], [sflag:$0x2], $0x1, s17, s22, $0xb8;
	[tilespmem:$0x36F8] =	vst v63  }
0x143: {  	s28 =	sadd.s32 $0x7D, s28  }
0x144: {  	[spmem:s25] =	stream.indirect.scatter.add.f32 [tilespmem:s23], [sflag:$0x2], $0x1, s18, s22, $0xb8;
	[tilespmem:$0x36F8] =	vst v63  }
0x145: {  	p1 =	sne.s32 s28, $0x4E2  }
0x146: {  	[spmem:s25] =	stream.indirect.scatter.add.f32 [tilespmem:s23], [sflag:$0x2], $0x1, s19, s22, $0xb8;
	[tilespmem:$0x36F8] =	vst v63  }
.Ltmp5:
0x147: {  	_ = 	snop;
	(pc) =	sbr.rel @!p1 .LBB2_9-.Ltmp5, $4  }
0x148: {  	_ = 	snop  }
0x149: {  	[spmem:s25] =	stream.indirect.scatter.add.f32 [tilespmem:s23], [sflag:$0x2], $0x1, s20, s22, $0xb8;
	[tilespmem:$0x36F8] =	vst v63  }
0x14a: {  	_ = 	snop  }
0x14b: {  	[spmem:s25] =	stream.indirect.scatter.add.f32 [tilespmem:s23], [sflag:$0x2], $0x1, s1, s22, $0xb8;
	[tilespmem:$0x36F8] =	vst v63  }
.LBB2_6:
0x14c: {  	p1 =	seq.s32 s28, $0x0  }
.Ltmp6:
0x14d: {  	_ = 	snop;
	(pc) =	sbr.rel @p1 .LBB2_8-.Ltmp6, $1  }
0x14e: {  	_ =	sdelay $0x3  }
0x14f: {  	_ =	swait.ge [sflag:s26], $0x28  }
0x150: {  	[sflag:s26] =	ssyncset.done $0x0  }
0x151: {  	[sflag:s26] =	ssyncadd.s32 $0xFFFFFFD8  }
0x152: {  	_ =	swait.ge [sflag:s26], $0x28  }
0x153: {  	[sflag:s26] =	ssyncset.done $0x0  }
0x154: {  	[sflag:s26] =	ssyncadd.s32 $0xFFFFFFD8  }
0x155: {  	_ =	swait.ge [sflag:s26], $0x28  }
0x156: {  	[sflag:s26] =	ssyncset.done $0x0  }
0x157: {  	[sflag:s26] =	ssyncadd.s32 $0xFFFFFFD8  }
0x158: {  	_ =	swait.ge [sflag:s26], $0x28  }
0x159: {  	[sflag:s26] =	ssyncset.done $0x0  }
0x15a: {  	[sflag:s26] =	ssyncadd.s32 $0xFFFFFFD8  }
0x15b: {  	_ =	swait.ge [sflag:s26], $0x28  }
0x15c: {  	[sflag:s26] =	ssyncset.done $0x0  }
0x15d: {  	[sflag:s26] =	ssyncadd.s32 $0xFFFFFFD8  }
0x15e: {  	_ =	swait.ge [sflag:s26], $0x28  }
0x15f: {  	[sflag:s26] =	ssyncset.done $0x0  }
0x160: {  	[sflag:s26] =	ssyncadd.s32 $0xFFFFFFD8  }
0x161: {  	_ =	swait.ge [sflag:s26], $0x28  }
0x162: {  	[sflag:s26] =	ssyncset.done $0x0  }
0x163: {  	[sflag:s26] =	ssyncadd.s32 $0xFFFFFFD8  }
0x164: {  	_ =	swait.ge [sflag:s26], $0x28  }
0x165: {  	[sflag:s26] =	ssyncset.done $0x0  }
0x166: {  	[sflag:s26] =	ssyncadd.s32 $0xFFFFFFD8  }
0x167: {  	_ =	swait.ge [sflag:s26], $0x28  }
0x168: {  	[sflag:s26] =	ssyncset.done $0x0  }
0x169: {  	[sflag:s26] =	ssyncadd.s32 $0xFFFFFFD8  }
0x16a: {  	_ =	swait.ge [sflag:s26], $0x28  }
0x16b: {  	[sflag:s26] =	ssyncset.done $0x0  }
0x16c: {  	[sflag:s26] =	ssyncadd.s32 $0xFFFFFFD8  }
0x16d: {  	_ =	swait.ge [sflag:s26], $0x28  }
0x16e: {  	[sflag:s26] =	ssyncset.done $0x0  }
0x16f: {  	[sflag:s26] =	ssyncadd.s32 $0xFFFFFFD8  }
0x170: {  	_ =	swait.ge [sflag:s26], $0x28  }
0x171: {  	[sflag:s26] =	ssyncset.done $0x0  }
0x172: {  	[sflag:s26] =	ssyncadd.s32 $0xFFFFFFD8  }
0x173: {  	_ =	swait.ge [sflag:s26], $0x28  }
0x174: {  	[sflag:s26] =	ssyncset.done $0x0  }
0x175: {  	[sflag:s26] =	ssyncadd.s32 $0xFFFFFFD8  }
0x176: {  	_ =	swait.ge [sflag:s26], $0x28  }
0x177: {  	[sflag:s26] =	ssyncset.done $0x0  }
0x178: {  	[sflag:s26] =	ssyncadd.s32 $0xFFFFFFD8  }
0x179: {  	_ =	swait.ge [sflag:s26], $0x28  }
0x17a: {  	[sflag:s26] =	ssyncset.done $0x0  }
0x17b: {  	[sflag:s26] =	ssyncadd.s32 $0xFFFFFFD8  }
0x17c: {  	_ =	swait.ge [sflag:s26], $0x28  }
0x17d: {  	[sflag:s26] =	ssyncset.done $0x0  }
0x17e: {  	[sflag:s26] =	ssyncadd.s32 $0xFFFFFFD8  }
0x17f: {  	_ =	swait.ge [sflag:s26], $0x28  }
0x180: {  	[sflag:s26] =	ssyncset.done $0x0  }
0x181: {  	[sflag:s26] =	ssyncadd.s32 $0xFFFFFFD8  }
0x182: {  	_ =	swait.ge [sflag:s26], $0x28  }
0x183: {  	[sflag:s26] =	ssyncset.done $0x0  }
0x184: {  	[sflag:s26] =	ssyncadd.s32 $0xFFFFFFD8  }
0x185: {  	_ =	swait.ge [sflag:s26], $0x28  }
0x186: {  	[sflag:s26] =	ssyncset.done $0x0  }
0x187: {  	[sflag:s26] =	ssyncadd.s32 $0xFFFFFFD8  }
0x188: {  	_ =	swait.ge [sflag:s26], $0x28  }
0x189: {  	[sflag:s26] =	ssyncset.done $0x0  }
0x18a: {  	[sflag:s26] =	ssyncadd.s32 $0xFFFFFFD8  }
0x18b: {  	_ =	swait.ge [sflag:s26], $0x28  }
0x18c: {  	[sflag:s26] =	ssyncset.done $0x0  }
0x18d: {  	[sflag:s26] =	ssyncadd.s32 $0xFFFFFFD8  }
0x18e: {  	_ =	swait.ge [sflag:s26], $0x28  }
0x18f: {  	[sflag:s26] =	ssyncset.done $0x0  }
0x190: {  	[sflag:s26] =	ssyncadd.s32 $0xFFFFFFD8  }
0x191: {  	_ =	swait.ge [sflag:s26], $0x28  }
0x192: {  	[sflag:s26] =	ssyncset.done $0x0  }
0x193: {  	[sflag:s26] =	ssyncadd.s32 $0xFFFFFFD8  }
0x194: {  	_ =	swait.ge [sflag:s26], $0x28  }
.Ltmp7:
0x195: {  	[sflag:s26] =	ssyncset.done $0x0;
	(pc) =	sbr.rel .LBB2_8-.Ltmp7, $4  }
0x196: {  	[sflag:s26] =	ssyncadd.s32 $0xFFFFFFD8  }
0x197: {  	_ =	swait.ge [sflag:s26], $0x28  }
0x198: {  	[sflag:s26] =	ssyncset.done $0x0  }
0x199: {  	[sflag:s26] =	ssyncadd.s32 $0xFFFFFFD8  }
.LBB2_10:
0x19a: {  	_ =	sfence.sel $0x180000  }
0x19b: {  	[bflag:$0x0] =	sbarrier.arrive $0xFFFF  }
0x19c: {  	_ =	strace $0x90000047  }
0x19d: {  	[bflag:$0x2] =	sbarrier.arrive $0xFFFF  }
0x19e: {  	s0 =	rddreg [dreg:$0x2]  }
0x19f: {  	s0 =	sadd.s32 @!p0 $0x100000, s0  }
0x1a0: {  	[sflag:s0] =	ssyncadd.tile.s32 @!p0 $0x1;
	_ =	shalt  }
.Lfunc_end2:
_tile_overlayer_lowered:
.L_overlay_start_2:
0x1a1: {  	(tag) =	ssettag $0x2  }
0x1a2: {  	s0 =	rddreg [dreg:$0x0];
	s2 =	stileid.u32  }
0x1a3: {  	s1 =	rddreg [dreg:$0x1];
	p0 =	sne.s32 s2, $0x0  }
0x1a4: {  	s3 =	rddreg [dreg:$0x2];
	[bflag:$0x3] =	sbarrier.arrive $0xFFFF;
	s2 =	simm.s32 @!p0 $0x1C03  }
0x1a5: {  	[timem:s3], [sflag:s2] =	dma.local @!p0 [hbm:s0], s1  }
0x1a6: {  	s0 =	simm.s32 @!p0 $0x3  }
0x1a7: {  	_ =	swait.ge @!p0 [sflag:s0], s1  }
0x1a8: {  	s1 =	ssub.s32 @!p0 $0x0, s1;
	[sflag:s0] =	ssyncset.done @!p0 $0x0  }
0x1a9: {  	[sflag:s0] =	ssyncadd.s32 @!p0 s1  }
0x1aa: {  	[bflag:$0x3] =	sbarrier.arrive $0xFFFF  }
0x1ab: {  	_ =	shalt  }

</sc_bundles>
